<compile_context>
chip_gen: v7x
topology: tpu7x:2x2x1
jax: 0.10.2.dev20260603
libtpu: 0.0.44.dev20260713+nightly
codegen_flags: <defaults>
</compile_context>

<pallas_src>
import functools

import jax
import jax.numpy as jnp
from jax import lax
from jax.experimental import pallas as pl
from jax.experimental.pallas import tpu as pltpu
from jax.experimental.pallas import tpu_sc as plsc

N_USER = 10000
N_RECIPE = 5900
N_ING = 6000
D = 128
H = 4
OUT = 128
B = 1024
DEG = 16

NR_PAD = 6144
E_REL = NR_PAD * DEG
E_U = B * DEG

_NC, _NS = 2, 16
_NW = _NC * _NS
_CH = 128


def _widx():
    return lax.axis_index("c") * _NS + lax.axis_index("s")


def _sc_nested(user, user_recipe_idx_pad, user_embedding):
    per_w = B // _NW

    mesh = plsc.VectorSubcoreMesh(core_axis_name="c", subcore_axis_name="s")

    @functools.partial(
        pl.kernel,
        out_type=(
            jax.ShapeDtypeStruct((B, 128), jnp.int32),
            jax.ShapeDtypeStruct((B, D), jnp.float32),
        ),
        mesh=mesh,
        scratch_types=[
            pltpu.VMEM((per_w,), jnp.int32),
            pltpu.VMEM((per_w, 128), jnp.int32),
            pltpu.VMEM((per_w, D), jnp.float32),
            pltpu.SemaphoreType.DMA,
            pltpu.SemaphoreType.DMA,
        ],
    )
    def k(user_h, uri_h, uemb_h, idx_out_h, hu_out_h, uid_v, urow_v, emb_v, s1, s2):
        wid = _widx()
        base = wid * per_w
        pltpu.sync_copy(user_h.at[pl.ds(base, per_w)], uid_v)
        c1 = pltpu.async_copy(uri_h.at[uid_v], urow_v, s1)
        c2 = pltpu.async_copy(uemb_h.at[uid_v], emb_v, s2)
        c1.wait()
        pltpu.sync_copy(urow_v, idx_out_h.at[pl.ds(base, per_w)])
        c2.wait()
        pltpu.sync_copy(emb_v, hu_out_h.at[pl.ds(base, per_w)])

    return k(user, user_recipe_idx_pad, user_embedding)


_SB = 256
_NSB_REL = E_REL // _NW // _SB
_NSB_UN = E_U // _NW // _SB
_NBUF = 3


def _sc_gather_rows(idx_ru, idx_rr, idx_ri, idx_un,
                    user_embedding, recipe_embedding, ing_embedding):
    mesh = plsc.VectorSubcoreMesh(core_axis_name="c", subcore_axis_name="s")

    nsb_tot = 3 * _NSB_REL + _NSB_UN

    @functools.partial(
        pl.kernel,
        out_type=(
            jax.ShapeDtypeStruct((E_REL, D), jnp.float32),
            jax.ShapeDtypeStruct((E_REL, D), jnp.float32),
            jax.ShapeDtypeStruct((E_REL, D), jnp.float32),
            jax.ShapeDtypeStruct((E_U, D), jnp.float32),
        ),
        mesh=mesh,
        compiler_params=pltpu.CompilerParams(use_tc_tiling_on_sc=True),
        scratch_types=[
            pltpu.VMEM((nsb_tot * _SB,), jnp.int32),
            pltpu.VMEM((_SB, D), jnp.float32),
            pltpu.VMEM((_SB, D), jnp.float32),
            pltpu.VMEM((_SB, D), jnp.float32),
            pltpu.SemaphoreType.DMA,
            pltpu.SemaphoreType.DMA,
            pltpu.SemaphoreType.DMA,
            pltpu.SemaphoreType.DMA,
            pltpu.SemaphoreType.DMA,
            pltpu.SemaphoreType.DMA,
        ],
    )
    def k(iru_h, irr_h, iri_h, iun_h, uemb_h, remb_h, iemb_h,
          oru_h, orr_h, ori_h, oun_h, idx_v, r0, r1, r2,
          g0, g1, g2, w0, w1, w2):
        wid = _widx()
        rows = (r0, r1, r2)
        gsem = (g0, g1, g2)
        wsem = (w0, w1, w2)

        tasks = [
            (iru_h, uemb_h, oru_h, _NSB_REL, 0),
            (irr_h, remb_h, orr_h, _NSB_REL, _NSB_REL),
            (iri_h, iemb_h, ori_h, _NSB_REL, 2 * _NSB_REL),
            (iun_h, remb_h, oun_h, _NSB_UN, 3 * _NSB_REL),
        ]
        work = []
        for idx_h, table_h, out_h, nsb, off in tasks:
            for c in range(nsb):
                work.append((table_h, out_h, nsb, off, c))

        for idx_h, _, _, nsb, off in tasks:
            pltpu.sync_copy(idx_h.at[pl.ds(wid * nsb * _SB, nsb * _SB)],
                            idx_v.at[pl.ds(off * _SB, nsb * _SB)])

        pend_g = [None] * _NBUF
        pend_w = [None] * _NBUF

        def issue(s):
            if s >= len(work):
                return
            b = s % _NBUF
            table_h, out_h, nsb, off, c = work[s]
            if pend_w[b] is not None:
                pend_w[b].wait()
                pend_w[b] = None
            pend_g[b] = pltpu.async_copy(
                table_h.at[idx_v.at[pl.ds((off + c) * _SB, _SB)]],
                rows[b], gsem[b])

        for s in range(_NBUF - 1):
            issue(s)
        for s in range(len(work)):
            b = s % _NBUF
            issue(s + _NBUF - 1)
            table_h, out_h, nsb, off, c = work[s]
            pend_g[b].wait()
            pend_g[b] = None
            base = (wid * nsb + c) * _SB
            pend_w[b] = pltpu.async_copy(
                rows[b], out_h.at[pl.ds(base, _SB)], wsem[b])
        for b in range(_NBUF):
            if pend_w[b] is not None:
                pend_w[b].wait()

    return k(idx_ru, idx_rr, idx_ri, idx_un,
             user_embedding, recipe_embedding, ing_embedding)


def _attend(h_self, nei, Wself, Wnei, a, S_nd, S_dn, S16):
    dot = functools.partial(jnp.dot, preferred_element_type=jnp.float32)
    ucols, vcols = [], []
    for h in range(H):
        a1 = a[h:h + 1, :OUT]
        a2 = a[h:h + 1, OUT:]
        ucols.append(jnp.sum(Wself[h] * a1, axis=1, keepdims=True))
        vcols.append(jnp.sum(Wnei[h] * a2, axis=1, keepdims=True))
    U = jnp.concatenate(ucols, axis=1)
    V = jnp.concatenate(vcols, axis=1)
    ss = dot(h_self, U)
    ns = dot(nei, V)
    e = dot(S_dn, ss) + ns
    e = jnp.where(e >= 0, e, 0.2 * e)
    p = jnp.exp(e - jnp.max(e))
    denom = dot(S_nd, p)
    alpha = p * dot(S_dn, 1.0 / denom)
    outs = []
    for h in range(H):
        agg = dot(S16, (nei * alpha[:, h:h + 1]).astype(jnp.bfloat16))
        t = dot(agg, Wnei[h])
        outs.append(jnp.where(t > 0, t, jnp.exp(t) - 1.0))
    return jnp.concatenate(outs, axis=1)


def _tc_user(h_user, rows_un, Wself_u, Wnei_u, a_u, W_u, b_u, S_nd, S_dn, S16):
    NBLK = 256
    grid = (B // NBLK,)

    def body(hu_ref, nei_ref, ws_ref, wn_ref, a_ref, wu_ref, bu_ref,
             snd_ref, sdn_ref, s16_ref, out_ref):
        cat = _attend(hu_ref[...], nei_ref[...], ws_ref[...], wn_ref[...],
                      a_ref[...], snd_ref[...], sdn_ref[...], s16_ref[...])
        out_ref[...] = (
            jnp.dot(cat, wu_ref[...], preferred_element_type=jnp.float32)
            + bu_ref[...]
        )

    return pl.pallas_call(
        body,
        grid=grid,
        in_specs=[
            pl.BlockSpec((NBLK, D), lambda i: (i, 0)),
            pl.BlockSpec((NBLK * DEG, D), lambda i: (i, 0)),
            pl.BlockSpec((H, D, OUT), lambda i: (0, 0, 0)),
            pl.BlockSpec((H, D, OUT), lambda i: (0, 0, 0)),
            pl.BlockSpec((H, 2 * OUT), lambda i: (0, 0)),
            pl.BlockSpec((H * OUT, OUT), lambda i: (0, 0)),
            pl.BlockSpec((1, OUT), lambda i: (0, 0)),
            pl.BlockSpec((NBLK, NBLK * DEG), lambda i: (0, 0)),
            pl.BlockSpec((NBLK * DEG, NBLK), lambda i: (0, 0)),
            pl.BlockSpec((NBLK, NBLK * DEG), lambda i: (0, 0)),
        ],
        out_specs=pl.BlockSpec((NBLK, OUT), lambda i: (i, 0)),
        out_shape=jax.ShapeDtypeStruct((B, OUT), jnp.float32),
    )(h_user, rows_un, Wself_u, Wnei_u, a_u, W_u, b_u, S_nd, S_dn, S16)


def _tc_recipe(remb_pad, rows_ru, rows_rr, rows_ri,
               Wself_R, Wnei_R, a_R, W_r, b_r, W_rel, q_rel, H_U,
               S_nd, S_dn, S16):
    NBLK = 256
    grid = (NR_PAD // NBLK,)

    def body(rs_ref, ru_ref, rr_ref, ri_ref, ws_ref, wn_ref, a_ref,
             wr_ref, br_ref, wrel_ref, qrel_ref, hu_ref, snd_ref, sdn_ref,
             s16_ref, out_ref):
        h_self = rs_ref[...]
        rels = []
        for r, nref in enumerate((ru_ref, rr_ref, ri_ref)):
            cat = _attend(h_self, nref[...], ws_ref[r], wn_ref[r], a_ref[r],
                          snd_ref[...], sdn_ref[...], s16_ref[...])
            rels.append(
                jnp.dot(cat, wr_ref[...], preferred_element_type=jnp.float32)
                + br_ref[...]
            )
        ws = []
        for r in range(3):
            t = jnp.tanh(jnp.dot(rels[r], wrel_ref[...],
                                 preferred_element_type=jnp.float32))
            ws.append(jnp.sum(t * qrel_ref[...], axis=1, keepdims=True))
        m = jnp.maximum(jnp.maximum(ws[0], ws[1]), ws[2])
        e0 = jnp.exp(ws[0] - m)
        e1 = jnp.exp(ws[1] - m)
        e2 = jnp.exp(ws[2] - m)
        denom = e0 + e1 + e2
        H_R = (e0 * rels[0] + e1 * rels[1] + e2 * rels[2]) / denom
        out_ref[...] = lax.dot_general(
            hu_ref[...], H_R, (((1,), (1,)), ((), ())),
            preferred_element_type=jnp.float32)

    return pl.pallas_call(
        body,
        grid=grid,
        in_specs=[
            pl.BlockSpec((NBLK, D), lambda j: (j, 0)),
            pl.BlockSpec((NBLK * DEG, D), lambda j: (j, 0)),
            pl.BlockSpec((NBLK * DEG, D), lambda j: (j, 0)),
            pl.BlockSpec((NBLK * DEG, D), lambda j: (j, 0)),
            pl.BlockSpec((3, H, D, OUT), lambda j: (0, 0, 0, 0)),
            pl.BlockSpec((3, H, D, OUT), lambda j: (0, 0, 0, 0)),
            pl.BlockSpec((3, H, 2 * OUT), lambda j: (0, 0, 0)),
            pl.BlockSpec((H * OUT, OUT), lambda j: (0, 0)),
            pl.BlockSpec((1, OUT), lambda j: (0, 0)),
            pl.BlockSpec((OUT, OUT), lambda j: (0, 0)),
            pl.BlockSpec((1, OUT), lambda j: (0, 0)),
            pl.BlockSpec((B, OUT), lambda j: (0, 0)),
            pl.BlockSpec((NBLK, NBLK * DEG), lambda j: (0, 0)),
            pl.BlockSpec((NBLK * DEG, NBLK), lambda j: (0, 0)),
            pl.BlockSpec((NBLK, NBLK * DEG), lambda j: (0, 0)),
        ],
        out_specs=pl.BlockSpec((B, NBLK), lambda j: (0, j)),
        out_shape=jax.ShapeDtypeStruct((B, NR_PAD), jnp.float32),
    )(remb_pad, rows_ru, rows_rr, rows_ri,
      Wself_R, Wnei_R, a_R, W_r, b_r, W_rel, q_rel, H_U, S_nd, S_dn, S16)


def kernel(user, item_seq, user_recipe_idx, recipe_user_idx, recipe_recipe_idx,
           recipe_ing_idx, user_embedding, recipe_embedding, ing_embedding,
           Wself_u, Wnei_u, a_u, Wself_ru, Wnei_ru, a_ru, Wself_rr, Wnei_rr,
           a_rr, Wself_ri, Wnei_ri, a_ri, W_u, b_u, W_r, b_r, W_rel, q_rel):
    del item_seq
    pad_e = E_REL - N_RECIPE * DEG
    spread = jnp.arange(pad_e, dtype=jnp.int32)

    def _flat_pad(idx, n_table):
        return jnp.concatenate(
            [idx.reshape(-1).astype(jnp.int32), spread % n_table])

    idx_ru = _flat_pad(recipe_user_idx, N_USER)
    idx_rr = _flat_pad(recipe_recipe_idx, N_RECIPE)
    idx_ri = _flat_pad(recipe_ing_idx, N_ING)

    uri_pad = jnp.pad(user_recipe_idx.astype(jnp.int32), ((0, 0), (0, 128 - DEG)))
    unei_idx, h_user = _sc_nested(user.astype(jnp.int32), uri_pad, user_embedding)
    rows_ru, rows_rr, rows_ri, rows_un = _sc_gather_rows(
        idx_ru, idx_rr, idx_ri, unei_idx[:, :DEG].reshape(E_U),
        user_embedding, recipe_embedding, ing_embedding)

    S_nd = jnp.kron(jnp.eye(256, dtype=jnp.float32),
                    jnp.ones((1, DEG), jnp.float32))
    S_dn = S_nd.T
    S16 = S_nd.astype(jnp.bfloat16)

    H_U = _tc_user(h_user, rows_un, Wself_u, Wnei_u, a_u,
                   W_u, b_u.reshape(1, OUT), S_nd, S_dn, S16)

    remb_pad = jnp.pad(recipe_embedding, ((0, NR_PAD - N_RECIPE), (0, 0)))
    Wself_R = jnp.stack([Wself_ru, Wself_rr, Wself_ri])
    Wnei_R = jnp.stack([Wnei_ru, Wnei_rr, Wnei_ri])
    a_R = jnp.stack([a_ru, a_rr, a_ri])

    pred_pad = _tc_recipe(remb_pad, rows_ru, rows_rr, rows_ri,
                          Wself_R, Wnei_R, a_R, W_r, b_r.reshape(1, OUT),
                          W_rel, q_rel.reshape(1, OUT), H_U, S_nd, S_dn, S16)
    return pred_pad[:, :N_RECIPE]

# --- scband reference (transcript-rebuilt; emitter-appended) ---
"""Pipeline reference for scband-hgat-22411139350654 (READ-ONLY COPY).

The authoritative reference and input builder live on the scoring server;
editing this copy changes nothing except your own understanding.
"""

import jax, jax.numpy as jnp
import numpy as np

N_USER = 10000
N_RECIPE = 5900
N_ING = 6000
D = 128
H = 4
OUT = 128
B = 1024
DEG = 16


def setup_inputs(seed: int = 0) -> dict:
    key = jax.random.key(seed)
    ks = jax.random.split(key, 32)
    s = 0.05
    inp = {}
    inp['user'] = jax.random.randint(ks[0], (B,), 0, N_USER)
    inp['item_seq'] = jax.random.randint(ks[1], (B, 50), 0, N_RECIPE)
    inp['user_recipe_idx'] = jax.random.randint(ks[2], (N_USER, DEG), 0, N_RECIPE)
    inp['recipe_user_idx'] = jax.random.randint(ks[3], (N_RECIPE, DEG), 0, N_USER)
    inp['recipe_recipe_idx'] = jax.random.randint(ks[4], (N_RECIPE, DEG), 0, N_RECIPE)
    inp['recipe_ing_idx'] = jax.random.randint(ks[5], (N_RECIPE, DEG), 0, N_ING)
    inp['user_embedding'] = jax.random.normal(ks[6], (N_USER, D), dtype=jnp.float32)
    inp['recipe_embedding'] = jax.random.normal(ks[7], (N_RECIPE, D), dtype=jnp.float32)
    inp['ing_embedding'] = jax.random.normal(ks[8], (N_ING, D), dtype=jnp.float32)
    i = 9
    for name in ['u', 'ru', 'rr', 'ri']:
        inp['Wself_' + name] = jax.random.normal(ks[i], (H, D, OUT), dtype=jnp.float32) * s; i += 1
        inp['Wnei_' + name] = jax.random.normal(ks[i], (H, D, OUT), dtype=jnp.float32) * s; i += 1
        inp['a_' + name] = jax.random.normal(ks[i], (H, 2 * OUT), dtype=jnp.float32) * s; i += 1
    inp['W_u'] = jax.random.normal(ks[i], (H * D, OUT), dtype=jnp.float32) * s; i += 1
    inp['b_u'] = jnp.zeros((OUT,), dtype=jnp.float32)
    inp['W_r'] = jax.random.normal(ks[i], (H * D, OUT), dtype=jnp.float32) * s; i += 1
    inp['b_r'] = jnp.zeros((OUT,), dtype=jnp.float32)
    inp['W_rel'] = jax.random.normal(ks[i], (OUT, OUT), dtype=jnp.float32) * s; i += 1
    inp['q_rel'] = jax.random.normal(ks[i], (OUT,), dtype=jnp.float32) * s
    return inp


def _multihead_node_att(h_self, h_nei, Wself, Wnei, a):
    # GAT-style NodeAttentionLayer, one call per head, concatenated (concat=True -> elu).
    # h_self: [N, d_s], h_nei: [N, deg, d_n]; Wself: [H, d_s, out], Wnei: [H, d_n, out], a: [H, 2*out]
    def per_head(Ws, Wn, av):
        ws = h_self @ Ws                                   # [N, out]
        wn = jnp.einsum('ndk,kf->ndf', h_nei, Wn)          # [N, deg, out]
        cat = jnp.concatenate([jnp.broadcast_to(ws[:, None, :], wn.shape), wn], axis=-1)
        e = jax.nn.leaky_relu(cat @ av, negative_slope=0.2)  # [N, deg]
        alpha = jax.nn.softmax(e, axis=-1)
        h = jnp.einsum('nd,ndf->nf', alpha, wn)            # [N, out]
        return jax.nn.elu(h)
    outs = jax.vmap(per_head)(Wself, Wnei, a)              # [H, N, out]
    return jnp.transpose(outs, (1, 0, 2)).reshape(h_self.shape[0], -1)  # [N, H*out]


def reference(user, item_seq, user_recipe_idx, recipe_user_idx, recipe_recipe_idx, recipe_ing_idx,
              user_embedding, recipe_embedding, ing_embedding,
              Wself_u, Wnei_u, a_u, Wself_ru, Wnei_ru, a_ru, Wself_rr, Wnei_rr, a_rr,
              Wself_ri, Wnei_ri, a_ri, W_u, b_u, W_r, b_r, W_rel, q_rel):
    # --- user side: attend over each user's interacted recipes ---
    h_user = user_embedding[user]                          # [B, D]  (nn.Embedding lookup)
    nei_r = recipe_embedding[user_recipe_idx[user]]        # [B, deg, D]
    H_U = _multihead_node_att(h_user, nei_r, Wself_u, Wnei_u, a_u) @ W_u + b_u  # [B, OUT]
    # --- recipe side: three relation-specific node-level attentions over ALL recipes ---
    H_R_U = _multihead_node_att(recipe_embedding, user_embedding[recipe_user_idx], Wself_ru, Wnei_ru, a_ru) @ W_r + b_r
    H_R_R = _multihead_node_att(recipe_embedding, recipe_embedding[recipe_recipe_idx], Wself_rr, Wnei_rr, a_rr) @ W_r + b_r
    H_R_I = _multihead_node_att(recipe_embedding, ing_embedding[recipe_ing_idx], Wself_ri, Wnei_ri, a_ri) @ W_r + b_r
    # --- relation-level attention ---
    rel = jnp.stack([H_R_U, H_R_R, H_R_I])                 # [3, N_RECIPE, OUT]
    w = jnp.tanh(rel @ W_rel) @ q_rel                      # [3, N_RECIPE]
    beta = jax.nn.softmax(w, axis=0)
    H_R = jnp.sum(beta[:, :, None] * rel, axis=0)          # [N_RECIPE, OUT]
    # --- torch.inner(H_U, H_R): inner product over the feature dim ---
    prediction = H_U @ H_R.T                               # [B, N_RECIPE]
    return prediction


if False:  # reference __main__ guard neutralized (emitter)
    out = reference(**setup_inputs())
    print(out.shape)

if __name__ == "__main__":
    import jax
    _d = setup_inputs()
    print(jax.jit(kernel)(*tuple(_d.values())))

</pallas_src>

<mosaic_0001>
#map = affine_map<(d0, d1) -> (0)>
#map1 = affine_map<(d0, d1) -> (0, 0)>
module attributes {stable_mosaic.version = 14 : i64} {
  func.func @k(%arg0: i32, %arg1: i32, %arg2: memref<1024xi32, #tpu.memory_space<hbm>>, %arg3: memref<10000x128xi32, #tpu.memory_space<hbm>>, %arg4: memref<10000x128xf32, #tpu.memory_space<hbm>>, %arg5: memref<1024x128xi32, #tpu.memory_space<hbm>>, %arg6: memref<1024x128xf32, #tpu.memory_space<hbm>>, %arg7: memref<32xi32, #tpu.memory_space<vmem>>, %arg8: memref<32x128xi32, #tpu.memory_space<vmem>>, %arg9: memref<32x128xf32, #tpu.memory_space<vmem>>, %arg10: memref<!tpu.dma_semaphore, #tpu.memory_space<semaphore_mem>>, %arg11: memref<!tpu.dma_semaphore, #tpu.memory_space<semaphore_mem>>) attributes {dimension_semantics = [#tpu.dimension_semantics<core_parallel>, #tpu.dimension_semantics<subcore_parallel>], iteration_bounds = array<i64: 2, 16>, scalar_prefetch = 0 : i64, scratch_operands = 5 : i64, tpu.core_type = #tpu.core_type<sc_vector_subcore>, window_params = [{transform_indices = #map}, {transform_indices = #map1}, {transform_indices = #map1}, {transform_indices = #map1}, {transform_indices = #map1}]} {
    %mul3A = arith.constant 16 : i32
    %mul3A_0 = arith.muli %arg0, %mul3A : i32
    %add3A = arith.addi %mul3A_0, %arg1 : i32
    %mul3A_1 = arith.constant 32 : i32
    %mul3A_2 = arith.muli %add3A, %mul3A_1 : i32
    "tpu.region"() ({
      %run_scoped3A = tpu.sem_alloc : memref<!tpu.dma_semaphore, #tpu.memory_space<semaphore_mem>>
      %dma_start3A_13 = tpu.memref_slice %arg2[%mul3A_2] : memref<1024xi32, #tpu.memory_space<hbm>> -> memref<32xi32, #tpu.memory_space<hbm>>
      %dma_start3A_14 = tpu.memref_slice %arg2[%mul3A_2] : memref<1024xi32, #tpu.memory_space<hbm>> -> memref<32xi32, #tpu.memory_space<hbm>>
      tpu.enqueue_dma source(%dma_start3A_14 : memref<32xi32, #tpu.memory_space<hbm>>) target(%arg7 : memref<32xi32, #tpu.memory_space<vmem>>) target_semaphore(%run_scoped3A : memref<!tpu.dma_semaphore, #tpu.memory_space<semaphore_mem>>)
      %dma_wait3A_15 = tpu.memref_slice %arg2[%mul3A_2] : memref<1024xi32, #tpu.memory_space<hbm>> -> memref<32xi32, #tpu.memory_space<hbm>>
      %dma_wait3A_16 = tpu.memref_slice %arg2[%mul3A_2] : memref<1024xi32, #tpu.memory_space<hbm>> -> memref<32xi32, #tpu.memory_space<hbm>>
      tpu.wait_dma2 semaphore(%run_scoped3A : memref<!tpu.dma_semaphore, #tpu.memory_space<semaphore_mem>>) src(%dma_wait3A_16 : memref<32xi32, #tpu.memory_space<hbm>>) dst(%arg7 : memref<32xi32, #tpu.memory_space<vmem>>)
      tpu.yield
    }) : () -> ()
    %dma_start3A = arith.constant 0 : i32
    %dma_start3A_3 = arith.constant 0 : i32
    %dma_start3A_4 = tpu.memref_slice %arg3[%dma_start3A, %dma_start3A_3] : memref<10000x128xi32, #tpu.memory_space<hbm>> -> memref<10000x128xi32, #tpu.memory_space<hbm>>
    tpu.enqueue_indirect_dma source(%dma_start3A_4 : memref<10000x128xi32, #tpu.memory_space<hbm>>) target(%arg8 : memref<32x128xi32, #tpu.memory_space<vmem>>) offsets(%arg7 : memref<32xi32, #tpu.memory_space<vmem>>) semaphore(%arg10 : memref<!tpu.dma_semaphore, #tpu.memory_space<semaphore_mem>>)
    %dma_start3A_5 = arith.constant 0 : i32
    %dma_start3A_6 = arith.constant 0 : i32
    %dma_start3A_7 = tpu.memref_slice %arg4[%dma_start3A_5, %dma_start3A_6] : memref<10000x128xf32, #tpu.memory_space<hbm>> -> memref<10000x128xf32, #tpu.memory_space<hbm>>
    tpu.enqueue_indirect_dma source(%dma_start3A_7 : memref<10000x128xf32, #tpu.memory_space<hbm>>) target(%arg9 : memref<32x128xf32, #tpu.memory_space<vmem>>) offsets(%arg7 : memref<32xi32, #tpu.memory_space<vmem>>) semaphore(%arg11 : memref<!tpu.dma_semaphore, #tpu.memory_space<semaphore_mem>>)
    %dma_wait3A = arith.constant 0 : i32
    %dma_wait3A_8 = arith.constant 0 : i32
    %dma_wait3A_9 = tpu.memref_slice %arg3[%dma_wait3A, %dma_wait3A_8] : memref<10000x128xi32, #tpu.memory_space<hbm>> -> memref<10000x128xi32, #tpu.memory_space<hbm>>
    tpu.wait_indirect_dma semaphore(%arg10 : memref<!tpu.dma_semaphore, #tpu.memory_space<semaphore_mem>>) src(%dma_wait3A_9 : memref<10000x128xi32, #tpu.memory_space<hbm>>) dst(%arg8 : memref<32x128xi32, #tpu.memory_space<vmem>>)
    "tpu.region"() ({
      %run_scoped3A = tpu.sem_alloc : memref<!tpu.dma_semaphore, #tpu.memory_space<semaphore_mem>>
      %dma_start3A_13 = arith.constant 0 : i32
      %dma_start3A_14 = tpu.memref_slice %arg5[%mul3A_2, %dma_start3A_13] : memref<1024x128xi32, #tpu.memory_space<hbm>> -> memref<32x128xi32, #tpu.memory_space<hbm>>
      %dma_start3A_15 = arith.constant 0 : i32
      %dma_start3A_16 = tpu.memref_slice %arg5[%mul3A_2, %dma_start3A_15] : memref<1024x128xi32, #tpu.memory_space<hbm>> -> memref<32x128xi32, #tpu.memory_space<hbm>>
      tpu.enqueue_dma source(%arg8 : memref<32x128xi32, #tpu.memory_space<vmem>>) target(%dma_start3A_16 : memref<32x128xi32, #tpu.memory_space<hbm>>) target_semaphore(%run_scoped3A : memref<!tpu.dma_semaphore, #tpu.memory_space<semaphore_mem>>)
      %dma_wait3A_17 = arith.constant 0 : i32
      %dma_wait3A_18 = tpu.memref_slice %arg5[%mul3A_2, %dma_wait3A_17] : memref<1024x128xi32, #tpu.memory_space<hbm>> -> memref<32x128xi32, #tpu.memory_space<hbm>>
      %dma_wait3A_19 = arith.constant 0 : i32
      %dma_wait3A_20 = tpu.memref_slice %arg5[%mul3A_2, %dma_wait3A_19] : memref<1024x128xi32, #tpu.memory_space<hbm>> -> memref<32x128xi32, #tpu.memory_space<hbm>>
      tpu.wait_dma2 semaphore(%run_scoped3A : memref<!tpu.dma_semaphore, #tpu.memory_space<semaphore_mem>>) src(%arg8 : memref<32x128xi32, #tpu.memory_space<vmem>>) dst(%dma_wait3A_20 : memref<32x128xi32, #tpu.memory_space<hbm>>)
      tpu.yield
    }) : () -> ()
    %dma_wait3A_10 = arith.constant 0 : i32
    %dma_wait3A_11 = arith.constant 0 : i32
    %dma_wait3A_12 = tpu.memref_slice %arg4[%dma_wait3A_10, %dma_wait3A_11] : memref<10000x128xf32, #tpu.memory_space<hbm>> -> memref<10000x128xf32, #tpu.memory_space<hbm>>
    tpu.wait_indirect_dma semaphore(%arg11 : memref<!tpu.dma_semaphore, #tpu.memory_space<semaphore_mem>>) src(%dma_wait3A_12 : memref<10000x128xf32, #tpu.memory_space<hbm>>) dst(%arg9 : memref<32x128xf32, #tpu.memory_space<vmem>>)
    "tpu.region"() ({
      %run_scoped3A = tpu.sem_alloc : memref<!tpu.dma_semaphore, #tpu.memory_space<semaphore_mem>>
      %dma_start3A_13 = arith.constant 0 : i32
      %dma_start3A_14 = tpu.memref_slice %arg6[%mul3A_2, %dma_start3A_13] : memref<1024x128xf32, #tpu.memory_space<hbm>> -> memref<32x128xf32, #tpu.memory_space<hbm>>
      %dma_start3A_15 = arith.constant 0 : i32
      %dma_start3A_16 = tpu.memref_slice %arg6[%mul3A_2, %dma_start3A_15] : memref<1024x128xf32, #tpu.memory_space<hbm>> -> memref<32x128xf32, #tpu.memory_space<hbm>>
      tpu.enqueue_dma source(%arg9 : memref<32x128xf32, #tpu.memory_space<vmem>>) target(%dma_start3A_16 : memref<32x128xf32, #tpu.memory_space<hbm>>) target_semaphore(%run_scoped3A : memref<!tpu.dma_semaphore, #tpu.memory_space<semaphore_mem>>)
      %dma_wait3A_17 = arith.constant 0 : i32
      %dma_wait3A_18 = tpu.memref_slice %arg6[%mul3A_2, %dma_wait3A_17] : memref<1024x128xf32, #tpu.memory_space<hbm>> -> memref<32x128xf32, #tpu.memory_space<hbm>>
      %dma_wait3A_19 = arith.constant 0 : i32
      %dma_wait3A_20 = tpu.memref_slice %arg6[%mul3A_2, %dma_wait3A_19] : memref<1024x128xf32, #tpu.memory_space<hbm>> -> memref<32x128xf32, #tpu.memory_space<hbm>>
      tpu.wait_dma2 semaphore(%run_scoped3A : memref<!tpu.dma_semaphore, #tpu.memory_space<semaphore_mem>>) src(%arg9 : memref<32x128xf32, #tpu.memory_space<vmem>>) dst(%dma_wait3A_20 : memref<32x128xf32, #tpu.memory_space<hbm>>)
      tpu.yield
    }) : () -> ()
    return
  }
}

#map = affine_map<(d0, d1) -> (0)>
#map1 = affine_map<(d0, d1) -> (0, 0)>
module attributes {stable_mosaic.version = 14 : i64} {
  func.func @k(%arg0: i32, %arg1: i32, %arg2: memref<98304xi32, #tpu.memory_space<hbm>>, %arg3: memref<98304xi32, #tpu.memory_space<hbm>>, %arg4: memref<98304xi32, #tpu.memory_space<hbm>>, %arg5: memref<16384xi32, #tpu.memory_space<hbm>>, %arg6: memref<10000x128xf32, #tpu.memory_space<hbm>>, %arg7: memref<5900x128xf32, #tpu.memory_space<hbm>>, %arg8: memref<6000x128xf32, #tpu.memory_space<hbm>>, %arg9: memref<98304x128xf32, #tpu.memory_space<hbm>>, %arg10: memref<98304x128xf32, #tpu.memory_space<hbm>>, %arg11: memref<98304x128xf32, #tpu.memory_space<hbm>>, %arg12: memref<16384x128xf32, #tpu.memory_space<hbm>>, %arg13: memref<9728xi32, #tpu.memory_space<vmem>>, %arg14: memref<256x128xf32, #tpu.memory_space<vmem>>, %arg15: memref<256x128xf32, #tpu.memory_space<vmem>>, %arg16: memref<256x128xf32, #tpu.memory_space<vmem>>, %arg17: memref<!tpu.dma_semaphore, #tpu.memory_space<semaphore_mem>>, %arg18: memref<!tpu.dma_semaphore, #tpu.memory_space<semaphore_mem>>, %arg19: memref<!tpu.dma_semaphore, #tpu.memory_space<semaphore_mem>>, %arg20: memref<!tpu.dma_semaphore, #tpu.memory_space<semaphore_mem>>, %arg21: memref<!tpu.dma_semaphore, #tpu.memory_space<semaphore_mem>>, %arg22: memref<!tpu.dma_semaphore, #tpu.memory_space<semaphore_mem>>) attributes {dimension_semantics = [#tpu.dimension_semantics<core_parallel>, #tpu.dimension_semantics<subcore_parallel>], iteration_bounds = array<i64: 2, 16>, scalar_prefetch = 0 : i64, scratch_operands = 10 : i64, tpu.core_type = #tpu.core_type<sc_vector_subcore>, window_params = [{transform_indices = #map}, {transform_indices = #map}, {transform_indices = #map}, {transform_indices = #map}, {transform_indices = #map1}, {transform_indices = #map1}, {transform_indices = #map1}, {transform_indices = #map1}, {transform_indices = #map1}, {transform_indices = #map1}, {transform_indices = #map1}]} {
    %mul3A = arith.constant 16 : i32
    %mul3A_0 = arith.muli %arg0, %mul3A : i32
    %add3A = arith.addi %mul3A_0, %arg1 : i32
    %mul3A_1 = arith.constant 12 : i32
    %mul3A_2 = arith.muli %add3A, %mul3A_1 : i32
    %mul3A_3 = arith.constant 256 : i32
    %mul3A_4 = arith.muli %mul3A_2, %mul3A_3 : i32
    "tpu.region"() ({
      %run_scoped3A = tpu.sem_alloc : memref<!tpu.dma_semaphore, #tpu.memory_space<semaphore_mem>>
      %dma_start3A_927 = arith.constant 0 : i32
      %dma_start3A_928 = tpu.memref_slice %arg13[%dma_start3A_927] : memref<9728xi32, #tpu.memory_space<vmem>> -> memref<3072xi32, #tpu.memory_space<vmem>>
      %dma_start3A_929 = tpu.memref_slice %arg2[%mul3A_4] : memref<98304xi32, #tpu.memory_space<hbm>> -> memref<3072xi32, #tpu.memory_space<hbm>>
      %dma_start3A_930 = arith.constant 0 : i32
      %dma_start3A_931 = tpu.memref_slice %arg13[%dma_start3A_930] : memref<9728xi32, #tpu.memory_space<vmem>> -> memref<3072xi32, #tpu.memory_space<vmem>>
      %dma_start3A_932 = tpu.memref_slice %arg2[%mul3A_4] : memref<98304xi32, #tpu.memory_space<hbm>> -> memref<3072xi32, #tpu.memory_space<hbm>>
      tpu.enqueue_dma source(%dma_start3A_932 : memref<3072xi32, #tpu.memory_space<hbm>>) target(%dma_start3A_931 : memref<3072xi32, #tpu.memory_space<vmem>>) target_semaphore(%run_scoped3A : memref<!tpu.dma_semaphore, #tpu.memory_space<semaphore_mem>>)
      %dma_wait3A_933 = arith.constant 0 : i32
      %dma_wait3A_934 = tpu.memref_slice %arg13[%dma_wait3A_933] : memref<9728xi32, #tpu.memory_space<vmem>> -> memref<3072xi32, #tpu.memory_space<vmem>>
      %dma_wait3A_935 = tpu.memref_slice %arg2[%mul3A_4] : memref<98304xi32, #tpu.memory_space<hbm>> -> memref<3072xi32, #tpu.memory_space<hbm>>
      %dma_wait3A_936 = arith.constant 0 : i32
      %dma_wait3A_937 = tpu.memref_slice %arg13[%dma_wait3A_936] : memref<9728xi32, #tpu.memory_space<vmem>> -> memref<3072xi32, #tpu.memory_space<vmem>>
      %dma_wait3A_938 = tpu.memref_slice %arg2[%mul3A_4] : memref<98304xi32, #tpu.memory_space<hbm>> -> memref<3072xi32, #tpu.memory_space<hbm>>
      tpu.wait_dma2 semaphore(%run_scoped3A : memref<!tpu.dma_semaphore, #tpu.memory_space<semaphore_mem>>) src(%dma_wait3A_938 : memref<3072xi32, #tpu.memory_space<hbm>>) dst(%dma_wait3A_937 : memref<3072xi32, #tpu.memory_space<vmem>>)
      tpu.yield
    }) : () -> ()
    %mul3A_5 = arith.constant 12 : i32
    %mul3A_6 = arith.muli %add3A, %mul3A_5 : i32
    %mul3A_7 = arith.constant 256 : i32
    %mul3A_8 = arith.muli %mul3A_6, %mul3A_7 : i32
    "tpu.region"() ({
      %run_scoped3A = tpu.sem_alloc : memref<!tpu.dma_semaphore, #tpu.memory_space<semaphore_mem>>
      %dma_start3A_927 = arith.constant 3072 : i32
      %dma_start3A_928 = tpu.memref_slice %arg13[%dma_start3A_927] : memref<9728xi32, #tpu.memory_space<vmem>> -> memref<3072xi32, #tpu.memory_space<vmem>>
      %dma_start3A_929 = tpu.memref_slice %arg3[%mul3A_8] : memref<98304xi32, #tpu.memory_space<hbm>> -> memref<3072xi32, #tpu.memory_space<hbm>>
      %dma_start3A_930 = arith.constant 3072 : i32
      %dma_start3A_931 = tpu.memref_slice %arg13[%dma_start3A_930] : memref<9728xi32, #tpu.memory_space<vmem>> -> memref<3072xi32, #tpu.memory_space<vmem>>
      %dma_start3A_932 = tpu.memref_slice %arg3[%mul3A_8] : memref<98304xi32, #tpu.memory_space<hbm>> -> memref<3072xi32, #tpu.memory_space<hbm>>
      tpu.enqueue_dma source(%dma_start3A_932 : memref<3072xi32, #tpu.memory_space<hbm>>) target(%dma_start3A_931 : memref<3072xi32, #tpu.memory_space<vmem>>) target_semaphore(%run_scoped3A : memref<!tpu.dma_semaphore, #tpu.memory_space<semaphore_mem>>)
      %dma_wait3A_933 = arith.constant 3072 : i32
      %dma_wait3A_934 = tpu.memref_slice %arg13[%dma_wait3A_933] : memref<9728xi32, #tpu.memory_space<vmem>> -> memref<3072xi32, #tpu.memory_space<vmem>>
      %dma_wait3A_935 = tpu.memref_slice %arg3[%mul3A_8] : memref<98304xi32, #tpu.memory_space<hbm>> -> memref<3072xi32, #tpu.memory_space<hbm>>
      %dma_wait3A_936 = arith.constant 3072 : i32
      %dma_wait3A_937 = tpu.memref_slice %arg13[%dma_wait3A_936] : memref<9728xi32, #tpu.memory_space<vmem>> -> memref<3072xi32, #tpu.memory_space<vmem>>
      %dma_wait3A_938 = tpu.memref_slice %arg3[%mul3A_8] : memref<98304xi32, #tpu.memory_space<hbm>> -> memref<3072xi32, #tpu.memory_space<hbm>>
      tpu.wait_dma2 semaphore(%run_scoped3A : memref<!tpu.dma_semaphore, #tpu.memory_space<semaphore_mem>>) src(%dma_wait3A_938 : memref<3072xi32, #tpu.memory_space<hbm>>) dst(%dma_wait3A_937 : memref<3072xi32, #tpu.memory_space<vmem>>)
      tpu.yield
    }) : () -> ()
    %mul3A_9 = arith.constant 12 : i32
    %mul3A_10 = arith.muli %add3A, %mul3A_9 : i32
    %mul3A_11 = arith.constant 256 : i32
    %mul3A_12 = arith.muli %mul3A_10, %mul3A_11 : i32
    "tpu.region"() ({
      %run_scoped3A = tpu.sem_alloc : memref<!tpu.dma_semaphore, #tpu.memory_space<semaphore_mem>>
      %dma_start3A_927 = arith.constant 6144 : i32
      %dma_start3A_928 = tpu.memref_slice %arg13[%dma_start3A_927] : memref<9728xi32, #tpu.memory_space<vmem>> -> memref<3072xi32, #tpu.memory_space<vmem>>
      %dma_start3A_929 = tpu.memref_slice %arg4[%mul3A_12] : memref<98304xi32, #tpu.memory_space<hbm>> -> memref<3072xi32, #tpu.memory_space<hbm>>
      %dma_start3A_930 = arith.constant 6144 : i32
      %dma_start3A_931 = tpu.memref_slice %arg13[%dma_start3A_930] : memref<9728xi32, #tpu.memory_space<vmem>> -> memref<3072xi32, #tpu.memory_space<vmem>>
      %dma_start3A_932 = tpu.memref_slice %arg4[%mul3A_12] : memref<98304xi32, #tpu.memory_space<hbm>> -> memref<3072xi32, #tpu.memory_space<hbm>>
      tpu.enqueue_dma source(%dma_start3A_932 : memref<3072xi32, #tpu.memory_space<hbm>>) target(%dma_start3A_931 : memref<3072xi32, #tpu.memory_space<vmem>>) target_semaphore(%run_scoped3A : memref<!tpu.dma_semaphore, #tpu.memory_space<semaphore_mem>>)
      %dma_wait3A_933 = arith.constant 6144 : i32
      %dma_wait3A_934 = tpu.memref_slice %arg13[%dma_wait3A_933] : memref<9728xi32, #tpu.memory_space<vmem>> -> memref<3072xi32, #tpu.memory_space<vmem>>
      %dma_wait3A_935 = tpu.memref_slice %arg4[%mul3A_12] : memref<98304xi32, #tpu.memory_space<hbm>> -> memref<3072xi32, #tpu.memory_space<hbm>>
      %dma_wait3A_936 = arith.constant 6144 : i32
      %dma_wait3A_937 = tpu.memref_slice %arg13[%dma_wait3A_936] : memref<9728xi32, #tpu.memory_space<vmem>> -> memref<3072xi32, #tpu.memory_space<vmem>>
      %dma_wait3A_938 = tpu.memref_slice %arg4[%mul3A_12] : memref<98304xi32, #tpu.memory_space<hbm>> -> memref<3072xi32, #tpu.memory_space<hbm>>
      tpu.wait_dma2 semaphore(%run_scoped3A : memref<!tpu.dma_semaphore, #tpu.memory_space<semaphore_mem>>) src(%dma_wait3A_938 : memref<3072xi32, #tpu.memory_space<hbm>>) dst(%dma_wait3A_937 : memref<3072xi32, #tpu.memory_space<vmem>>)
      tpu.yield
    }) : () -> ()
    %mul3A_13 = arith.constant 2 : i32
    %mul3A_14 = arith.muli %add3A, %mul3A_13 : i32
    %mul3A_15 = arith.constant 256 : i32
    %mul3A_16 = arith.muli %mul3A_14, %mul3A_15 : i32
    "tpu.region"() ({
      %run_scoped3A = tpu.sem_alloc : memref<!tpu.dma_semaphore, #tpu.memory_space<semaphore_mem>>
      %dma_start3A_927 = arith.constant 9216 : i32
      %dma_start3A_928 = tpu.memref_slice %arg13[%dma_start3A_927] : memref<9728xi32, #tpu.memory_space<vmem>> -> memref<512xi32, #tpu.memory_space<vmem>>
      %dma_start3A_929 = tpu.memref_slice %arg5[%mul3A_16] : memref<16384xi32, #tpu.memory_space<hbm>> -> memref<512xi32, #tpu.memory_space<hbm>>
      %dma_start3A_930 = arith.constant 9216 : i32
      %dma_start3A_931 = tpu.memref_slice %arg13[%dma_start3A_930] : memref<9728xi32, #tpu.memory_space<vmem>> -> memref<512xi32, #tpu.memory_space<vmem>>
      %dma_start3A_932 = tpu.memref_slice %arg5[%mul3A_16] : memref<16384xi32, #tpu.memory_space<hbm>> -> memref<512xi32, #tpu.memory_space<hbm>>
      tpu.enqueue_dma source(%dma_start3A_932 : memref<512xi32, #tpu.memory_space<hbm>>) target(%dma_start3A_931 : memref<512xi32, #tpu.memory_space<vmem>>) target_semaphore(%run_scoped3A : memref<!tpu.dma_semaphore, #tpu.memory_space<semaphore_mem>>)
      %dma_wait3A_933 = arith.constant 9216 : i32
      %dma_wait3A_934 = tpu.memref_slice %arg13[%dma_wait3A_933] : memref<9728xi32, #tpu.memory_space<vmem>> -> memref<512xi32, #tpu.memory_space<vmem>>
      %dma_wait3A_935 = tpu.memref_slice %arg5[%mul3A_16] : memref<16384xi32, #tpu.memory_space<hbm>> -> memref<512xi32, #tpu.memory_space<hbm>>
      %dma_wait3A_936 = arith.constant 9216 : i32
      %dma_wait3A_937 = tpu.memref_slice %arg13[%dma_wait3A_936] : memref<9728xi32, #tpu.memory_space<vmem>> -> memref<512xi32, #tpu.memory_space<vmem>>
      %dma_wait3A_938 = tpu.memref_slice %arg5[%mul3A_16] : memref<16384xi32, #tpu.memory_space<hbm>> -> memref<512xi32, #tpu.memory_space<hbm>>
      tpu.wait_dma2 semaphore(%run_scoped3A : memref<!tpu.dma_semaphore, #tpu.memory_space<semaphore_mem>>) src(%dma_wait3A_938 : memref<512xi32, #tpu.memory_space<hbm>>) dst(%dma_wait3A_937 : memref<512xi32, #tpu.memory_space<vmem>>)
      tpu.yield
    }) : () -> ()
    %dma_start3A = arith.constant 0 : i32
    %dma_start3A_17 = tpu.memref_slice %arg13[%dma_start3A] : memref<9728xi32, #tpu.memory_space<vmem>> -> memref<256xi32, #tpu.memory_space<vmem>>
    %dma_start3A_18 = arith.constant 0 : i32
    %dma_start3A_19 = arith.constant 0 : i32
    %dma_start3A_20 = tpu.memref_slice %arg6[%dma_start3A_18, %dma_start3A_19] : memref<10000x128xf32, #tpu.memory_space<hbm>> -> memref<10000x128xf32, #tpu.memory_space<hbm>>
    tpu.enqueue_indirect_dma source(%dma_start3A_20 : memref<10000x128xf32, #tpu.memory_space<hbm>>) target(%arg14 : memref<256x128xf32, #tpu.memory_space<vmem>>) offsets(%dma_start3A_17 : memref<256xi32, #tpu.memory_space<vmem>>) semaphore(%arg17 : memref<!tpu.dma_semaphore, #tpu.memory_space<semaphore_mem>>)
    %dma_start3A_21 = arith.constant 256 : i32
    %dma_start3A_22 = tpu.memref_slice %arg13[%dma_start3A_21] : memref<9728xi32, #tpu.memory_space<vmem>> -> memref<256xi32, #tpu.memory_space<vmem>>
    %dma_start3A_23 = arith.constant 0 : i32
    %dma_start3A_24 = arith.constant 0 : i32
    %dma_start3A_25 = tpu.memref_slice %arg6[%dma_start3A_23, %dma_start3A_24] : memref<10000x128xf32, #tpu.memory_space<hbm>> -> memref<10000x128xf32, #tpu.memory_space<hbm>>
    tpu.enqueue_indirect_dma source(%dma_start3A_25 : memref<10000x128xf32, #tpu.memory_space<hbm>>) target(%arg15 : memref<256x128xf32, #tpu.memory_space<vmem>>) offsets(%dma_start3A_22 : memref<256xi32, #tpu.memory_space<vmem>>) semaphore(%arg18 : memref<!tpu.dma_semaphore, #tpu.memory_space<semaphore_mem>>)
    %dma_start3A_26 = arith.constant 512 : i32
    %dma_start3A_27 = tpu.memref_slice %arg13[%dma_start3A_26] : memref<9728xi32, #tpu.memory_space<vmem>> -> memref<256xi32, #tpu.memory_space<vmem>>
    %dma_start3A_28 = arith.constant 0 : i32
    %dma_start3A_29 = arith.constant 0 : i32
    %dma_start3A_30 = tpu.memref_slice %arg6[%dma_start3A_28, %dma_start3A_29] : memref<10000x128xf32, #tpu.memory_space<hbm>> -> memref<10000x128xf32, #tpu.memory_space<hbm>>
    tpu.enqueue_indirect_dma source(%dma_start3A_30 : memref<10000x128xf32, #tpu.memory_space<hbm>>) target(%arg16 : memref<256x128xf32, #tpu.memory_space<vmem>>) offsets(%dma_start3A_27 : memref<256xi32, #tpu.memory_space<vmem>>) semaphore(%arg19 : memref<!tpu.dma_semaphore, #tpu.memory_space<semaphore_mem>>)
    %dma_wait3A = arith.constant 0 : i32
    %dma_wait3A_31 = tpu.memref_slice %arg13[%dma_wait3A] : memref<9728xi32, #tpu.memory_space<vmem>> -> memref<256xi32, #tpu.memory_space<vmem>>
    %dma_wait3A_32 = arith.constant 0 : i32
    %dma_wait3A_33 = arith.constant 0 : i32
    %dma_wait3A_34 = tpu.memref_slice %arg6[%dma_wait3A_32, %dma_wait3A_33] : memref<10000x128xf32, #tpu.memory_space<hbm>> -> memref<10000x128xf32, #tpu.memory_space<hbm>>
    tpu.wait_indirect_dma semaphore(%arg17 : memref<!tpu.dma_semaphore, #tpu.memory_space<semaphore_mem>>) src(%dma_wait3A_34 : memref<10000x128xf32, #tpu.memory_space<hbm>>) dst(%arg14 : memref<256x128xf32, #tpu.memory_space<vmem>>)
    %mul3A_35 = arith.constant 12 : i32
    %mul3A_36 = arith.muli %add3A, %mul3A_35 : i32
    %add3A_37 = arith.constant 0 : i32
    %add3A_38 = arith.addi %mul3A_36, %add3A_37 : i32
    %mul3A_39 = arith.constant 256 : i32
    %mul3A_40 = arith.muli %add3A_38, %mul3A_39 : i32
    %dma_start3A_41 = arith.constant 0 : i32
    %dma_start3A_42 = tpu.memref_slice %arg9[%mul3A_40, %dma_start3A_41] : memref<98304x128xf32, #tpu.memory_space<hbm>> -> memref<256x128xf32, #tpu.memory_space<hbm>>
    %dma_start3A_43 = arith.constant 0 : i32
    %dma_start3A_44 = tpu.memref_slice %arg9[%mul3A_40, %dma_start3A_43] : memref<98304x128xf32, #tpu.memory_space<hbm>> -> memref<256x128xf32, #tpu.memory_space<hbm>>
    tpu.enqueue_dma source(%arg14 : memref<256x128xf32, #tpu.memory_space<vmem>>) target(%dma_start3A_44 : memref<256x128xf32, #tpu.memory_space<hbm>>) target_semaphore(%arg20 : memref<!tpu.dma_semaphore, #tpu.memory_space<semaphore_mem>>)
    %dma_wait3A_45 = arith.constant 0 : i32
    %dma_wait3A_46 = tpu.memref_slice %arg9[%mul3A_40, %dma_wait3A_45] : memref<98304x128xf32, #tpu.memory_space<hbm>> -> memref<256x128xf32, #tpu.memory_space<hbm>>
    %dma_wait3A_47 = arith.constant 0 : i32
    %dma_wait3A_48 = tpu.memref_slice %arg9[%mul3A_40, %dma_wait3A_47] : memref<98304x128xf32, #tpu.memory_space<hbm>> -> memref<256x128xf32, #tpu.memory_space<hbm>>
    tpu.wait_dma2 semaphore(%arg20 : memref<!tpu.dma_semaphore, #tpu.memory_space<semaphore_mem>>) src(%arg14 : memref<256x128xf32, #tpu.memory_space<vmem>>) dst(%dma_wait3A_48 : memref<256x128xf32, #tpu.memory_space<hbm>>)
    %dma_start3A_49 = arith.constant 768 : i32
    %dma_start3A_50 = tpu.memref_slice %arg13[%dma_start3A_49] : memref<9728xi32, #tpu.memory_space<vmem>> -> memref<256xi32, #tpu.memory_space<vmem>>
    %dma_start3A_51 = arith.constant 0 : i32
    %dma_start3A_52 = arith.constant 0 : i32
    %dma_start3A_53 = tpu.memref_slice %arg6[%dma_start3A_51, %dma_start3A_52] : memref<10000x128xf32, #tpu.memory_space<hbm>> -> memref<10000x128xf32, #tpu.memory_space<hbm>>
    tpu.enqueue_indirect_dma source(%dma_start3A_53 : memref<10000x128xf32, #tpu.memory_space<hbm>>) target(%arg14 : memref<256x128xf32, #tpu.memory_space<vmem>>) offsets(%dma_start3A_50 : memref<256xi32, #tpu.memory_space<vmem>>) semaphore(%arg17 : memref<!tpu.dma_semaphore, #tpu.memory_space<semaphore_mem>>)
    %dma_wait3A_54 = arith.constant 256 : i32
    %dma_wait3A_55 = tpu.memref_slice %arg13[%dma_wait3A_54] : memref<9728xi32, #tpu.memory_space<vmem>> -> memref<256xi32, #tpu.memory_space<vmem>>
    %dma_wait3A_56 = arith.constant 0 : i32
    %dma_wait3A_57 = arith.constant 0 : i32
    %dma_wait3A_58 = tpu.memref_slice %arg6[%dma_wait3A_56, %dma_wait3A_57] : memref<10000x128xf32, #tpu.memory_space<hbm>> -> memref<10000x128xf32, #tpu.memory_space<hbm>>
    tpu.wait_indirect_dma semaphore(%arg18 : memref<!tpu.dma_semaphore, #tpu.memory_space<semaphore_mem>>) src(%dma_wait3A_58 : memref<10000x128xf32, #tpu.memory_space<hbm>>) dst(%arg15 : memref<256x128xf32, #tpu.memory_space<vmem>>)
    %mul3A_59 = arith.constant 12 : i32
    %mul3A_60 = arith.muli %add3A, %mul3A_59 : i32
    %add3A_61 = arith.constant 1 : i32
    %add3A_62 = arith.addi %mul3A_60, %add3A_61 : i32
    %mul3A_63 = arith.constant 256 : i32
    %mul3A_64 = arith.muli %add3A_62, %mul3A_63 : i32
    %dma_start3A_65 = arith.constant 0 : i32
    %dma_start3A_66 = tpu.memref_slice %arg9[%mul3A_64, %dma_start3A_65] : memref<98304x128xf32, #tpu.memory_space<hbm>> -> memref<256x128xf32, #tpu.memory_space<hbm>>
    %dma_start3A_67 = arith.constant 0 : i32
    %dma_start3A_68 = tpu.memref_slice %arg9[%mul3A_64, %dma_start3A_67] : memref<98304x128xf32, #tpu.memory_space<hbm>> -> memref<256x128xf32, #tpu.memory_space<hbm>>
    tpu.enqueue_dma source(%arg15 : memref<256x128xf32, #tpu.memory_space<vmem>>) target(%dma_start3A_68 : memref<256x128xf32, #tpu.memory_space<hbm>>) target_semaphore(%arg21 : memref<!tpu.dma_semaphore, #tpu.memory_space<semaphore_mem>>)
    %dma_wait3A_69 = arith.constant 0 : i32
    %dma_wait3A_70 = tpu.memref_slice %arg9[%mul3A_64, %dma_wait3A_69] : memref<98304x128xf32, #tpu.memory_space<hbm>> -> memref<256x128xf32, #tpu.memory_space<hbm>>
    %dma_wait3A_71 = arith.constant 0 : i32
    %dma_wait3A_72 = tpu.memref_slice %arg9[%mul3A_64, %dma_wait3A_71] : memref<98304x128xf32, #tpu.memory_space<hbm>> -> memref<256x128xf32, #tpu.memory_space<hbm>>
    tpu.wait_dma2 semaphore(%arg21 : memref<!tpu.dma_semaphore, #tpu.memory_space<semaphore_mem>>) src(%arg15 : memref<256x128xf32, #tpu.memory_space<vmem>>) dst(%dma_wait3A_72 : memref<256x128xf32, #tpu.memory_space<hbm>>)
    %dma_start3A_73 = arith.constant 1024 : i32
    %dma_start3A_74 = tpu.memref_slice %arg13[%dma_start3A_73] : memref<9728xi32, #tpu.memory_space<vmem>> -> memref<256xi32, #tpu.memory_space<vmem>>
    %dma_start3A_75 = arith.constant 0 : i32
    %dma_start3A_76 = arith.constant 0 : i32
    %dma_start3A_77 = tpu.memref_slice %arg6[%dma_start3A_75, %dma_start3A_76] : memref<10000x128xf32, #tpu.memory_space<hbm>> -> memref<10000x128xf32, #tpu.memory_space<hbm>>
    tpu.enqueue_indirect_dma source(%dma_start3A_77 : memref<10000x128xf32, #tpu.memory_space<hbm>>) target(%arg15 : memref<256x128xf32, #tpu.memory_space<vmem>>) offsets(%dma_start3A_74 : memref<256xi32, #tpu.memory_space<vmem>>) semaphore(%arg18 : memref<!tpu.dma_semaphore, #tpu.memory_space<semaphore_mem>>)
    %dma_wait3A_78 = arith.constant 512 : i32
    %dma_wait3A_79 = tpu.memref_slice %arg13[%dma_wait3A_78] : memref<9728xi32, #tpu.memory_space<vmem>> -> memref<256xi32, #tpu.memory_space<vmem>>
    %dma_wait3A_80 = arith.constant 0 : i32
    %dma_wait3A_81 = arith.constant 0 : i32
    %dma_wait3A_82 = tpu.memref_slice %arg6[%dma_wait3A_80, %dma_wait3A_81] : memref<10000x128xf32, #tpu.memory_space<hbm>> -> memref<10000x128xf32, #tpu.memory_space<hbm>>
    tpu.wait_indirect_dma semaphore(%arg19 : memref<!tpu.dma_semaphore, #tpu.memory_space<semaphore_mem>>) src(%dma_wait3A_82 : memref<10000x128xf32, #tpu.memory_space<hbm>>) dst(%arg16 : memref<256x128xf32, #tpu.memory_space<vmem>>)
    %mul3A_83 = arith.constant 12 : i32
    %mul3A_84 = arith.muli %add3A, %mul3A_83 : i32
    %add3A_85 = arith.constant 2 : i32
    %add3A_86 = arith.addi %mul3A_84, %add3A_85 : i32
    %mul3A_87 = arith.constant 256 : i32
    %mul3A_88 = arith.muli %add3A_86, %mul3A_87 : i32
    %dma_start3A_89 = arith.constant 0 : i32
    %dma_start3A_90 = tpu.memref_slice %arg9[%mul3A_88, %dma_start3A_89] : memref<98304x128xf32, #tpu.memory_space<hbm>> -> memref<256x128xf32, #tpu.memory_space<hbm>>
    %dma_start3A_91 = arith.constant 0 : i32
    %dma_start3A_92 = tpu.memref_slice %arg9[%mul3A_88, %dma_start3A_91] : memref<98304x128xf32, #tpu.memory_space<hbm>> -> memref<256x128xf32, #tpu.memory_space<hbm>>
    tpu.enqueue_dma source(%arg16 : memref<256x128xf32, #tpu.memory_space<vmem>>) target(%dma_start3A_92 : memref<256x128xf32, #tpu.memory_space<hbm>>) target_semaphore(%arg22 : memref<!tpu.dma_semaphore, #tpu.memory_space<semaphore_mem>>)
    %dma_wait3A_93 = arith.constant 0 : i32
    %dma_wait3A_94 = tpu.memref_slice %arg9[%mul3A_88, %dma_wait3A_93] : memref<98304x128xf32, #tpu.memory_space<hbm>> -> memref<256x128xf32, #tpu.memory_space<hbm>>
    %dma_wait3A_95 = arith.constant 0 : i32
    %dma_wait3A_96 = tpu.memref_slice %arg9[%mul3A_88, %dma_wait3A_95] : memref<98304x128xf32, #tpu.memory_space<hbm>> -> memref<256x128xf32, #tpu.memory_space<hbm>>
    tpu.wait_dma2 semaphore(%arg22 : memref<!tpu.dma_semaphore, #tpu.memory_space<semaphore_mem>>) src(%arg16 : memref<256x128xf32, #tpu.memory_space<vmem>>) dst(%dma_wait3A_96 : memref<256x128xf32, #tpu.memory_space<hbm>>)
    %dma_start3A_97 = arith.constant 1280 : i32
    %dma_start3A_98 = tpu.memref_slice %arg13[%dma_start3A_97] : memref<9728xi32, #tpu.memory_space<vmem>> -> memref<256xi32, #tpu.memory_space<vmem>>
    %dma_start3A_99 = arith.constant 0 : i32
    %dma_start3A_100 = arith.constant 0 : i32
    %dma_start3A_101 = tpu.memref_slice %arg6[%dma_start3A_99, %dma_start3A_100] : memref<10000x128xf32, #tpu.memory_space<hbm>> -> memref<10000x128xf32, #tpu.memory_space<hbm>>
    tpu.enqueue_indirect_dma source(%dma_start3A_101 : memref<10000x128xf32, #tpu.memory_space<hbm>>) target(%arg16 : memref<256x128xf32, #tpu.memory_space<vmem>>) offsets(%dma_start3A_98 : memref<256xi32, #tpu.memory_space<vmem>>) semaphore(%arg19 : memref<!tpu.dma_semaphore, #tpu.memory_space<semaphore_mem>>)
    %dma_wait3A_102 = arith.constant 768 : i32
    %dma_wait3A_103 = tpu.memref_slice %arg13[%dma_wait3A_102] : memref<9728xi32, #tpu.memory_space<vmem>> -> memref<256xi32, #tpu.memory_space<vmem>>
    %dma_wait3A_104 = arith.constant 0 : i32
    %dma_wait3A_105 = arith.constant 0 : i32
    %dma_wait3A_106 = tpu.memref_slice %arg6[%dma_wait3A_104, %dma_wait3A_105] : memref<10000x128xf32, #tpu.memory_space<hbm>> -> memref<10000x128xf32, #tpu.memory_space<hbm>>
    tpu.wait_indirect_dma semaphore(%arg17 : memref<!tpu.dma_semaphore, #tpu.memory_space<semaphore_mem>>) src(%dma_wait3A_106 : memref<10000x128xf32, #tpu.memory_space<hbm>>) dst(%arg14 : memref<256x128xf32, #tpu.memory_space<vmem>>)
    %mul3A_107 = arith.constant 12 : i32
    %mul3A_108 = arith.muli %add3A, %mul3A_107 : i32
    %add3A_109 = arith.constant 3 : i32
    %add3A_110 = arith.addi %mul3A_108, %add3A_109 : i32
    %mul3A_111 = arith.constant 256 : i32
    %mul3A_112 = arith.muli %add3A_110, %mul3A_111 : i32
    %dma_start3A_113 = arith.constant 0 : i32
    %dma_start3A_114 = tpu.memref_slice %arg9[%mul3A_112, %dma_start3A_113] : memref<98304x128xf32, #tpu.memory_space<hbm>> -> memref<256x128xf32, #tpu.memory_space<hbm>>
    %dma_start3A_115 = arith.constant 0 : i32
    %dma_start3A_116 = tpu.memref_slice %arg9[%mul3A_112, %dma_start3A_115] : memref<98304x128xf32, #tpu.memory_space<hbm>> -> memref<256x128xf32, #tpu.memory_space<hbm>>
    tpu.enqueue_dma source(%arg14 : memref<256x128xf32, #tpu.memory_space<vmem>>) target(%dma_start3A_116 : memref<256x128xf32, #tpu.memory_space<hbm>>) target_semaphore(%arg20 : memref<!tpu.dma_semaphore, #tpu.memory_space<semaphore_mem>>)
    %dma_wait3A_117 = arith.constant 0 : i32
    %dma_wait3A_118 = tpu.memref_slice %arg9[%mul3A_112, %dma_wait3A_117] : memref<98304x128xf32, #tpu.memory_space<hbm>> -> memref<256x128xf32, #tpu.memory_space<hbm>>
    %dma_wait3A_119 = arith.constant 0 : i32
    %dma_wait3A_120 = tpu.memref_slice %arg9[%mul3A_112, %dma_wait3A_119] : memref<98304x128xf32, #tpu.memory_space<hbm>> -> memref<256x128xf32, #tpu.memory_space<hbm>>
    tpu.wait_dma2 semaphore(%arg20 : memref<!tpu.dma_semaphore, #tpu.memory_space<semaphore_mem>>) src(%arg14 : memref<256x128xf32, #tpu.memory_space<vmem>>) dst(%dma_wait3A_120 : memref<256x128xf32, #tpu.memory_space<hbm>>)
    %dma_start3A_121 = arith.constant 1536 : i32
    %dma_start3A_122 = tpu.memref_slice %arg13[%dma_start3A_121] : memref<9728xi32, #tpu.memory_space<vmem>> -> memref<256xi32, #tpu.memory_space<vmem>>
    %dma_start3A_123 = arith.constant 0 : i32
    %dma_start3A_124 = arith.constant 0 : i32
    %dma_start3A_125 = tpu.memref_slice %arg6[%dma_start3A_123, %dma_start3A_124] : memref<10000x128xf32, #tpu.memory_space<hbm>> -> memref<10000x128xf32, #tpu.memory_space<hbm>>
    tpu.enqueue_indirect_dma source(%dma_start3A_125 : memref<10000x128xf32, #tpu.memory_space<hbm>>) target(%arg14 : memref<256x128xf32, #tpu.memory_space<vmem>>) offsets(%dma_start3A_122 : memref<256xi32, #tpu.memory_space<vmem>>) semaphore(%arg17 : memref<!tpu.dma_semaphore, #tpu.memory_space<semaphore_mem>>)
    %dma_wait3A_126 = arith.constant 1024 : i32
    %dma_wait3A_127 = tpu.memref_slice %arg13[%dma_wait3A_126] : memref<9728xi32, #tpu.memory_space<vmem>> -> memref<256xi32, #tpu.memory_space<vmem>>
    %dma_wait3A_128 = arith.constant 0 : i32
    %dma_wait3A_129 = arith.constant 0 : i32
    %dma_wait3A_130 = tpu.memref_slice %arg6[%dma_wait3A_128, %dma_wait3A_129] : memref<10000x128xf32, #tpu.memory_space<hbm>> -> memref<10000x128xf32, #tpu.memory_space<hbm>>
    tpu.wait_indirect_dma semaphore(%arg18 : memref<!tpu.dma_semaphore, #tpu.memory_space<semaphore_mem>>) src(%dma_wait3A_130 : memref<10000x128xf32, #tpu.memory_space<hbm>>) dst(%arg15 : memref<256x128xf32, #tpu.memory_space<vmem>>)
    %mul3A_131 = arith.constant 12 : i32
    %mul3A_132 = arith.muli %add3A, %mul3A_131 : i32
    %add3A_133 = arith.constant 4 : i32
    %add3A_134 = arith.addi %mul3A_132, %add3A_133 : i32
    %mul3A_135 = arith.constant 256 : i32
    %mul3A_136 = arith.muli %add3A_134, %mul3A_135 : i32
    %dma_start3A_137 = arith.constant 0 : i32
    %dma_start3A_138 = tpu.memref_slice %arg9[%mul3A_136, %dma_start3A_137] : memref<98304x128xf32, #tpu.memory_space<hbm>> -> memref<256x128xf32, #tpu.memory_space<hbm>>
    %dma_start3A_139 = arith.constant 0 : i32
    %dma_start3A_140 = tpu.memref_slice %arg9[%mul3A_136, %dma_start3A_139] : memref<98304x128xf32, #tpu.memory_space<hbm>> -> memref<256x128xf32, #tpu.memory_space<hbm>>
    tpu.enqueue_dma source(%arg15 : memref<256x128xf32, #tpu.memory_space<vmem>>) target(%dma_start3A_140 : memref<256x128xf32, #tpu.memory_space<hbm>>) target_semaphore(%arg21 : memref<!tpu.dma_semaphore, #tpu.memory_space<semaphore_mem>>)
    %dma_wait3A_141 = arith.constant 0 : i32
    %dma_wait3A_142 = tpu.memref_slice %arg9[%mul3A_136, %dma_wait3A_141] : memref<98304x128xf32, #tpu.memory_space<hbm>> -> memref<256x128xf32, #tpu.memory_space<hbm>>
    %dma_wait3A_143 = arith.constant 0 : i32
    %dma_wait3A_144 = tpu.memref_slice %arg9[%mul3A_136, %dma_wait3A_143] : memref<98304x128xf32, #tpu.memory_space<hbm>> -> memref<256x128xf32, #tpu.memory_space<hbm>>
    tpu.wait_dma2 semaphore(%arg21 : memref<!tpu.dma_semaphore, #tpu.memory_space<semaphore_mem>>) src(%arg15 : memref<256x128xf32, #tpu.memory_space<vmem>>) dst(%dma_wait3A_144 : memref<256x128xf32, #tpu.memory_space<hbm>>)
    %dma_start3A_145 = arith.constant 1792 : i32
    %dma_start3A_146 = tpu.memref_slice %arg13[%dma_start3A_145] : memref<9728xi32, #tpu.memory_space<vmem>> -> memref<256xi32, #tpu.memory_space<vmem>>
    %dma_start3A_147 = arith.constant 0 : i32
    %dma_start3A_148 = arith.constant 0 : i32
    %dma_start3A_149 = tpu.memref_slice %arg6[%dma_start3A_147, %dma_start3A_148] : memref<10000x128xf32, #tpu.memory_space<hbm>> -> memref<10000x128xf32, #tpu.memory_space<hbm>>
    tpu.enqueue_indirect_dma source(%dma_start3A_149 : memref<10000x128xf32, #tpu.memory_space<hbm>>) target(%arg15 : memref<256x128xf32, #tpu.memory_space<vmem>>) offsets(%dma_start3A_146 : memref<256xi32, #tpu.memory_space<vmem>>) semaphore(%arg18 : memref<!tpu.dma_semaphore, #tpu.memory_space<semaphore_mem>>)
    %dma_wait3A_150 = arith.constant 1280 : i32
    %dma_wait3A_151 = tpu.memref_slice %arg13[%dma_wait3A_150] : memref<9728xi32, #tpu.memory_space<vmem>> -> memref<256xi32, #tpu.memory_space<vmem>>
    %dma_wait3A_152 = arith.constant 0 : i32
    %dma_wait3A_153 = arith.constant 0 : i32
    %dma_wait3A_154 = tpu.memref_slice %arg6[%dma_wait3A_152, %dma_wait3A_153] : memref<10000x128xf32, #tpu.memory_space<hbm>> -> memref<10000x128xf32, #tpu.memory_space<hbm>>
    tpu.wait_indirect_dma semaphore(%arg19 : memref<!tpu.dma_semaphore, #tpu.memory_space<semaphore_mem>>) src(%dma_wait3A_154 : memref<10000x128xf32, #tpu.memory_space<hbm>>) dst(%arg16 : memref<256x128xf32, #tpu.memory_space<vmem>>)
    %mul3A_155 = arith.constant 12 : i32
    %mul3A_156 = arith.muli %add3A, %mul3A_155 : i32
    %add3A_157 = arith.constant 5 : i32
    %add3A_158 = arith.addi %mul3A_156, %add3A_157 : i32
    %mul3A_159 = arith.constant 256 : i32
    %mul3A_160 = arith.muli %add3A_158, %mul3A_159 : i32
    %dma_start3A_161 = arith.constant 0 : i32
    %dma_start3A_162 = tpu.memref_slice %arg9[%mul3A_160, %dma_start3A_161] : memref<98304x128xf32, #tpu.memory_space<hbm>> -> memref<256x128xf32, #tpu.memory_space<hbm>>
    %dma_start3A_163 = arith.constant 0 : i32
    %dma_start3A_164 = tpu.memref_slice %arg9[%mul3A_160, %dma_start3A_163] : memref<98304x128xf32, #tpu.memory_space<hbm>> -> memref<256x128xf32, #tpu.memory_space<hbm>>
    tpu.enqueue_dma source(%arg16 : memref<256x128xf32, #tpu.memory_space<vmem>>) target(%dma_start3A_164 : memref<256x128xf32, #tpu.memory_space<hbm>>) target_semaphore(%arg22 : memref<!tpu.dma_semaphore, #tpu.memory_space<semaphore_mem>>)
    %dma_wait3A_165 = arith.constant 0 : i32
    %dma_wait3A_166 = tpu.memref_slice %arg9[%mul3A_160, %dma_wait3A_165] : memref<98304x128xf32, #tpu.memory_space<hbm>> -> memref<256x128xf32, #tpu.memory_space<hbm>>
    %dma_wait3A_167 = arith.constant 0 : i32
    %dma_wait3A_168 = tpu.memref_slice %arg9[%mul3A_160, %dma_wait3A_167] : memref<98304x128xf32, #tpu.memory_space<hbm>> -> memref<256x128xf32, #tpu.memory_space<hbm>>
    tpu.wait_dma2 semaphore(%arg22 : memref<!tpu.dma_semaphore, #tpu.memory_space<semaphore_mem>>) src(%arg16 : memref<256x128xf32, #tpu.memory_space<vmem>>) dst(%dma_wait3A_168 : memref<256x128xf32, #tpu.memory_space<hbm>>)
    %dma_start3A_169 = arith.constant 2048 : i32
    %dma_start3A_170 = tpu.memref_slice %arg13[%dma_start3A_169] : memref<9728xi32, #tpu.memory_space<vmem>> -> memref<256xi32, #tpu.memory_space<vmem>>
    %dma_start3A_171 = arith.constant 0 : i32
    %dma_start3A_172 = arith.constant 0 : i32
    %dma_start3A_173 = tpu.memref_slice %arg6[%dma_start3A_171, %dma_start3A_172] : memref<10000x128xf32, #tpu.memory_space<hbm>> -> memref<10000x128xf32, #tpu.memory_space<hbm>>
    tpu.enqueue_indirect_dma source(%dma_start3A_173 : memref<10000x128xf32, #tpu.memory_space<hbm>>) target(%arg16 : memref<256x128xf32, #tpu.memory_space<vmem>>) offsets(%dma_start3A_170 : memref<256xi32, #tpu.memory_space<vmem>>) semaphore(%arg19 : memref<!tpu.dma_semaphore, #tpu.memory_space<semaphore_mem>>)
    %dma_wait3A_174 = arith.constant 1536 : i32
    %dma_wait3A_175 = tpu.memref_slice %arg13[%dma_wait3A_174] : memref<9728xi32, #tpu.memory_space<vmem>> -> memref<256xi32, #tpu.memory_space<vmem>>
    %dma_wait3A_176 = arith.constant 0 : i32
    %dma_wait3A_177 = arith.constant 0 : i32
    %dma_wait3A_178 = tpu.memref_slice %arg6[%dma_wait3A_176, %dma_wait3A_177] : memref<10000x128xf32, #tpu.memory_space<hbm>> -> memref<10000x128xf32, #tpu.memory_space<hbm>>
    tpu.wait_indirect_dma semaphore(%arg17 : memref<!tpu.dma_semaphore, #tpu.memory_space<semaphore_mem>>) src(%dma_wait3A_178 : memref<10000x128xf32, #tpu.memory_space<hbm>>) dst(%arg14 : memref<256x128xf32, #tpu.memory_space<vmem>>)
    %mul3A_179 = arith.constant 12 : i32
    %mul3A_180 = arith.muli %add3A, %mul3A_179 : i32
    %add3A_181 = arith.constant 6 : i32
    %add3A_182 = arith.addi %mul3A_180, %add3A_181 : i32
    %mul3A_183 = arith.constant 256 : i32
    %mul3A_184 = arith.muli %add3A_182, %mul3A_183 : i32
    %dma_start3A_185 = arith.constant 0 : i32
    %dma_start3A_186 = tpu.memref_slice %arg9[%mul3A_184, %dma_start3A_185] : memref<98304x128xf32, #tpu.memory_space<hbm>> -> memref<256x128xf32, #tpu.memory_space<hbm>>
    %dma_start3A_187 = arith.constant 0 : i32
    %dma_start3A_188 = tpu.memref_slice %arg9[%mul3A_184, %dma_start3A_187] : memref<98304x128xf32, #tpu.memory_space<hbm>> -> memref<256x128xf32, #tpu.memory_space<hbm>>
    tpu.enqueue_dma source(%arg14 : memref<256x128xf32, #tpu.memory_space<vmem>>) target(%dma_start3A_188 : memref<256x128xf32, #tpu.memory_space<hbm>>) target_semaphore(%arg20 : memref<!tpu.dma_semaphore, #tpu.memory_space<semaphore_mem>>)
    %dma_wait3A_189 = arith.constant 0 : i32
    %dma_wait3A_190 = tpu.memref_slice %arg9[%mul3A_184, %dma_wait3A_189] : memref<98304x128xf32, #tpu.memory_space<hbm>> -> memref<256x128xf32, #tpu.memory_space<hbm>>
    %dma_wait3A_191 = arith.constant 0 : i32
    %dma_wait3A_192 = tpu.memref_slice %arg9[%mul3A_184, %dma_wait3A_191] : memref<98304x128xf32, #tpu.memory_space<hbm>> -> memref<256x128xf32, #tpu.memory_space<hbm>>
    tpu.wait_dma2 semaphore(%arg20 : memref<!tpu.dma_semaphore, #tpu.memory_space<semaphore_mem>>) src(%arg14 : memref<256x128xf32, #tpu.memory_space<vmem>>) dst(%dma_wait3A_192 : memref<256x128xf32, #tpu.memory_space<hbm>>)
    %dma_start3A_193 = arith.constant 2304 : i32
    %dma_start3A_194 = tpu.memref_slice %arg13[%dma_start3A_193] : memref<9728xi32, #tpu.memory_space<vmem>> -> memref<256xi32, #tpu.memory_space<vmem>>
    %dma_start3A_195 = arith.constant 0 : i32
    %dma_start3A_196 = arith.constant 0 : i32
    %dma_start3A_197 = tpu.memref_slice %arg6[%dma_start3A_195, %dma_start3A_196] : memref<10000x128xf32, #tpu.memory_space<hbm>> -> memref<10000x128xf32, #tpu.memory_space<hbm>>
    tpu.enqueue_indirect_dma source(%dma_start3A_197 : memref<10000x128xf32, #tpu.memory_space<hbm>>) target(%arg14 : memref<256x128xf32, #tpu.memory_space<vmem>>) offsets(%dma_start3A_194 : memref<256xi32, #tpu.memory_space<vmem>>) semaphore(%arg17 : memref<!tpu.dma_semaphore, #tpu.memory_space<semaphore_mem>>)
    %dma_wait3A_198 = arith.constant 1792 : i32
    %dma_wait3A_199 = tpu.memref_slice %arg13[%dma_wait3A_198] : memref<9728xi32, #tpu.memory_space<vmem>> -> memref<256xi32, #tpu.memory_space<vmem>>
    %dma_wait3A_200 = arith.constant 0 : i32
    %dma_wait3A_201 = arith.constant 0 : i32
    %dma_wait3A_202 = tpu.memref_slice %arg6[%dma_wait3A_200, %dma_wait3A_201] : memref<10000x128xf32, #tpu.memory_space<hbm>> -> memref<10000x128xf32, #tpu.memory_space<hbm>>
    tpu.wait_indirect_dma semaphore(%arg18 : memref<!tpu.dma_semaphore, #tpu.memory_space<semaphore_mem>>) src(%dma_wait3A_202 : memref<10000x128xf32, #tpu.memory_space<hbm>>) dst(%arg15 : memref<256x128xf32, #tpu.memory_space<vmem>>)
    %mul3A_203 = arith.constant 12 : i32
    %mul3A_204 = arith.muli %add3A, %mul3A_203 : i32
    %add3A_205 = arith.constant 7 : i32
    %add3A_206 = arith.addi %mul3A_204, %add3A_205 : i32
    %mul3A_207 = arith.constant 256 : i32
    %mul3A_208 = arith.muli %add3A_206, %mul3A_207 : i32
    %dma_start3A_209 = arith.constant 0 : i32
    %dma_start3A_210 = tpu.memref_slice %arg9[%mul3A_208, %dma_start3A_209] : memref<98304x128xf32, #tpu.memory_space<hbm>> -> memref<256x128xf32, #tpu.memory_space<hbm>>
    %dma_start3A_211 = arith.constant 0 : i32
    %dma_start3A_212 = tpu.memref_slice %arg9[%mul3A_208, %dma_start3A_211] : memref<98304x128xf32, #tpu.memory_space<hbm>> -> memref<256x128xf32, #tpu.memory_space<hbm>>
    tpu.enqueue_dma source(%arg15 : memref<256x128xf32, #tpu.memory_space<vmem>>) target(%dma_start3A_212 : memref<256x128xf32, #tpu.memory_space<hbm>>) target_semaphore(%arg21 : memref<!tpu.dma_semaphore, #tpu.memory_space<semaphore_mem>>)
    %dma_wait3A_213 = arith.constant 0 : i32
    %dma_wait3A_214 = tpu.memref_slice %arg9[%mul3A_208, %dma_wait3A_213] : memref<98304x128xf32, #tpu.memory_space<hbm>> -> memref<256x128xf32, #tpu.memory_space<hbm>>
    %dma_wait3A_215 = arith.constant 0 : i32
    %dma_wait3A_216 = tpu.memref_slice %arg9[%mul3A_208, %dma_wait3A_215] : memref<98304x128xf32, #tpu.memory_space<hbm>> -> memref<256x128xf32, #tpu.memory_space<hbm>>
    tpu.wait_dma2 semaphore(%arg21 : memref<!tpu.dma_semaphore, #tpu.memory_space<semaphore_mem>>) src(%arg15 : memref<256x128xf32, #tpu.memory_space<vmem>>) dst(%dma_wait3A_216 : memref<256x128xf32, #tpu.memory_space<hbm>>)
    %dma_start3A_217 = arith.constant 2560 : i32
    %dma_start3A_218 = tpu.memref_slice %arg13[%dma_start3A_217] : memref<9728xi32, #tpu.memory_space<vmem>> -> memref<256xi32, #tpu.memory_space<vmem>>
    %dma_start3A_219 = arith.constant 0 : i32
    %dma_start3A_220 = arith.constant 0 : i32
    %dma_start3A_221 = tpu.memref_slice %arg6[%dma_start3A_219, %dma_start3A_220] : memref<10000x128xf32, #tpu.memory_space<hbm>> -> memref<10000x128xf32, #tpu.memory_space<hbm>>
    tpu.enqueue_indirect_dma source(%dma_start3A_221 : memref<10000x128xf32, #tpu.memory_space<hbm>>) target(%arg15 : memref<256x128xf32, #tpu.memory_space<vmem>>) offsets(%dma_start3A_218 : memref<256xi32, #tpu.memory_space<vmem>>) semaphore(%arg18 : memref<!tpu.dma_semaphore, #tpu.memory_space<semaphore_mem>>)
    %dma_wait3A_222 = arith.constant 2048 : i32
    %dma_wait3A_223 = tpu.memref_slice %arg13[%dma_wait3A_222] : memref<9728xi32, #tpu.memory_space<vmem>> -> memref<256xi32, #tpu.memory_space<vmem>>
    %dma_wait3A_224 = arith.constant 0 : i32
    %dma_wait3A_225 = arith.constant 0 : i32
    %dma_wait3A_226 = tpu.memref_slice %arg6[%dma_wait3A_224, %dma_wait3A_225] : memref<10000x128xf32, #tpu.memory_space<hbm>> -> memref<10000x128xf32, #tpu.memory_space<hbm>>
    tpu.wait_indirect_dma semaphore(%arg19 : memref<!tpu.dma_semaphore, #tpu.memory_space<semaphore_mem>>) src(%dma_wait3A_226 : memref<10000x128xf32, #tpu.memory_space<hbm>>) dst(%arg16 : memref<256x128xf32, #tpu.memory_space<vmem>>)
    %mul3A_227 = arith.constant 12 : i32
    %mul3A_228 = arith.muli %add3A, %mul3A_227 : i32
    %add3A_229 = arith.constant 8 : i32
    %add3A_230 = arith.addi %mul3A_228, %add3A_229 : i32
    %mul3A_231 = arith.constant 256 : i32
    %mul3A_232 = arith.muli %add3A_230, %mul3A_231 : i32
    %dma_start3A_233 = arith.constant 0 : i32
    %dma_start3A_234 = tpu.memref_slice %arg9[%mul3A_232, %dma_start3A_233] : memref<98304x128xf32, #tpu.memory_space<hbm>> -> memref<256x128xf32, #tpu.memory_space<hbm>>
    %dma_start3A_235 = arith.constant 0 : i32
    %dma_start3A_236 = tpu.memref_slice %arg9[%mul3A_232, %dma_start3A_235] : memref<98304x128xf32, #tpu.memory_space<hbm>> -> memref<256x128xf32, #tpu.memory_space<hbm>>
    tpu.enqueue_dma source(%arg16 : memref<256x128xf32, #tpu.memory_space<vmem>>) target(%dma_start3A_236 : memref<256x128xf32, #tpu.memory_space<hbm>>) target_semaphore(%arg22 : memref<!tpu.dma_semaphore, #tpu.memory_space<semaphore_mem>>)
    %dma_wait3A_237 = arith.constant 0 : i32
    %dma_wait3A_238 = tpu.memref_slice %arg9[%mul3A_232, %dma_wait3A_237] : memref<98304x128xf32, #tpu.memory_space<hbm>> -> memref<256x128xf32, #tpu.memory_space<hbm>>
    %dma_wait3A_239 = arith.constant 0 : i32
    %dma_wait3A_240 = tpu.memref_slice %arg9[%mul3A_232, %dma_wait3A_239] : memref<98304x128xf32, #tpu.memory_space<hbm>> -> memref<256x128xf32, #tpu.memory_space<hbm>>
    tpu.wait_dma2 semaphore(%arg22 : memref<!tpu.dma_semaphore, #tpu.memory_space<semaphore_mem>>) src(%arg16 : memref<256x128xf32, #tpu.memory_space<vmem>>) dst(%dma_wait3A_240 : memref<256x128xf32, #tpu.memory_space<hbm>>)
    %dma_start3A_241 = arith.constant 2816 : i32
    %dma_start3A_242 = tpu.memref_slice %arg13[%dma_start3A_241] : memref<9728xi32, #tpu.memory_space<vmem>> -> memref<256xi32, #tpu.memory_space<vmem>>
    %dma_start3A_243 = arith.constant 0 : i32
    %dma_start3A_244 = arith.constant 0 : i32
    %dma_start3A_245 = tpu.memref_slice %arg6[%dma_start3A_243, %dma_start3A_244] : memref<10000x128xf32, #tpu.memory_space<hbm>> -> memref<10000x128xf32, #tpu.memory_space<hbm>>
    tpu.enqueue_indirect_dma source(%dma_start3A_245 : memref<10000x128xf32, #tpu.memory_space<hbm>>) target(%arg16 : memref<256x128xf32, #tpu.memory_space<vmem>>) offsets(%dma_start3A_242 : memref<256xi32, #tpu.memory_space<vmem>>) semaphore(%arg19 : memref<!tpu.dma_semaphore, #tpu.memory_space<semaphore_mem>>)
    %dma_wait3A_246 = arith.constant 2304 : i32
    %dma_wait3A_247 = tpu.memref_slice %arg13[%dma_wait3A_246] : memref<9728xi32, #tpu.memory_space<vmem>> -> memref<256xi32, #tpu.memory_space<vmem>>
    %dma_wait3A_248 = arith.constant 0 : i32
    %dma_wait3A_249 = arith.constant 0 : i32
    %dma_wait3A_250 = tpu.memref_slice %arg6[%dma_wait3A_248, %dma_wait3A_249] : memref<10000x128xf32, #tpu.memory_space<hbm>> -> memref<10000x128xf32, #tpu.memory_space<hbm>>
    tpu.wait_indirect_dma semaphore(%arg17 : memref<!tpu.dma_semaphore, #tpu.memory_space<semaphore_mem>>) src(%dma_wait3A_250 : memref<10000x128xf32, #tpu.memory_space<hbm>>) dst(%arg14 : memref<256x128xf32, #tpu.memory_space<vmem>>)
    %mul3A_251 = arith.constant 12 : i32
    %mul3A_252 = arith.muli %add3A, %mul3A_251 : i32
    %add3A_253 = arith.constant 9 : i32
    %add3A_254 = arith.addi %mul3A_252, %add3A_253 : i32
    %mul3A_255 = arith.constant 256 : i32
    %mul3A_256 = arith.muli %add3A_254, %mul3A_255 : i32
    %dma_start3A_257 = arith.constant 0 : i32
    %dma_start3A_258 = tpu.memref_slice %arg9[%mul3A_256, %dma_start3A_257] : memref<98304x128xf32, #tpu.memory_space<hbm>> -> memref<256x128xf32, #tpu.memory_space<hbm>>
    %dma_start3A_259 = arith.constant 0 : i32
    %dma_start3A_260 = tpu.memref_slice %arg9[%mul3A_256, %dma_start3A_259] : memref<98304x128xf32, #tpu.memory_space<hbm>> -> memref<256x128xf32, #tpu.memory_space<hbm>>
    tpu.enqueue_dma source(%arg14 : memref<256x128xf32, #tpu.memory_space<vmem>>) target(%dma_start3A_260 : memref<256x128xf32, #tpu.memory_space<hbm>>) target_semaphore(%arg20 : memref<!tpu.dma_semaphore, #tpu.memory_space<semaphore_mem>>)
    %dma_wait3A_261 = arith.constant 0 : i32
    %dma_wait3A_262 = tpu.memref_slice %arg9[%mul3A_256, %dma_wait3A_261] : memref<98304x128xf32, #tpu.memory_space<hbm>> -> memref<256x128xf32, #tpu.memory_space<hbm>>
    %dma_wait3A_263 = arith.constant 0 : i32
    %dma_wait3A_264 = tpu.memref_slice %arg9[%mul3A_256, %dma_wait3A_263] : memref<98304x128xf32, #tpu.memory_space<hbm>> -> memref<256x128xf32, #tpu.memory_space<hbm>>
    tpu.wait_dma2 semaphore(%arg20 : memref<!tpu.dma_semaphore, #tpu.memory_space<semaphore_mem>>) src(%arg14 : memref<256x128xf32, #tpu.memory_space<vmem>>) dst(%dma_wait3A_264 : memref<256x128xf32, #tpu.memory_space<hbm>>)
    %dma_start3A_265 = arith.constant 3072 : i32
    %dma_start3A_266 = tpu.memref_slice %arg13[%dma_start3A_265] : memref<9728xi32, #tpu.memory_space<vmem>> -> memref<256xi32, #tpu.memory_space<vmem>>
    %dma_start3A_267 = arith.constant 0 : i32
    %dma_start3A_268 = arith.constant 0 : i32
    %dma_start3A_269 = tpu.memref_slice %arg7[%dma_start3A_267, %dma_start3A_268] : memref<5900x128xf32, #tpu.memory_space<hbm>> -> memref<5900x128xf32, #tpu.memory_space<hbm>>
    tpu.enqueue_indirect_dma source(%dma_start3A_269 : memref<5900x128xf32, #tpu.memory_space<hbm>>) target(%arg14 : memref<256x128xf32, #tpu.memory_space<vmem>>) offsets(%dma_start3A_266 : memref<256xi32, #tpu.memory_space<vmem>>) semaphore(%arg17 : memref<!tpu.dma_semaphore, #tpu.memory_space<semaphore_mem>>)
    %dma_wait3A_270 = arith.constant 2560 : i32
    %dma_wait3A_271 = tpu.memref_slice %arg13[%dma_wait3A_270] : memref<9728xi32, #tpu.memory_space<vmem>> -> memref<256xi32, #tpu.memory_space<vmem>>
    %dma_wait3A_272 = arith.constant 0 : i32
    %dma_wait3A_273 = arith.constant 0 : i32
    %dma_wait3A_274 = tpu.memref_slice %arg6[%dma_wait3A_272, %dma_wait3A_273] : memref<10000x128xf32, #tpu.memory_space<hbm>> -> memref<10000x128xf32, #tpu.memory_space<hbm>>
    tpu.wait_indirect_dma semaphore(%arg18 : memref<!tpu.dma_semaphore, #tpu.memory_space<semaphore_mem>>) src(%dma_wait3A_274 : memref<10000x128xf32, #tpu.memory_space<hbm>>) dst(%arg15 : memref<256x128xf32, #tpu.memory_space<vmem>>)
    %mul3A_275 = arith.constant 12 : i32
    %mul3A_276 = arith.muli %add3A, %mul3A_275 : i32
    %add3A_277 = arith.constant 10 : i32
    %add3A_278 = arith.addi %mul3A_276, %add3A_277 : i32
    %mul3A_279 = arith.constant 256 : i32
    %mul3A_280 = arith.muli %add3A_278, %mul3A_279 : i32
    %dma_start3A_281 = arith.constant 0 : i32
    %dma_start3A_282 = tpu.memref_slice %arg9[%mul3A_280, %dma_start3A_281] : memref<98304x128xf32, #tpu.memory_space<hbm>> -> memref<256x128xf32, #tpu.memory_space<hbm>>
    %dma_start3A_283 = arith.constant 0 : i32
    %dma_start3A_284 = tpu.memref_slice %arg9[%mul3A_280, %dma_start3A_283] : memref<98304x128xf32, #tpu.memory_space<hbm>> -> memref<256x128xf32, #tpu.memory_space<hbm>>
    tpu.enqueue_dma source(%arg15 : memref<256x128xf32, #tpu.memory_space<vmem>>) target(%dma_start3A_284 : memref<256x128xf32, #tpu.memory_space<hbm>>) target_semaphore(%arg21 : memref<!tpu.dma_semaphore, #tpu.memory_space<semaphore_mem>>)
    %dma_wait3A_285 = arith.constant 0 : i32
    %dma_wait3A_286 = tpu.memref_slice %arg9[%mul3A_280, %dma_wait3A_285] : memref<98304x128xf32, #tpu.memory_space<hbm>> -> memref<256x128xf32, #tpu.memory_space<hbm>>
    %dma_wait3A_287 = arith.constant 0 : i32
    %dma_wait3A_288 = tpu.memref_slice %arg9[%mul3A_280, %dma_wait3A_287] : memref<98304x128xf32, #tpu.memory_space<hbm>> -> memref<256x128xf32, #tpu.memory_space<hbm>>
    tpu.wait_dma2 semaphore(%arg21 : memref<!tpu.dma_semaphore, #tpu.memory_space<semaphore_mem>>) src(%arg15 : memref<256x128xf32, #tpu.memory_space<vmem>>) dst(%dma_wait3A_288 : memref<256x128xf32, #tpu.memory_space<hbm>>)
    %dma_start3A_289 = arith.constant 3328 : i32
    %dma_start3A_290 = tpu.memref_slice %arg13[%dma_start3A_289] : memref<9728xi32, #tpu.memory_space<vmem>> -> memref<256xi32, #tpu.memory_space<vmem>>
    %dma_start3A_291 = arith.constant 0 : i32
    %dma_start3A_292 = arith.constant 0 : i32
    %dma_start3A_293 = tpu.memref_slice %arg7[%dma_start3A_291, %dma_start3A_292] : memref<5900x128xf32, #tpu.memory_space<hbm>> -> memref<5900x128xf32, #tpu.memory_space<hbm>>
    tpu.enqueue_indirect_dma source(%dma_start3A_293 : memref<5900x128xf32, #tpu.memory_space<hbm>>) target(%arg15 : memref<256x128xf32, #tpu.memory_space<vmem>>) offsets(%dma_start3A_290 : memref<256xi32, #tpu.memory_space<vmem>>) semaphore(%arg18 : memref<!tpu.dma_semaphore, #tpu.memory_space<semaphore_mem>>)
    %dma_wait3A_294 = arith.constant 2816 : i32
    %dma_wait3A_295 = tpu.memref_slice %arg13[%dma_wait3A_294] : memref<9728xi32, #tpu.memory_space<vmem>> -> memref<256xi32, #tpu.memory_space<vmem>>
    %dma_wait3A_296 = arith.constant 0 : i32
    %dma_wait3A_297 = arith.constant 0 : i32
    %dma_wait3A_298 = tpu.memref_slice %arg6[%dma_wait3A_296, %dma_wait3A_297] : memref<10000x128xf32, #tpu.memory_space<hbm>> -> memref<10000x128xf32, #tpu.memory_space<hbm>>
    tpu.wait_indirect_dma semaphore(%arg19 : memref<!tpu.dma_semaphore, #tpu.memory_space<semaphore_mem>>) src(%dma_wait3A_298 : memref<10000x128xf32, #tpu.memory_space<hbm>>) dst(%arg16 : memref<256x128xf32, #tpu.memory_space<vmem>>)
    %mul3A_299 = arith.constant 12 : i32
    %mul3A_300 = arith.muli %add3A, %mul3A_299 : i32
    %add3A_301 = arith.constant 11 : i32
    %add3A_302 = arith.addi %mul3A_300, %add3A_301 : i32
    %mul3A_303 = arith.constant 256 : i32
    %mul3A_304 = arith.muli %add3A_302, %mul3A_303 : i32
    %dma_start3A_305 = arith.constant 0 : i32
    %dma_start3A_306 = tpu.memref_slice %arg9[%mul3A_304, %dma_start3A_305] : memref<98304x128xf32, #tpu.memory_space<hbm>> -> memref<256x128xf32, #tpu.memory_space<hbm>>
    %dma_start3A_307 = arith.constant 0 : i32
    %dma_start3A_308 = tpu.memref_slice %arg9[%mul3A_304, %dma_start3A_307] : memref<98304x128xf32, #tpu.memory_space<hbm>> -> memref<256x128xf32, #tpu.memory_space<hbm>>
    tpu.enqueue_dma source(%arg16 : memref<256x128xf32, #tpu.memory_space<vmem>>) target(%dma_start3A_308 : memref<256x128xf32, #tpu.memory_space<hbm>>) target_semaphore(%arg22 : memref<!tpu.dma_semaphore, #tpu.memory_space<semaphore_mem>>)
    %dma_wait3A_309 = arith.constant 0 : i32
    %dma_wait3A_310 = tpu.memref_slice %arg9[%mul3A_304, %dma_wait3A_309] : memref<98304x128xf32, #tpu.memory_space<hbm>> -> memref<256x128xf32, #tpu.memory_space<hbm>>
    %dma_wait3A_311 = arith.constant 0 : i32
    %dma_wait3A_312 = tpu.memref_slice %arg9[%mul3A_304, %dma_wait3A_311] : memref<98304x128xf32, #tpu.memory_space<hbm>> -> memref<256x128xf32, #tpu.memory_space<hbm>>
    tpu.wait_dma2 semaphore(%arg22 : memref<!tpu.dma_semaphore, #tpu.memory_space<semaphore_mem>>) src(%arg16 : memref<256x128xf32, #tpu.memory_space<vmem>>) dst(%dma_wait3A_312 : memref<256x128xf32, #tpu.memory_space<hbm>>)
    %dma_start3A_313 = arith.constant 3584 : i32
    %dma_start3A_314 = tpu.memref_slice %arg13[%dma_start3A_313] : memref<9728xi32, #tpu.memory_space<vmem>> -> memref<256xi32, #tpu.memory_space<vmem>>
    %dma_start3A_315 = arith.constant 0 : i32
    %dma_start3A_316 = arith.constant 0 : i32
    %dma_start3A_317 = tpu.memref_slice %arg7[%dma_start3A_315, %dma_start3A_316] : memref<5900x128xf32, #tpu.memory_space<hbm>> -> memref<5900x128xf32, #tpu.memory_space<hbm>>
    tpu.enqueue_indirect_dma source(%dma_start3A_317 : memref<5900x128xf32, #tpu.memory_space<hbm>>) target(%arg16 : memref<256x128xf32, #tpu.memory_space<vmem>>) offsets(%dma_start3A_314 : memref<256xi32, #tpu.memory_space<vmem>>) semaphore(%arg19 : memref<!tpu.dma_semaphore, #tpu.memory_space<semaphore_mem>>)
    %dma_wait3A_318 = arith.constant 3072 : i32
    %dma_wait3A_319 = tpu.memref_slice %arg13[%dma_wait3A_318] : memref<9728xi32, #tpu.memory_space<vmem>> -> memref<256xi32, #tpu.memory_space<vmem>>
    %dma_wait3A_320 = arith.constant 0 : i32
    %dma_wait3A_321 = arith.constant 0 : i32
    %dma_wait3A_322 = tpu.memref_slice %arg7[%dma_wait3A_320, %dma_wait3A_321] : memref<5900x128xf32, #tpu.memory_space<hbm>> -> memref<5900x128xf32, #tpu.memory_space<hbm>>
    tpu.wait_indirect_dma semaphore(%arg17 : memref<!tpu.dma_semaphore, #tpu.memory_space<semaphore_mem>>) src(%dma_wait3A_322 : memref<5900x128xf32, #tpu.memory_space<hbm>>) dst(%arg14 : memref<256x128xf32, #tpu.memory_space<vmem>>)
    %mul3A_323 = arith.constant 12 : i32
    %mul3A_324 = arith.muli %add3A, %mul3A_323 : i32
    %add3A_325 = arith.constant 0 : i32
    %add3A_326 = arith.addi %mul3A_324, %add3A_325 : i32
    %mul3A_327 = arith.constant 256 : i32
    %mul3A_328 = arith.muli %add3A_326, %mul3A_327 : i32
    %dma_start3A_329 = arith.constant 0 : i32
    %dma_start3A_330 = tpu.memref_slice %arg10[%mul3A_328, %dma_start3A_329] : memref<98304x128xf32, #tpu.memory_space<hbm>> -> memref<256x128xf32, #tpu.memory_space<hbm>>
    %dma_start3A_331 = arith.constant 0 : i32
    %dma_start3A_332 = tpu.memref_slice %arg10[%mul3A_328, %dma_start3A_331] : memref<98304x128xf32, #tpu.memory_space<hbm>> -> memref<256x128xf32, #tpu.memory_space<hbm>>
    tpu.enqueue_dma source(%arg14 : memref<256x128xf32, #tpu.memory_space<vmem>>) target(%dma_start3A_332 : memref<256x128xf32, #tpu.memory_space<hbm>>) target_semaphore(%arg20 : memref<!tpu.dma_semaphore, #tpu.memory_space<semaphore_mem>>)
    %dma_wait3A_333 = arith.constant 0 : i32
    %dma_wait3A_334 = tpu.memref_slice %arg10[%mul3A_328, %dma_wait3A_333] : memref<98304x128xf32, #tpu.memory_space<hbm>> -> memref<256x128xf32, #tpu.memory_space<hbm>>
    %dma_wait3A_335 = arith.constant 0 : i32
    %dma_wait3A_336 = tpu.memref_slice %arg10[%mul3A_328, %dma_wait3A_335] : memref<98304x128xf32, #tpu.memory_space<hbm>> -> memref<256x128xf32, #tpu.memory_space<hbm>>
    tpu.wait_dma2 semaphore(%arg20 : memref<!tpu.dma_semaphore, #tpu.memory_space<semaphore_mem>>) src(%arg14 : memref<256x128xf32, #tpu.memory_space<vmem>>) dst(%dma_wait3A_336 : memref<256x128xf32, #tpu.memory_space<hbm>>)
    %dma_start3A_337 = arith.constant 3840 : i32
    %dma_start3A_338 = tpu.memref_slice %arg13[%dma_start3A_337] : memref<9728xi32, #tpu.memory_space<vmem>> -> memref<256xi32, #tpu.memory_space<vmem>>
    %dma_start3A_339 = arith.constant 0 : i32
    %dma_start3A_340 = arith.constant 0 : i32
    %dma_start3A_341 = tpu.memref_slice %arg7[%dma_start3A_339, %dma_start3A_340] : memref<5900x128xf32, #tpu.memory_space<hbm>> -> memref<5900x128xf32, #tpu.memory_space<hbm>>
    tpu.enqueue_indirect_dma source(%dma_start3A_341 : memref<5900x128xf32, #tpu.memory_space<hbm>>) target(%arg14 : memref<256x128xf32, #tpu.memory_space<vmem>>) offsets(%dma_start3A_338 : memref<256xi32, #tpu.memory_space<vmem>>) semaphore(%arg17 : memref<!tpu.dma_semaphore, #tpu.memory_space<semaphore_mem>>)
    %dma_wait3A_342 = arith.constant 3328 : i32
    %dma_wait3A_343 = tpu.memref_slice %arg13[%dma_wait3A_342] : memref<9728xi32, #tpu.memory_space<vmem>> -> memref<256xi32, #tpu.memory_space<vmem>>
    %dma_wait3A_344 = arith.constant 0 : i32
    %dma_wait3A_345 = arith.constant 0 : i32
    %dma_wait3A_346 = tpu.memref_slice %arg7[%dma_wait3A_344, %dma_wait3A_345] : memref<5900x128xf32, #tpu.memory_space<hbm>> -> memref<5900x128xf32, #tpu.memory_space<hbm>>
    tpu.wait_indirect_dma semaphore(%arg18 : memref<!tpu.dma_semaphore, #tpu.memory_space<semaphore_mem>>) src(%dma_wait3A_346 : memref<5900x128xf32, #tpu.memory_space<hbm>>) dst(%arg15 : memref<256x128xf32, #tpu.memory_space<vmem>>)
    %mul3A_347 = arith.constant 12 : i32
    %mul3A_348 = arith.muli %add3A, %mul3A_347 : i32
    %add3A_349 = arith.constant 1 : i32
    %add3A_350 = arith.addi %mul3A_348, %add3A_349 : i32
    %mul3A_351 = arith.constant 256 : i32
    %mul3A_352 = arith.muli %add3A_350, %mul3A_351 : i32
    %dma_start3A_353 = arith.constant 0 : i32
    %dma_start3A_354 = tpu.memref_slice %arg10[%mul3A_352, %dma_start3A_353] : memref<98304x128xf32, #tpu.memory_space<hbm>> -> memref<256x128xf32, #tpu.memory_space<hbm>>
    %dma_start3A_355 = arith.constant 0 : i32
    %dma_start3A_356 = tpu.memref_slice %arg10[%mul3A_352, %dma_start3A_355] : memref<98304x128xf32, #tpu.memory_space<hbm>> -> memref<256x128xf32, #tpu.memory_space<hbm>>
    tpu.enqueue_dma source(%arg15 : memref<256x128xf32, #tpu.memory_space<vmem>>) target(%dma_start3A_356 : memref<256x128xf32, #tpu.memory_space<hbm>>) target_semaphore(%arg21 : memref<!tpu.dma_semaphore, #tpu.memory_space<semaphore_mem>>)
    %dma_wait3A_357 = arith.constant 0 : i32
    %dma_wait3A_358 = tpu.memref_slice %arg10[%mul3A_352, %dma_wait3A_357] : memref<98304x128xf32, #tpu.memory_space<hbm>> -> memref<256x128xf32, #tpu.memory_space<hbm>>
    %dma_wait3A_359 = arith.constant 0 : i32
    %dma_wait3A_360 = tpu.memref_slice %arg10[%mul3A_352, %dma_wait3A_359] : memref<98304x128xf32, #tpu.memory_space<hbm>> -> memref<256x128xf32, #tpu.memory_space<hbm>>
    tpu.wait_dma2 semaphore(%arg21 : memref<!tpu.dma_semaphore, #tpu.memory_space<semaphore_mem>>) src(%arg15 : memref<256x128xf32, #tpu.memory_space<vmem>>) dst(%dma_wait3A_360 : memref<256x128xf32, #tpu.memory_space<hbm>>)
    %dma_start3A_361 = arith.constant 4096 : i32
    %dma_start3A_362 = tpu.memref_slice %arg13[%dma_start3A_361] : memref<9728xi32, #tpu.memory_space<vmem>> -> memref<256xi32, #tpu.memory_space<vmem>>
    %dma_start3A_363 = arith.constant 0 : i32
    %dma_start3A_364 = arith.constant 0 : i32
    %dma_start3A_365 = tpu.memref_slice %arg7[%dma_start3A_363, %dma_start3A_364] : memref<5900x128xf32, #tpu.memory_space<hbm>> -> memref<5900x128xf32, #tpu.memory_space<hbm>>
    tpu.enqueue_indirect_dma source(%dma_start3A_365 : memref<5900x128xf32, #tpu.memory_space<hbm>>) target(%arg15 : memref<256x128xf32, #tpu.memory_space<vmem>>) offsets(%dma_start3A_362 : memref<256xi32, #tpu.memory_space<vmem>>) semaphore(%arg18 : memref<!tpu.dma_semaphore, #tpu.memory_space<semaphore_mem>>)
    %dma_wait3A_366 = arith.constant 3584 : i32
    %dma_wait3A_367 = tpu.memref_slice %arg13[%dma_wait3A_366] : memref<9728xi32, #tpu.memory_space<vmem>> -> memref<256xi32, #tpu.memory_space<vmem>>
    %dma_wait3A_368 = arith.constant 0 : i32
    %dma_wait3A_369 = arith.constant 0 : i32
    %dma_wait3A_370 = tpu.memref_slice %arg7[%dma_wait3A_368, %dma_wait3A_369] : memref<5900x128xf32, #tpu.memory_space<hbm>> -> memref<5900x128xf32, #tpu.memory_space<hbm>>
    tpu.wait_indirect_dma semaphore(%arg19 : memref<!tpu.dma_semaphore, #tpu.memory_space<semaphore_mem>>) src(%dma_wait3A_370 : memref<5900x128xf32, #tpu.memory_space<hbm>>) dst(%arg16 : memref<256x128xf32, #tpu.memory_space<vmem>>)
    %mul3A_371 = arith.constant 12 : i32
    %mul3A_372 = arith.muli %add3A, %mul3A_371 : i32
    %add3A_373 = arith.constant 2 : i32
    %add3A_374 = arith.addi %mul3A_372, %add3A_373 : i32
    %mul3A_375 = arith.constant 256 : i32
    %mul3A_376 = arith.muli %add3A_374, %mul3A_375 : i32
    %dma_start3A_377 = arith.constant 0 : i32
    %dma_start3A_378 = tpu.memref_slice %arg10[%mul3A_376, %dma_start3A_377] : memref<98304x128xf32, #tpu.memory_space<hbm>> -> memref<256x128xf32, #tpu.memory_space<hbm>>
    %dma_start3A_379 = arith.constant 0 : i32
    %dma_start3A_380 = tpu.memref_slice %arg10[%mul3A_376, %dma_start3A_379] : memref<98304x128xf32, #tpu.memory_space<hbm>> -> memref<256x128xf32, #tpu.memory_space<hbm>>
    tpu.enqueue_dma source(%arg16 : memref<256x128xf32, #tpu.memory_space<vmem>>) target(%dma_start3A_380 : memref<256x128xf32, #tpu.memory_space<hbm>>) target_semaphore(%arg22 : memref<!tpu.dma_semaphore, #tpu.memory_space<semaphore_mem>>)
    %dma_wait3A_381 = arith.constant 0 : i32
    %dma_wait3A_382 = tpu.memref_slice %arg10[%mul3A_376, %dma_wait3A_381] : memref<98304x128xf32, #tpu.memory_space<hbm>> -> memref<256x128xf32, #tpu.memory_space<hbm>>
    %dma_wait3A_383 = arith.constant 0 : i32
    %dma_wait3A_384 = tpu.memref_slice %arg10[%mul3A_376, %dma_wait3A_383] : memref<98304x128xf32, #tpu.memory_space<hbm>> -> memref<256x128xf32, #tpu.memory_space<hbm>>
    tpu.wait_dma2 semaphore(%arg22 : memref<!tpu.dma_semaphore, #tpu.memory_space<semaphore_mem>>) src(%arg16 : memref<256x128xf32, #tpu.memory_space<vmem>>) dst(%dma_wait3A_384 : memref<256x128xf32, #tpu.memory_space<hbm>>)
    %dma_start3A_385 = arith.constant 4352 : i32
    %dma_start3A_386 = tpu.memref_slice %arg13[%dma_start3A_385] : memref<9728xi32, #tpu.memory_space<vmem>> -> memref<256xi32, #tpu.memory_space<vmem>>
    %dma_start3A_387 = arith.constant 0 : i32
    %dma_start3A_388 = arith.constant 0 : i32
    %dma_start3A_389 = tpu.memref_slice %arg7[%dma_start3A_387, %dma_start3A_388] : memref<5900x128xf32, #tpu.memory_space<hbm>> -> memref<5900x128xf32, #tpu.memory_space<hbm>>
    tpu.enqueue_indirect_dma source(%dma_start3A_389 : memref<5900x128xf32, #tpu.memory_space<hbm>>) target(%arg16 : memref<256x128xf32, #tpu.memory_space<vmem>>) offsets(%dma_start3A_386 : memref<256xi32, #tpu.memory_space<vmem>>) semaphore(%arg19 : memref<!tpu.dma_semaphore, #tpu.memory_space<semaphore_mem>>)
    %dma_wait3A_390 = arith.constant 3840 : i32
    %dma_wait3A_391 = tpu.memref_slice %arg13[%dma_wait3A_390] : memref<9728xi32, #tpu.memory_space<vmem>> -> memref<256xi32, #tpu.memory_space<vmem>>
    %dma_wait3A_392 = arith.constant 0 : i32
    %dma_wait3A_393 = arith.constant 0 : i32
    %dma_wait3A_394 = tpu.memref_slice %arg7[%dma_wait3A_392, %dma_wait3A_393] : memref<5900x128xf32, #tpu.memory_space<hbm>> -> memref<5900x128xf32, #tpu.memory_space<hbm>>
    tpu.wait_indirect_dma semaphore(%arg17 : memref<!tpu.dma_semaphore, #tpu.memory_space<semaphore_mem>>) src(%dma_wait3A_394 : memref<5900x128xf32, #tpu.memory_space<hbm>>) dst(%arg14 : memref<256x128xf32, #tpu.memory_space<vmem>>)
    %mul3A_395 = arith.constant 12 : i32
    %mul3A_396 = arith.muli %add3A, %mul3A_395 : i32
    %add3A_397 = arith.constant 3 : i32
    %add3A_398 = arith.addi %mul3A_396, %add3A_397 : i32
    %mul3A_399 = arith.constant 256 : i32
    %mul3A_400 = arith.muli %add3A_398, %mul3A_399 : i32
    %dma_start3A_401 = arith.constant 0 : i32
    %dma_start3A_402 = tpu.memref_slice %arg10[%mul3A_400, %dma_start3A_401] : memref<98304x128xf32, #tpu.memory_space<hbm>> -> memref<256x128xf32, #tpu.memory_space<hbm>>
    %dma_start3A_403 = arith.constant 0 : i32
    %dma_start3A_404 = tpu.memref_slice %arg10[%mul3A_400, %dma_start3A_403] : memref<98304x128xf32, #tpu.memory_space<hbm>> -> memref<256x128xf32, #tpu.memory_space<hbm>>
    tpu.enqueue_dma source(%arg14 : memref<256x128xf32, #tpu.memory_space<vmem>>) target(%dma_start3A_404 : memref<256x128xf32, #tpu.memory_space<hbm>>) target_semaphore(%arg20 : memref<!tpu.dma_semaphore, #tpu.memory_space<semaphore_mem>>)
    %dma_wait3A_405 = arith.constant 0 : i32
    %dma_wait3A_406 = tpu.memref_slice %arg10[%mul3A_400, %dma_wait3A_405] : memref<98304x128xf32, #tpu.memory_space<hbm>> -> memref<256x128xf32, #tpu.memory_space<hbm>>
    %dma_wait3A_407 = arith.constant 0 : i32
    %dma_wait3A_408 = tpu.memref_slice %arg10[%mul3A_400, %dma_wait3A_407] : memref<98304x128xf32, #tpu.memory_space<hbm>> -> memref<256x128xf32, #tpu.memory_space<hbm>>
    tpu.wait_dma2 semaphore(%arg20 : memref<!tpu.dma_semaphore, #tpu.memory_space<semaphore_mem>>) src(%arg14 : memref<256x128xf32, #tpu.memory_space<vmem>>) dst(%dma_wait3A_408 : memref<256x128xf32, #tpu.memory_space<hbm>>)
    %dma_start3A_409 = arith.constant 4608 : i32
    %dma_start3A_410 = tpu.memref_slice %arg13[%dma_start3A_409] : memref<9728xi32, #tpu.memory_space<vmem>> -> memref<256xi32, #tpu.memory_space<vmem>>
    %dma_start3A_411 = arith.constant 0 : i32
    %dma_start3A_412 = arith.constant 0 : i32
    %dma_start3A_413 = tpu.memref_slice %arg7[%dma_start3A_411, %dma_start3A_412] : memref<5900x128xf32, #tpu.memory_space<hbm>> -> memref<5900x128xf32, #tpu.memory_space<hbm>>
    tpu.enqueue_indirect_dma source(%dma_start3A_413 : memref<5900x128xf32, #tpu.memory_space<hbm>>) target(%arg14 : memref<256x128xf32, #tpu.memory_space<vmem>>) offsets(%dma_start3A_410 : memref<256xi32, #tpu.memory_space<vmem>>) semaphore(%arg17 : memref<!tpu.dma_semaphore, #tpu.memory_space<semaphore_mem>>)
    %dma_wait3A_414 = arith.constant 4096 : i32
    %dma_wait3A_415 = tpu.memref_slice %arg13[%dma_wait3A_414] : memref<9728xi32, #tpu.memory_space<vmem>> -> memref<256xi32, #tpu.memory_space<vmem>>
    %dma_wait3A_416 = arith.constant 0 : i32
    %dma_wait3A_417 = arith.constant 0 : i32
    %dma_wait3A_418 = tpu.memref_slice %arg7[%dma_wait3A_416, %dma_wait3A_417] : memref<5900x128xf32, #tpu.memory_space<hbm>> -> memref<5900x128xf32, #tpu.memory_space<hbm>>
    tpu.wait_indirect_dma semaphore(%arg18 : memref<!tpu.dma_semaphore, #tpu.memory_space<semaphore_mem>>) src(%dma_wait3A_418 : memref<5900x128xf32, #tpu.memory_space<hbm>>) dst(%arg15 : memref<256x128xf32, #tpu.memory_space<vmem>>)
    %mul3A_419 = arith.constant 12 : i32
    %mul3A_420 = arith.muli %add3A, %mul3A_419 : i32
    %add3A_421 = arith.constant 4 : i32
    %add3A_422 = arith.addi %mul3A_420, %add3A_421 : i32
    %mul3A_423 = arith.constant 256 : i32
    %mul3A_424 = arith.muli %add3A_422, %mul3A_423 : i32
    %dma_start3A_425 = arith.constant 0 : i32
    %dma_start3A_426 = tpu.memref_slice %arg10[%mul3A_424, %dma_start3A_425] : memref<98304x128xf32, #tpu.memory_space<hbm>> -> memref<256x128xf32, #tpu.memory_space<hbm>>
    %dma_start3A_427 = arith.constant 0 : i32
    %dma_start3A_428 = tpu.memref_slice %arg10[%mul3A_424, %dma_start3A_427] : memref<98304x128xf32, #tpu.memory_space<hbm>> -> memref<256x128xf32, #tpu.memory_space<hbm>>
    tpu.enqueue_dma source(%arg15 : memref<256x128xf32, #tpu.memory_space<vmem>>) target(%dma_start3A_428 : memref<256x128xf32, #tpu.memory_space<hbm>>) target_semaphore(%arg21 : memref<!tpu.dma_semaphore, #tpu.memory_space<semaphore_mem>>)
    %dma_wait3A_429 = arith.constant 0 : i32
    %dma_wait3A_430 = tpu.memref_slice %arg10[%mul3A_424, %dma_wait3A_429] : memref<98304x128xf32, #tpu.memory_space<hbm>> -> memref<256x128xf32, #tpu.memory_space<hbm>>
    %dma_wait3A_431 = arith.constant 0 : i32
    %dma_wait3A_432 = tpu.memref_slice %arg10[%mul3A_424, %dma_wait3A_431] : memref<98304x128xf32, #tpu.memory_space<hbm>> -> memref<256x128xf32, #tpu.memory_space<hbm>>
    tpu.wait_dma2 semaphore(%arg21 : memref<!tpu.dma_semaphore, #tpu.memory_space<semaphore_mem>>) src(%arg15 : memref<256x128xf32, #tpu.memory_space<vmem>>) dst(%dma_wait3A_432 : memref<256x128xf32, #tpu.memory_space<hbm>>)
    %dma_start3A_433 = arith.constant 4864 : i32
    %dma_start3A_434 = tpu.memref_slice %arg13[%dma_start3A_433] : memref<9728xi32, #tpu.memory_space<vmem>> -> memref<256xi32, #tpu.memory_space<vmem>>
    %dma_start3A_435 = arith.constant 0 : i32
    %dma_start3A_436 = arith.constant 0 : i32
    %dma_start3A_437 = tpu.memref_slice %arg7[%dma_start3A_435, %dma_start3A_436] : memref<5900x128xf32, #tpu.memory_space<hbm>> -> memref<5900x128xf32, #tpu.memory_space<hbm>>
    tpu.enqueue_indirect_dma source(%dma_start3A_437 : memref<5900x128xf32, #tpu.memory_space<hbm>>) target(%arg15 : memref<256x128xf32, #tpu.memory_space<vmem>>) offsets(%dma_start3A_434 : memref<256xi32, #tpu.memory_space<vmem>>) semaphore(%arg18 : memref<!tpu.dma_semaphore, #tpu.memory_space<semaphore_mem>>)
    %dma_wait3A_438 = arith.constant 4352 : i32
    %dma_wait3A_439 = tpu.memref_slice %arg13[%dma_wait3A_438] : memref<9728xi32, #tpu.memory_space<vmem>> -> memref<256xi32, #tpu.memory_space<vmem>>
    %dma_wait3A_440 = arith.constant 0 : i32
    %dma_wait3A_441 = arith.constant 0 : i32
    %dma_wait3A_442 = tpu.memref_slice %arg7[%dma_wait3A_440, %dma_wait3A_441] : memref<5900x128xf32, #tpu.memory_space<hbm>> -> memref<5900x128xf32, #tpu.memory_space<hbm>>
    tpu.wait_indirect_dma semaphore(%arg19 : memref<!tpu.dma_semaphore, #tpu.memory_space<semaphore_mem>>) src(%dma_wait3A_442 : memref<5900x128xf32, #tpu.memory_space<hbm>>) dst(%arg16 : memref<256x128xf32, #tpu.memory_space<vmem>>)
    %mul3A_443 = arith.constant 12 : i32
    %mul3A_444 = arith.muli %add3A, %mul3A_443 : i32
    %add3A_445 = arith.constant 5 : i32
    %add3A_446 = arith.addi %mul3A_444, %add3A_445 : i32
    %mul3A_447 = arith.constant 256 : i32
    %mul3A_448 = arith.muli %add3A_446, %mul3A_447 : i32
    %dma_start3A_449 = arith.constant 0 : i32
    %dma_start3A_450 = tpu.memref_slice %arg10[%mul3A_448, %dma_start3A_449] : memref<98304x128xf32, #tpu.memory_space<hbm>> -> memref<256x128xf32, #tpu.memory_space<hbm>>
    %dma_start3A_451 = arith.constant 0 : i32
    %dma_start3A_452 = tpu.memref_slice %arg10[%mul3A_448, %dma_start3A_451] : memref<98304x128xf32, #tpu.memory_space<hbm>> -> memref<256x128xf32, #tpu.memory_space<hbm>>
    tpu.enqueue_dma source(%arg16 : memref<256x128xf32, #tpu.memory_space<vmem>>) target(%dma_start3A_452 : memref<256x128xf32, #tpu.memory_space<hbm>>) target_semaphore(%arg22 : memref<!tpu.dma_semaphore, #tpu.memory_space<semaphore_mem>>)
    %dma_wait3A_453 = arith.constant 0 : i32
    %dma_wait3A_454 = tpu.memref_slice %arg10[%mul3A_448, %dma_wait3A_453] : memref<98304x128xf32, #tpu.memory_space<hbm>> -> memref<256x128xf32, #tpu.memory_space<hbm>>
    %dma_wait3A_455 = arith.constant 0 : i32
    %dma_wait3A_456 = tpu.memref_slice %arg10[%mul3A_448, %dma_wait3A_455] : memref<98304x128xf32, #tpu.memory_space<hbm>> -> memref<256x128xf32, #tpu.memory_space<hbm>>
    tpu.wait_dma2 semaphore(%arg22 : memref<!tpu.dma_semaphore, #tpu.memory_space<semaphore_mem>>) src(%arg16 : memref<256x128xf32, #tpu.memory_space<vmem>>) dst(%dma_wait3A_456 : memref<256x128xf32, #tpu.memory_space<hbm>>)
    %dma_start3A_457 = arith.constant 5120 : i32
    %dma_start3A_458 = tpu.memref_slice %arg13[%dma_start3A_457] : memref<9728xi32, #tpu.memory_space<vmem>> -> memref<256xi32, #tpu.memory_space<vmem>>
    %dma_start3A_459 = arith.constant 0 : i32
    %dma_start3A_460 = arith.constant 0 : i32
    %dma_start3A_461 = tpu.memref_slice %arg7[%dma_start3A_459, %dma_start3A_460] : memref<5900x128xf32, #tpu.memory_space<hbm>> -> memref<5900x128xf32, #tpu.memory_space<hbm>>
    tpu.enqueue_indirect_dma source(%dma_start3A_461 : memref<5900x128xf32, #tpu.memory_space<hbm>>) target(%arg16 : memref<256x128xf32, #tpu.memory_space<vmem>>) offsets(%dma_start3A_458 : memref<256xi32, #tpu.memory_space<vmem>>) semaphore(%arg19 : memref<!tpu.dma_semaphore, #tpu.memory_space<semaphore_mem>>)
    %dma_wait3A_462 = arith.constant 4608 : i32
    %dma_wait3A_463 = tpu.memref_slice %arg13[%dma_wait3A_462] : memref<9728xi32, #tpu.memory_space<vmem>> -> memref<256xi32, #tpu.memory_space<vmem>>
    %dma_wait3A_464 = arith.constant 0 : i32
    %dma_wait3A_465 = arith.constant 0 : i32
    %dma_wait3A_466 = tpu.memref_slice %arg7[%dma_wait3A_464, %dma_wait3A_465] : memref<5900x128xf32, #tpu.memory_space<hbm>> -> memref<5900x128xf32, #tpu.memory_space<hbm>>
    tpu.wait_indirect_dma semaphore(%arg17 : memref<!tpu.dma_semaphore, #tpu.memory_space<semaphore_mem>>) src(%dma_wait3A_466 : memref<5900x128xf32, #tpu.memory_space<hbm>>) dst(%arg14 : memref<256x128xf32, #tpu.memory_space<vmem>>)
    %mul3A_467 = arith.constant 12 : i32
    %mul3A_468 = arith.muli %add3A, %mul3A_467 : i32
    %add3A_469 = arith.constant 6 : i32
    %add3A_470 = arith.addi %mul3A_468, %add3A_469 : i32
    %mul3A_471 = arith.constant 256 : i32
    %mul3A_472 = arith.muli %add3A_470, %mul3A_471 : i32
    %dma_start3A_473 = arith.constant 0 : i32
    %dma_start3A_474 = tpu.memref_slice %arg10[%mul3A_472, %dma_start3A_473] : memref<98304x128xf32, #tpu.memory_space<hbm>> -> memref<256x128xf32, #tpu.memory_space<hbm>>
    %dma_start3A_475 = arith.constant 0 : i32
    %dma_start3A_476 = tpu.memref_slice %arg10[%mul3A_472, %dma_start3A_475] : memref<98304x128xf32, #tpu.memory_space<hbm>> -> memref<256x128xf32, #tpu.memory_space<hbm>>
    tpu.enqueue_dma source(%arg14 : memref<256x128xf32, #tpu.memory_space<vmem>>) target(%dma_start3A_476 : memref<256x128xf32, #tpu.memory_space<hbm>>) target_semaphore(%arg20 : memref<!tpu.dma_semaphore, #tpu.memory_space<semaphore_mem>>)
    %dma_wait3A_477 = arith.constant 0 : i32
    %dma_wait3A_478 = tpu.memref_slice %arg10[%mul3A_472, %dma_wait3A_477] : memref<98304x128xf32, #tpu.memory_space<hbm>> -> memref<256x128xf32, #tpu.memory_space<hbm>>
    %dma_wait3A_479 = arith.constant 0 : i32
    %dma_wait3A_480 = tpu.memref_slice %arg10[%mul3A_472, %dma_wait3A_479] : memref<98304x128xf32, #tpu.memory_space<hbm>> -> memref<256x128xf32, #tpu.memory_space<hbm>>
    tpu.wait_dma2 semaphore(%arg20 : memref<!tpu.dma_semaphore, #tpu.memory_space<semaphore_mem>>) src(%arg14 : memref<256x128xf32, #tpu.memory_space<vmem>>) dst(%dma_wait3A_480 : memref<256x128xf32, #tpu.memory_space<hbm>>)
    %dma_start3A_481 = arith.constant 5376 : i32
    %dma_start3A_482 = tpu.memref_slice %arg13[%dma_start3A_481] : memref<9728xi32, #tpu.memory_space<vmem>> -> memref<256xi32, #tpu.memory_space<vmem>>
    %dma_start3A_483 = arith.constant 0 : i32
    %dma_start3A_484 = arith.constant 0 : i32
    %dma_start3A_485 = tpu.memref_slice %arg7[%dma_start3A_483, %dma_start3A_484] : memref<5900x128xf32, #tpu.memory_space<hbm>> -> memref<5900x128xf32, #tpu.memory_space<hbm>>
    tpu.enqueue_indirect_dma source(%dma_start3A_485 : memref<5900x128xf32, #tpu.memory_space<hbm>>) target(%arg14 : memref<256x128xf32, #tpu.memory_space<vmem>>) offsets(%dma_start3A_482 : memref<256xi32, #tpu.memory_space<vmem>>) semaphore(%arg17 : memref<!tpu.dma_semaphore, #tpu.memory_space<semaphore_mem>>)
    %dma_wait3A_486 = arith.constant 4864 : i32
    %dma_wait3A_487 = tpu.memref_slice %arg13[%dma_wait3A_486] : memref<9728xi32, #tpu.memory_space<vmem>> -> memref<256xi32, #tpu.memory_space<vmem>>
    %dma_wait3A_488 = arith.constant 0 : i32
    %dma_wait3A_489 = arith.constant 0 : i32
    %dma_wait3A_490 = tpu.memref_slice %arg7[%dma_wait3A_488, %dma_wait3A_489] : memref<5900x128xf32, #tpu.memory_space<hbm>> -> memref<5900x128xf32, #tpu.memory_space<hbm>>
    tpu.wait_indirect_dma semaphore(%arg18 : memref<!tpu.dma_semaphore, #tpu.memory_space<semaphore_mem>>) src(%dma_wait3A_490 : memref<5900x128xf32, #tpu.memory_space<hbm>>) dst(%arg15 : memref<256x128xf32, #tpu.memory_space<vmem>>)
    %mul3A_491 = arith.constant 12 : i32
    %mul3A_492 = arith.muli %add3A, %mul3A_491 : i32
    %add3A_493 = arith.constant 7 : i32
    %add3A_494 = arith.addi %mul3A_492, %add3A_493 : i32
    %mul3A_495 = arith.constant 256 : i32
    %mul3A_496 = arith.muli %add3A_494, %mul3A_495 : i32
    %dma_start3A_497 = arith.constant 0 : i32
    %dma_start3A_498 = tpu.memref_slice %arg10[%mul3A_496, %dma_start3A_497] : memref<98304x128xf32, #tpu.memory_space<hbm>> -> memref<256x128xf32, #tpu.memory_space<hbm>>
    %dma_start3A_499 = arith.constant 0 : i32
    %dma_start3A_500 = tpu.memref_slice %arg10[%mul3A_496, %dma_start3A_499] : memref<98304x128xf32, #tpu.memory_space<hbm>> -> memref<256x128xf32, #tpu.memory_space<hbm>>
    tpu.enqueue_dma source(%arg15 : memref<256x128xf32, #tpu.memory_space<vmem>>) target(%dma_start3A_500 : memref<256x128xf32, #tpu.memory_space<hbm>>) target_semaphore(%arg21 : memref<!tpu.dma_semaphore, #tpu.memory_space<semaphore_mem>>)
    %dma_wait3A_501 = arith.constant 0 : i32
    %dma_wait3A_502 = tpu.memref_slice %arg10[%mul3A_496, %dma_wait3A_501] : memref<98304x128xf32, #tpu.memory_space<hbm>> -> memref<256x128xf32, #tpu.memory_space<hbm>>
    %dma_wait3A_503 = arith.constant 0 : i32
    %dma_wait3A_504 = tpu.memref_slice %arg10[%mul3A_496, %dma_wait3A_503] : memref<98304x128xf32, #tpu.memory_space<hbm>> -> memref<256x128xf32, #tpu.memory_space<hbm>>
    tpu.wait_dma2 semaphore(%arg21 : memref<!tpu.dma_semaphore, #tpu.memory_space<semaphore_mem>>) src(%arg15 : memref<256x128xf32, #tpu.memory_space<vmem>>) dst(%dma_wait3A_504 : memref<256x128xf32, #tpu.memory_space<hbm>>)
    %dma_start3A_505 = arith.constant 5632 : i32
    %dma_start3A_506 = tpu.memref_slice %arg13[%dma_start3A_505] : memref<9728xi32, #tpu.memory_space<vmem>> -> memref<256xi32, #tpu.memory_space<vmem>>
    %dma_start3A_507 = arith.constant 0 : i32
    %dma_start3A_508 = arith.constant 0 : i32
    %dma_start3A_509 = tpu.memref_slice %arg7[%dma_start3A_507, %dma_start3A_508] : memref<5900x128xf32, #tpu.memory_space<hbm>> -> memref<5900x128xf32, #tpu.memory_space<hbm>>
    tpu.enqueue_indirect_dma source(%dma_start3A_509 : memref<5900x128xf32, #tpu.memory_space<hbm>>) target(%arg15 : memref<256x128xf32, #tpu.memory_space<vmem>>) offsets(%dma_start3A_506 : memref<256xi32, #tpu.memory_space<vmem>>) semaphore(%arg18 : memref<!tpu.dma_semaphore, #tpu.memory_space<semaphore_mem>>)
    %dma_wait3A_510 = arith.constant 5120 : i32
    %dma_wait3A_511 = tpu.memref_slice %arg13[%dma_wait3A_510] : memref<9728xi32, #tpu.memory_space<vmem>> -> memref<256xi32, #tpu.memory_space<vmem>>
    %dma_wait3A_512 = arith.constant 0 : i32
    %dma_wait3A_513 = arith.constant 0 : i32
    %dma_wait3A_514 = tpu.memref_slice %arg7[%dma_wait3A_512, %dma_wait3A_513] : memref<5900x128xf32, #tpu.memory_space<hbm>> -> memref<5900x128xf32, #tpu.memory_space<hbm>>
    tpu.wait_indirect_dma semaphore(%arg19 : memref<!tpu.dma_semaphore, #tpu.memory_space<semaphore_mem>>) src(%dma_wait3A_514 : memref<5900x128xf32, #tpu.memory_space<hbm>>) dst(%arg16 : memref<256x128xf32, #tpu.memory_space<vmem>>)
    %mul3A_515 = arith.constant 12 : i32
    %mul3A_516 = arith.muli %add3A, %mul3A_515 : i32
    %add3A_517 = arith.constant 8 : i32
    %add3A_518 = arith.addi %mul3A_516, %add3A_517 : i32
    %mul3A_519 = arith.constant 256 : i32
    %mul3A_520 = arith.muli %add3A_518, %mul3A_519 : i32
    %dma_start3A_521 = arith.constant 0 : i32
    %dma_start3A_522 = tpu.memref_slice %arg10[%mul3A_520, %dma_start3A_521] : memref<98304x128xf32, #tpu.memory_space<hbm>> -> memref<256x128xf32, #tpu.memory_space<hbm>>
    %dma_start3A_523 = arith.constant 0 : i32
    %dma_start3A_524 = tpu.memref_slice %arg10[%mul3A_520, %dma_start3A_523] : memref<98304x128xf32, #tpu.memory_space<hbm>> -> memref<256x128xf32, #tpu.memory_space<hbm>>
    tpu.enqueue_dma source(%arg16 : memref<256x128xf32, #tpu.memory_space<vmem>>) target(%dma_start3A_524 : memref<256x128xf32, #tpu.memory_space<hbm>>) target_semaphore(%arg22 : memref<!tpu.dma_semaphore, #tpu.memory_space<semaphore_mem>>)
    %dma_wait3A_525 = arith.constant 0 : i32
    %dma_wait3A_526 = tpu.memref_slice %arg10[%mul3A_520, %dma_wait3A_525] : memref<98304x128xf32, #tpu.memory_space<hbm>> -> memref<256x128xf32, #tpu.memory_space<hbm>>
    %dma_wait3A_527 = arith.constant 0 : i32
    %dma_wait3A_528 = tpu.memref_slice %arg10[%mul3A_520, %dma_wait3A_527] : memref<98304x128xf32, #tpu.memory_space<hbm>> -> memref<256x128xf32, #tpu.memory_space<hbm>>
    tpu.wait_dma2 semaphore(%arg22 : memref<!tpu.dma_semaphore, #tpu.memory_space<semaphore_mem>>) src(%arg16 : memref<256x128xf32, #tpu.memory_space<vmem>>) dst(%dma_wait3A_528 : memref<256x128xf32, #tpu.memory_space<hbm>>)
    %dma_start3A_529 = arith.constant 5888 : i32
    %dma_start3A_530 = tpu.memref_slice %arg13[%dma_start3A_529] : memref<9728xi32, #tpu.memory_space<vmem>> -> memref<256xi32, #tpu.memory_space<vmem>>
    %dma_start3A_531 = arith.constant 0 : i32
    %dma_start3A_532 = arith.constant 0 : i32
    %dma_start3A_533 = tpu.memref_slice %arg7[%dma_start3A_531, %dma_start3A_532] : memref<5900x128xf32, #tpu.memory_space<hbm>> -> memref<5900x128xf32, #tpu.memory_space<hbm>>
    tpu.enqueue_indirect_dma source(%dma_start3A_533 : memref<5900x128xf32, #tpu.memory_space<hbm>>) target(%arg16 : memref<256x128xf32, #tpu.memory_space<vmem>>) offsets(%dma_start3A_530 : memref<256xi32, #tpu.memory_space<vmem>>) semaphore(%arg19 : memref<!tpu.dma_semaphore, #tpu.memory_space<semaphore_mem>>)
    %dma_wait3A_534 = arith.constant 5376 : i32
    %dma_wait3A_535 = tpu.memref_slice %arg13[%dma_wait3A_534] : memref<9728xi32, #tpu.memory_space<vmem>> -> memref<256xi32, #tpu.memory_space<vmem>>
    %dma_wait3A_536 = arith.constant 0 : i32
    %dma_wait3A_537 = arith.constant 0 : i32
    %dma_wait3A_538 = tpu.memref_slice %arg7[%dma_wait3A_536, %dma_wait3A_537] : memref<5900x128xf32, #tpu.memory_space<hbm>> -> memref<5900x128xf32, #tpu.memory_space<hbm>>
    tpu.wait_indirect_dma semaphore(%arg17 : memref<!tpu.dma_semaphore, #tpu.memory_space<semaphore_mem>>) src(%dma_wait3A_538 : memref<5900x128xf32, #tpu.memory_space<hbm>>) dst(%arg14 : memref<256x128xf32, #tpu.memory_space<vmem>>)
    %mul3A_539 = arith.constant 12 : i32
    %mul3A_540 = arith.muli %add3A, %mul3A_539 : i32
    %add3A_541 = arith.constant 9 : i32
    %add3A_542 = arith.addi %mul3A_540, %add3A_541 : i32
    %mul3A_543 = arith.constant 256 : i32
    %mul3A_544 = arith.muli %add3A_542, %mul3A_543 : i32
    %dma_start3A_545 = arith.constant 0 : i32
    %dma_start3A_546 = tpu.memref_slice %arg10[%mul3A_544, %dma_start3A_545] : memref<98304x128xf32, #tpu.memory_space<hbm>> -> memref<256x128xf32, #tpu.memory_space<hbm>>
    %dma_start3A_547 = arith.constant 0 : i32
    %dma_start3A_548 = tpu.memref_slice %arg10[%mul3A_544, %dma_start3A_547] : memref<98304x128xf32, #tpu.memory_space<hbm>> -> memref<256x128xf32, #tpu.memory_space<hbm>>
    tpu.enqueue_dma source(%arg14 : memref<256x128xf32, #tpu.memory_space<vmem>>) target(%dma_start3A_548 : memref<256x128xf32, #tpu.memory_space<hbm>>) target_semaphore(%arg20 : memref<!tpu.dma_semaphore, #tpu.memory_space<semaphore_mem>>)
    %dma_wait3A_549 = arith.constant 0 : i32
    %dma_wait3A_550 = tpu.memref_slice %arg10[%mul3A_544, %dma_wait3A_549] : memref<98304x128xf32, #tpu.memory_space<hbm>> -> memref<256x128xf32, #tpu.memory_space<hbm>>
    %dma_wait3A_551 = arith.constant 0 : i32
    %dma_wait3A_552 = tpu.memref_slice %arg10[%mul3A_544, %dma_wait3A_551] : memref<98304x128xf32, #tpu.memory_space<hbm>> -> memref<256x128xf32, #tpu.memory_space<hbm>>
    tpu.wait_dma2 semaphore(%arg20 : memref<!tpu.dma_semaphore, #tpu.memory_space<semaphore_mem>>) src(%arg14 : memref<256x128xf32, #tpu.memory_space<vmem>>) dst(%dma_wait3A_552 : memref<256x128xf32, #tpu.memory_space<hbm>>)
    %dma_start3A_553 = arith.constant 6144 : i32
    %dma_start3A_554 = tpu.memref_slice %arg13[%dma_start3A_553] : memref<9728xi32, #tpu.memory_space<vmem>> -> memref<256xi32, #tpu.memory_space<vmem>>
    %dma_start3A_555 = arith.constant 0 : i32
    %dma_start3A_556 = arith.constant 0 : i32
    %dma_start3A_557 = tpu.memref_slice %arg8[%dma_start3A_555, %dma_start3A_556] : memref<6000x128xf32, #tpu.memory_space<hbm>> -> memref<6000x128xf32, #tpu.memory_space<hbm>>
    tpu.enqueue_indirect_dma source(%dma_start3A_557 : memref<6000x128xf32, #tpu.memory_space<hbm>>) target(%arg14 : memref<256x128xf32, #tpu.memory_space<vmem>>) offsets(%dma_start3A_554 : memref<256xi32, #tpu.memory_space<vmem>>) semaphore(%arg17 : memref<!tpu.dma_semaphore, #tpu.memory_space<semaphore_mem>>)
    %dma_wait3A_558 = arith.constant 5632 : i32
    %dma_wait3A_559 = tpu.memref_slice %arg13[%dma_wait3A_558] : memref<9728xi32, #tpu.memory_space<vmem>> -> memref<256xi32, #tpu.memory_space<vmem>>
    %dma_wait3A_560 = arith.constant 0 : i32
    %dma_wait3A_561 = arith.constant 0 : i32
    %dma_wait3A_562 = tpu.memref_slice %arg7[%dma_wait3A_560, %dma_wait3A_561] : memref<5900x128xf32, #tpu.memory_space<hbm>> -> memref<5900x128xf32, #tpu.memory_space<hbm>>
    tpu.wait_indirect_dma semaphore(%arg18 : memref<!tpu.dma_semaphore, #tpu.memory_space<semaphore_mem>>) src(%dma_wait3A_562 : memref<5900x128xf32, #tpu.memory_space<hbm>>) dst(%arg15 : memref<256x128xf32, #tpu.memory_space<vmem>>)
    %mul3A_563 = arith.constant 12 : i32
    %mul3A_564 = arith.muli %add3A, %mul3A_563 : i32
    %add3A_565 = arith.constant 10 : i32
    %add3A_566 = arith.addi %mul3A_564, %add3A_565 : i32
    %mul3A_567 = arith.constant 256 : i32
    %mul3A_568 = arith.muli %add3A_566, %mul3A_567 : i32
    %dma_start3A_569 = arith.constant 0 : i32
    %dma_start3A_570 = tpu.memref_slice %arg10[%mul3A_568, %dma_start3A_569] : memref<98304x128xf32, #tpu.memory_space<hbm>> -> memref<256x128xf32, #tpu.memory_space<hbm>>
    %dma_start3A_571 = arith.constant 0 : i32
    %dma_start3A_572 = tpu.memref_slice %arg10[%mul3A_568, %dma_start3A_571] : memref<98304x128xf32, #tpu.memory_space<hbm>> -> memref<256x128xf32, #tpu.memory_space<hbm>>
    tpu.enqueue_dma source(%arg15 : memref<256x128xf32, #tpu.memory_space<vmem>>) target(%dma_start3A_572 : memref<256x128xf32, #tpu.memory_space<hbm>>) target_semaphore(%arg21 : memref<!tpu.dma_semaphore, #tpu.memory_space<semaphore_mem>>)
    %dma_wait3A_573 = arith.constant 0 : i32
    %dma_wait3A_574 = tpu.memref_slice %arg10[%mul3A_568, %dma_wait3A_573] : memref<98304x128xf32, #tpu.memory_space<hbm>> -> memref<256x128xf32, #tpu.memory_space<hbm>>
    %dma_wait3A_575 = arith.constant 0 : i32
    %dma_wait3A_576 = tpu.memref_slice %arg10[%mul3A_568, %dma_wait3A_575] : memref<98304x128xf32, #tpu.memory_space<hbm>> -> memref<256x128xf32, #tpu.memory_space<hbm>>
    tpu.wait_dma2 semaphore(%arg21 : memref<!tpu.dma_semaphore, #tpu.memory_space<semaphore_mem>>) src(%arg15 : memref<256x128xf32, #tpu.memory_space<vmem>>) dst(%dma_wait3A_576 : memref<256x128xf32, #tpu.memory_space<hbm>>)
    %dma_start3A_577 = arith.constant 6400 : i32
    %dma_start3A_578 = tpu.memref_slice %arg13[%dma_start3A_577] : memref<9728xi32, #tpu.memory_space<vmem>> -> memref<256xi32, #tpu.memory_space<vmem>>
    %dma_start3A_579 = arith.constant 0 : i32
    %dma_start3A_580 = arith.constant 0 : i32
    %dma_start3A_581 = tpu.memref_slice %arg8[%dma_start3A_579, %dma_start3A_580] : memref<6000x128xf32, #tpu.memory_space<hbm>> -> memref<6000x128xf32, #tpu.memory_space<hbm>>
    tpu.enqueue_indirect_dma source(%dma_start3A_581 : memref<6000x128xf32, #tpu.memory_space<hbm>>) target(%arg15 : memref<256x128xf32, #tpu.memory_space<vmem>>) offsets(%dma_start3A_578 : memref<256xi32, #tpu.memory_space<vmem>>) semaphore(%arg18 : memref<!tpu.dma_semaphore, #tpu.memory_space<semaphore_mem>>)
    %dma_wait3A_582 = arith.constant 5888 : i32
    %dma_wait3A_583 = tpu.memref_slice %arg13[%dma_wait3A_582] : memref<9728xi32, #tpu.memory_space<vmem>> -> memref<256xi32, #tpu.memory_space<vmem>>
    %dma_wait3A_584 = arith.constant 0 : i32
    %dma_wait3A_585 = arith.constant 0 : i32
    %dma_wait3A_586 = tpu.memref_slice %arg7[%dma_wait3A_584, %dma_wait3A_585] : memref<5900x128xf32, #tpu.memory_space<hbm>> -> memref<5900x128xf32, #tpu.memory_space<hbm>>
    tpu.wait_indirect_dma semaphore(%arg19 : memref<!tpu.dma_semaphore, #tpu.memory_space<semaphore_mem>>) src(%dma_wait3A_586 : memref<5900x128xf32, #tpu.memory_space<hbm>>) dst(%arg16 : memref<256x128xf32, #tpu.memory_space<vmem>>)
    %mul3A_587 = arith.constant 12 : i32
    %mul3A_588 = arith.muli %add3A, %mul3A_587 : i32
    %add3A_589 = arith.constant 11 : i32
    %add3A_590 = arith.addi %mul3A_588, %add3A_589 : i32
    %mul3A_591 = arith.constant 256 : i32
    %mul3A_592 = arith.muli %add3A_590, %mul3A_591 : i32
    %dma_start3A_593 = arith.constant 0 : i32
    %dma_start3A_594 = tpu.memref_slice %arg10[%mul3A_592, %dma_start3A_593] : memref<98304x128xf32, #tpu.memory_space<hbm>> -> memref<256x128xf32, #tpu.memory_space<hbm>>
    %dma_start3A_595 = arith.constant 0 : i32
    %dma_start3A_596 = tpu.memref_slice %arg10[%mul3A_592, %dma_start3A_595] : memref<98304x128xf32, #tpu.memory_space<hbm>> -> memref<256x128xf32, #tpu.memory_space<hbm>>
    tpu.enqueue_dma source(%arg16 : memref<256x128xf32, #tpu.memory_space<vmem>>) target(%dma_start3A_596 : memref<256x128xf32, #tpu.memory_space<hbm>>) target_semaphore(%arg22 : memref<!tpu.dma_semaphore, #tpu.memory_space<semaphore_mem>>)
    %dma_wait3A_597 = arith.constant 0 : i32
    %dma_wait3A_598 = tpu.memref_slice %arg10[%mul3A_592, %dma_wait3A_597] : memref<98304x128xf32, #tpu.memory_space<hbm>> -> memref<256x128xf32, #tpu.memory_space<hbm>>
    %dma_wait3A_599 = arith.constant 0 : i32
    %dma_wait3A_600 = tpu.memref_slice %arg10[%mul3A_592, %dma_wait3A_599] : memref<98304x128xf32, #tpu.memory_space<hbm>> -> memref<256x128xf32, #tpu.memory_space<hbm>>
    tpu.wait_dma2 semaphore(%arg22 : memref<!tpu.dma_semaphore, #tpu.memory_space<semaphore_mem>>) src(%arg16 : memref<256x128xf32, #tpu.memory_space<vmem>>) dst(%dma_wait3A_600 : memref<256x128xf32, #tpu.memory_space<hbm>>)
    %dma_start3A_601 = arith.constant 6656 : i32
    %dma_start3A_602 = tpu.memref_slice %arg13[%dma_start3A_601] : memref<9728xi32, #tpu.memory_space<vmem>> -> memref<256xi32, #tpu.memory_space<vmem>>
    %dma_start3A_603 = arith.constant 0 : i32
    %dma_start3A_604 = arith.constant 0 : i32
    %dma_start3A_605 = tpu.memref_slice %arg8[%dma_start3A_603, %dma_start3A_604] : memref<6000x128xf32, #tpu.memory_space<hbm>> -> memref<6000x128xf32, #tpu.memory_space<hbm>>
    tpu.enqueue_indirect_dma source(%dma_start3A_605 : memref<6000x128xf32, #tpu.memory_space<hbm>>) target(%arg16 : memref<256x128xf32, #tpu.memory_space<vmem>>) offsets(%dma_start3A_602 : memref<256xi32, #tpu.memory_space<vmem>>) semaphore(%arg19 : memref<!tpu.dma_semaphore, #tpu.memory_space<semaphore_mem>>)
    %dma_wait3A_606 = arith.constant 6144 : i32
    %dma_wait3A_607 = tpu.memref_slice %arg13[%dma_wait3A_606] : memref<9728xi32, #tpu.memory_space<vmem>> -> memref<256xi32, #tpu.memory_space<vmem>>
    %dma_wait3A_608 = arith.constant 0 : i32
    %dma_wait3A_609 = arith.constant 0 : i32
    %dma_wait3A_610 = tpu.memref_slice %arg8[%dma_wait3A_608, %dma_wait3A_609] : memref<6000x128xf32, #tpu.memory_space<hbm>> -> memref<6000x128xf32, #tpu.memory_space<hbm>>
    tpu.wait_indirect_dma semaphore(%arg17 : memref<!tpu.dma_semaphore, #tpu.memory_space<semaphore_mem>>) src(%dma_wait3A_610 : memref<6000x128xf32, #tpu.memory_space<hbm>>) dst(%arg14 : memref<256x128xf32, #tpu.memory_space<vmem>>)
    %mul3A_611 = arith.constant 12 : i32
    %mul3A_612 = arith.muli %add3A, %mul3A_611 : i32
    %add3A_613 = arith.constant 0 : i32
    %add3A_614 = arith.addi %mul3A_612, %add3A_613 : i32
    %mul3A_615 = arith.constant 256 : i32
    %mul3A_616 = arith.muli %add3A_614, %mul3A_615 : i32
    %dma_start3A_617 = arith.constant 0 : i32
    %dma_start3A_618 = tpu.memref_slice %arg11[%mul3A_616, %dma_start3A_617] : memref<98304x128xf32, #tpu.memory_space<hbm>> -> memref<256x128xf32, #tpu.memory_space<hbm>>
    %dma_start3A_619 = arith.constant 0 : i32
    %dma_start3A_620 = tpu.memref_slice %arg11[%mul3A_616, %dma_start3A_619] : memref<98304x128xf32, #tpu.memory_space<hbm>> -> memref<256x128xf32, #tpu.memory_space<hbm>>
    tpu.enqueue_dma source(%arg14 : memref<256x128xf32, #tpu.memory_space<vmem>>) target(%dma_start3A_620 : memref<256x128xf32, #tpu.memory_space<hbm>>) target_semaphore(%arg20 : memref<!tpu.dma_semaphore, #tpu.memory_space<semaphore_mem>>)
    %dma_wait3A_621 = arith.constant 0 : i32
    %dma_wait3A_622 = tpu.memref_slice %arg11[%mul3A_616, %dma_wait3A_621] : memref<98304x128xf32, #tpu.memory_space<hbm>> -> memref<256x128xf32, #tpu.memory_space<hbm>>
    %dma_wait3A_623 = arith.constant 0 : i32
    %dma_wait3A_624 = tpu.memref_slice %arg11[%mul3A_616, %dma_wait3A_623] : memref<98304x128xf32, #tpu.memory_space<hbm>> -> memref<256x128xf32, #tpu.memory_space<hbm>>
    tpu.wait_dma2 semaphore(%arg20 : memref<!tpu.dma_semaphore, #tpu.memory_space<semaphore_mem>>) src(%arg14 : memref<256x128xf32, #tpu.memory_space<vmem>>) dst(%dma_wait3A_624 : memref<256x128xf32, #tpu.memory_space<hbm>>)
    %dma_start3A_625 = arith.constant 6912 : i32
    %dma_start3A_626 = tpu.memref_slice %arg13[%dma_start3A_625] : memref<9728xi32, #tpu.memory_space<vmem>> -> memref<256xi32, #tpu.memory_space<vmem>>
    %dma_start3A_627 = arith.constant 0 : i32
    %dma_start3A_628 = arith.constant 0 : i32
    %dma_start3A_629 = tpu.memref_slice %arg8[%dma_start3A_627, %dma_start3A_628] : memref<6000x128xf32, #tpu.memory_space<hbm>> -> memref<6000x128xf32, #tpu.memory_space<hbm>>
    tpu.enqueue_indirect_dma source(%dma_start3A_629 : memref<6000x128xf32, #tpu.memory_space<hbm>>) target(%arg14 : memref<256x128xf32, #tpu.memory_space<vmem>>) offsets(%dma_start3A_626 : memref<256xi32, #tpu.memory_space<vmem>>) semaphore(%arg17 : memref<!tpu.dma_semaphore, #tpu.memory_space<semaphore_mem>>)
    %dma_wait3A_630 = arith.constant 6400 : i32
    %dma_wait3A_631 = tpu.memref_slice %arg13[%dma_wait3A_630] : memref<9728xi32, #tpu.memory_space<vmem>> -> memref<256xi32, #tpu.memory_space<vmem>>
    %dma_wait3A_632 = arith.constant 0 : i32
    %dma_wait3A_633 = arith.constant 0 : i32
    %dma_wait3A_634 = tpu.memref_slice %arg8[%dma_wait3A_632, %dma_wait3A_633] : memref<6000x128xf32, #tpu.memory_space<hbm>> -> memref<6000x128xf32, #tpu.memory_space<hbm>>
    tpu.wait_indirect_dma semaphore(%arg18 : memref<!tpu.dma_semaphore, #tpu.memory_space<semaphore_mem>>) src(%dma_wait3A_634 : memref<6000x128xf32, #tpu.memory_space<hbm>>) dst(%arg15 : memref<256x128xf32, #tpu.memory_space<vmem>>)
    %mul3A_635 = arith.constant 12 : i32
    %mul3A_636 = arith.muli %add3A, %mul3A_635 : i32
    %add3A_637 = arith.constant 1 : i32
    %add3A_638 = arith.addi %mul3A_636, %add3A_637 : i32
    %mul3A_639 = arith.constant 256 : i32
    %mul3A_640 = arith.muli %add3A_638, %mul3A_639 : i32
    %dma_start3A_641 = arith.constant 0 : i32
    %dma_start3A_642 = tpu.memref_slice %arg11[%mul3A_640, %dma_start3A_641] : memref<98304x128xf32, #tpu.memory_space<hbm>> -> memref<256x128xf32, #tpu.memory_space<hbm>>
    %dma_start3A_643 = arith.constant 0 : i32
    %dma_start3A_644 = tpu.memref_slice %arg11[%mul3A_640, %dma_start3A_643] : memref<98304x128xf32, #tpu.memory_space<hbm>> -> memref<256x128xf32, #tpu.memory_space<hbm>>
    tpu.enqueue_dma source(%arg15 : memref<256x128xf32, #tpu.memory_space<vmem>>) target(%dma_start3A_644 : memref<256x128xf32, #tpu.memory_space<hbm>>) target_semaphore(%arg21 : memref<!tpu.dma_semaphore, #tpu.memory_space<semaphore_mem>>)
    %dma_wait3A_645 = arith.constant 0 : i32
    %dma_wait3A_646 = tpu.memref_slice %arg11[%mul3A_640, %dma_wait3A_645] : memref<98304x128xf32, #tpu.memory_space<hbm>> -> memref<256x128xf32, #tpu.memory_space<hbm>>
    %dma_wait3A_647 = arith.constant 0 : i32
    %dma_wait3A_648 = tpu.memref_slice %arg11[%mul3A_640, %dma_wait3A_647] : memref<98304x128xf32, #tpu.memory_space<hbm>> -> memref<256x128xf32, #tpu.memory_space<hbm>>
    tpu.wait_dma2 semaphore(%arg21 : memref<!tpu.dma_semaphore, #tpu.memory_space<semaphore_mem>>) src(%arg15 : memref<256x128xf32, #tpu.memory_space<vmem>>) dst(%dma_wait3A_648 : memref<256x128xf32, #tpu.memory_space<hbm>>)
    %dma_start3A_649 = arith.constant 7168 : i32
    %dma_start3A_650 = tpu.memref_slice %arg13[%dma_start3A_649] : memref<9728xi32, #tpu.memory_space<vmem>> -> memref<256xi32, #tpu.memory_space<vmem>>
    %dma_start3A_651 = arith.constant 0 : i32
    %dma_start3A_652 = arith.constant 0 : i32
    %dma_start3A_653 = tpu.memref_slice %arg8[%dma_start3A_651, %dma_start3A_652] : memref<6000x128xf32, #tpu.memory_space<hbm>> -> memref<6000x128xf32, #tpu.memory_space<hbm>>
    tpu.enqueue_indirect_dma source(%dma_start3A_653 : memref<6000x128xf32, #tpu.memory_space<hbm>>) target(%arg15 : memref<256x128xf32, #tpu.memory_space<vmem>>) offsets(%dma_start3A_650 : memref<256xi32, #tpu.memory_space<vmem>>) semaphore(%arg18 : memref<!tpu.dma_semaphore, #tpu.memory_space<semaphore_mem>>)
    %dma_wait3A_654 = arith.constant 6656 : i32
    %dma_wait3A_655 = tpu.memref_slice %arg13[%dma_wait3A_654] : memref<9728xi32, #tpu.memory_space<vmem>> -> memref<256xi32, #tpu.memory_space<vmem>>
    %dma_wait3A_656 = arith.constant 0 : i32
    %dma_wait3A_657 = arith.constant 0 : i32
    %dma_wait3A_658 = tpu.memref_slice %arg8[%dma_wait3A_656, %dma_wait3A_657] : memref<6000x128xf32, #tpu.memory_space<hbm>> -> memref<6000x128xf32, #tpu.memory_space<hbm>>
    tpu.wait_indirect_dma semaphore(%arg19 : memref<!tpu.dma_semaphore, #tpu.memory_space<semaphore_mem>>) src(%dma_wait3A_658 : memref<6000x128xf32, #tpu.memory_space<hbm>>) dst(%arg16 : memref<256x128xf32, #tpu.memory_space<vmem>>)
    %mul3A_659 = arith.constant 12 : i32
    %mul3A_660 = arith.muli %add3A, %mul3A_659 : i32
    %add3A_661 = arith.constant 2 : i32
    %add3A_662 = arith.addi %mul3A_660, %add3A_661 : i32
    %mul3A_663 = arith.constant 256 : i32
    %mul3A_664 = arith.muli %add3A_662, %mul3A_663 : i32
    %dma_start3A_665 = arith.constant 0 : i32
    %dma_start3A_666 = tpu.memref_slice %arg11[%mul3A_664, %dma_start3A_665] : memref<98304x128xf32, #tpu.memory_space<hbm>> -> memref<256x128xf32, #tpu.memory_space<hbm>>
    %dma_start3A_667 = arith.constant 0 : i32
    %dma_start3A_668 = tpu.memref_slice %arg11[%mul3A_664, %dma_start3A_667] : memref<98304x128xf32, #tpu.memory_space<hbm>> -> memref<256x128xf32, #tpu.memory_space<hbm>>
    tpu.enqueue_dma source(%arg16 : memref<256x128xf32, #tpu.memory_space<vmem>>) target(%dma_start3A_668 : memref<256x128xf32, #tpu.memory_space<hbm>>) target_semaphore(%arg22 : memref<!tpu.dma_semaphore, #tpu.memory_space<semaphore_mem>>)
    %dma_wait3A_669 = arith.constant 0 : i32
    %dma_wait3A_670 = tpu.memref_slice %arg11[%mul3A_664, %dma_wait3A_669] : memref<98304x128xf32, #tpu.memory_space<hbm>> -> memref<256x128xf32, #tpu.memory_space<hbm>>
    %dma_wait3A_671 = arith.constant 0 : i32
    %dma_wait3A_672 = tpu.memref_slice %arg11[%mul3A_664, %dma_wait3A_671] : memref<98304x128xf32, #tpu.memory_space<hbm>> -> memref<256x128xf32, #tpu.memory_space<hbm>>
    tpu.wait_dma2 semaphore(%arg22 : memref<!tpu.dma_semaphore, #tpu.memory_space<semaphore_mem>>) src(%arg16 : memref<256x128xf32, #tpu.memory_space<vmem>>) dst(%dma_wait3A_672 : memref<256x128xf32, #tpu.memory_space<hbm>>)
    %dma_start3A_673 = arith.constant 7424 : i32
    %dma_start3A_674 = tpu.memref_slice %arg13[%dma_start3A_673] : memref<9728xi32, #tpu.memory_space<vmem>> -> memref<256xi32, #tpu.memory_space<vmem>>
    %dma_start3A_675 = arith.constant 0 : i32
    %dma_start3A_676 = arith.constant 0 : i32
    %dma_start3A_677 = tpu.memref_slice %arg8[%dma_start3A_675, %dma_start3A_676] : memref<6000x128xf32, #tpu.memory_space<hbm>> -> memref<6000x128xf32, #tpu.memory_space<hbm>>
    tpu.enqueue_indirect_dma source(%dma_start3A_677 : memref<6000x128xf32, #tpu.memory_space<hbm>>) target(%arg16 : memref<256x128xf32, #tpu.memory_space<vmem>>) offsets(%dma_start3A_674 : memref<256xi32, #tpu.memory_space<vmem>>) semaphore(%arg19 : memref<!tpu.dma_semaphore, #tpu.memory_space<semaphore_mem>>)
    %dma_wait3A_678 = arith.constant 6912 : i32
    %dma_wait3A_679 = tpu.memref_slice %arg13[%dma_wait3A_678] : memref<9728xi32, #tpu.memory_space<vmem>> -> memref<256xi32, #tpu.memory_space<vmem>>
    %dma_wait3A_680 = arith.constant 0 : i32
    %dma_wait3A_681 = arith.constant 0 : i32
    %dma_wait3A_682 = tpu.memref_slice %arg8[%dma_wait3A_680, %dma_wait3A_681] : memref<6000x128xf32, #tpu.memory_space<hbm>> -> memref<6000x128xf32, #tpu.memory_space<hbm>>
    tpu.wait_indirect_dma semaphore(%arg17 : memref<!tpu.dma_semaphore, #tpu.memory_space<semaphore_mem>>) src(%dma_wait3A_682 : memref<6000x128xf32, #tpu.memory_space<hbm>>) dst(%arg14 : memref<256x128xf32, #tpu.memory_space<vmem>>)
    %mul3A_683 = arith.constant 12 : i32
    %mul3A_684 = arith.muli %add3A, %mul3A_683 : i32
    %add3A_685 = arith.constant 3 : i32
    %add3A_686 = arith.addi %mul3A_684, %add3A_685 : i32
    %mul3A_687 = arith.constant 256 : i32
    %mul3A_688 = arith.muli %add3A_686, %mul3A_687 : i32
    %dma_start3A_689 = arith.constant 0 : i32
    %dma_start3A_690 = tpu.memref_slice %arg11[%mul3A_688, %dma_start3A_689] : memref<98304x128xf32, #tpu.memory_space<hbm>> -> memref<256x128xf32, #tpu.memory_space<hbm>>
    %dma_start3A_691 = arith.constant 0 : i32
    %dma_start3A_692 = tpu.memref_slice %arg11[%mul3A_688, %dma_start3A_691] : memref<98304x128xf32, #tpu.memory_space<hbm>> -> memref<256x128xf32, #tpu.memory_space<hbm>>
    tpu.enqueue_dma source(%arg14 : memref<256x128xf32, #tpu.memory_space<vmem>>) target(%dma_start3A_692 : memref<256x128xf32, #tpu.memory_space<hbm>>) target_semaphore(%arg20 : memref<!tpu.dma_semaphore, #tpu.memory_space<semaphore_mem>>)
    %dma_wait3A_693 = arith.constant 0 : i32
    %dma_wait3A_694 = tpu.memref_slice %arg11[%mul3A_688, %dma_wait3A_693] : memref<98304x128xf32, #tpu.memory_space<hbm>> -> memref<256x128xf32, #tpu.memory_space<hbm>>
    %dma_wait3A_695 = arith.constant 0 : i32
    %dma_wait3A_696 = tpu.memref_slice %arg11[%mul3A_688, %dma_wait3A_695] : memref<98304x128xf32, #tpu.memory_space<hbm>> -> memref<256x128xf32, #tpu.memory_space<hbm>>
    tpu.wait_dma2 semaphore(%arg20 : memref<!tpu.dma_semaphore, #tpu.memory_space<semaphore_mem>>) src(%arg14 : memref<256x128xf32, #tpu.memory_space<vmem>>) dst(%dma_wait3A_696 : memref<256x128xf32, #tpu.memory_space<hbm>>)
    %dma_start3A_697 = arith.constant 7680 : i32
    %dma_start3A_698 = tpu.memref_slice %arg13[%dma_start3A_697] : memref<9728xi32, #tpu.memory_space<vmem>> -> memref<256xi32, #tpu.memory_space<vmem>>
    %dma_start3A_699 = arith.constant 0 : i32
    %dma_start3A_700 = arith.constant 0 : i32
    %dma_start3A_701 = tpu.memref_slice %arg8[%dma_start3A_699, %dma_start3A_700] : memref<6000x128xf32, #tpu.memory_space<hbm>> -> memref<6000x128xf32, #tpu.memory_space<hbm>>
    tpu.enqueue_indirect_dma source(%dma_start3A_701 : memref<6000x128xf32, #tpu.memory_space<hbm>>) target(%arg14 : memref<256x128xf32, #tpu.memory_space<vmem>>) offsets(%dma_start3A_698 : memref<256xi32, #tpu.memory_space<vmem>>) semaphore(%arg17 : memref<!tpu.dma_semaphore, #tpu.memory_space<semaphore_mem>>)
    %dma_wait3A_702 = arith.constant 7168 : i32
    %dma_wait3A_703 = tpu.memref_slice %arg13[%dma_wait3A_702] : memref<9728xi32, #tpu.memory_space<vmem>> -> memref<256xi32, #tpu.memory_space<vmem>>
    %dma_wait3A_704 = arith.constant 0 : i32
    %dma_wait3A_705 = arith.constant 0 : i32
    %dma_wait3A_706 = tpu.memref_slice %arg8[%dma_wait3A_704, %dma_wait3A_705] : memref<6000x128xf32, #tpu.memory_space<hbm>> -> memref<6000x128xf32, #tpu.memory_space<hbm>>
    tpu.wait_indirect_dma semaphore(%arg18 : memref<!tpu.dma_semaphore, #tpu.memory_space<semaphore_mem>>) src(%dma_wait3A_706 : memref<6000x128xf32, #tpu.memory_space<hbm>>) dst(%arg15 : memref<256x128xf32, #tpu.memory_space<vmem>>)
    %mul3A_707 = arith.constant 12 : i32
    %mul3A_708 = arith.muli %add3A, %mul3A_707 : i32
    %add3A_709 = arith.constant 4 : i32
    %add3A_710 = arith.addi %mul3A_708, %add3A_709 : i32
    %mul3A_711 = arith.constant 256 : i32
    %mul3A_712 = arith.muli %add3A_710, %mul3A_711 : i32
    %dma_start3A_713 = arith.constant 0 : i32
    %dma_start3A_714 = tpu.memref_slice %arg11[%mul3A_712, %dma_start3A_713] : memref<98304x128xf32, #tpu.memory_space<hbm>> -> memref<256x128xf32, #tpu.memory_space<hbm>>
    %dma_start3A_715 = arith.constant 0 : i32
    %dma_start3A_716 = tpu.memref_slice %arg11[%mul3A_712, %dma_start3A_715] : memref<98304x128xf32, #tpu.memory_space<hbm>> -> memref<256x128xf32, #tpu.memory_space<hbm>>
    tpu.enqueue_dma source(%arg15 : memref<256x128xf32, #tpu.memory_space<vmem>>) target(%dma_start3A_716 : memref<256x128xf32, #tpu.memory_space<hbm>>) target_semaphore(%arg21 : memref<!tpu.dma_semaphore, #tpu.memory_space<semaphore_mem>>)
    %dma_wait3A_717 = arith.constant 0 : i32
    %dma_wait3A_718 = tpu.memref_slice %arg11[%mul3A_712, %dma_wait3A_717] : memref<98304x128xf32, #tpu.memory_space<hbm>> -> memref<256x128xf32, #tpu.memory_space<hbm>>
    %dma_wait3A_719 = arith.constant 0 : i32
    %dma_wait3A_720 = tpu.memref_slice %arg11[%mul3A_712, %dma_wait3A_719] : memref<98304x128xf32, #tpu.memory_space<hbm>> -> memref<256x128xf32, #tpu.memory_space<hbm>>
    tpu.wait_dma2 semaphore(%arg21 : memref<!tpu.dma_semaphore, #tpu.memory_space<semaphore_mem>>) src(%arg15 : memref<256x128xf32, #tpu.memory_space<vmem>>) dst(%dma_wait3A_720 : memref<256x128xf32, #tpu.memory_space<hbm>>)
    %dma_start3A_721 = arith.constant 7936 : i32
    %dma_start3A_722 = tpu.memref_slice %arg13[%dma_start3A_721] : memref<9728xi32, #tpu.memory_space<vmem>> -> memref<256xi32, #tpu.memory_space<vmem>>
    %dma_start3A_723 = arith.constant 0 : i32
    %dma_start3A_724 = arith.constant 0 : i32
    %dma_start3A_725 = tpu.memref_slice %arg8[%dma_start3A_723, %dma_start3A_724] : memref<6000x128xf32, #tpu.memory_space<hbm>> -> memref<6000x128xf32, #tpu.memory_space<hbm>>
    tpu.enqueue_indirect_dma source(%dma_start3A_725 : memref<6000x128xf32, #tpu.memory_space<hbm>>) target(%arg15 : memref<256x128xf32, #tpu.memory_space<vmem>>) offsets(%dma_start3A_722 : memref<256xi32, #tpu.memory_space<vmem>>) semaphore(%arg18 : memref<!tpu.dma_semaphore, #tpu.memory_space<semaphore_mem>>)
    %dma_wait3A_726 = arith.constant 7424 : i32
    %dma_wait3A_727 = tpu.memref_slice %arg13[%dma_wait3A_726] : memref<9728xi32, #tpu.memory_space<vmem>> -> memref<256xi32, #tpu.memory_space<vmem>>
    %dma_wait3A_728 = arith.constant 0 : i32
    %dma_wait3A_729 = arith.constant 0 : i32
    %dma_wait3A_730 = tpu.memref_slice %arg8[%dma_wait3A_728, %dma_wait3A_729] : memref<6000x128xf32, #tpu.memory_space<hbm>> -> memref<6000x128xf32, #tpu.memory_space<hbm>>
    tpu.wait_indirect_dma semaphore(%arg19 : memref<!tpu.dma_semaphore, #tpu.memory_space<semaphore_mem>>) src(%dma_wait3A_730 : memref<6000x128xf32, #tpu.memory_space<hbm>>) dst(%arg16 : memref<256x128xf32, #tpu.memory_space<vmem>>)
    %mul3A_731 = arith.constant 12 : i32
    %mul3A_732 = arith.muli %add3A, %mul3A_731 : i32
    %add3A_733 = arith.constant 5 : i32
    %add3A_734 = arith.addi %mul3A_732, %add3A_733 : i32
    %mul3A_735 = arith.constant 256 : i32
    %mul3A_736 = arith.muli %add3A_734, %mul3A_735 : i32
    %dma_start3A_737 = arith.constant 0 : i32
    %dma_start3A_738 = tpu.memref_slice %arg11[%mul3A_736, %dma_start3A_737] : memref<98304x128xf32, #tpu.memory_space<hbm>> -> memref<256x128xf32, #tpu.memory_space<hbm>>
    %dma_start3A_739 = arith.constant 0 : i32
    %dma_start3A_740 = tpu.memref_slice %arg11[%mul3A_736, %dma_start3A_739] : memref<98304x128xf32, #tpu.memory_space<hbm>> -> memref<256x128xf32, #tpu.memory_space<hbm>>
    tpu.enqueue_dma source(%arg16 : memref<256x128xf32, #tpu.memory_space<vmem>>) target(%dma_start3A_740 : memref<256x128xf32, #tpu.memory_space<hbm>>) target_semaphore(%arg22 : memref<!tpu.dma_semaphore, #tpu.memory_space<semaphore_mem>>)
    %dma_wait3A_741 = arith.constant 0 : i32
    %dma_wait3A_742 = tpu.memref_slice %arg11[%mul3A_736, %dma_wait3A_741] : memref<98304x128xf32, #tpu.memory_space<hbm>> -> memref<256x128xf32, #tpu.memory_space<hbm>>
    %dma_wait3A_743 = arith.constant 0 : i32
    %dma_wait3A_744 = tpu.memref_slice %arg11[%mul3A_736, %dma_wait3A_743] : memref<98304x128xf32, #tpu.memory_space<hbm>> -> memref<256x128xf32, #tpu.memory_space<hbm>>
    tpu.wait_dma2 semaphore(%arg22 : memref<!tpu.dma_semaphore, #tpu.memory_space<semaphore_mem>>) src(%arg16 : memref<256x128xf32, #tpu.memory_space<vmem>>) dst(%dma_wait3A_744 : memref<256x128xf32, #tpu.memory_space<hbm>>)
    %dma_start3A_745 = arith.constant 8192 : i32
    %dma_start3A_746 = tpu.memref_slice %arg13[%dma_start3A_745] : memref<9728xi32, #tpu.memory_space<vmem>> -> memref<256xi32, #tpu.memory_space<vmem>>
    %dma_start3A_747 = arith.constant 0 : i32
    %dma_start3A_748 = arith.constant 0 : i32
    %dma_start3A_749 = tpu.memref_slice %arg8[%dma_start3A_747, %dma_start3A_748] : memref<6000x128xf32, #tpu.memory_space<hbm>> -> memref<6000x128xf32, #tpu.memory_space<hbm>>
    tpu.enqueue_indirect_dma source(%dma_start3A_749 : memref<6000x128xf32, #tpu.memory_space<hbm>>) target(%arg16 : memref<256x128xf32, #tpu.memory_space<vmem>>) offsets(%dma_start3A_746 : memref<256xi32, #tpu.memory_space<vmem>>) semaphore(%arg19 : memref<!tpu.dma_semaphore, #tpu.memory_space<semaphore_mem>>)
    %dma_wait3A_750 = arith.constant 7680 : i32
    %dma_wait3A_751 = tpu.memref_slice %arg13[%dma_wait3A_750] : memref<9728xi32, #tpu.memory_space<vmem>> -> memref<256xi32, #tpu.memory_space<vmem>>
    %dma_wait3A_752 = arith.constant 0 : i32
    %dma_wait3A_753 = arith.constant 0 : i32
    %dma_wait3A_754 = tpu.memref_slice %arg8[%dma_wait3A_752, %dma_wait3A_753] : memref<6000x128xf32, #tpu.memory_space<hbm>> -> memref<6000x128xf32, #tpu.memory_space<hbm>>
    tpu.wait_indirect_dma semaphore(%arg17 : memref<!tpu.dma_semaphore, #tpu.memory_space<semaphore_mem>>) src(%dma_wait3A_754 : memref<6000x128xf32, #tpu.memory_space<hbm>>) dst(%arg14 : memref<256x128xf32, #tpu.memory_space<vmem>>)
    %mul3A_755 = arith.constant 12 : i32
    %mul3A_756 = arith.muli %add3A, %mul3A_755 : i32
    %add3A_757 = arith.constant 6 : i32
    %add3A_758 = arith.addi %mul3A_756, %add3A_757 : i32
    %mul3A_759 = arith.constant 256 : i32
    %mul3A_760 = arith.muli %add3A_758, %mul3A_759 : i32
    %dma_start3A_761 = arith.constant 0 : i32
    %dma_start3A_762 = tpu.memref_slice %arg11[%mul3A_760, %dma_start3A_761] : memref<98304x128xf32, #tpu.memory_space<hbm>> -> memref<256x128xf32, #tpu.memory_space<hbm>>
    %dma_start3A_763 = arith.constant 0 : i32
    %dma_start3A_764 = tpu.memref_slice %arg11[%mul3A_760, %dma_start3A_763] : memref<98304x128xf32, #tpu.memory_space<hbm>> -> memref<256x128xf32, #tpu.memory_space<hbm>>
    tpu.enqueue_dma source(%arg14 : memref<256x128xf32, #tpu.memory_space<vmem>>) target(%dma_start3A_764 : memref<256x128xf32, #tpu.memory_space<hbm>>) target_semaphore(%arg20 : memref<!tpu.dma_semaphore, #tpu.memory_space<semaphore_mem>>)
    %dma_wait3A_765 = arith.constant 0 : i32
    %dma_wait3A_766 = tpu.memref_slice %arg11[%mul3A_760, %dma_wait3A_765] : memref<98304x128xf32, #tpu.memory_space<hbm>> -> memref<256x128xf32, #tpu.memory_space<hbm>>
    %dma_wait3A_767 = arith.constant 0 : i32
    %dma_wait3A_768 = tpu.memref_slice %arg11[%mul3A_760, %dma_wait3A_767] : memref<98304x128xf32, #tpu.memory_space<hbm>> -> memref<256x128xf32, #tpu.memory_space<hbm>>
    tpu.wait_dma2 semaphore(%arg20 : memref<!tpu.dma_semaphore, #tpu.memory_space<semaphore_mem>>) src(%arg14 : memref<256x128xf32, #tpu.memory_space<vmem>>) dst(%dma_wait3A_768 : memref<256x128xf32, #tpu.memory_space<hbm>>)
    %dma_start3A_769 = arith.constant 8448 : i32
    %dma_start3A_770 = tpu.memref_slice %arg13[%dma_start3A_769] : memref<9728xi32, #tpu.memory_space<vmem>> -> memref<256xi32, #tpu.memory_space<vmem>>
    %dma_start3A_771 = arith.constant 0 : i32
    %dma_start3A_772 = arith.constant 0 : i32
    %dma_start3A_773 = tpu.memref_slice %arg8[%dma_start3A_771, %dma_start3A_772] : memref<6000x128xf32, #tpu.memory_space<hbm>> -> memref<6000x128xf32, #tpu.memory_space<hbm>>
    tpu.enqueue_indirect_dma source(%dma_start3A_773 : memref<6000x128xf32, #tpu.memory_space<hbm>>) target(%arg14 : memref<256x128xf32, #tpu.memory_space<vmem>>) offsets(%dma_start3A_770 : memref<256xi32, #tpu.memory_space<vmem>>) semaphore(%arg17 : memref<!tpu.dma_semaphore, #tpu.memory_space<semaphore_mem>>)
    %dma_wait3A_774 = arith.constant 7936 : i32
    %dma_wait3A_775 = tpu.memref_slice %arg13[%dma_wait3A_774] : memref<9728xi32, #tpu.memory_space<vmem>> -> memref<256xi32, #tpu.memory_space<vmem>>
    %dma_wait3A_776 = arith.constant 0 : i32
    %dma_wait3A_777 = arith.constant 0 : i32
    %dma_wait3A_778 = tpu.memref_slice %arg8[%dma_wait3A_776, %dma_wait3A_777] : memref<6000x128xf32, #tpu.memory_space<hbm>> -> memref<6000x128xf32, #tpu.memory_space<hbm>>
    tpu.wait_indirect_dma semaphore(%arg18 : memref<!tpu.dma_semaphore, #tpu.memory_space<semaphore_mem>>) src(%dma_wait3A_778 : memref<6000x128xf32, #tpu.memory_space<hbm>>) dst(%arg15 : memref<256x128xf32, #tpu.memory_space<vmem>>)
    %mul3A_779 = arith.constant 12 : i32
    %mul3A_780 = arith.muli %add3A, %mul3A_779 : i32
    %add3A_781 = arith.constant 7 : i32
    %add3A_782 = arith.addi %mul3A_780, %add3A_781 : i32
    %mul3A_783 = arith.constant 256 : i32
    %mul3A_784 = arith.muli %add3A_782, %mul3A_783 : i32
    %dma_start3A_785 = arith.constant 0 : i32
    %dma_start3A_786 = tpu.memref_slice %arg11[%mul3A_784, %dma_start3A_785] : memref<98304x128xf32, #tpu.memory_space<hbm>> -> memref<256x128xf32, #tpu.memory_space<hbm>>
    %dma_start3A_787 = arith.constant 0 : i32
    %dma_start3A_788 = tpu.memref_slice %arg11[%mul3A_784, %dma_start3A_787] : memref<98304x128xf32, #tpu.memory_space<hbm>> -> memref<256x128xf32, #tpu.memory_space<hbm>>
    tpu.enqueue_dma source(%arg15 : memref<256x128xf32, #tpu.memory_space<vmem>>) target(%dma_start3A_788 : memref<256x128xf32, #tpu.memory_space<hbm>>) target_semaphore(%arg21 : memref<!tpu.dma_semaphore, #tpu.memory_space<semaphore_mem>>)
    %dma_wait3A_789 = arith.constant 0 : i32
    %dma_wait3A_790 = tpu.memref_slice %arg11[%mul3A_784, %dma_wait3A_789] : memref<98304x128xf32, #tpu.memory_space<hbm>> -> memref<256x128xf32, #tpu.memory_space<hbm>>
    %dma_wait3A_791 = arith.constant 0 : i32
    %dma_wait3A_792 = tpu.memref_slice %arg11[%mul3A_784, %dma_wait3A_791] : memref<98304x128xf32, #tpu.memory_space<hbm>> -> memref<256x128xf32, #tpu.memory_space<hbm>>
    tpu.wait_dma2 semaphore(%arg21 : memref<!tpu.dma_semaphore, #tpu.memory_space<semaphore_mem>>) src(%arg15 : memref<256x128xf32, #tpu.memory_space<vmem>>) dst(%dma_wait3A_792 : memref<256x128xf32, #tpu.memory_space<hbm>>)
    %dma_start3A_793 = arith.constant 8704 : i32
    %dma_start3A_794 = tpu.memref_slice %arg13[%dma_start3A_793] : memref<9728xi32, #tpu.memory_space<vmem>> -> memref<256xi32, #tpu.memory_space<vmem>>
    %dma_start3A_795 = arith.constant 0 : i32
    %dma_start3A_796 = arith.constant 0 : i32
    %dma_start3A_797 = tpu.memref_slice %arg8[%dma_start3A_795, %dma_start3A_796] : memref<6000x128xf32, #tpu.memory_space<hbm>> -> memref<6000x128xf32, #tpu.memory_space<hbm>>
    tpu.enqueue_indirect_dma source(%dma_start3A_797 : memref<6000x128xf32, #tpu.memory_space<hbm>>) target(%arg15 : memref<256x128xf32, #tpu.memory_space<vmem>>) offsets(%dma_start3A_794 : memref<256xi32, #tpu.memory_space<vmem>>) semaphore(%arg18 : memref<!tpu.dma_semaphore, #tpu.memory_space<semaphore_mem>>)
    %dma_wait3A_798 = arith.constant 8192 : i32
    %dma_wait3A_799 = tpu.memref_slice %arg13[%dma_wait3A_798] : memref<9728xi32, #tpu.memory_space<vmem>> -> memref<256xi32, #tpu.memory_space<vmem>>
    %dma_wait3A_800 = arith.constant 0 : i32
    %dma_wait3A_801 = arith.constant 0 : i32
    %dma_wait3A_802 = tpu.memref_slice %arg8[%dma_wait3A_800, %dma_wait3A_801] : memref<6000x128xf32, #tpu.memory_space<hbm>> -> memref<6000x128xf32, #tpu.memory_space<hbm>>
    tpu.wait_indirect_dma semaphore(%arg19 : memref<!tpu.dma_semaphore, #tpu.memory_space<semaphore_mem>>) src(%dma_wait3A_802 : memref<6000x128xf32, #tpu.memory_space<hbm>>) dst(%arg16 : memref<256x128xf32, #tpu.memory_space<vmem>>)
    %mul3A_803 = arith.constant 12 : i32
    %mul3A_804 = arith.muli %add3A, %mul3A_803 : i32
    %add3A_805 = arith.constant 8 : i32
    %add3A_806 = arith.addi %mul3A_804, %add3A_805 : i32
    %mul3A_807 = arith.constant 256 : i32
    %mul3A_808 = arith.muli %add3A_806, %mul3A_807 : i32
    %dma_start3A_809 = arith.constant 0 : i32
    %dma_start3A_810 = tpu.memref_slice %arg11[%mul3A_808, %dma_start3A_809] : memref<98304x128xf32, #tpu.memory_space<hbm>> -> memref<256x128xf32, #tpu.memory_space<hbm>>
    %dma_start3A_811 = arith.constant 0 : i32
    %dma_start3A_812 = tpu.memref_slice %arg11[%mul3A_808, %dma_start3A_811] : memref<98304x128xf32, #tpu.memory_space<hbm>> -> memref<256x128xf32, #tpu.memory_space<hbm>>
    tpu.enqueue_dma source(%arg16 : memref<256x128xf32, #tpu.memory_space<vmem>>) target(%dma_start3A_812 : memref<256x128xf32, #tpu.memory_space<hbm>>) target_semaphore(%arg22 : memref<!tpu.dma_semaphore, #tpu.memory_space<semaphore_mem>>)
    %dma_wait3A_813 = arith.constant 0 : i32
    %dma_wait3A_814 = tpu.memref_slice %arg11[%mul3A_808, %dma_wait3A_813] : memref<98304x128xf32, #tpu.memory_space<hbm>> -> memref<256x128xf32, #tpu.memory_space<hbm>>
    %dma_wait3A_815 = arith.constant 0 : i32
    %dma_wait3A_816 = tpu.memref_slice %arg11[%mul3A_808, %dma_wait3A_815] : memref<98304x128xf32, #tpu.memory_space<hbm>> -> memref<256x128xf32, #tpu.memory_space<hbm>>
    tpu.wait_dma2 semaphore(%arg22 : memref<!tpu.dma_semaphore, #tpu.memory_space<semaphore_mem>>) src(%arg16 : memref<256x128xf32, #tpu.memory_space<vmem>>) dst(%dma_wait3A_816 : memref<256x128xf32, #tpu.memory_space<hbm>>)
    %dma_start3A_817 = arith.constant 8960 : i32
    %dma_start3A_818 = tpu.memref_slice %arg13[%dma_start3A_817] : memref<9728xi32, #tpu.memory_space<vmem>> -> memref<256xi32, #tpu.memory_space<vmem>>
    %dma_start3A_819 = arith.constant 0 : i32
    %dma_start3A_820 = arith.constant 0 : i32
    %dma_start3A_821 = tpu.memref_slice %arg8[%dma_start3A_819, %dma_start3A_820] : memref<6000x128xf32, #tpu.memory_space<hbm>> -> memref<6000x128xf32, #tpu.memory_space<hbm>>
    tpu.enqueue_indirect_dma source(%dma_start3A_821 : memref<6000x128xf32, #tpu.memory_space<hbm>>) target(%arg16 : memref<256x128xf32, #tpu.memory_space<vmem>>) offsets(%dma_start3A_818 : memref<256xi32, #tpu.memory_space<vmem>>) semaphore(%arg19 : memref<!tpu.dma_semaphore, #tpu.memory_space<semaphore_mem>>)
    %dma_wait3A_822 = arith.constant 8448 : i32
    %dma_wait3A_823 = tpu.memref_slice %arg13[%dma_wait3A_822] : memref<9728xi32, #tpu.memory_space<vmem>> -> memref<256xi32, #tpu.memory_space<vmem>>
    %dma_wait3A_824 = arith.constant 0 : i32
    %dma_wait3A_825 = arith.constant 0 : i32
    %dma_wait3A_826 = tpu.memref_slice %arg8[%dma_wait3A_824, %dma_wait3A_825] : memref<6000x128xf32, #tpu.memory_space<hbm>> -> memref<6000x128xf32, #tpu.memory_space<hbm>>
    tpu.wait_indirect_dma semaphore(%arg17 : memref<!tpu.dma_semaphore, #tpu.memory_space<semaphore_mem>>) src(%dma_wait3A_826 : memref<6000x128xf32, #tpu.memory_space<hbm>>) dst(%arg14 : memref<256x128xf32, #tpu.memory_space<vmem>>)
    %mul3A_827 = arith.constant 12 : i32
    %mul3A_828 = arith.muli %add3A, %mul3A_827 : i32
    %add3A_829 = arith.constant 9 : i32
    %add3A_830 = arith.addi %mul3A_828, %add3A_829 : i32
    %mul3A_831 = arith.constant 256 : i32
    %mul3A_832 = arith.muli %add3A_830, %mul3A_831 : i32
    %dma_start3A_833 = arith.constant 0 : i32
    %dma_start3A_834 = tpu.memref_slice %arg11[%mul3A_832, %dma_start3A_833] : memref<98304x128xf32, #tpu.memory_space<hbm>> -> memref<256x128xf32, #tpu.memory_space<hbm>>
    %dma_start3A_835 = arith.constant 0 : i32
    %dma_start3A_836 = tpu.memref_slice %arg11[%mul3A_832, %dma_start3A_835] : memref<98304x128xf32, #tpu.memory_space<hbm>> -> memref<256x128xf32, #tpu.memory_space<hbm>>
    tpu.enqueue_dma source(%arg14 : memref<256x128xf32, #tpu.memory_space<vmem>>) target(%dma_start3A_836 : memref<256x128xf32, #tpu.memory_space<hbm>>) target_semaphore(%arg20 : memref<!tpu.dma_semaphore, #tpu.memory_space<semaphore_mem>>)
    %dma_wait3A_837 = arith.constant 0 : i32
    %dma_wait3A_838 = tpu.memref_slice %arg11[%mul3A_832, %dma_wait3A_837] : memref<98304x128xf32, #tpu.memory_space<hbm>> -> memref<256x128xf32, #tpu.memory_space<hbm>>
    %dma_wait3A_839 = arith.constant 0 : i32
    %dma_wait3A_840 = tpu.memref_slice %arg11[%mul3A_832, %dma_wait3A_839] : memref<98304x128xf32, #tpu.memory_space<hbm>> -> memref<256x128xf32, #tpu.memory_space<hbm>>
    tpu.wait_dma2 semaphore(%arg20 : memref<!tpu.dma_semaphore, #tpu.memory_space<semaphore_mem>>) src(%arg14 : memref<256x128xf32, #tpu.memory_space<vmem>>) dst(%dma_wait3A_840 : memref<256x128xf32, #tpu.memory_space<hbm>>)
    %dma_start3A_841 = arith.constant 9216 : i32
    %dma_start3A_842 = tpu.memref_slice %arg13[%dma_start3A_841] : memref<9728xi32, #tpu.memory_space<vmem>> -> memref<256xi32, #tpu.memory_space<vmem>>
    %dma_start3A_843 = arith.constant 0 : i32
    %dma_start3A_844 = arith.constant 0 : i32
    %dma_start3A_845 = tpu.memref_slice %arg7[%dma_start3A_843, %dma_start3A_844] : memref<5900x128xf32, #tpu.memory_space<hbm>> -> memref<5900x128xf32, #tpu.memory_space<hbm>>
    tpu.enqueue_indirect_dma source(%dma_start3A_845 : memref<5900x128xf32, #tpu.memory_space<hbm>>) target(%arg14 : memref<256x128xf32, #tpu.memory_space<vmem>>) offsets(%dma_start3A_842 : memref<256xi32, #tpu.memory_space<vmem>>) semaphore(%arg17 : memref<!tpu.dma_semaphore, #tpu.memory_space<semaphore_mem>>)
    %dma_wait3A_846 = arith.constant 8704 : i32
    %dma_wait3A_847 = tpu.memref_slice %arg13[%dma_wait3A_846] : memref<9728xi32, #tpu.memory_space<vmem>> -> memref<256xi32, #tpu.memory_space<vmem>>
    %dma_wait3A_848 = arith.constant 0 : i32
    %dma_wait3A_849 = arith.constant 0 : i32
    %dma_wait3A_850 = tpu.memref_slice %arg8[%dma_wait3A_848, %dma_wait3A_849] : memref<6000x128xf32, #tpu.memory_space<hbm>> -> memref<6000x128xf32, #tpu.memory_space<hbm>>
    tpu.wait_indirect_dma semaphore(%arg18 : memref<!tpu.dma_semaphore, #tpu.memory_space<semaphore_mem>>) src(%dma_wait3A_850 : memref<6000x128xf32, #tpu.memory_space<hbm>>) dst(%arg15 : memref<256x128xf32, #tpu.memory_space<vmem>>)
    %mul3A_851 = arith.constant 12 : i32
    %mul3A_852 = arith.muli %add3A, %mul3A_851 : i32
    %add3A_853 = arith.constant 10 : i32
    %add3A_854 = arith.addi %mul3A_852, %add3A_853 : i32
    %mul3A_855 = arith.constant 256 : i32
    %mul3A_856 = arith.muli %add3A_854, %mul3A_855 : i32
    %dma_start3A_857 = arith.constant 0 : i32
    %dma_start3A_858 = tpu.memref_slice %arg11[%mul3A_856, %dma_start3A_857] : memref<98304x128xf32, #tpu.memory_space<hbm>> -> memref<256x128xf32, #tpu.memory_space<hbm>>
    %dma_start3A_859 = arith.constant 0 : i32
    %dma_start3A_860 = tpu.memref_slice %arg11[%mul3A_856, %dma_start3A_859] : memref<98304x128xf32, #tpu.memory_space<hbm>> -> memref<256x128xf32, #tpu.memory_space<hbm>>
    tpu.enqueue_dma source(%arg15 : memref<256x128xf32, #tpu.memory_space<vmem>>) target(%dma_start3A_860 : memref<256x128xf32, #tpu.memory_space<hbm>>) target_semaphore(%arg21 : memref<!tpu.dma_semaphore, #tpu.memory_space<semaphore_mem>>)
    %dma_wait3A_861 = arith.constant 0 : i32
    %dma_wait3A_862 = tpu.memref_slice %arg11[%mul3A_856, %dma_wait3A_861] : memref<98304x128xf32, #tpu.memory_space<hbm>> -> memref<256x128xf32, #tpu.memory_space<hbm>>
    %dma_wait3A_863 = arith.constant 0 : i32
    %dma_wait3A_864 = tpu.memref_slice %arg11[%mul3A_856, %dma_wait3A_863] : memref<98304x128xf32, #tpu.memory_space<hbm>> -> memref<256x128xf32, #tpu.memory_space<hbm>>
    tpu.wait_dma2 semaphore(%arg21 : memref<!tpu.dma_semaphore, #tpu.memory_space<semaphore_mem>>) src(%arg15 : memref<256x128xf32, #tpu.memory_space<vmem>>) dst(%dma_wait3A_864 : memref<256x128xf32, #tpu.memory_space<hbm>>)
    %dma_start3A_865 = arith.constant 9472 : i32
    %dma_start3A_866 = tpu.memref_slice %arg13[%dma_start3A_865] : memref<9728xi32, #tpu.memory_space<vmem>> -> memref<256xi32, #tpu.memory_space<vmem>>
    %dma_start3A_867 = arith.constant 0 : i32
    %dma_start3A_868 = arith.constant 0 : i32
    %dma_start3A_869 = tpu.memref_slice %arg7[%dma_start3A_867, %dma_start3A_868] : memref<5900x128xf32, #tpu.memory_space<hbm>> -> memref<5900x128xf32, #tpu.memory_space<hbm>>
    tpu.enqueue_indirect_dma source(%dma_start3A_869 : memref<5900x128xf32, #tpu.memory_space<hbm>>) target(%arg15 : memref<256x128xf32, #tpu.memory_space<vmem>>) offsets(%dma_start3A_866 : memref<256xi32, #tpu.memory_space<vmem>>) semaphore(%arg18 : memref<!tpu.dma_semaphore, #tpu.memory_space<semaphore_mem>>)
    %dma_wait3A_870 = arith.constant 8960 : i32
    %dma_wait3A_871 = tpu.memref_slice %arg13[%dma_wait3A_870] : memref<9728xi32, #tpu.memory_space<vmem>> -> memref<256xi32, #tpu.memory_space<vmem>>
    %dma_wait3A_872 = arith.constant 0 : i32
    %dma_wait3A_873 = arith.constant 0 : i32
    %dma_wait3A_874 = tpu.memref_slice %arg8[%dma_wait3A_872, %dma_wait3A_873] : memref<6000x128xf32, #tpu.memory_space<hbm>> -> memref<6000x128xf32, #tpu.memory_space<hbm>>
    tpu.wait_indirect_dma semaphore(%arg19 : memref<!tpu.dma_semaphore, #tpu.memory_space<semaphore_mem>>) src(%dma_wait3A_874 : memref<6000x128xf32, #tpu.memory_space<hbm>>) dst(%arg16 : memref<256x128xf32, #tpu.memory_space<vmem>>)
    %mul3A_875 = arith.constant 12 : i32
    %mul3A_876 = arith.muli %add3A, %mul3A_875 : i32
    %add3A_877 = arith.constant 11 : i32
    %add3A_878 = arith.addi %mul3A_876, %add3A_877 : i32
    %mul3A_879 = arith.constant 256 : i32
    %mul3A_880 = arith.muli %add3A_878, %mul3A_879 : i32
    %dma_start3A_881 = arith.constant 0 : i32
    %dma_start3A_882 = tpu.memref_slice %arg11[%mul3A_880, %dma_start3A_881] : memref<98304x128xf32, #tpu.memory_space<hbm>> -> memref<256x128xf32, #tpu.memory_space<hbm>>
    %dma_start3A_883 = arith.constant 0 : i32
    %dma_start3A_884 = tpu.memref_slice %arg11[%mul3A_880, %dma_start3A_883] : memref<98304x128xf32, #tpu.memory_space<hbm>> -> memref<256x128xf32, #tpu.memory_space<hbm>>
    tpu.enqueue_dma source(%arg16 : memref<256x128xf32, #tpu.memory_space<vmem>>) target(%dma_start3A_884 : memref<256x128xf32, #tpu.memory_space<hbm>>) target_semaphore(%arg22 : memref<!tpu.dma_semaphore, #tpu.memory_space<semaphore_mem>>)
    %dma_wait3A_885 = arith.constant 9216 : i32
    %dma_wait3A_886 = tpu.memref_slice %arg13[%dma_wait3A_885] : memref<9728xi32, #tpu.memory_space<vmem>> -> memref<256xi32, #tpu.memory_space<vmem>>
    %dma_wait3A_887 = arith.constant 0 : i32
    %dma_wait3A_888 = arith.constant 0 : i32
    %dma_wait3A_889 = tpu.memref_slice %arg7[%dma_wait3A_887, %dma_wait3A_888] : memref<5900x128xf32, #tpu.memory_space<hbm>> -> memref<5900x128xf32, #tpu.memory_space<hbm>>
    tpu.wait_indirect_dma semaphore(%arg17 : memref<!tpu.dma_semaphore, #tpu.memory_space<semaphore_mem>>) src(%dma_wait3A_889 : memref<5900x128xf32, #tpu.memory_space<hbm>>) dst(%arg14 : memref<256x128xf32, #tpu.memory_space<vmem>>)
    %mul3A_890 = arith.constant 2 : i32
    %mul3A_891 = arith.muli %add3A, %mul3A_890 : i32
    %add3A_892 = arith.constant 0 : i32
    %add3A_893 = arith.addi %mul3A_891, %add3A_892 : i32
    %mul3A_894 = arith.constant 256 : i32
    %mul3A_895 = arith.muli %add3A_893, %mul3A_894 : i32
    %dma_start3A_896 = arith.constant 0 : i32
    %dma_start3A_897 = tpu.memref_slice %arg12[%mul3A_895, %dma_start3A_896] : memref<16384x128xf32, #tpu.memory_space<hbm>> -> memref<256x128xf32, #tpu.memory_space<hbm>>
    %dma_start3A_898 = arith.constant 0 : i32
    %dma_start3A_899 = tpu.memref_slice %arg12[%mul3A_895, %dma_start3A_898] : memref<16384x128xf32, #tpu.memory_space<hbm>> -> memref<256x128xf32, #tpu.memory_space<hbm>>
    tpu.enqueue_dma source(%arg14 : memref<256x128xf32, #tpu.memory_space<vmem>>) target(%dma_start3A_899 : memref<256x128xf32, #tpu.memory_space<hbm>>) target_semaphore(%arg20 : memref<!tpu.dma_semaphore, #tpu.memory_space<semaphore_mem>>)
    %dma_wait3A_900 = arith.constant 9472 : i32
    %dma_wait3A_901 = tpu.memref_slice %arg13[%dma_wait3A_900] : memref<9728xi32, #tpu.memory_space<vmem>> -> memref<256xi32, #tpu.memory_space<vmem>>
    %dma_wait3A_902 = arith.constant 0 : i32
    %dma_wait3A_903 = arith.constant 0 : i32
    %dma_wait3A_904 = tpu.memref_slice %arg7[%dma_wait3A_902, %dma_wait3A_903] : memref<5900x128xf32, #tpu.memory_space<hbm>> -> memref<5900x128xf32, #tpu.memory_space<hbm>>
    tpu.wait_indirect_dma semaphore(%arg18 : memref<!tpu.dma_semaphore, #tpu.memory_space<semaphore_mem>>) src(%dma_wait3A_904 : memref<5900x128xf32, #tpu.memory_space<hbm>>) dst(%arg15 : memref<256x128xf32, #tpu.memory_space<vmem>>)
    %mul3A_905 = arith.constant 2 : i32
    %mul3A_906 = arith.muli %add3A, %mul3A_905 : i32
    %add3A_907 = arith.constant 1 : i32
    %add3A_908 = arith.addi %mul3A_906, %add3A_907 : i32
    %mul3A_909 = arith.constant 256 : i32
    %mul3A_910 = arith.muli %add3A_908, %mul3A_909 : i32
    %dma_start3A_911 = arith.constant 0 : i32
    %dma_start3A_912 = tpu.memref_slice %arg12[%mul3A_910, %dma_start3A_911] : memref<16384x128xf32, #tpu.memory_space<hbm>> -> memref<256x128xf32, #tpu.memory_space<hbm>>
    %dma_start3A_913 = arith.constant 0 : i32
    %dma_start3A_914 = tpu.memref_slice %arg12[%mul3A_910, %dma_start3A_913] : memref<16384x128xf32, #tpu.memory_space<hbm>> -> memref<256x128xf32, #tpu.memory_space<hbm>>
    tpu.enqueue_dma source(%arg15 : memref<256x128xf32, #tpu.memory_space<vmem>>) target(%dma_start3A_914 : memref<256x128xf32, #tpu.memory_space<hbm>>) target_semaphore(%arg21 : memref<!tpu.dma_semaphore, #tpu.memory_space<semaphore_mem>>)
    %dma_wait3A_915 = arith.constant 0 : i32
    %dma_wait3A_916 = tpu.memref_slice %arg12[%mul3A_895, %dma_wait3A_915] : memref<16384x128xf32, #tpu.memory_space<hbm>> -> memref<256x128xf32, #tpu.memory_space<hbm>>
    %dma_wait3A_917 = arith.constant 0 : i32
    %dma_wait3A_918 = tpu.memref_slice %arg12[%mul3A_895, %dma_wait3A_917] : memref<16384x128xf32, #tpu.memory_space<hbm>> -> memref<256x128xf32, #tpu.memory_space<hbm>>
    tpu.wait_dma2 semaphore(%arg20 : memref<!tpu.dma_semaphore, #tpu.memory_space<semaphore_mem>>) src(%arg14 : memref<256x128xf32, #tpu.memory_space<vmem>>) dst(%dma_wait3A_918 : memref<256x128xf32, #tpu.memory_space<hbm>>)
    %dma_wait3A_919 = arith.constant 0 : i32
    %dma_wait3A_920 = tpu.memref_slice %arg12[%mul3A_910, %dma_wait3A_919] : memref<16384x128xf32, #tpu.memory_space<hbm>> -> memref<256x128xf32, #tpu.memory_space<hbm>>
    %dma_wait3A_921 = arith.constant 0 : i32
    %dma_wait3A_922 = tpu.memref_slice %arg12[%mul3A_910, %dma_wait3A_921] : memref<16384x128xf32, #tpu.memory_space<hbm>> -> memref<256x128xf32, #tpu.memory_space<hbm>>
    tpu.wait_dma2 semaphore(%arg21 : memref<!tpu.dma_semaphore, #tpu.memory_space<semaphore_mem>>) src(%arg15 : memref<256x128xf32, #tpu.memory_space<vmem>>) dst(%dma_wait3A_922 : memref<256x128xf32, #tpu.memory_space<hbm>>)
    %dma_wait3A_923 = arith.constant 0 : i32
    %dma_wait3A_924 = tpu.memref_slice %arg11[%mul3A_880, %dma_wait3A_923] : memref<98304x128xf32, #tpu.memory_space<hbm>> -> memref<256x128xf32, #tpu.memory_space<hbm>>
    %dma_wait3A_925 = arith.constant 0 : i32
    %dma_wait3A_926 = tpu.memref_slice %arg11[%mul3A_880, %dma_wait3A_925] : memref<98304x128xf32, #tpu.memory_space<hbm>> -> memref<256x128xf32, #tpu.memory_space<hbm>>
    tpu.wait_dma2 semaphore(%arg22 : memref<!tpu.dma_semaphore, #tpu.memory_space<semaphore_mem>>) src(%arg16 : memref<256x128xf32, #tpu.memory_space<vmem>>) dst(%dma_wait3A_926 : memref<256x128xf32, #tpu.memory_space<hbm>>)
    return
  }
}

module attributes {stable_mosaic.version = 14 : i64} {
  func.func @body(%arg0: i32, %arg1: memref<256x128xf32, #tpu.memory_space<vmem>>, %arg2: memref<4096x128xf32, #tpu.memory_space<vmem>>, %arg3: memref<4x128x128xf32, #tpu.memory_space<vmem>>, %arg4: memref<4x128x128xf32, #tpu.memory_space<vmem>>, %arg5: memref<4x256xf32, #tpu.memory_space<vmem>>, %arg6: memref<512x128xf32, #tpu.memory_space<vmem>>, %arg7: memref<1x128xf32, #tpu.memory_space<vmem>>, %arg8: memref<256x4096xf32, #tpu.memory_space<vmem>>, %arg9: memref<4096x256xf32, #tpu.memory_space<vmem>>, %arg10: memref<256x4096xbf16, #tpu.memory_space<vmem>>, %arg11: memref<256x128xf32, #tpu.memory_space<vmem>>) attributes {dimension_semantics = [#tpu.dimension_semantics<arbitrary>], iteration_bounds = array<i64: 4>, scalar_prefetch = 0 : i64, scratch_operands = 0 : i64, tpu.core_type = #tpu.core_type<tc>, window_params = [{transform_indices = @transform_0, window_bounds = array<i64: 256, 128>}, {transform_indices = @transform_1, window_bounds = array<i64: 4096, 128>}, {pipeline_mode = #tpu.pipeline_mode<synchronous>, transform_indices = @transform_2, window_bounds = array<i64: 4, 128, 128>}, {pipeline_mode = #tpu.pipeline_mode<synchronous>, transform_indices = @transform_3, window_bounds = array<i64: 4, 128, 128>}, {pipeline_mode = #tpu.pipeline_mode<synchronous>, transform_indices = @transform_4, window_bounds = array<i64: 4, 256>}, {pipeline_mode = #tpu.pipeline_mode<synchronous>, transform_indices = @transform_5, window_bounds = array<i64: 512, 128>}, {pipeline_mode = #tpu.pipeline_mode<synchronous>, transform_indices = @transform_6, window_bounds = array<i64: 1, 128>}, {pipeline_mode = #tpu.pipeline_mode<synchronous>, transform_indices = @transform_7, window_bounds = array<i64: 256, 4096>}, {pipeline_mode = #tpu.pipeline_mode<synchronous>, transform_indices = @transform_8, window_bounds = array<i64: 4096, 256>}, {pipeline_mode = #tpu.pipeline_mode<synchronous>, transform_indices = @transform_9, window_bounds = array<i64: 256, 4096>}, {transform_indices = @transform_10, window_bounds = array<i64: 256, 128>}]} {
    %get3A = arith.constant 0 : index
    %get3A_0 = arith.constant 0 : index
    %get3A_1 = vector.load %arg1[%get3A, %get3A_0] : memref<256x128xf32, #tpu.memory_space<vmem>>, vector<256x128xf32>
    %get3A_2 = arith.constant 0 : index
    %get3A_3 = arith.constant 0 : index
    %get3A_4 = vector.load %arg2[%get3A_2, %get3A_3] : memref<4096x128xf32, #tpu.memory_space<vmem>>, vector<4096x128xf32>
    %get3A_5 = arith.constant 0 : index
    %get3A_6 = arith.constant 0 : index
    %get3A_7 = arith.constant 0 : index
    %get3A_8 = vector.load %arg3[%get3A_5, %get3A_6, %get3A_7] : memref<4x128x128xf32, #tpu.memory_space<vmem>>, vector<4x128x128xf32>
    %get3A_9 = arith.constant 0 : index
    %get3A_10 = arith.constant 0 : index
    %get3A_11 = arith.constant 0 : index
    %get3A_12 = vector.load %arg4[%get3A_9, %get3A_10, %get3A_11] : memref<4x128x128xf32, #tpu.memory_space<vmem>>, vector<4x128x128xf32>
    %get3A_13 = arith.constant 0 : index
    %get3A_14 = arith.constant 0 : index
    %get3A_15 = vector.load %arg5[%get3A_13, %get3A_14] : memref<4x256xf32, #tpu.memory_space<vmem>>, vector<4x256xf32>
    %get3A_16 = arith.constant 0 : index
    %get3A_17 = arith.constant 0 : index
    %get3A_18 = vector.load %arg8[%get3A_16, %get3A_17] : memref<256x4096xf32, #tpu.memory_space<vmem>>, vector<256x4096xf32>
    %get3A_19 = arith.constant 0 : index
    %get3A_20 = arith.constant 0 : index
    %get3A_21 = vector.load %arg9[%get3A_19, %get3A_20] : memref<4096x256xf32, #tpu.memory_space<vmem>>, vector<4096x256xf32>
    %get3A_22 = arith.constant 0 : index
    %get3A_23 = arith.constant 0 : index
    %get3A_24 = vector.load %arg10[%get3A_22, %get3A_23] : memref<256x4096xbf16, #tpu.memory_space<vmem>>, vector<256x4096xbf16>
    %slice3A = vector.extract_strided_slice %get3A_15 {offsets = [0, 0], sizes = [1, 128], strides = [1, 1]} : vector<4x256xf32> to vector<1x128xf32>
    %slice3A_25 = vector.extract_strided_slice %get3A_15 {offsets = [0, 128], sizes = [1, 128], strides = [1, 1]} : vector<4x256xf32> to vector<1x128xf32>
    %slice3A_26 = vector.extract_strided_slice %get3A_8 {offsets = [0, 0, 0], sizes = [1, 128, 128], strides = [1, 1, 1]} : vector<4x128x128xf32> to vector<1x128x128xf32>
    %squeeze3A = vector.shape_cast %slice3A_26 : vector<1x128x128xf32> to vector<128x128xf32>
    %mul3A = vector.broadcast %slice3A : vector<1x128xf32> to vector<128x128xf32>
    %mul3A_27 = arith.mulf %squeeze3A, %mul3A : vector<128x128xf32>
    %reduce_sum3A = arith.constant dense<0.000000e+00> : vector<128xf32>
    %reduce_sum3A_28 = vector.multi_reduction <add>, %mul3A_27, %reduce_sum3A [1] : vector<128x128xf32> to vector<128xf32>
    %broadcast_in_dim3A = vector.shape_cast %reduce_sum3A_28 : vector<128xf32> to vector<128x1xf32>
    %slice3A_29 = vector.extract_strided_slice %get3A_12 {offsets = [0, 0, 0], sizes = [1, 128, 128], strides = [1, 1, 1]} : vector<4x128x128xf32> to vector<1x128x128xf32>
    %squeeze3A_30 = vector.shape_cast %slice3A_29 : vector<1x128x128xf32> to vector<128x128xf32>
    %mul3A_31 = vector.broadcast %slice3A_25 : vector<1x128xf32> to vector<128x128xf32>
    %mul3A_32 = arith.mulf %squeeze3A_30, %mul3A_31 : vector<128x128xf32>
    %reduce_sum3A_33 = arith.constant dense<0.000000e+00> : vector<128xf32>
    %reduce_sum3A_34 = vector.multi_reduction <add>, %mul3A_32, %reduce_sum3A_33 [1] : vector<128x128xf32> to vector<128xf32>
    %broadcast_in_dim3A_35 = vector.shape_cast %reduce_sum3A_34 : vector<128xf32> to vector<128x1xf32>
    %slice3A_36 = vector.extract_strided_slice %get3A_15 {offsets = [1, 0], sizes = [1, 128], strides = [1, 1]} : vector<4x256xf32> to vector<1x128xf32>
    %slice3A_37 = vector.extract_strided_slice %get3A_15 {offsets = [1, 128], sizes = [1, 128], strides = [1, 1]} : vector<4x256xf32> to vector<1x128xf32>
    %slice3A_38 = vector.extract_strided_slice %get3A_8 {offsets = [1, 0, 0], sizes = [1, 128, 128], strides = [1, 1, 1]} : vector<4x128x128xf32> to vector<1x128x128xf32>
    %squeeze3A_39 = vector.shape_cast %slice3A_38 : vector<1x128x128xf32> to vector<128x128xf32>
    %mul3A_40 = vector.broadcast %slice3A_36 : vector<1x128xf32> to vector<128x128xf32>
    %mul3A_41 = arith.mulf %squeeze3A_39, %mul3A_40 : vector<128x128xf32>
    %reduce_sum3A_42 = arith.constant dense<0.000000e+00> : vector<128xf32>
    %reduce_sum3A_43 = vector.multi_reduction <add>, %mul3A_41, %reduce_sum3A_42 [1] : vector<128x128xf32> to vector<128xf32>
    %broadcast_in_dim3A_44 = vector.shape_cast %reduce_sum3A_43 : vector<128xf32> to vector<128x1xf32>
    %slice3A_45 = vector.extract_strided_slice %get3A_12 {offsets = [1, 0, 0], sizes = [1, 128, 128], strides = [1, 1, 1]} : vector<4x128x128xf32> to vector<1x128x128xf32>
    %squeeze3A_46 = vector.shape_cast %slice3A_45 : vector<1x128x128xf32> to vector<128x128xf32>
    %mul3A_47 = vector.broadcast %slice3A_37 : vector<1x128xf32> to vector<128x128xf32>
    %mul3A_48 = arith.mulf %squeeze3A_46, %mul3A_47 : vector<128x128xf32>
    %reduce_sum3A_49 = arith.constant dense<0.000000e+00> : vector<128xf32>
    %reduce_sum3A_50 = vector.multi_reduction <add>, %mul3A_48, %reduce_sum3A_49 [1] : vector<128x128xf32> to vector<128xf32>
    %broadcast_in_dim3A_51 = vector.shape_cast %reduce_sum3A_50 : vector<128xf32> to vector<128x1xf32>
    %slice3A_52 = vector.extract_strided_slice %get3A_15 {offsets = [2, 0], sizes = [1, 128], strides = [1, 1]} : vector<4x256xf32> to vector<1x128xf32>
    %slice3A_53 = vector.extract_strided_slice %get3A_15 {offsets = [2, 128], sizes = [1, 128], strides = [1, 1]} : vector<4x256xf32> to vector<1x128xf32>
    %slice3A_54 = vector.extract_strided_slice %get3A_8 {offsets = [2, 0, 0], sizes = [1, 128, 128], strides = [1, 1, 1]} : vector<4x128x128xf32> to vector<1x128x128xf32>
    %squeeze3A_55 = vector.shape_cast %slice3A_54 : vector<1x128x128xf32> to vector<128x128xf32>
    %mul3A_56 = vector.broadcast %slice3A_52 : vector<1x128xf32> to vector<128x128xf32>
    %mul3A_57 = arith.mulf %squeeze3A_55, %mul3A_56 : vector<128x128xf32>
    %reduce_sum3A_58 = arith.constant dense<0.000000e+00> : vector<128xf32>
    %reduce_sum3A_59 = vector.multi_reduction <add>, %mul3A_57, %reduce_sum3A_58 [1] : vector<128x128xf32> to vector<128xf32>
    %broadcast_in_dim3A_60 = vector.shape_cast %reduce_sum3A_59 : vector<128xf32> to vector<128x1xf32>
    %slice3A_61 = vector.extract_strided_slice %get3A_12 {offsets = [2, 0, 0], sizes = [1, 128, 128], strides = [1, 1, 1]} : vector<4x128x128xf32> to vector<1x128x128xf32>
    %squeeze3A_62 = vector.shape_cast %slice3A_61 : vector<1x128x128xf32> to vector<128x128xf32>
    %mul3A_63 = vector.broadcast %slice3A_53 : vector<1x128xf32> to vector<128x128xf32>
    %mul3A_64 = arith.mulf %squeeze3A_62, %mul3A_63 : vector<128x128xf32>
    %reduce_sum3A_65 = arith.constant dense<0.000000e+00> : vector<128xf32>
    %reduce_sum3A_66 = vector.multi_reduction <add>, %mul3A_64, %reduce_sum3A_65 [1] : vector<128x128xf32> to vector<128xf32>
    %broadcast_in_dim3A_67 = vector.shape_cast %reduce_sum3A_66 : vector<128xf32> to vector<128x1xf32>
    %slice3A_68 = vector.extract_strided_slice %get3A_15 {offsets = [3, 0], sizes = [1, 128], strides = [1, 1]} : vector<4x256xf32> to vector<1x128xf32>
    %slice3A_69 = vector.extract_strided_slice %get3A_15 {offsets = [3, 128], sizes = [1, 128], strides = [1, 1]} : vector<4x256xf32> to vector<1x128xf32>
    %slice3A_70 = vector.extract_strided_slice %get3A_8 {offsets = [3, 0, 0], sizes = [1, 128, 128], strides = [1, 1, 1]} : vector<4x128x128xf32> to vector<1x128x128xf32>
    %squeeze3A_71 = vector.shape_cast %slice3A_70 : vector<1x128x128xf32> to vector<128x128xf32>
    %mul3A_72 = vector.broadcast %slice3A_68 : vector<1x128xf32> to vector<128x128xf32>
    %mul3A_73 = arith.mulf %squeeze3A_71, %mul3A_72 : vector<128x128xf32>
    %reduce_sum3A_74 = arith.constant dense<0.000000e+00> : vector<128xf32>
    %reduce_sum3A_75 = vector.multi_reduction <add>, %mul3A_73, %reduce_sum3A_74 [1] : vector<128x128xf32> to vector<128xf32>
    %broadcast_in_dim3A_76 = vector.shape_cast %reduce_sum3A_75 : vector<128xf32> to vector<128x1xf32>
    %slice3A_77 = vector.extract_strided_slice %get3A_12 {offsets = [3, 0, 0], sizes = [1, 128, 128], strides = [1, 1, 1]} : vector<4x128x128xf32> to vector<1x128x128xf32>
    %squeeze3A_78 = vector.shape_cast %slice3A_77 : vector<1x128x128xf32> to vector<128x128xf32>
    %mul3A_79 = vector.broadcast %slice3A_69 : vector<1x128xf32> to vector<128x128xf32>
    %mul3A_80 = arith.mulf %squeeze3A_78, %mul3A_79 : vector<128x128xf32>
    %reduce_sum3A_81 = arith.constant dense<0.000000e+00> : vector<128xf32>
    %reduce_sum3A_82 = vector.multi_reduction <add>, %mul3A_80, %reduce_sum3A_81 [1] : vector<128x128xf32> to vector<128xf32>
    %broadcast_in_dim3A_83 = vector.shape_cast %reduce_sum3A_82 : vector<128xf32> to vector<128x1xf32>
    %concatenate3A = tpu.concatenate %broadcast_in_dim3A, %broadcast_in_dim3A_44, %broadcast_in_dim3A_60, %broadcast_in_dim3A_76 in 1 : vector<128x1xf32>, vector<128x1xf32>, vector<128x1xf32>, vector<128x1xf32> -> vector<128x4xf32>
    %concatenate3A_84 = tpu.concatenate %broadcast_in_dim3A_35, %broadcast_in_dim3A_51, %broadcast_in_dim3A_67, %broadcast_in_dim3A_83 in 1 : vector<128x1xf32>, vector<128x1xf32>, vector<128x1xf32>, vector<128x1xf32> -> vector<128x4xf32>
    %dot_general3A = arith.constant dense<0.000000e+00> : vector<256x4xf32>
    %dot_general3A_85 = tpu.matmul %get3A_1, %concatenate3A, %dot_general3A {dimension_numbers = #tpu.dot_dimension_numbers<[1], [0], [0], [1], [0, 0, 1, 1], [], []>, transpose_lhs_hint = false} : vector<256x128xf32>, vector<128x4xf32>, vector<256x4xf32> -> vector<256x4xf32>
    %dot_general3A_86 = arith.constant dense<0.000000e+00> : vector<4096x4xf32>
    %dot_general3A_87 = tpu.matmul %get3A_4, %concatenate3A_84, %dot_general3A_86 {dimension_numbers = #tpu.dot_dimension_numbers<[1], [0], [0], [1], [0, 0, 1, 1], [], []>, transpose_lhs_hint = false} : vector<4096x128xf32>, vector<128x4xf32>, vector<4096x4xf32> -> vector<4096x4xf32>
    %dot_general3A_88 = arith.constant dense<0.000000e+00> : vector<4096x4xf32>
    %dot_general3A_89 = tpu.matmul %get3A_21, %dot_general3A_85, %dot_general3A_88 {dimension_numbers = #tpu.dot_dimension_numbers<[1], [0], [0], [1], [0, 0, 1, 1], [], []>, transpose_lhs_hint = false} : vector<4096x256xf32>, vector<256x4xf32>, vector<4096x4xf32> -> vector<4096x4xf32>
    %add3A = arith.addf %dot_general3A_89, %dot_general3A_87 : vector<4096x4xf32>
    %ge3A = arith.constant 0.000000e+00 : f32
    %ge3A_90 = vector.broadcast %ge3A : f32 to vector<4096x4xf32>
    %ge3A_91 = arith.cmpf oge, %add3A, %ge3A_90 : vector<4096x4xf32>
    %mul3A_92 = arith.constant 2.000000e-01 : f32
    %mul3A_93 = vector.broadcast %mul3A_92 : f32 to vector<4096x4xf32>
    %mul3A_94 = arith.mulf %mul3A_93, %add3A : vector<4096x4xf32>
    %select_n3A = arith.select %ge3A_91, %add3A, %mul3A_94 : vector<4096x4xi1>, vector<4096x4xf32>
    %reduce_max3A = vector.shape_cast %select_n3A : vector<4096x4xf32> to vector<1x4096x4xf32>
    %reduce_max3A_95 = arith.constant dense<0xFF800000> : vector<1xf32>
    %reduce_max3A_96 = vector.multi_reduction <maximumf>, %reduce_max3A, %reduce_max3A_95 [1, 2] : vector<1x4096x4xf32> to vector<1xf32>
    %reduce_max3A_97 = vector.shape_cast %reduce_max3A_96 : vector<1xf32> to vector<1x1x1xf32>
    %reduce_max3A_98 = vector.extract %reduce_max3A_97[0, 0, 0] : f32 from vector<1x1x1xf32>
    %sub3A = vector.broadcast %reduce_max3A_98 : f32 to vector<4096x4xf32>
    %sub3A_99 = arith.subf %select_n3A, %sub3A : vector<4096x4xf32>
    %exp3A = math.exp %sub3A_99 : vector<4096x4xf32>
    %dot_general3A_100 = arith.constant dense<0.000000e+00> : vector<256x4xf32>
    %dot_general3A_101 = tpu.matmul %get3A_18, %exp3A, %dot_general3A_100 {dimension_numbers = #tpu.dot_dimension_numbers<[1], [0], [0], [1], [0, 0, 1, 1], [], []>, transpose_lhs_hint = false} : vector<256x4096xf32>, vector<4096x4xf32>, vector<256x4xf32> -> vector<256x4xf32>
    %div3A = arith.constant 1.000000e+00 : f32
    %div3A_102 = vector.broadcast %div3A : f32 to vector<256x4xf32>
    %div3A_103 = arith.divf %div3A_102, %dot_general3A_101 : vector<256x4xf32>
    %dot_general3A_104 = arith.constant dense<0.000000e+00> : vector<4096x4xf32>
    %dot_general3A_105 = tpu.matmul %get3A_21, %div3A_103, %dot_general3A_104 {dimension_numbers = #tpu.dot_dimension_numbers<[1], [0], [0], [1], [0, 0, 1, 1], [], []>, transpose_lhs_hint = false} : vector<4096x256xf32>, vector<256x4xf32>, vector<4096x4xf32> -> vector<4096x4xf32>
    %mul3A_106 = arith.mulf %exp3A, %dot_general3A_105 : vector<4096x4xf32>
    %slice3A_107 = vector.extract_strided_slice %mul3A_106 {offsets = [0, 0], sizes = [4096, 1], strides = [1, 1]} : vector<4096x4xf32> to vector<4096x1xf32>
    %mul3A_108 = vector.broadcast %slice3A_107 : vector<4096x1xf32> to vector<4096x128xf32>
    %mul3A_109 = arith.mulf %get3A_4, %mul3A_108 : vector<4096x128xf32>
    %convert_element_type3A = arith.truncf %mul3A_109 : vector<4096x128xf32> to vector<4096x128xbf16>
    %dot_general3A_110 = arith.constant dense<0.000000e+00> : vector<256x128xf32>
    %dot_general3A_111 = tpu.matmul %get3A_24, %convert_element_type3A, %dot_general3A_110 {dimension_numbers = #tpu.dot_dimension_numbers<[1], [0], [0], [1], [0, 0, 1, 1], [], []>, transpose_lhs_hint = false} : vector<256x4096xbf16>, vector<4096x128xbf16>, vector<256x128xf32> -> vector<256x128xf32>
    %slice3A_112 = vector.extract_strided_slice %get3A_12 {offsets = [0, 0, 0], sizes = [1, 128, 128], strides = [1, 1, 1]} : vector<4x128x128xf32> to vector<1x128x128xf32>
    %squeeze3A_113 = vector.shape_cast %slice3A_112 : vector<1x128x128xf32> to vector<128x128xf32>
    %dot_general3A_114 = arith.constant dense<0.000000e+00> : vector<256x128xf32>
    %dot_general3A_115 = tpu.matmul %dot_general3A_111, %squeeze3A_113, %dot_general3A_114 {dimension_numbers = #tpu.dot_dimension_numbers<[1], [0], [0], [1], [0, 0, 1, 1], [], []>, transpose_lhs_hint = false} : vector<256x128xf32>, vector<128x128xf32>, vector<256x128xf32> -> vector<256x128xf32>
    %gt3A = arith.constant 0.000000e+00 : f32
    %gt3A_116 = vector.broadcast %gt3A : f32 to vector<256x128xf32>
    %gt3A_117 = arith.cmpf ogt, %dot_general3A_115, %gt3A_116 : vector<256x128xf32>
    %exp3A_118 = math.exp %dot_general3A_115 : vector<256x128xf32>
    %sub3A_119 = arith.constant 1.000000e+00 : f32
    %sub3A_120 = vector.broadcast %sub3A_119 : f32 to vector<256x128xf32>
    %sub3A_121 = arith.subf %exp3A_118, %sub3A_120 : vector<256x128xf32>
    %select_n3A_122 = arith.select %gt3A_117, %dot_general3A_115, %sub3A_121 : vector<256x128xi1>, vector<256x128xf32>
    %slice3A_123 = vector.extract_strided_slice %mul3A_106 {offsets = [0, 1], sizes = [4096, 1], strides = [1, 1]} : vector<4096x4xf32> to vector<4096x1xf32>
    %mul3A_124 = vector.broadcast %slice3A_123 : vector<4096x1xf32> to vector<4096x128xf32>
    %mul3A_125 = arith.mulf %get3A_4, %mul3A_124 : vector<4096x128xf32>
    %convert_element_type3A_126 = arith.truncf %mul3A_125 : vector<4096x128xf32> to vector<4096x128xbf16>
    %dot_general3A_127 = arith.constant dense<0.000000e+00> : vector<256x128xf32>
    %dot_general3A_128 = tpu.matmul %get3A_24, %convert_element_type3A_126, %dot_general3A_127 {dimension_numbers = #tpu.dot_dimension_numbers<[1], [0], [0], [1], [0, 0, 1, 1], [], []>, transpose_lhs_hint = false} : vector<256x4096xbf16>, vector<4096x128xbf16>, vector<256x128xf32> -> vector<256x128xf32>
    %slice3A_129 = vector.extract_strided_slice %get3A_12 {offsets = [1, 0, 0], sizes = [1, 128, 128], strides = [1, 1, 1]} : vector<4x128x128xf32> to vector<1x128x128xf32>
    %squeeze3A_130 = vector.shape_cast %slice3A_129 : vector<1x128x128xf32> to vector<128x128xf32>
    %dot_general3A_131 = arith.constant dense<0.000000e+00> : vector<256x128xf32>
    %dot_general3A_132 = tpu.matmul %dot_general3A_128, %squeeze3A_130, %dot_general3A_131 {dimension_numbers = #tpu.dot_dimension_numbers<[1], [0], [0], [1], [0, 0, 1, 1], [], []>, transpose_lhs_hint = false} : vector<256x128xf32>, vector<128x128xf32>, vector<256x128xf32> -> vector<256x128xf32>
    %gt3A_133 = arith.constant 0.000000e+00 : f32
    %gt3A_134 = vector.broadcast %gt3A_133 : f32 to vector<256x128xf32>
    %gt3A_135 = arith.cmpf ogt, %dot_general3A_132, %gt3A_134 : vector<256x128xf32>
    %exp3A_136 = math.exp %dot_general3A_132 : vector<256x128xf32>
    %sub3A_137 = arith.constant 1.000000e+00 : f32
    %sub3A_138 = vector.broadcast %sub3A_137 : f32 to vector<256x128xf32>
    %sub3A_139 = arith.subf %exp3A_136, %sub3A_138 : vector<256x128xf32>
    %select_n3A_140 = arith.select %gt3A_135, %dot_general3A_132, %sub3A_139 : vector<256x128xi1>, vector<256x128xf32>
    %slice3A_141 = vector.extract_strided_slice %mul3A_106 {offsets = [0, 2], sizes = [4096, 1], strides = [1, 1]} : vector<4096x4xf32> to vector<4096x1xf32>
    %mul3A_142 = vector.broadcast %slice3A_141 : vector<4096x1xf32> to vector<4096x128xf32>
    %mul3A_143 = arith.mulf %get3A_4, %mul3A_142 : vector<4096x128xf32>
    %convert_element_type3A_144 = arith.truncf %mul3A_143 : vector<4096x128xf32> to vector<4096x128xbf16>
    %dot_general3A_145 = arith.constant dense<0.000000e+00> : vector<256x128xf32>
    %dot_general3A_146 = tpu.matmul %get3A_24, %convert_element_type3A_144, %dot_general3A_145 {dimension_numbers = #tpu.dot_dimension_numbers<[1], [0], [0], [1], [0, 0, 1, 1], [], []>, transpose_lhs_hint = false} : vector<256x4096xbf16>, vector<4096x128xbf16>, vector<256x128xf32> -> vector<256x128xf32>
    %slice3A_147 = vector.extract_strided_slice %get3A_12 {offsets = [2, 0, 0], sizes = [1, 128, 128], strides = [1, 1, 1]} : vector<4x128x128xf32> to vector<1x128x128xf32>
    %squeeze3A_148 = vector.shape_cast %slice3A_147 : vector<1x128x128xf32> to vector<128x128xf32>
    %dot_general3A_149 = arith.constant dense<0.000000e+00> : vector<256x128xf32>
    %dot_general3A_150 = tpu.matmul %dot_general3A_146, %squeeze3A_148, %dot_general3A_149 {dimension_numbers = #tpu.dot_dimension_numbers<[1], [0], [0], [1], [0, 0, 1, 1], [], []>, transpose_lhs_hint = false} : vector<256x128xf32>, vector<128x128xf32>, vector<256x128xf32> -> vector<256x128xf32>
    %gt3A_151 = arith.constant 0.000000e+00 : f32
    %gt3A_152 = vector.broadcast %gt3A_151 : f32 to vector<256x128xf32>
    %gt3A_153 = arith.cmpf ogt, %dot_general3A_150, %gt3A_152 : vector<256x128xf32>
    %exp3A_154 = math.exp %dot_general3A_150 : vector<256x128xf32>
    %sub3A_155 = arith.constant 1.000000e+00 : f32
    %sub3A_156 = vector.broadcast %sub3A_155 : f32 to vector<256x128xf32>
    %sub3A_157 = arith.subf %exp3A_154, %sub3A_156 : vector<256x128xf32>
    %select_n3A_158 = arith.select %gt3A_153, %dot_general3A_150, %sub3A_157 : vector<256x128xi1>, vector<256x128xf32>
    %slice3A_159 = vector.extract_strided_slice %mul3A_106 {offsets = [0, 3], sizes = [4096, 1], strides = [1, 1]} : vector<4096x4xf32> to vector<4096x1xf32>
    %mul3A_160 = vector.broadcast %slice3A_159 : vector<4096x1xf32> to vector<4096x128xf32>
    %mul3A_161 = arith.mulf %get3A_4, %mul3A_160 : vector<4096x128xf32>
    %convert_element_type3A_162 = arith.truncf %mul3A_161 : vector<4096x128xf32> to vector<4096x128xbf16>
    %dot_general3A_163 = arith.constant dense<0.000000e+00> : vector<256x128xf32>
    %dot_general3A_164 = tpu.matmul %get3A_24, %convert_element_type3A_162, %dot_general3A_163 {dimension_numbers = #tpu.dot_dimension_numbers<[1], [0], [0], [1], [0, 0, 1, 1], [], []>, transpose_lhs_hint = false} : vector<256x4096xbf16>, vector<4096x128xbf16>, vector<256x128xf32> -> vector<256x128xf32>
    %slice3A_165 = vector.extract_strided_slice %get3A_12 {offsets = [3, 0, 0], sizes = [1, 128, 128], strides = [1, 1, 1]} : vector<4x128x128xf32> to vector<1x128x128xf32>
    %squeeze3A_166 = vector.shape_cast %slice3A_165 : vector<1x128x128xf32> to vector<128x128xf32>
    %dot_general3A_167 = arith.constant dense<0.000000e+00> : vector<256x128xf32>
    %dot_general3A_168 = tpu.matmul %dot_general3A_164, %squeeze3A_166, %dot_general3A_167 {dimension_numbers = #tpu.dot_dimension_numbers<[1], [0], [0], [1], [0, 0, 1, 1], [], []>, transpose_lhs_hint = false} : vector<256x128xf32>, vector<128x128xf32>, vector<256x128xf32> -> vector<256x128xf32>
    %gt3A_169 = arith.constant 0.000000e+00 : f32
    %gt3A_170 = vector.broadcast %gt3A_169 : f32 to vector<256x128xf32>
    %gt3A_171 = arith.cmpf ogt, %dot_general3A_168, %gt3A_170 : vector<256x128xf32>
    %exp3A_172 = math.exp %dot_general3A_168 : vector<256x128xf32>
    %sub3A_173 = arith.constant 1.000000e+00 : f32
    %sub3A_174 = vector.broadcast %sub3A_173 : f32 to vector<256x128xf32>
    %sub3A_175 = arith.subf %exp3A_172, %sub3A_174 : vector<256x128xf32>
    %select_n3A_176 = arith.select %gt3A_171, %dot_general3A_168, %sub3A_175 : vector<256x128xi1>, vector<256x128xf32>
    %concatenate3A_177 = tpu.concatenate %select_n3A_122, %select_n3A_140, %select_n3A_158, %select_n3A_176 in 1 : vector<256x128xf32>, vector<256x128xf32>, vector<256x128xf32>, vector<256x128xf32> -> vector<256x512xf32>
    %get3A_178 = arith.constant 0 : index
    %get3A_179 = arith.constant 0 : index
    %get3A_180 = vector.load %arg6[%get3A_178, %get3A_179] : memref<512x128xf32, #tpu.memory_space<vmem>>, vector<512x128xf32>
    %dot_general3A_181 = arith.constant dense<0.000000e+00> : vector<256x128xf32>
    %dot_general3A_182 = tpu.matmul %concatenate3A_177, %get3A_180, %dot_general3A_181 {dimension_numbers = #tpu.dot_dimension_numbers<[1], [0], [0], [1], [0, 0, 1, 1], [], []>, transpose_lhs_hint = false} : vector<256x512xf32>, vector<512x128xf32>, vector<256x128xf32> -> vector<256x128xf32>
    %get3A_183 = arith.constant 0 : index
    %get3A_184 = arith.constant 0 : index
    %get3A_185 = vector.load %arg7[%get3A_183, %get3A_184] : memref<1x128xf32, #tpu.memory_space<vmem>>, vector<1x128xf32>
    %add3A_186 = vector.broadcast %get3A_185 : vector<1x128xf32> to vector<256x128xf32>
    %add3A_187 = arith.addf %dot_general3A_182, %add3A_186 : vector<256x128xf32>
    %swap3A = arith.constant 0 : index
    %swap3A_188 = arith.constant 0 : index
    %swap3A_189 = vector.load %arg11[%swap3A, %swap3A_188] : memref<256x128xf32, #tpu.memory_space<vmem>>, vector<256x128xf32>
    tpu.vector_store %arg11[%swap3A, %swap3A_188], %add3A_187 {strides = array<i32>} : memref<256x128xf32, #tpu.memory_space<vmem>>, vector<256x128xf32>,
    return
  }
  func.func @transform_0(%arg0: i32) -> (i32, i32) {
    %c0_i32 = arith.constant 0 : i32
    %c0_i32_0 = arith.constant 0 : i32
    return %arg0, %c0_i32 : i32, i32
  }
  func.func @transform_1(%arg0: i32) -> (i32, i32) {
    %c0_i32 = arith.constant 0 : i32
    %c0_i32_0 = arith.constant 0 : i32
    return %arg0, %c0_i32 : i32, i32
  }
  func.func @transform_2(%arg0: i32) -> (i32, i32, i32) {
    %c0_i32 = arith.constant 0 : i32
    %c0_i32_0 = arith.constant 0 : i32
    %c0_i32_1 = arith.constant 0 : i32
    %c0_i32_2 = arith.constant 0 : i32
    return %c0_i32, %c0_i32_0, %c0_i32_1 : i32, i32, i32
  }
  func.func @transform_3(%arg0: i32) -> (i32, i32, i32) {
    %c0_i32 = arith.constant 0 : i32
    %c0_i32_0 = arith.constant 0 : i32
    %c0_i32_1 = arith.constant 0 : i32
    %c0_i32_2 = arith.constant 0 : i32
    return %c0_i32, %c0_i32_0, %c0_i32_1 : i32, i32, i32
  }
  func.func @transform_4(%arg0: i32) -> (i32, i32) {
    %c0_i32 = arith.constant 0 : i32
    %c0_i32_0 = arith.constant 0 : i32
    %c0_i32_1 = arith.constant 0 : i32
    return %c0_i32, %c0_i32_0 : i32, i32
  }
  func.func @transform_5(%arg0: i32) -> (i32, i32) {
    %c0_i32 = arith.constant 0 : i32
    %c0_i32_0 = arith.constant 0 : i32
    %c0_i32_1 = arith.constant 0 : i32
    return %c0_i32, %c0_i32_0 : i32, i32
  }
  func.func @transform_6(%arg0: i32) -> (i32, i32) {
    %c0_i32 = arith.constant 0 : i32
    %c0_i32_0 = arith.constant 0 : i32
    %c0_i32_1 = arith.constant 0 : i32
    return %c0_i32, %c0_i32_0 : i32, i32
  }
  func.func @transform_7(%arg0: i32) -> (i32, i32) {
    %c0_i32 = arith.constant 0 : i32
    %c0_i32_0 = arith.constant 0 : i32
    %c0_i32_1 = arith.constant 0 : i32
    return %c0_i32, %c0_i32_0 : i32, i32
  }
  func.func @transform_8(%arg0: i32) -> (i32, i32) {
    %c0_i32 = arith.constant 0 : i32
    %c0_i32_0 = arith.constant 0 : i32
    %c0_i32_1 = arith.constant 0 : i32
    return %c0_i32, %c0_i32_0 : i32, i32
  }
  func.func @transform_9(%arg0: i32) -> (i32, i32) {
    %c0_i32 = arith.constant 0 : i32
    %c0_i32_0 = arith.constant 0 : i32
    %c0_i32_1 = arith.constant 0 : i32
    return %c0_i32, %c0_i32_0 : i32, i32
  }
  func.func @transform_10(%arg0: i32) -> (i32, i32) {
    %c0_i32 = arith.constant 0 : i32
    %c0_i32_0 = arith.constant 0 : i32
    return %arg0, %c0_i32 : i32, i32
  }
}

module attributes {stable_mosaic.version = 14 : i64} {
  func.func @body(%arg0: i32, %arg1: memref<256x128xf32, #tpu.memory_space<vmem>>, %arg2: memref<4096x128xf32, #tpu.memory_space<vmem>>, %arg3: memref<4096x128xf32, #tpu.memory_space<vmem>>, %arg4: memref<4096x128xf32, #tpu.memory_space<vmem>>, %arg5: memref<3x4x128x128xf32, #tpu.memory_space<vmem>>, %arg6: memref<3x4x128x128xf32, #tpu.memory_space<vmem>>, %arg7: memref<3x4x256xf32, #tpu.memory_space<vmem>>, %arg8: memref<512x128xf32, #tpu.memory_space<vmem>>, %arg9: memref<1x128xf32, #tpu.memory_space<vmem>>, %arg10: memref<128x128xf32, #tpu.memory_space<vmem>>, %arg11: memref<1x128xf32, #tpu.memory_space<vmem>>, %arg12: memref<1024x128xf32, #tpu.memory_space<vmem>>, %arg13: memref<256x4096xf32, #tpu.memory_space<vmem>>, %arg14: memref<4096x256xf32, #tpu.memory_space<vmem>>, %arg15: memref<256x4096xbf16, #tpu.memory_space<vmem>>, %arg16: memref<1024x256xf32, #tpu.memory_space<vmem>>) attributes {dimension_semantics = [#tpu.dimension_semantics<arbitrary>], iteration_bounds = array<i64: 24>, scalar_prefetch = 0 : i64, scratch_operands = 0 : i64, tpu.core_type = #tpu.core_type<tc>, window_params = [{transform_indices = @transform_0, window_bounds = array<i64: 256, 128>}, {transform_indices = @transform_1, window_bounds = array<i64: 4096, 128>}, {transform_indices = @transform_2, window_bounds = array<i64: 4096, 128>}, {transform_indices = @transform_3, window_bounds = array<i64: 4096, 128>}, {pipeline_mode = #tpu.pipeline_mode<synchronous>, transform_indices = @transform_4, window_bounds = array<i64: 3, 4, 128, 128>}, {pipeline_mode = #tpu.pipeline_mode<synchronous>, transform_indices = @transform_5, window_bounds = array<i64: 3, 4, 128, 128>}, {pipeline_mode = #tpu.pipeline_mode<synchronous>, transform_indices = @transform_6, window_bounds = array<i64: 3, 4, 256>}, {pipeline_mode = #tpu.pipeline_mode<synchronous>, transform_indices = @transform_7, window_bounds = array<i64: 512, 128>}, {pipeline_mode = #tpu.pipeline_mode<synchronous>, transform_indices = @transform_8, window_bounds = array<i64: 1, 128>}, {pipeline_mode = #tpu.pipeline_mode<synchronous>, transform_indices = @transform_9, window_bounds = array<i64: 128, 128>}, {pipeline_mode = #tpu.pipeline_mode<synchronous>, transform_indices = @transform_10, window_bounds = array<i64: 1, 128>}, {pipeline_mode = #tpu.pipeline_mode<synchronous>, transform_indices = @transform_11, window_bounds = array<i64: 1024, 128>}, {pipeline_mode = #tpu.pipeline_mode<synchronous>, transform_indices = @transform_12, window_bounds = array<i64: 256, 4096>}, {pipeline_mode = #tpu.pipeline_mode<synchronous>, transform_indices = @transform_13, window_bounds = array<i64: 4096, 256>}, {pipeline_mode = #tpu.pipeline_mode<synchronous>, transform_indices = @transform_14, window_bounds = array<i64: 256, 4096>}, {transform_indices = @transform_15, window_bounds = array<i64: 1024, 256>}]} {
    %get3A = arith.constant 0 : index
    %get3A_0 = arith.constant 0 : index
    %get3A_1 = vector.load %arg1[%get3A, %get3A_0] : memref<256x128xf32, #tpu.memory_space<vmem>>, vector<256x128xf32>
    %get3A_2 = arith.constant 0 : index
    %get3A_3 = arith.constant 0 : index
    %get3A_4 = vector.load %arg2[%get3A_2, %get3A_3] : memref<4096x128xf32, #tpu.memory_space<vmem>>, vector<4096x128xf32>
    %get3A_5 = arith.constant 0 : index
    %get3A_6 = arith.constant 0 : index
    %get3A_7 = arith.constant 0 : index
    %get3A_8 = arith.constant 0 : index
    %get3A_9 = vector.load %arg5[%get3A_5, %get3A_6, %get3A_7, %get3A_8] : memref<3x4x128x128xf32, #tpu.memory_space<vmem>>, vector<1x4x128x128xf32>
    %get3A_10 = vector.shape_cast %get3A_9 : vector<1x4x128x128xf32> to vector<4x128x128xf32>
    %get3A_11 = arith.constant 0 : index
    %get3A_12 = arith.constant 0 : index
    %get3A_13 = arith.constant 0 : index
    %get3A_14 = arith.constant 0 : index
    %get3A_15 = vector.load %arg6[%get3A_11, %get3A_12, %get3A_13, %get3A_14] : memref<3x4x128x128xf32, #tpu.memory_space<vmem>>, vector<1x4x128x128xf32>
    %get3A_16 = vector.shape_cast %get3A_15 : vector<1x4x128x128xf32> to vector<4x128x128xf32>
    %get3A_17 = arith.constant 0 : index
    %get3A_18 = arith.constant 0 : index
    %get3A_19 = arith.constant 0 : index
    %get3A_20 = vector.load %arg7[%get3A_17, %get3A_18, %get3A_19] : memref<3x4x256xf32, #tpu.memory_space<vmem>>, vector<1x4x256xf32>
    %get3A_21 = vector.shape_cast %get3A_20 : vector<1x4x256xf32> to vector<4x256xf32>
    %get3A_22 = arith.constant 0 : index
    %get3A_23 = arith.constant 0 : index
    %get3A_24 = vector.load %arg13[%get3A_22, %get3A_23] : memref<256x4096xf32, #tpu.memory_space<vmem>>, vector<256x4096xf32>
    %get3A_25 = arith.constant 0 : index
    %get3A_26 = arith.constant 0 : index
    %get3A_27 = vector.load %arg14[%get3A_25, %get3A_26] : memref<4096x256xf32, #tpu.memory_space<vmem>>, vector<4096x256xf32>
    %get3A_28 = arith.constant 0 : index
    %get3A_29 = arith.constant 0 : index
    %get3A_30 = vector.load %arg15[%get3A_28, %get3A_29] : memref<256x4096xbf16, #tpu.memory_space<vmem>>, vector<256x4096xbf16>
    %slice3A = vector.extract_strided_slice %get3A_21 {offsets = [0, 0], sizes = [1, 128], strides = [1, 1]} : vector<4x256xf32> to vector<1x128xf32>
    %slice3A_31 = vector.extract_strided_slice %get3A_21 {offsets = [0, 128], sizes = [1, 128], strides = [1, 1]} : vector<4x256xf32> to vector<1x128xf32>
    %slice3A_32 = vector.extract_strided_slice %get3A_10 {offsets = [0, 0, 0], sizes = [1, 128, 128], strides = [1, 1, 1]} : vector<4x128x128xf32> to vector<1x128x128xf32>
    %squeeze3A = vector.shape_cast %slice3A_32 : vector<1x128x128xf32> to vector<128x128xf32>
    %mul3A = vector.broadcast %slice3A : vector<1x128xf32> to vector<128x128xf32>
    %mul3A_33 = arith.mulf %squeeze3A, %mul3A : vector<128x128xf32>
    %reduce_sum3A = arith.constant dense<0.000000e+00> : vector<128xf32>
    %reduce_sum3A_34 = vector.multi_reduction <add>, %mul3A_33, %reduce_sum3A [1] : vector<128x128xf32> to vector<128xf32>
    %broadcast_in_dim3A = vector.shape_cast %reduce_sum3A_34 : vector<128xf32> to vector<128x1xf32>
    %slice3A_35 = vector.extract_strided_slice %get3A_16 {offsets = [0, 0, 0], sizes = [1, 128, 128], strides = [1, 1, 1]} : vector<4x128x128xf32> to vector<1x128x128xf32>
    %squeeze3A_36 = vector.shape_cast %slice3A_35 : vector<1x128x128xf32> to vector<128x128xf32>
    %mul3A_37 = vector.broadcast %slice3A_31 : vector<1x128xf32> to vector<128x128xf32>
    %mul3A_38 = arith.mulf %squeeze3A_36, %mul3A_37 : vector<128x128xf32>
    %reduce_sum3A_39 = arith.constant dense<0.000000e+00> : vector<128xf32>
    %reduce_sum3A_40 = vector.multi_reduction <add>, %mul3A_38, %reduce_sum3A_39 [1] : vector<128x128xf32> to vector<128xf32>
    %broadcast_in_dim3A_41 = vector.shape_cast %reduce_sum3A_40 : vector<128xf32> to vector<128x1xf32>
    %slice3A_42 = vector.extract_strided_slice %get3A_21 {offsets = [1, 0], sizes = [1, 128], strides = [1, 1]} : vector<4x256xf32> to vector<1x128xf32>
    %slice3A_43 = vector.extract_strided_slice %get3A_21 {offsets = [1, 128], sizes = [1, 128], strides = [1, 1]} : vector<4x256xf32> to vector<1x128xf32>
    %slice3A_44 = vector.extract_strided_slice %get3A_10 {offsets = [1, 0, 0], sizes = [1, 128, 128], strides = [1, 1, 1]} : vector<4x128x128xf32> to vector<1x128x128xf32>
    %squeeze3A_45 = vector.shape_cast %slice3A_44 : vector<1x128x128xf32> to vector<128x128xf32>
    %mul3A_46 = vector.broadcast %slice3A_42 : vector<1x128xf32> to vector<128x128xf32>
    %mul3A_47 = arith.mulf %squeeze3A_45, %mul3A_46 : vector<128x128xf32>
    %reduce_sum3A_48 = arith.constant dense<0.000000e+00> : vector<128xf32>
    %reduce_sum3A_49 = vector.multi_reduction <add>, %mul3A_47, %reduce_sum3A_48 [1] : vector<128x128xf32> to vector<128xf32>
    %broadcast_in_dim3A_50 = vector.shape_cast %reduce_sum3A_49 : vector<128xf32> to vector<128x1xf32>
    %slice3A_51 = vector.extract_strided_slice %get3A_16 {offsets = [1, 0, 0], sizes = [1, 128, 128], strides = [1, 1, 1]} : vector<4x128x128xf32> to vector<1x128x128xf32>
    %squeeze3A_52 = vector.shape_cast %slice3A_51 : vector<1x128x128xf32> to vector<128x128xf32>
    %mul3A_53 = vector.broadcast %slice3A_43 : vector<1x128xf32> to vector<128x128xf32>
    %mul3A_54 = arith.mulf %squeeze3A_52, %mul3A_53 : vector<128x128xf32>
    %reduce_sum3A_55 = arith.constant dense<0.000000e+00> : vector<128xf32>
    %reduce_sum3A_56 = vector.multi_reduction <add>, %mul3A_54, %reduce_sum3A_55 [1] : vector<128x128xf32> to vector<128xf32>
    %broadcast_in_dim3A_57 = vector.shape_cast %reduce_sum3A_56 : vector<128xf32> to vector<128x1xf32>
    %slice3A_58 = vector.extract_strided_slice %get3A_21 {offsets = [2, 0], sizes = [1, 128], strides = [1, 1]} : vector<4x256xf32> to vector<1x128xf32>
    %slice3A_59 = vector.extract_strided_slice %get3A_21 {offsets = [2, 128], sizes = [1, 128], strides = [1, 1]} : vector<4x256xf32> to vector<1x128xf32>
    %slice3A_60 = vector.extract_strided_slice %get3A_10 {offsets = [2, 0, 0], sizes = [1, 128, 128], strides = [1, 1, 1]} : vector<4x128x128xf32> to vector<1x128x128xf32>
    %squeeze3A_61 = vector.shape_cast %slice3A_60 : vector<1x128x128xf32> to vector<128x128xf32>
    %mul3A_62 = vector.broadcast %slice3A_58 : vector<1x128xf32> to vector<128x128xf32>
    %mul3A_63 = arith.mulf %squeeze3A_61, %mul3A_62 : vector<128x128xf32>
    %reduce_sum3A_64 = arith.constant dense<0.000000e+00> : vector<128xf32>
    %reduce_sum3A_65 = vector.multi_reduction <add>, %mul3A_63, %reduce_sum3A_64 [1] : vector<128x128xf32> to vector<128xf32>
    %broadcast_in_dim3A_66 = vector.shape_cast %reduce_sum3A_65 : vector<128xf32> to vector<128x1xf32>
    %slice3A_67 = vector.extract_strided_slice %get3A_16 {offsets = [2, 0, 0], sizes = [1, 128, 128], strides = [1, 1, 1]} : vector<4x128x128xf32> to vector<1x128x128xf32>
    %squeeze3A_68 = vector.shape_cast %slice3A_67 : vector<1x128x128xf32> to vector<128x128xf32>
    %mul3A_69 = vector.broadcast %slice3A_59 : vector<1x128xf32> to vector<128x128xf32>
    %mul3A_70 = arith.mulf %squeeze3A_68, %mul3A_69 : vector<128x128xf32>
    %reduce_sum3A_71 = arith.constant dense<0.000000e+00> : vector<128xf32>
    %reduce_sum3A_72 = vector.multi_reduction <add>, %mul3A_70, %reduce_sum3A_71 [1] : vector<128x128xf32> to vector<128xf32>
    %broadcast_in_dim3A_73 = vector.shape_cast %reduce_sum3A_72 : vector<128xf32> to vector<128x1xf32>
    %slice3A_74 = vector.extract_strided_slice %get3A_21 {offsets = [3, 0], sizes = [1, 128], strides = [1, 1]} : vector<4x256xf32> to vector<1x128xf32>
    %slice3A_75 = vector.extract_strided_slice %get3A_21 {offsets = [3, 128], sizes = [1, 128], strides = [1, 1]} : vector<4x256xf32> to vector<1x128xf32>
    %slice3A_76 = vector.extract_strided_slice %get3A_10 {offsets = [3, 0, 0], sizes = [1, 128, 128], strides = [1, 1, 1]} : vector<4x128x128xf32> to vector<1x128x128xf32>
    %squeeze3A_77 = vector.shape_cast %slice3A_76 : vector<1x128x128xf32> to vector<128x128xf32>
    %mul3A_78 = vector.broadcast %slice3A_74 : vector<1x128xf32> to vector<128x128xf32>
    %mul3A_79 = arith.mulf %squeeze3A_77, %mul3A_78 : vector<128x128xf32>
    %reduce_sum3A_80 = arith.constant dense<0.000000e+00> : vector<128xf32>
    %reduce_sum3A_81 = vector.multi_reduction <add>, %mul3A_79, %reduce_sum3A_80 [1] : vector<128x128xf32> to vector<128xf32>
    %broadcast_in_dim3A_82 = vector.shape_cast %reduce_sum3A_81 : vector<128xf32> to vector<128x1xf32>
    %slice3A_83 = vector.extract_strided_slice %get3A_16 {offsets = [3, 0, 0], sizes = [1, 128, 128], strides = [1, 1, 1]} : vector<4x128x128xf32> to vector<1x128x128xf32>
    %squeeze3A_84 = vector.shape_cast %slice3A_83 : vector<1x128x128xf32> to vector<128x128xf32>
    %mul3A_85 = vector.broadcast %slice3A_75 : vector<1x128xf32> to vector<128x128xf32>
    %mul3A_86 = arith.mulf %squeeze3A_84, %mul3A_85 : vector<128x128xf32>
    %reduce_sum3A_87 = arith.constant dense<0.000000e+00> : vector<128xf32>
    %reduce_sum3A_88 = vector.multi_reduction <add>, %mul3A_86, %reduce_sum3A_87 [1] : vector<128x128xf32> to vector<128xf32>
    %broadcast_in_dim3A_89 = vector.shape_cast %reduce_sum3A_88 : vector<128xf32> to vector<128x1xf32>
    %concatenate3A = tpu.concatenate %broadcast_in_dim3A, %broadcast_in_dim3A_50, %broadcast_in_dim3A_66, %broadcast_in_dim3A_82 in 1 : vector<128x1xf32>, vector<128x1xf32>, vector<128x1xf32>, vector<128x1xf32> -> vector<128x4xf32>
    %concatenate3A_90 = tpu.concatenate %broadcast_in_dim3A_41, %broadcast_in_dim3A_57, %broadcast_in_dim3A_73, %broadcast_in_dim3A_89 in 1 : vector<128x1xf32>, vector<128x1xf32>, vector<128x1xf32>, vector<128x1xf32> -> vector<128x4xf32>
    %dot_general3A = arith.constant dense<0.000000e+00> : vector<256x4xf32>
    %dot_general3A_91 = tpu.matmul %get3A_1, %concatenate3A, %dot_general3A {dimension_numbers = #tpu.dot_dimension_numbers<[1], [0], [0], [1], [0, 0, 1, 1], [], []>, transpose_lhs_hint = false} : vector<256x128xf32>, vector<128x4xf32>, vector<256x4xf32> -> vector<256x4xf32>
    %dot_general3A_92 = arith.constant dense<0.000000e+00> : vector<4096x4xf32>
    %dot_general3A_93 = tpu.matmul %get3A_4, %concatenate3A_90, %dot_general3A_92 {dimension_numbers = #tpu.dot_dimension_numbers<[1], [0], [0], [1], [0, 0, 1, 1], [], []>, transpose_lhs_hint = false} : vector<4096x128xf32>, vector<128x4xf32>, vector<4096x4xf32> -> vector<4096x4xf32>
    %dot_general3A_94 = arith.constant dense<0.000000e+00> : vector<4096x4xf32>
    %dot_general3A_95 = tpu.matmul %get3A_27, %dot_general3A_91, %dot_general3A_94 {dimension_numbers = #tpu.dot_dimension_numbers<[1], [0], [0], [1], [0, 0, 1, 1], [], []>, transpose_lhs_hint = false} : vector<4096x256xf32>, vector<256x4xf32>, vector<4096x4xf32> -> vector<4096x4xf32>
    %add3A = arith.addf %dot_general3A_95, %dot_general3A_93 : vector<4096x4xf32>
    %ge3A = arith.constant 0.000000e+00 : f32
    %ge3A_96 = vector.broadcast %ge3A : f32 to vector<4096x4xf32>
    %ge3A_97 = arith.cmpf oge, %add3A, %ge3A_96 : vector<4096x4xf32>
    %mul3A_98 = arith.constant 2.000000e-01 : f32
    %mul3A_99 = vector.broadcast %mul3A_98 : f32 to vector<4096x4xf32>
    %mul3A_100 = arith.mulf %mul3A_99, %add3A : vector<4096x4xf32>
    %select_n3A = arith.select %ge3A_97, %add3A, %mul3A_100 : vector<4096x4xi1>, vector<4096x4xf32>
    %reduce_max3A = vector.shape_cast %select_n3A : vector<4096x4xf32> to vector<1x4096x4xf32>
    %reduce_max3A_101 = arith.constant dense<0xFF800000> : vector<1xf32>
    %reduce_max3A_102 = vector.multi_reduction <maximumf>, %reduce_max3A, %reduce_max3A_101 [1, 2] : vector<1x4096x4xf32> to vector<1xf32>
    %reduce_max3A_103 = vector.shape_cast %reduce_max3A_102 : vector<1xf32> to vector<1x1x1xf32>
    %reduce_max3A_104 = vector.extract %reduce_max3A_103[0, 0, 0] : f32 from vector<1x1x1xf32>
    %sub3A = vector.broadcast %reduce_max3A_104 : f32 to vector<4096x4xf32>
    %sub3A_105 = arith.subf %select_n3A, %sub3A : vector<4096x4xf32>
    %exp3A = math.exp %sub3A_105 : vector<4096x4xf32>
    %dot_general3A_106 = arith.constant dense<0.000000e+00> : vector<256x4xf32>
    %dot_general3A_107 = tpu.matmul %get3A_24, %exp3A, %dot_general3A_106 {dimension_numbers = #tpu.dot_dimension_numbers<[1], [0], [0], [1], [0, 0, 1, 1], [], []>, transpose_lhs_hint = false} : vector<256x4096xf32>, vector<4096x4xf32>, vector<256x4xf32> -> vector<256x4xf32>
    %div3A = arith.constant 1.000000e+00 : f32
    %div3A_108 = vector.broadcast %div3A : f32 to vector<256x4xf32>
    %div3A_109 = arith.divf %div3A_108, %dot_general3A_107 : vector<256x4xf32>
    %dot_general3A_110 = arith.constant dense<0.000000e+00> : vector<4096x4xf32>
    %dot_general3A_111 = tpu.matmul %get3A_27, %div3A_109, %dot_general3A_110 {dimension_numbers = #tpu.dot_dimension_numbers<[1], [0], [0], [1], [0, 0, 1, 1], [], []>, transpose_lhs_hint = false} : vector<4096x256xf32>, vector<256x4xf32>, vector<4096x4xf32> -> vector<4096x4xf32>
    %mul3A_112 = arith.mulf %exp3A, %dot_general3A_111 : vector<4096x4xf32>
    %slice3A_113 = vector.extract_strided_slice %mul3A_112 {offsets = [0, 0], sizes = [4096, 1], strides = [1, 1]} : vector<4096x4xf32> to vector<4096x1xf32>
    %mul3A_114 = vector.broadcast %slice3A_113 : vector<4096x1xf32> to vector<4096x128xf32>
    %mul3A_115 = arith.mulf %get3A_4, %mul3A_114 : vector<4096x128xf32>
    %convert_element_type3A = arith.truncf %mul3A_115 : vector<4096x128xf32> to vector<4096x128xbf16>
    %dot_general3A_116 = arith.constant dense<0.000000e+00> : vector<256x128xf32>
    %dot_general3A_117 = tpu.matmul %get3A_30, %convert_element_type3A, %dot_general3A_116 {dimension_numbers = #tpu.dot_dimension_numbers<[1], [0], [0], [1], [0, 0, 1, 1], [], []>, transpose_lhs_hint = false} : vector<256x4096xbf16>, vector<4096x128xbf16>, vector<256x128xf32> -> vector<256x128xf32>
    %slice3A_118 = vector.extract_strided_slice %get3A_16 {offsets = [0, 0, 0], sizes = [1, 128, 128], strides = [1, 1, 1]} : vector<4x128x128xf32> to vector<1x128x128xf32>
    %squeeze3A_119 = vector.shape_cast %slice3A_118 : vector<1x128x128xf32> to vector<128x128xf32>
    %dot_general3A_120 = arith.constant dense<0.000000e+00> : vector<256x128xf32>
    %dot_general3A_121 = tpu.matmul %dot_general3A_117, %squeeze3A_119, %dot_general3A_120 {dimension_numbers = #tpu.dot_dimension_numbers<[1], [0], [0], [1], [0, 0, 1, 1], [], []>, transpose_lhs_hint = false} : vector<256x128xf32>, vector<128x128xf32>, vector<256x128xf32> -> vector<256x128xf32>
    %gt3A = arith.constant 0.000000e+00 : f32
    %gt3A_122 = vector.broadcast %gt3A : f32 to vector<256x128xf32>
    %gt3A_123 = arith.cmpf ogt, %dot_general3A_121, %gt3A_122 : vector<256x128xf32>
    %exp3A_124 = math.exp %dot_general3A_121 : vector<256x128xf32>
    %sub3A_125 = arith.constant 1.000000e+00 : f32
    %sub3A_126 = vector.broadcast %sub3A_125 : f32 to vector<256x128xf32>
    %sub3A_127 = arith.subf %exp3A_124, %sub3A_126 : vector<256x128xf32>
    %select_n3A_128 = arith.select %gt3A_123, %dot_general3A_121, %sub3A_127 : vector<256x128xi1>, vector<256x128xf32>
    %slice3A_129 = vector.extract_strided_slice %mul3A_112 {offsets = [0, 1], sizes = [4096, 1], strides = [1, 1]} : vector<4096x4xf32> to vector<4096x1xf32>
    %mul3A_130 = vector.broadcast %slice3A_129 : vector<4096x1xf32> to vector<4096x128xf32>
    %mul3A_131 = arith.mulf %get3A_4, %mul3A_130 : vector<4096x128xf32>
    %convert_element_type3A_132 = arith.truncf %mul3A_131 : vector<4096x128xf32> to vector<4096x128xbf16>
    %dot_general3A_133 = arith.constant dense<0.000000e+00> : vector<256x128xf32>
    %dot_general3A_134 = tpu.matmul %get3A_30, %convert_element_type3A_132, %dot_general3A_133 {dimension_numbers = #tpu.dot_dimension_numbers<[1], [0], [0], [1], [0, 0, 1, 1], [], []>, transpose_lhs_hint = false} : vector<256x4096xbf16>, vector<4096x128xbf16>, vector<256x128xf32> -> vector<256x128xf32>
    %slice3A_135 = vector.extract_strided_slice %get3A_16 {offsets = [1, 0, 0], sizes = [1, 128, 128], strides = [1, 1, 1]} : vector<4x128x128xf32> to vector<1x128x128xf32>
    %squeeze3A_136 = vector.shape_cast %slice3A_135 : vector<1x128x128xf32> to vector<128x128xf32>
    %dot_general3A_137 = arith.constant dense<0.000000e+00> : vector<256x128xf32>
    %dot_general3A_138 = tpu.matmul %dot_general3A_134, %squeeze3A_136, %dot_general3A_137 {dimension_numbers = #tpu.dot_dimension_numbers<[1], [0], [0], [1], [0, 0, 1, 1], [], []>, transpose_lhs_hint = false} : vector<256x128xf32>, vector<128x128xf32>, vector<256x128xf32> -> vector<256x128xf32>
    %gt3A_139 = arith.constant 0.000000e+00 : f32
    %gt3A_140 = vector.broadcast %gt3A_139 : f32 to vector<256x128xf32>
    %gt3A_141 = arith.cmpf ogt, %dot_general3A_138, %gt3A_140 : vector<256x128xf32>
    %exp3A_142 = math.exp %dot_general3A_138 : vector<256x128xf32>
    %sub3A_143 = arith.constant 1.000000e+00 : f32
    %sub3A_144 = vector.broadcast %sub3A_143 : f32 to vector<256x128xf32>
    %sub3A_145 = arith.subf %exp3A_142, %sub3A_144 : vector<256x128xf32>
    %select_n3A_146 = arith.select %gt3A_141, %dot_general3A_138, %sub3A_145 : vector<256x128xi1>, vector<256x128xf32>
    %slice3A_147 = vector.extract_strided_slice %mul3A_112 {offsets = [0, 2], sizes = [4096, 1], strides = [1, 1]} : vector<4096x4xf32> to vector<4096x1xf32>
    %mul3A_148 = vector.broadcast %slice3A_147 : vector<4096x1xf32> to vector<4096x128xf32>
    %mul3A_149 = arith.mulf %get3A_4, %mul3A_148 : vector<4096x128xf32>
    %convert_element_type3A_150 = arith.truncf %mul3A_149 : vector<4096x128xf32> to vector<4096x128xbf16>
    %dot_general3A_151 = arith.constant dense<0.000000e+00> : vector<256x128xf32>
    %dot_general3A_152 = tpu.matmul %get3A_30, %convert_element_type3A_150, %dot_general3A_151 {dimension_numbers = #tpu.dot_dimension_numbers<[1], [0], [0], [1], [0, 0, 1, 1], [], []>, transpose_lhs_hint = false} : vector<256x4096xbf16>, vector<4096x128xbf16>, vector<256x128xf32> -> vector<256x128xf32>
    %slice3A_153 = vector.extract_strided_slice %get3A_16 {offsets = [2, 0, 0], sizes = [1, 128, 128], strides = [1, 1, 1]} : vector<4x128x128xf32> to vector<1x128x128xf32>
    %squeeze3A_154 = vector.shape_cast %slice3A_153 : vector<1x128x128xf32> to vector<128x128xf32>
    %dot_general3A_155 = arith.constant dense<0.000000e+00> : vector<256x128xf32>
    %dot_general3A_156 = tpu.matmul %dot_general3A_152, %squeeze3A_154, %dot_general3A_155 {dimension_numbers = #tpu.dot_dimension_numbers<[1], [0], [0], [1], [0, 0, 1, 1], [], []>, transpose_lhs_hint = false} : vector<256x128xf32>, vector<128x128xf32>, vector<256x128xf32> -> vector<256x128xf32>
    %gt3A_157 = arith.constant 0.000000e+00 : f32
    %gt3A_158 = vector.broadcast %gt3A_157 : f32 to vector<256x128xf32>
    %gt3A_159 = arith.cmpf ogt, %dot_general3A_156, %gt3A_158 : vector<256x128xf32>
    %exp3A_160 = math.exp %dot_general3A_156 : vector<256x128xf32>
    %sub3A_161 = arith.constant 1.000000e+00 : f32
    %sub3A_162 = vector.broadcast %sub3A_161 : f32 to vector<256x128xf32>
    %sub3A_163 = arith.subf %exp3A_160, %sub3A_162 : vector<256x128xf32>
    %select_n3A_164 = arith.select %gt3A_159, %dot_general3A_156, %sub3A_163 : vector<256x128xi1>, vector<256x128xf32>
    %slice3A_165 = vector.extract_strided_slice %mul3A_112 {offsets = [0, 3], sizes = [4096, 1], strides = [1, 1]} : vector<4096x4xf32> to vector<4096x1xf32>
    %mul3A_166 = vector.broadcast %slice3A_165 : vector<4096x1xf32> to vector<4096x128xf32>
    %mul3A_167 = arith.mulf %get3A_4, %mul3A_166 : vector<4096x128xf32>
    %convert_element_type3A_168 = arith.truncf %mul3A_167 : vector<4096x128xf32> to vector<4096x128xbf16>
    %dot_general3A_169 = arith.constant dense<0.000000e+00> : vector<256x128xf32>
    %dot_general3A_170 = tpu.matmul %get3A_30, %convert_element_type3A_168, %dot_general3A_169 {dimension_numbers = #tpu.dot_dimension_numbers<[1], [0], [0], [1], [0, 0, 1, 1], [], []>, transpose_lhs_hint = false} : vector<256x4096xbf16>, vector<4096x128xbf16>, vector<256x128xf32> -> vector<256x128xf32>
    %slice3A_171 = vector.extract_strided_slice %get3A_16 {offsets = [3, 0, 0], sizes = [1, 128, 128], strides = [1, 1, 1]} : vector<4x128x128xf32> to vector<1x128x128xf32>
    %squeeze3A_172 = vector.shape_cast %slice3A_171 : vector<1x128x128xf32> to vector<128x128xf32>
    %dot_general3A_173 = arith.constant dense<0.000000e+00> : vector<256x128xf32>
    %dot_general3A_174 = tpu.matmul %dot_general3A_170, %squeeze3A_172, %dot_general3A_173 {dimension_numbers = #tpu.dot_dimension_numbers<[1], [0], [0], [1], [0, 0, 1, 1], [], []>, transpose_lhs_hint = false} : vector<256x128xf32>, vector<128x128xf32>, vector<256x128xf32> -> vector<256x128xf32>
    %gt3A_175 = arith.constant 0.000000e+00 : f32
    %gt3A_176 = vector.broadcast %gt3A_175 : f32 to vector<256x128xf32>
    %gt3A_177 = arith.cmpf ogt, %dot_general3A_174, %gt3A_176 : vector<256x128xf32>
    %exp3A_178 = math.exp %dot_general3A_174 : vector<256x128xf32>
    %sub3A_179 = arith.constant 1.000000e+00 : f32
    %sub3A_180 = vector.broadcast %sub3A_179 : f32 to vector<256x128xf32>
    %sub3A_181 = arith.subf %exp3A_178, %sub3A_180 : vector<256x128xf32>
    %select_n3A_182 = arith.select %gt3A_177, %dot_general3A_174, %sub3A_181 : vector<256x128xi1>, vector<256x128xf32>
    %concatenate3A_183 = tpu.concatenate %select_n3A_128, %select_n3A_146, %select_n3A_164, %select_n3A_182 in 1 : vector<256x128xf32>, vector<256x128xf32>, vector<256x128xf32>, vector<256x128xf32> -> vector<256x512xf32>
    %get3A_184 = arith.constant 0 : index
    %get3A_185 = arith.constant 0 : index
    %get3A_186 = vector.load %arg8[%get3A_184, %get3A_185] : memref<512x128xf32, #tpu.memory_space<vmem>>, vector<512x128xf32>
    %dot_general3A_187 = arith.constant dense<0.000000e+00> : vector<256x128xf32>
    %dot_general3A_188 = tpu.matmul %concatenate3A_183, %get3A_186, %dot_general3A_187 {dimension_numbers = #tpu.dot_dimension_numbers<[1], [0], [0], [1], [0, 0, 1, 1], [], []>, transpose_lhs_hint = false} : vector<256x512xf32>, vector<512x128xf32>, vector<256x128xf32> -> vector<256x128xf32>
    %get3A_189 = arith.constant 0 : index
    %get3A_190 = arith.constant 0 : index
    %get3A_191 = vector.load %arg9[%get3A_189, %get3A_190] : memref<1x128xf32, #tpu.memory_space<vmem>>, vector<1x128xf32>
    %add3A_192 = vector.broadcast %get3A_191 : vector<1x128xf32> to vector<256x128xf32>
    %add3A_193 = arith.addf %dot_general3A_188, %add3A_192 : vector<256x128xf32>
    %get3A_194 = arith.constant 0 : index
    %get3A_195 = arith.constant 0 : index
    %get3A_196 = vector.load %arg3[%get3A_194, %get3A_195] : memref<4096x128xf32, #tpu.memory_space<vmem>>, vector<4096x128xf32>
    %get3A_197 = arith.constant 1 : index
    %get3A_198 = arith.constant 0 : index
    %get3A_199 = arith.constant 0 : index
    %get3A_200 = arith.constant 0 : index
    %get3A_201 = vector.load %arg5[%get3A_197, %get3A_198, %get3A_199, %get3A_200] : memref<3x4x128x128xf32, #tpu.memory_space<vmem>>, vector<1x4x128x128xf32>
    %get3A_202 = vector.shape_cast %get3A_201 : vector<1x4x128x128xf32> to vector<4x128x128xf32>
    %get3A_203 = arith.constant 1 : index
    %get3A_204 = arith.constant 0 : index
    %get3A_205 = arith.constant 0 : index
    %get3A_206 = arith.constant 0 : index
    %get3A_207 = vector.load %arg6[%get3A_203, %get3A_204, %get3A_205, %get3A_206] : memref<3x4x128x128xf32, #tpu.memory_space<vmem>>, vector<1x4x128x128xf32>
    %get3A_208 = vector.shape_cast %get3A_207 : vector<1x4x128x128xf32> to vector<4x128x128xf32>
    %get3A_209 = arith.constant 1 : index
    %get3A_210 = arith.constant 0 : index
    %get3A_211 = arith.constant 0 : index
    %get3A_212 = vector.load %arg7[%get3A_209, %get3A_210, %get3A_211] : memref<3x4x256xf32, #tpu.memory_space<vmem>>, vector<1x4x256xf32>
    %get3A_213 = vector.shape_cast %get3A_212 : vector<1x4x256xf32> to vector<4x256xf32>
    %get3A_214 = arith.constant 0 : index
    %get3A_215 = arith.constant 0 : index
    %get3A_216 = vector.load %arg13[%get3A_214, %get3A_215] : memref<256x4096xf32, #tpu.memory_space<vmem>>, vector<256x4096xf32>
    %get3A_217 = arith.constant 0 : index
    %get3A_218 = arith.constant 0 : index
    %get3A_219 = vector.load %arg14[%get3A_217, %get3A_218] : memref<4096x256xf32, #tpu.memory_space<vmem>>, vector<4096x256xf32>
    %get3A_220 = arith.constant 0 : index
    %get3A_221 = arith.constant 0 : index
    %get3A_222 = vector.load %arg15[%get3A_220, %get3A_221] : memref<256x4096xbf16, #tpu.memory_space<vmem>>, vector<256x4096xbf16>
    %slice3A_223 = vector.extract_strided_slice %get3A_213 {offsets = [0, 0], sizes = [1, 128], strides = [1, 1]} : vector<4x256xf32> to vector<1x128xf32>
    %slice3A_224 = vector.extract_strided_slice %get3A_213 {offsets = [0, 128], sizes = [1, 128], strides = [1, 1]} : vector<4x256xf32> to vector<1x128xf32>
    %slice3A_225 = vector.extract_strided_slice %get3A_202 {offsets = [0, 0, 0], sizes = [1, 128, 128], strides = [1, 1, 1]} : vector<4x128x128xf32> to vector<1x128x128xf32>
    %squeeze3A_226 = vector.shape_cast %slice3A_225 : vector<1x128x128xf32> to vector<128x128xf32>
    %mul3A_227 = vector.broadcast %slice3A_223 : vector<1x128xf32> to vector<128x128xf32>
    %mul3A_228 = arith.mulf %squeeze3A_226, %mul3A_227 : vector<128x128xf32>
    %reduce_sum3A_229 = arith.constant dense<0.000000e+00> : vector<128xf32>
    %reduce_sum3A_230 = vector.multi_reduction <add>, %mul3A_228, %reduce_sum3A_229 [1] : vector<128x128xf32> to vector<128xf32>
    %broadcast_in_dim3A_231 = vector.shape_cast %reduce_sum3A_230 : vector<128xf32> to vector<128x1xf32>
    %slice3A_232 = vector.extract_strided_slice %get3A_208 {offsets = [0, 0, 0], sizes = [1, 128, 128], strides = [1, 1, 1]} : vector<4x128x128xf32> to vector<1x128x128xf32>
    %squeeze3A_233 = vector.shape_cast %slice3A_232 : vector<1x128x128xf32> to vector<128x128xf32>
    %mul3A_234 = vector.broadcast %slice3A_224 : vector<1x128xf32> to vector<128x128xf32>
    %mul3A_235 = arith.mulf %squeeze3A_233, %mul3A_234 : vector<128x128xf32>
    %reduce_sum3A_236 = arith.constant dense<0.000000e+00> : vector<128xf32>
    %reduce_sum3A_237 = vector.multi_reduction <add>, %mul3A_235, %reduce_sum3A_236 [1] : vector<128x128xf32> to vector<128xf32>
    %broadcast_in_dim3A_238 = vector.shape_cast %reduce_sum3A_237 : vector<128xf32> to vector<128x1xf32>
    %slice3A_239 = vector.extract_strided_slice %get3A_213 {offsets = [1, 0], sizes = [1, 128], strides = [1, 1]} : vector<4x256xf32> to vector<1x128xf32>
    %slice3A_240 = vector.extract_strided_slice %get3A_213 {offsets = [1, 128], sizes = [1, 128], strides = [1, 1]} : vector<4x256xf32> to vector<1x128xf32>
    %slice3A_241 = vector.extract_strided_slice %get3A_202 {offsets = [1, 0, 0], sizes = [1, 128, 128], strides = [1, 1, 1]} : vector<4x128x128xf32> to vector<1x128x128xf32>
    %squeeze3A_242 = vector.shape_cast %slice3A_241 : vector<1x128x128xf32> to vector<128x128xf32>
    %mul3A_243 = vector.broadcast %slice3A_239 : vector<1x128xf32> to vector<128x128xf32>
    %mul3A_244 = arith.mulf %squeeze3A_242, %mul3A_243 : vector<128x128xf32>
    %reduce_sum3A_245 = arith.constant dense<0.000000e+00> : vector<128xf32>
    %reduce_sum3A_246 = vector.multi_reduction <add>, %mul3A_244, %reduce_sum3A_245 [1] : vector<128x128xf32> to vector<128xf32>
    %broadcast_in_dim3A_247 = vector.shape_cast %reduce_sum3A_246 : vector<128xf32> to vector<128x1xf32>
    %slice3A_248 = vector.extract_strided_slice %get3A_208 {offsets = [1, 0, 0], sizes = [1, 128, 128], strides = [1, 1, 1]} : vector<4x128x128xf32> to vector<1x128x128xf32>
    %squeeze3A_249 = vector.shape_cast %slice3A_248 : vector<1x128x128xf32> to vector<128x128xf32>
    %mul3A_250 = vector.broadcast %slice3A_240 : vector<1x128xf32> to vector<128x128xf32>
    %mul3A_251 = arith.mulf %squeeze3A_249, %mul3A_250 : vector<128x128xf32>
    %reduce_sum3A_252 = arith.constant dense<0.000000e+00> : vector<128xf32>
    %reduce_sum3A_253 = vector.multi_reduction <add>, %mul3A_251, %reduce_sum3A_252 [1] : vector<128x128xf32> to vector<128xf32>
    %broadcast_in_dim3A_254 = vector.shape_cast %reduce_sum3A_253 : vector<128xf32> to vector<128x1xf32>
    %slice3A_255 = vector.extract_strided_slice %get3A_213 {offsets = [2, 0], sizes = [1, 128], strides = [1, 1]} : vector<4x256xf32> to vector<1x128xf32>
    %slice3A_256 = vector.extract_strided_slice %get3A_213 {offsets = [2, 128], sizes = [1, 128], strides = [1, 1]} : vector<4x256xf32> to vector<1x128xf32>
    %slice3A_257 = vector.extract_strided_slice %get3A_202 {offsets = [2, 0, 0], sizes = [1, 128, 128], strides = [1, 1, 1]} : vector<4x128x128xf32> to vector<1x128x128xf32>
    %squeeze3A_258 = vector.shape_cast %slice3A_257 : vector<1x128x128xf32> to vector<128x128xf32>
    %mul3A_259 = vector.broadcast %slice3A_255 : vector<1x128xf32> to vector<128x128xf32>
    %mul3A_260 = arith.mulf %squeeze3A_258, %mul3A_259 : vector<128x128xf32>
    %reduce_sum3A_261 = arith.constant dense<0.000000e+00> : vector<128xf32>
    %reduce_sum3A_262 = vector.multi_reduction <add>, %mul3A_260, %reduce_sum3A_261 [1] : vector<128x128xf32> to vector<128xf32>
    %broadcast_in_dim3A_263 = vector.shape_cast %reduce_sum3A_262 : vector<128xf32> to vector<128x1xf32>
    %slice3A_264 = vector.extract_strided_slice %get3A_208 {offsets = [2, 0, 0], sizes = [1, 128, 128], strides = [1, 1, 1]} : vector<4x128x128xf32> to vector<1x128x128xf32>
    %squeeze3A_265 = vector.shape_cast %slice3A_264 : vector<1x128x128xf32> to vector<128x128xf32>
    %mul3A_266 = vector.broadcast %slice3A_256 : vector<1x128xf32> to vector<128x128xf32>
    %mul3A_267 = arith.mulf %squeeze3A_265, %mul3A_266 : vector<128x128xf32>
    %reduce_sum3A_268 = arith.constant dense<0.000000e+00> : vector<128xf32>
    %reduce_sum3A_269 = vector.multi_reduction <add>, %mul3A_267, %reduce_sum3A_268 [1] : vector<128x128xf32> to vector<128xf32>
    %broadcast_in_dim3A_270 = vector.shape_cast %reduce_sum3A_269 : vector<128xf32> to vector<128x1xf32>
    %slice3A_271 = vector.extract_strided_slice %get3A_213 {offsets = [3, 0], sizes = [1, 128], strides = [1, 1]} : vector<4x256xf32> to vector<1x128xf32>
    %slice3A_272 = vector.extract_strided_slice %get3A_213 {offsets = [3, 128], sizes = [1, 128], strides = [1, 1]} : vector<4x256xf32> to vector<1x128xf32>
    %slice3A_273 = vector.extract_strided_slice %get3A_202 {offsets = [3, 0, 0], sizes = [1, 128, 128], strides = [1, 1, 1]} : vector<4x128x128xf32> to vector<1x128x128xf32>
    %squeeze3A_274 = vector.shape_cast %slice3A_273 : vector<1x128x128xf32> to vector<128x128xf32>
    %mul3A_275 = vector.broadcast %slice3A_271 : vector<1x128xf32> to vector<128x128xf32>
    %mul3A_276 = arith.mulf %squeeze3A_274, %mul3A_275 : vector<128x128xf32>
    %reduce_sum3A_277 = arith.constant dense<0.000000e+00> : vector<128xf32>
    %reduce_sum3A_278 = vector.multi_reduction <add>, %mul3A_276, %reduce_sum3A_277 [1] : vector<128x128xf32> to vector<128xf32>
    %broadcast_in_dim3A_279 = vector.shape_cast %reduce_sum3A_278 : vector<128xf32> to vector<128x1xf32>
    %slice3A_280 = vector.extract_strided_slice %get3A_208 {offsets = [3, 0, 0], sizes = [1, 128, 128], strides = [1, 1, 1]} : vector<4x128x128xf32> to vector<1x128x128xf32>
    %squeeze3A_281 = vector.shape_cast %slice3A_280 : vector<1x128x128xf32> to vector<128x128xf32>
    %mul3A_282 = vector.broadcast %slice3A_272 : vector<1x128xf32> to vector<128x128xf32>
    %mul3A_283 = arith.mulf %squeeze3A_281, %mul3A_282 : vector<128x128xf32>
    %reduce_sum3A_284 = arith.constant dense<0.000000e+00> : vector<128xf32>
    %reduce_sum3A_285 = vector.multi_reduction <add>, %mul3A_283, %reduce_sum3A_284 [1] : vector<128x128xf32> to vector<128xf32>
    %broadcast_in_dim3A_286 = vector.shape_cast %reduce_sum3A_285 : vector<128xf32> to vector<128x1xf32>
    %concatenate3A_287 = tpu.concatenate %broadcast_in_dim3A_231, %broadcast_in_dim3A_247, %broadcast_in_dim3A_263, %broadcast_in_dim3A_279 in 1 : vector<128x1xf32>, vector<128x1xf32>, vector<128x1xf32>, vector<128x1xf32> -> vector<128x4xf32>
    %concatenate3A_288 = tpu.concatenate %broadcast_in_dim3A_238, %broadcast_in_dim3A_254, %broadcast_in_dim3A_270, %broadcast_in_dim3A_286 in 1 : vector<128x1xf32>, vector<128x1xf32>, vector<128x1xf32>, vector<128x1xf32> -> vector<128x4xf32>
    %dot_general3A_289 = arith.constant dense<0.000000e+00> : vector<256x4xf32>
    %dot_general3A_290 = tpu.matmul %get3A_1, %concatenate3A_287, %dot_general3A_289 {dimension_numbers = #tpu.dot_dimension_numbers<[1], [0], [0], [1], [0, 0, 1, 1], [], []>, transpose_lhs_hint = false} : vector<256x128xf32>, vector<128x4xf32>, vector<256x4xf32> -> vector<256x4xf32>
    %dot_general3A_291 = arith.constant dense<0.000000e+00> : vector<4096x4xf32>
    %dot_general3A_292 = tpu.matmul %get3A_196, %concatenate3A_288, %dot_general3A_291 {dimension_numbers = #tpu.dot_dimension_numbers<[1], [0], [0], [1], [0, 0, 1, 1], [], []>, transpose_lhs_hint = false} : vector<4096x128xf32>, vector<128x4xf32>, vector<4096x4xf32> -> vector<4096x4xf32>
    %dot_general3A_293 = arith.constant dense<0.000000e+00> : vector<4096x4xf32>
    %dot_general3A_294 = tpu.matmul %get3A_219, %dot_general3A_290, %dot_general3A_293 {dimension_numbers = #tpu.dot_dimension_numbers<[1], [0], [0], [1], [0, 0, 1, 1], [], []>, transpose_lhs_hint = false} : vector<4096x256xf32>, vector<256x4xf32>, vector<4096x4xf32> -> vector<4096x4xf32>
    %add3A_295 = arith.addf %dot_general3A_294, %dot_general3A_292 : vector<4096x4xf32>
    %ge3A_296 = arith.constant 0.000000e+00 : f32
    %ge3A_297 = vector.broadcast %ge3A_296 : f32 to vector<4096x4xf32>
    %ge3A_298 = arith.cmpf oge, %add3A_295, %ge3A_297 : vector<4096x4xf32>
    %mul3A_299 = arith.constant 2.000000e-01 : f32
    %mul3A_300 = vector.broadcast %mul3A_299 : f32 to vector<4096x4xf32>
    %mul3A_301 = arith.mulf %mul3A_300, %add3A_295 : vector<4096x4xf32>
    %select_n3A_302 = arith.select %ge3A_298, %add3A_295, %mul3A_301 : vector<4096x4xi1>, vector<4096x4xf32>
    %reduce_max3A_303 = vector.shape_cast %select_n3A_302 : vector<4096x4xf32> to vector<1x4096x4xf32>
    %reduce_max3A_304 = arith.constant dense<0xFF800000> : vector<1xf32>
    %reduce_max3A_305 = vector.multi_reduction <maximumf>, %reduce_max3A_303, %reduce_max3A_304 [1, 2] : vector<1x4096x4xf32> to vector<1xf32>
    %reduce_max3A_306 = vector.shape_cast %reduce_max3A_305 : vector<1xf32> to vector<1x1x1xf32>
    %reduce_max3A_307 = vector.extract %reduce_max3A_306[0, 0, 0] : f32 from vector<1x1x1xf32>
    %sub3A_308 = vector.broadcast %reduce_max3A_307 : f32 to vector<4096x4xf32>
    %sub3A_309 = arith.subf %select_n3A_302, %sub3A_308 : vector<4096x4xf32>
    %exp3A_310 = math.exp %sub3A_309 : vector<4096x4xf32>
    %dot_general3A_311 = arith.constant dense<0.000000e+00> : vector<256x4xf32>
    %dot_general3A_312 = tpu.matmul %get3A_216, %exp3A_310, %dot_general3A_311 {dimension_numbers = #tpu.dot_dimension_numbers<[1], [0], [0], [1], [0, 0, 1, 1], [], []>, transpose_lhs_hint = false} : vector<256x4096xf32>, vector<4096x4xf32>, vector<256x4xf32> -> vector<256x4xf32>
    %div3A_313 = arith.constant 1.000000e+00 : f32
    %div3A_314 = vector.broadcast %div3A_313 : f32 to vector<256x4xf32>
    %div3A_315 = arith.divf %div3A_314, %dot_general3A_312 : vector<256x4xf32>
    %dot_general3A_316 = arith.constant dense<0.000000e+00> : vector<4096x4xf32>
    %dot_general3A_317 = tpu.matmul %get3A_219, %div3A_315, %dot_general3A_316 {dimension_numbers = #tpu.dot_dimension_numbers<[1], [0], [0], [1], [0, 0, 1, 1], [], []>, transpose_lhs_hint = false} : vector<4096x256xf32>, vector<256x4xf32>, vector<4096x4xf32> -> vector<4096x4xf32>
    %mul3A_318 = arith.mulf %exp3A_310, %dot_general3A_317 : vector<4096x4xf32>
    %slice3A_319 = vector.extract_strided_slice %mul3A_318 {offsets = [0, 0], sizes = [4096, 1], strides = [1, 1]} : vector<4096x4xf32> to vector<4096x1xf32>
    %mul3A_320 = vector.broadcast %slice3A_319 : vector<4096x1xf32> to vector<4096x128xf32>
    %mul3A_321 = arith.mulf %get3A_196, %mul3A_320 : vector<4096x128xf32>
    %convert_element_type3A_322 = arith.truncf %mul3A_321 : vector<4096x128xf32> to vector<4096x128xbf16>
    %dot_general3A_323 = arith.constant dense<0.000000e+00> : vector<256x128xf32>
    %dot_general3A_324 = tpu.matmul %get3A_222, %convert_element_type3A_322, %dot_general3A_323 {dimension_numbers = #tpu.dot_dimension_numbers<[1], [0], [0], [1], [0, 0, 1, 1], [], []>, transpose_lhs_hint = false} : vector<256x4096xbf16>, vector<4096x128xbf16>, vector<256x128xf32> -> vector<256x128xf32>
    %slice3A_325 = vector.extract_strided_slice %get3A_208 {offsets = [0, 0, 0], sizes = [1, 128, 128], strides = [1, 1, 1]} : vector<4x128x128xf32> to vector<1x128x128xf32>
    %squeeze3A_326 = vector.shape_cast %slice3A_325 : vector<1x128x128xf32> to vector<128x128xf32>
    %dot_general3A_327 = arith.constant dense<0.000000e+00> : vector<256x128xf32>
    %dot_general3A_328 = tpu.matmul %dot_general3A_324, %squeeze3A_326, %dot_general3A_327 {dimension_numbers = #tpu.dot_dimension_numbers<[1], [0], [0], [1], [0, 0, 1, 1], [], []>, transpose_lhs_hint = false} : vector<256x128xf32>, vector<128x128xf32>, vector<256x128xf32> -> vector<256x128xf32>
    %gt3A_329 = arith.constant 0.000000e+00 : f32
    %gt3A_330 = vector.broadcast %gt3A_329 : f32 to vector<256x128xf32>
    %gt3A_331 = arith.cmpf ogt, %dot_general3A_328, %gt3A_330 : vector<256x128xf32>
    %exp3A_332 = math.exp %dot_general3A_328 : vector<256x128xf32>
    %sub3A_333 = arith.constant 1.000000e+00 : f32
    %sub3A_334 = vector.broadcast %sub3A_333 : f32 to vector<256x128xf32>
    %sub3A_335 = arith.subf %exp3A_332, %sub3A_334 : vector<256x128xf32>
    %select_n3A_336 = arith.select %gt3A_331, %dot_general3A_328, %sub3A_335 : vector<256x128xi1>, vector<256x128xf32>
    %slice3A_337 = vector.extract_strided_slice %mul3A_318 {offsets = [0, 1], sizes = [4096, 1], strides = [1, 1]} : vector<4096x4xf32> to vector<4096x1xf32>
    %mul3A_338 = vector.broadcast %slice3A_337 : vector<4096x1xf32> to vector<4096x128xf32>
    %mul3A_339 = arith.mulf %get3A_196, %mul3A_338 : vector<4096x128xf32>
    %convert_element_type3A_340 = arith.truncf %mul3A_339 : vector<4096x128xf32> to vector<4096x128xbf16>
    %dot_general3A_341 = arith.constant dense<0.000000e+00> : vector<256x128xf32>
    %dot_general3A_342 = tpu.matmul %get3A_222, %convert_element_type3A_340, %dot_general3A_341 {dimension_numbers = #tpu.dot_dimension_numbers<[1], [0], [0], [1], [0, 0, 1, 1], [], []>, transpose_lhs_hint = false} : vector<256x4096xbf16>, vector<4096x128xbf16>, vector<256x128xf32> -> vector<256x128xf32>
    %slice3A_343 = vector.extract_strided_slice %get3A_208 {offsets = [1, 0, 0], sizes = [1, 128, 128], strides = [1, 1, 1]} : vector<4x128x128xf32> to vector<1x128x128xf32>
    %squeeze3A_344 = vector.shape_cast %slice3A_343 : vector<1x128x128xf32> to vector<128x128xf32>
    %dot_general3A_345 = arith.constant dense<0.000000e+00> : vector<256x128xf32>
    %dot_general3A_346 = tpu.matmul %dot_general3A_342, %squeeze3A_344, %dot_general3A_345 {dimension_numbers = #tpu.dot_dimension_numbers<[1], [0], [0], [1], [0, 0, 1, 1], [], []>, transpose_lhs_hint = false} : vector<256x128xf32>, vector<128x128xf32>, vector<256x128xf32> -> vector<256x128xf32>
    %gt3A_347 = arith.constant 0.000000e+00 : f32
    %gt3A_348 = vector.broadcast %gt3A_347 : f32 to vector<256x128xf32>
    %gt3A_349 = arith.cmpf ogt, %dot_general3A_346, %gt3A_348 : vector<256x128xf32>
    %exp3A_350 = math.exp %dot_general3A_346 : vector<256x128xf32>
    %sub3A_351 = arith.constant 1.000000e+00 : f32
    %sub3A_352 = vector.broadcast %sub3A_351 : f32 to vector<256x128xf32>
    %sub3A_353 = arith.subf %exp3A_350, %sub3A_352 : vector<256x128xf32>
    %select_n3A_354 = arith.select %gt3A_349, %dot_general3A_346, %sub3A_353 : vector<256x128xi1>, vector<256x128xf32>
    %slice3A_355 = vector.extract_strided_slice %mul3A_318 {offsets = [0, 2], sizes = [4096, 1], strides = [1, 1]} : vector<4096x4xf32> to vector<4096x1xf32>
    %mul3A_356 = vector.broadcast %slice3A_355 : vector<4096x1xf32> to vector<4096x128xf32>
    %mul3A_357 = arith.mulf %get3A_196, %mul3A_356 : vector<4096x128xf32>
    %convert_element_type3A_358 = arith.truncf %mul3A_357 : vector<4096x128xf32> to vector<4096x128xbf16>
    %dot_general3A_359 = arith.constant dense<0.000000e+00> : vector<256x128xf32>
    %dot_general3A_360 = tpu.matmul %get3A_222, %convert_element_type3A_358, %dot_general3A_359 {dimension_numbers = #tpu.dot_dimension_numbers<[1], [0], [0], [1], [0, 0, 1, 1], [], []>, transpose_lhs_hint = false} : vector<256x4096xbf16>, vector<4096x128xbf16>, vector<256x128xf32> -> vector<256x128xf32>
    %slice3A_361 = vector.extract_strided_slice %get3A_208 {offsets = [2, 0, 0], sizes = [1, 128, 128], strides = [1, 1, 1]} : vector<4x128x128xf32> to vector<1x128x128xf32>
    %squeeze3A_362 = vector.shape_cast %slice3A_361 : vector<1x128x128xf32> to vector<128x128xf32>
    %dot_general3A_363 = arith.constant dense<0.000000e+00> : vector<256x128xf32>
    %dot_general3A_364 = tpu.matmul %dot_general3A_360, %squeeze3A_362, %dot_general3A_363 {dimension_numbers = #tpu.dot_dimension_numbers<[1], [0], [0], [1], [0, 0, 1, 1], [], []>, transpose_lhs_hint = false} : vector<256x128xf32>, vector<128x128xf32>, vector<256x128xf32> -> vector<256x128xf32>
    %gt3A_365 = arith.constant 0.000000e+00 : f32
    %gt3A_366 = vector.broadcast %gt3A_365 : f32 to vector<256x128xf32>
    %gt3A_367 = arith.cmpf ogt, %dot_general3A_364, %gt3A_366 : vector<256x128xf32>
    %exp3A_368 = math.exp %dot_general3A_364 : vector<256x128xf32>
    %sub3A_369 = arith.constant 1.000000e+00 : f32
    %sub3A_370 = vector.broadcast %sub3A_369 : f32 to vector<256x128xf32>
    %sub3A_371 = arith.subf %exp3A_368, %sub3A_370 : vector<256x128xf32>
    %select_n3A_372 = arith.select %gt3A_367, %dot_general3A_364, %sub3A_371 : vector<256x128xi1>, vector<256x128xf32>
    %slice3A_373 = vector.extract_strided_slice %mul3A_318 {offsets = [0, 3], sizes = [4096, 1], strides = [1, 1]} : vector<4096x4xf32> to vector<4096x1xf32>
    %mul3A_374 = vector.broadcast %slice3A_373 : vector<4096x1xf32> to vector<4096x128xf32>
    %mul3A_375 = arith.mulf %get3A_196, %mul3A_374 : vector<4096x128xf32>
    %convert_element_type3A_376 = arith.truncf %mul3A_375 : vector<4096x128xf32> to vector<4096x128xbf16>
    %dot_general3A_377 = arith.constant dense<0.000000e+00> : vector<256x128xf32>
    %dot_general3A_378 = tpu.matmul %get3A_222, %convert_element_type3A_376, %dot_general3A_377 {dimension_numbers = #tpu.dot_dimension_numbers<[1], [0], [0], [1], [0, 0, 1, 1], [], []>, transpose_lhs_hint = false} : vector<256x4096xbf16>, vector<4096x128xbf16>, vector<256x128xf32> -> vector<256x128xf32>
    %slice3A_379 = vector.extract_strided_slice %get3A_208 {offsets = [3, 0, 0], sizes = [1, 128, 128], strides = [1, 1, 1]} : vector<4x128x128xf32> to vector<1x128x128xf32>
    %squeeze3A_380 = vector.shape_cast %slice3A_379 : vector<1x128x128xf32> to vector<128x128xf32>
    %dot_general3A_381 = arith.constant dense<0.000000e+00> : vector<256x128xf32>
    %dot_general3A_382 = tpu.matmul %dot_general3A_378, %squeeze3A_380, %dot_general3A_381 {dimension_numbers = #tpu.dot_dimension_numbers<[1], [0], [0], [1], [0, 0, 1, 1], [], []>, transpose_lhs_hint = false} : vector<256x128xf32>, vector<128x128xf32>, vector<256x128xf32> -> vector<256x128xf32>
    %gt3A_383 = arith.constant 0.000000e+00 : f32
    %gt3A_384 = vector.broadcast %gt3A_383 : f32 to vector<256x128xf32>
    %gt3A_385 = arith.cmpf ogt, %dot_general3A_382, %gt3A_384 : vector<256x128xf32>
    %exp3A_386 = math.exp %dot_general3A_382 : vector<256x128xf32>
    %sub3A_387 = arith.constant 1.000000e+00 : f32
    %sub3A_388 = vector.broadcast %sub3A_387 : f32 to vector<256x128xf32>
    %sub3A_389 = arith.subf %exp3A_386, %sub3A_388 : vector<256x128xf32>
    %select_n3A_390 = arith.select %gt3A_385, %dot_general3A_382, %sub3A_389 : vector<256x128xi1>, vector<256x128xf32>
    %concatenate3A_391 = tpu.concatenate %select_n3A_336, %select_n3A_354, %select_n3A_372, %select_n3A_390 in 1 : vector<256x128xf32>, vector<256x128xf32>, vector<256x128xf32>, vector<256x128xf32> -> vector<256x512xf32>
    %get3A_392 = arith.constant 0 : index
    %get3A_393 = arith.constant 0 : index
    %get3A_394 = vector.load %arg8[%get3A_392, %get3A_393] : memref<512x128xf32, #tpu.memory_space<vmem>>, vector<512x128xf32>
    %dot_general3A_395 = arith.constant dense<0.000000e+00> : vector<256x128xf32>
    %dot_general3A_396 = tpu.matmul %concatenate3A_391, %get3A_394, %dot_general3A_395 {dimension_numbers = #tpu.dot_dimension_numbers<[1], [0], [0], [1], [0, 0, 1, 1], [], []>, transpose_lhs_hint = false} : vector<256x512xf32>, vector<512x128xf32>, vector<256x128xf32> -> vector<256x128xf32>
    %get3A_397 = arith.constant 0 : index
    %get3A_398 = arith.constant 0 : index
    %get3A_399 = vector.load %arg9[%get3A_397, %get3A_398] : memref<1x128xf32, #tpu.memory_space<vmem>>, vector<1x128xf32>
    %add3A_400 = vector.broadcast %get3A_399 : vector<1x128xf32> to vector<256x128xf32>
    %add3A_401 = arith.addf %dot_general3A_396, %add3A_400 : vector<256x128xf32>
    %get3A_402 = arith.constant 0 : index
    %get3A_403 = arith.constant 0 : index
    %get3A_404 = vector.load %arg4[%get3A_402, %get3A_403] : memref<4096x128xf32, #tpu.memory_space<vmem>>, vector<4096x128xf32>
    %get3A_405 = arith.constant 2 : index
    %get3A_406 = arith.constant 0 : index
    %get3A_407 = arith.constant 0 : index
    %get3A_408 = arith.constant 0 : index
    %get3A_409 = vector.load %arg5[%get3A_405, %get3A_406, %get3A_407, %get3A_408] : memref<3x4x128x128xf32, #tpu.memory_space<vmem>>, vector<1x4x128x128xf32>
    %get3A_410 = vector.shape_cast %get3A_409 : vector<1x4x128x128xf32> to vector<4x128x128xf32>
    %get3A_411 = arith.constant 2 : index
    %get3A_412 = arith.constant 0 : index
    %get3A_413 = arith.constant 0 : index
    %get3A_414 = arith.constant 0 : index
    %get3A_415 = vector.load %arg6[%get3A_411, %get3A_412, %get3A_413, %get3A_414] : memref<3x4x128x128xf32, #tpu.memory_space<vmem>>, vector<1x4x128x128xf32>
    %get3A_416 = vector.shape_cast %get3A_415 : vector<1x4x128x128xf32> to vector<4x128x128xf32>
    %get3A_417 = arith.constant 2 : index
    %get3A_418 = arith.constant 0 : index
    %get3A_419 = arith.constant 0 : index
    %get3A_420 = vector.load %arg7[%get3A_417, %get3A_418, %get3A_419] : memref<3x4x256xf32, #tpu.memory_space<vmem>>, vector<1x4x256xf32>
    %get3A_421 = vector.shape_cast %get3A_420 : vector<1x4x256xf32> to vector<4x256xf32>
    %get3A_422 = arith.constant 0 : index
    %get3A_423 = arith.constant 0 : index
    %get3A_424 = vector.load %arg13[%get3A_422, %get3A_423] : memref<256x4096xf32, #tpu.memory_space<vmem>>, vector<256x4096xf32>
    %get3A_425 = arith.constant 0 : index
    %get3A_426 = arith.constant 0 : index
    %get3A_427 = vector.load %arg14[%get3A_425, %get3A_426] : memref<4096x256xf32, #tpu.memory_space<vmem>>, vector<4096x256xf32>
    %get3A_428 = arith.constant 0 : index
    %get3A_429 = arith.constant 0 : index
    %get3A_430 = vector.load %arg15[%get3A_428, %get3A_429] : memref<256x4096xbf16, #tpu.memory_space<vmem>>, vector<256x4096xbf16>
    %slice3A_431 = vector.extract_strided_slice %get3A_421 {offsets = [0, 0], sizes = [1, 128], strides = [1, 1]} : vector<4x256xf32> to vector<1x128xf32>
    %slice3A_432 = vector.extract_strided_slice %get3A_421 {offsets = [0, 128], sizes = [1, 128], strides = [1, 1]} : vector<4x256xf32> to vector<1x128xf32>
    %slice3A_433 = vector.extract_strided_slice %get3A_410 {offsets = [0, 0, 0], sizes = [1, 128, 128], strides = [1, 1, 1]} : vector<4x128x128xf32> to vector<1x128x128xf32>
    %squeeze3A_434 = vector.shape_cast %slice3A_433 : vector<1x128x128xf32> to vector<128x128xf32>
    %mul3A_435 = vector.broadcast %slice3A_431 : vector<1x128xf32> to vector<128x128xf32>
    %mul3A_436 = arith.mulf %squeeze3A_434, %mul3A_435 : vector<128x128xf32>
    %reduce_sum3A_437 = arith.constant dense<0.000000e+00> : vector<128xf32>
    %reduce_sum3A_438 = vector.multi_reduction <add>, %mul3A_436, %reduce_sum3A_437 [1] : vector<128x128xf32> to vector<128xf32>
    %broadcast_in_dim3A_439 = vector.shape_cast %reduce_sum3A_438 : vector<128xf32> to vector<128x1xf32>
    %slice3A_440 = vector.extract_strided_slice %get3A_416 {offsets = [0, 0, 0], sizes = [1, 128, 128], strides = [1, 1, 1]} : vector<4x128x128xf32> to vector<1x128x128xf32>
    %squeeze3A_441 = vector.shape_cast %slice3A_440 : vector<1x128x128xf32> to vector<128x128xf32>
    %mul3A_442 = vector.broadcast %slice3A_432 : vector<1x128xf32> to vector<128x128xf32>
    %mul3A_443 = arith.mulf %squeeze3A_441, %mul3A_442 : vector<128x128xf32>
    %reduce_sum3A_444 = arith.constant dense<0.000000e+00> : vector<128xf32>
    %reduce_sum3A_445 = vector.multi_reduction <add>, %mul3A_443, %reduce_sum3A_444 [1] : vector<128x128xf32> to vector<128xf32>
    %broadcast_in_dim3A_446 = vector.shape_cast %reduce_sum3A_445 : vector<128xf32> to vector<128x1xf32>
    %slice3A_447 = vector.extract_strided_slice %get3A_421 {offsets = [1, 0], sizes = [1, 128], strides = [1, 1]} : vector<4x256xf32> to vector<1x128xf32>
    %slice3A_448 = vector.extract_strided_slice %get3A_421 {offsets = [1, 128], sizes = [1, 128], strides = [1, 1]} : vector<4x256xf32> to vector<1x128xf32>
    %slice3A_449 = vector.extract_strided_slice %get3A_410 {offsets = [1, 0, 0], sizes = [1, 128, 128], strides = [1, 1, 1]} : vector<4x128x128xf32> to vector<1x128x128xf32>
    %squeeze3A_450 = vector.shape_cast %slice3A_449 : vector<1x128x128xf32> to vector<128x128xf32>
    %mul3A_451 = vector.broadcast %slice3A_447 : vector<1x128xf32> to vector<128x128xf32>
    %mul3A_452 = arith.mulf %squeeze3A_450, %mul3A_451 : vector<128x128xf32>
    %reduce_sum3A_453 = arith.constant dense<0.000000e+00> : vector<128xf32>
    %reduce_sum3A_454 = vector.multi_reduction <add>, %mul3A_452, %reduce_sum3A_453 [1] : vector<128x128xf32> to vector<128xf32>
    %broadcast_in_dim3A_455 = vector.shape_cast %reduce_sum3A_454 : vector<128xf32> to vector<128x1xf32>
    %slice3A_456 = vector.extract_strided_slice %get3A_416 {offsets = [1, 0, 0], sizes = [1, 128, 128], strides = [1, 1, 1]} : vector<4x128x128xf32> to vector<1x128x128xf32>
    %squeeze3A_457 = vector.shape_cast %slice3A_456 : vector<1x128x128xf32> to vector<128x128xf32>
    %mul3A_458 = vector.broadcast %slice3A_448 : vector<1x128xf32> to vector<128x128xf32>
    %mul3A_459 = arith.mulf %squeeze3A_457, %mul3A_458 : vector<128x128xf32>
    %reduce_sum3A_460 = arith.constant dense<0.000000e+00> : vector<128xf32>
    %reduce_sum3A_461 = vector.multi_reduction <add>, %mul3A_459, %reduce_sum3A_460 [1] : vector<128x128xf32> to vector<128xf32>
    %broadcast_in_dim3A_462 = vector.shape_cast %reduce_sum3A_461 : vector<128xf32> to vector<128x1xf32>
    %slice3A_463 = vector.extract_strided_slice %get3A_421 {offsets = [2, 0], sizes = [1, 128], strides = [1, 1]} : vector<4x256xf32> to vector<1x128xf32>
    %slice3A_464 = vector.extract_strided_slice %get3A_421 {offsets = [2, 128], sizes = [1, 128], strides = [1, 1]} : vector<4x256xf32> to vector<1x128xf32>
    %slice3A_465 = vector.extract_strided_slice %get3A_410 {offsets = [2, 0, 0], sizes = [1, 128, 128], strides = [1, 1, 1]} : vector<4x128x128xf32> to vector<1x128x128xf32>
    %squeeze3A_466 = vector.shape_cast %slice3A_465 : vector<1x128x128xf32> to vector<128x128xf32>
    %mul3A_467 = vector.broadcast %slice3A_463 : vector<1x128xf32> to vector<128x128xf32>
    %mul3A_468 = arith.mulf %squeeze3A_466, %mul3A_467 : vector<128x128xf32>
    %reduce_sum3A_469 = arith.constant dense<0.000000e+00> : vector<128xf32>
    %reduce_sum3A_470 = vector.multi_reduction <add>, %mul3A_468, %reduce_sum3A_469 [1] : vector<128x128xf32> to vector<128xf32>
    %broadcast_in_dim3A_471 = vector.shape_cast %reduce_sum3A_470 : vector<128xf32> to vector<128x1xf32>
    %slice3A_472 = vector.extract_strided_slice %get3A_416 {offsets = [2, 0, 0], sizes = [1, 128, 128], strides = [1, 1, 1]} : vector<4x128x128xf32> to vector<1x128x128xf32>
    %squeeze3A_473 = vector.shape_cast %slice3A_472 : vector<1x128x128xf32> to vector<128x128xf32>
    %mul3A_474 = vector.broadcast %slice3A_464 : vector<1x128xf32> to vector<128x128xf32>
    %mul3A_475 = arith.mulf %squeeze3A_473, %mul3A_474 : vector<128x128xf32>
    %reduce_sum3A_476 = arith.constant dense<0.000000e+00> : vector<128xf32>
    %reduce_sum3A_477 = vector.multi_reduction <add>, %mul3A_475, %reduce_sum3A_476 [1] : vector<128x128xf32> to vector<128xf32>
    %broadcast_in_dim3A_478 = vector.shape_cast %reduce_sum3A_477 : vector<128xf32> to vector<128x1xf32>
    %slice3A_479 = vector.extract_strided_slice %get3A_421 {offsets = [3, 0], sizes = [1, 128], strides = [1, 1]} : vector<4x256xf32> to vector<1x128xf32>
    %slice3A_480 = vector.extract_strided_slice %get3A_421 {offsets = [3, 128], sizes = [1, 128], strides = [1, 1]} : vector<4x256xf32> to vector<1x128xf32>
    %slice3A_481 = vector.extract_strided_slice %get3A_410 {offsets = [3, 0, 0], sizes = [1, 128, 128], strides = [1, 1, 1]} : vector<4x128x128xf32> to vector<1x128x128xf32>
    %squeeze3A_482 = vector.shape_cast %slice3A_481 : vector<1x128x128xf32> to vector<128x128xf32>
    %mul3A_483 = vector.broadcast %slice3A_479 : vector<1x128xf32> to vector<128x128xf32>
    %mul3A_484 = arith.mulf %squeeze3A_482, %mul3A_483 : vector<128x128xf32>
    %reduce_sum3A_485 = arith.constant dense<0.000000e+00> : vector<128xf32>
    %reduce_sum3A_486 = vector.multi_reduction <add>, %mul3A_484, %reduce_sum3A_485 [1] : vector<128x128xf32> to vector<128xf32>
    %broadcast_in_dim3A_487 = vector.shape_cast %reduce_sum3A_486 : vector<128xf32> to vector<128x1xf32>
    %slice3A_488 = vector.extract_strided_slice %get3A_416 {offsets = [3, 0, 0], sizes = [1, 128, 128], strides = [1, 1, 1]} : vector<4x128x128xf32> to vector<1x128x128xf32>
    %squeeze3A_489 = vector.shape_cast %slice3A_488 : vector<1x128x128xf32> to vector<128x128xf32>
    %mul3A_490 = vector.broadcast %slice3A_480 : vector<1x128xf32> to vector<128x128xf32>
    %mul3A_491 = arith.mulf %squeeze3A_489, %mul3A_490 : vector<128x128xf32>
    %reduce_sum3A_492 = arith.constant dense<0.000000e+00> : vector<128xf32>
    %reduce_sum3A_493 = vector.multi_reduction <add>, %mul3A_491, %reduce_sum3A_492 [1] : vector<128x128xf32> to vector<128xf32>
    %broadcast_in_dim3A_494 = vector.shape_cast %reduce_sum3A_493 : vector<128xf32> to vector<128x1xf32>
    %concatenate3A_495 = tpu.concatenate %broadcast_in_dim3A_439, %broadcast_in_dim3A_455, %broadcast_in_dim3A_471, %broadcast_in_dim3A_487 in 1 : vector<128x1xf32>, vector<128x1xf32>, vector<128x1xf32>, vector<128x1xf32> -> vector<128x4xf32>
    %concatenate3A_496 = tpu.concatenate %broadcast_in_dim3A_446, %broadcast_in_dim3A_462, %broadcast_in_dim3A_478, %broadcast_in_dim3A_494 in 1 : vector<128x1xf32>, vector<128x1xf32>, vector<128x1xf32>, vector<128x1xf32> -> vector<128x4xf32>
    %dot_general3A_497 = arith.constant dense<0.000000e+00> : vector<256x4xf32>
    %dot_general3A_498 = tpu.matmul %get3A_1, %concatenate3A_495, %dot_general3A_497 {dimension_numbers = #tpu.dot_dimension_numbers<[1], [0], [0], [1], [0, 0, 1, 1], [], []>, transpose_lhs_hint = false} : vector<256x128xf32>, vector<128x4xf32>, vector<256x4xf32> -> vector<256x4xf32>
    %dot_general3A_499 = arith.constant dense<0.000000e+00> : vector<4096x4xf32>
    %dot_general3A_500 = tpu.matmul %get3A_404, %concatenate3A_496, %dot_general3A_499 {dimension_numbers = #tpu.dot_dimension_numbers<[1], [0], [0], [1], [0, 0, 1, 1], [], []>, transpose_lhs_hint = false} : vector<4096x128xf32>, vector<128x4xf32>, vector<4096x4xf32> -> vector<4096x4xf32>
    %dot_general3A_501 = arith.constant dense<0.000000e+00> : vector<4096x4xf32>
    %dot_general3A_502 = tpu.matmul %get3A_427, %dot_general3A_498, %dot_general3A_501 {dimension_numbers = #tpu.dot_dimension_numbers<[1], [0], [0], [1], [0, 0, 1, 1], [], []>, transpose_lhs_hint = false} : vector<4096x256xf32>, vector<256x4xf32>, vector<4096x4xf32> -> vector<4096x4xf32>
    %add3A_503 = arith.addf %dot_general3A_502, %dot_general3A_500 : vector<4096x4xf32>
    %ge3A_504 = arith.constant 0.000000e+00 : f32
    %ge3A_505 = vector.broadcast %ge3A_504 : f32 to vector<4096x4xf32>
    %ge3A_506 = arith.cmpf oge, %add3A_503, %ge3A_505 : vector<4096x4xf32>
    %mul3A_507 = arith.constant 2.000000e-01 : f32
    %mul3A_508 = vector.broadcast %mul3A_507 : f32 to vector<4096x4xf32>
    %mul3A_509 = arith.mulf %mul3A_508, %add3A_503 : vector<4096x4xf32>
    %select_n3A_510 = arith.select %ge3A_506, %add3A_503, %mul3A_509 : vector<4096x4xi1>, vector<4096x4xf32>
    %reduce_max3A_511 = vector.shape_cast %select_n3A_510 : vector<4096x4xf32> to vector<1x4096x4xf32>
    %reduce_max3A_512 = arith.constant dense<0xFF800000> : vector<1xf32>
    %reduce_max3A_513 = vector.multi_reduction <maximumf>, %reduce_max3A_511, %reduce_max3A_512 [1, 2] : vector<1x4096x4xf32> to vector<1xf32>
    %reduce_max3A_514 = vector.shape_cast %reduce_max3A_513 : vector<1xf32> to vector<1x1x1xf32>
    %reduce_max3A_515 = vector.extract %reduce_max3A_514[0, 0, 0] : f32 from vector<1x1x1xf32>
    %sub3A_516 = vector.broadcast %reduce_max3A_515 : f32 to vector<4096x4xf32>
    %sub3A_517 = arith.subf %select_n3A_510, %sub3A_516 : vector<4096x4xf32>
    %exp3A_518 = math.exp %sub3A_517 : vector<4096x4xf32>
    %dot_general3A_519 = arith.constant dense<0.000000e+00> : vector<256x4xf32>
    %dot_general3A_520 = tpu.matmul %get3A_424, %exp3A_518, %dot_general3A_519 {dimension_numbers = #tpu.dot_dimension_numbers<[1], [0], [0], [1], [0, 0, 1, 1], [], []>, transpose_lhs_hint = false} : vector<256x4096xf32>, vector<4096x4xf32>, vector<256x4xf32> -> vector<256x4xf32>
    %div3A_521 = arith.constant 1.000000e+00 : f32
    %div3A_522 = vector.broadcast %div3A_521 : f32 to vector<256x4xf32>
    %div3A_523 = arith.divf %div3A_522, %dot_general3A_520 : vector<256x4xf32>
    %dot_general3A_524 = arith.constant dense<0.000000e+00> : vector<4096x4xf32>
    %dot_general3A_525 = tpu.matmul %get3A_427, %div3A_523, %dot_general3A_524 {dimension_numbers = #tpu.dot_dimension_numbers<[1], [0], [0], [1], [0, 0, 1, 1], [], []>, transpose_lhs_hint = false} : vector<4096x256xf32>, vector<256x4xf32>, vector<4096x4xf32> -> vector<4096x4xf32>
    %mul3A_526 = arith.mulf %exp3A_518, %dot_general3A_525 : vector<4096x4xf32>
    %slice3A_527 = vector.extract_strided_slice %mul3A_526 {offsets = [0, 0], sizes = [4096, 1], strides = [1, 1]} : vector<4096x4xf32> to vector<4096x1xf32>
    %mul3A_528 = vector.broadcast %slice3A_527 : vector<4096x1xf32> to vector<4096x128xf32>
    %mul3A_529 = arith.mulf %get3A_404, %mul3A_528 : vector<4096x128xf32>
    %convert_element_type3A_530 = arith.truncf %mul3A_529 : vector<4096x128xf32> to vector<4096x128xbf16>
    %dot_general3A_531 = arith.constant dense<0.000000e+00> : vector<256x128xf32>
    %dot_general3A_532 = tpu.matmul %get3A_430, %convert_element_type3A_530, %dot_general3A_531 {dimension_numbers = #tpu.dot_dimension_numbers<[1], [0], [0], [1], [0, 0, 1, 1], [], []>, transpose_lhs_hint = false} : vector<256x4096xbf16>, vector<4096x128xbf16>, vector<256x128xf32> -> vector<256x128xf32>
    %slice3A_533 = vector.extract_strided_slice %get3A_416 {offsets = [0, 0, 0], sizes = [1, 128, 128], strides = [1, 1, 1]} : vector<4x128x128xf32> to vector<1x128x128xf32>
    %squeeze3A_534 = vector.shape_cast %slice3A_533 : vector<1x128x128xf32> to vector<128x128xf32>
    %dot_general3A_535 = arith.constant dense<0.000000e+00> : vector<256x128xf32>
    %dot_general3A_536 = tpu.matmul %dot_general3A_532, %squeeze3A_534, %dot_general3A_535 {dimension_numbers = #tpu.dot_dimension_numbers<[1], [0], [0], [1], [0, 0, 1, 1], [], []>, transpose_lhs_hint = false} : vector<256x128xf32>, vector<128x128xf32>, vector<256x128xf32> -> vector<256x128xf32>
    %gt3A_537 = arith.constant 0.000000e+00 : f32
    %gt3A_538 = vector.broadcast %gt3A_537 : f32 to vector<256x128xf32>
    %gt3A_539 = arith.cmpf ogt, %dot_general3A_536, %gt3A_538 : vector<256x128xf32>
    %exp3A_540 = math.exp %dot_general3A_536 : vector<256x128xf32>
    %sub3A_541 = arith.constant 1.000000e+00 : f32
    %sub3A_542 = vector.broadcast %sub3A_541 : f32 to vector<256x128xf32>
    %sub3A_543 = arith.subf %exp3A_540, %sub3A_542 : vector<256x128xf32>
    %select_n3A_544 = arith.select %gt3A_539, %dot_general3A_536, %sub3A_543 : vector<256x128xi1>, vector<256x128xf32>
    %slice3A_545 = vector.extract_strided_slice %mul3A_526 {offsets = [0, 1], sizes = [4096, 1], strides = [1, 1]} : vector<4096x4xf32> to vector<4096x1xf32>
    %mul3A_546 = vector.broadcast %slice3A_545 : vector<4096x1xf32> to vector<4096x128xf32>
    %mul3A_547 = arith.mulf %get3A_404, %mul3A_546 : vector<4096x128xf32>
    %convert_element_type3A_548 = arith.truncf %mul3A_547 : vector<4096x128xf32> to vector<4096x128xbf16>
    %dot_general3A_549 = arith.constant dense<0.000000e+00> : vector<256x128xf32>
    %dot_general3A_550 = tpu.matmul %get3A_430, %convert_element_type3A_548, %dot_general3A_549 {dimension_numbers = #tpu.dot_dimension_numbers<[1], [0], [0], [1], [0, 0, 1, 1], [], []>, transpose_lhs_hint = false} : vector<256x4096xbf16>, vector<4096x128xbf16>, vector<256x128xf32> -> vector<256x128xf32>
    %slice3A_551 = vector.extract_strided_slice %get3A_416 {offsets = [1, 0, 0], sizes = [1, 128, 128], strides = [1, 1, 1]} : vector<4x128x128xf32> to vector<1x128x128xf32>
    %squeeze3A_552 = vector.shape_cast %slice3A_551 : vector<1x128x128xf32> to vector<128x128xf32>
    %dot_general3A_553 = arith.constant dense<0.000000e+00> : vector<256x128xf32>
    %dot_general3A_554 = tpu.matmul %dot_general3A_550, %squeeze3A_552, %dot_general3A_553 {dimension_numbers = #tpu.dot_dimension_numbers<[1], [0], [0], [1], [0, 0, 1, 1], [], []>, transpose_lhs_hint = false} : vector<256x128xf32>, vector<128x128xf32>, vector<256x128xf32> -> vector<256x128xf32>
    %gt3A_555 = arith.constant 0.000000e+00 : f32
    %gt3A_556 = vector.broadcast %gt3A_555 : f32 to vector<256x128xf32>
    %gt3A_557 = arith.cmpf ogt, %dot_general3A_554, %gt3A_556 : vector<256x128xf32>
    %exp3A_558 = math.exp %dot_general3A_554 : vector<256x128xf32>
    %sub3A_559 = arith.constant 1.000000e+00 : f32
    %sub3A_560 = vector.broadcast %sub3A_559 : f32 to vector<256x128xf32>
    %sub3A_561 = arith.subf %exp3A_558, %sub3A_560 : vector<256x128xf32>
    %select_n3A_562 = arith.select %gt3A_557, %dot_general3A_554, %sub3A_561 : vector<256x128xi1>, vector<256x128xf32>
    %slice3A_563 = vector.extract_strided_slice %mul3A_526 {offsets = [0, 2], sizes = [4096, 1], strides = [1, 1]} : vector<4096x4xf32> to vector<4096x1xf32>
    %mul3A_564 = vector.broadcast %slice3A_563 : vector<4096x1xf32> to vector<4096x128xf32>
    %mul3A_565 = arith.mulf %get3A_404, %mul3A_564 : vector<4096x128xf32>
    %convert_element_type3A_566 = arith.truncf %mul3A_565 : vector<4096x128xf32> to vector<4096x128xbf16>
    %dot_general3A_567 = arith.constant dense<0.000000e+00> : vector<256x128xf32>
    %dot_general3A_568 = tpu.matmul %get3A_430, %convert_element_type3A_566, %dot_general3A_567 {dimension_numbers = #tpu.dot_dimension_numbers<[1], [0], [0], [1], [0, 0, 1, 1], [], []>, transpose_lhs_hint = false} : vector<256x4096xbf16>, vector<4096x128xbf16>, vector<256x128xf32> -> vector<256x128xf32>
    %slice3A_569 = vector.extract_strided_slice %get3A_416 {offsets = [2, 0, 0], sizes = [1, 128, 128], strides = [1, 1, 1]} : vector<4x128x128xf32> to vector<1x128x128xf32>
    %squeeze3A_570 = vector.shape_cast %slice3A_569 : vector<1x128x128xf32> to vector<128x128xf32>
    %dot_general3A_571 = arith.constant dense<0.000000e+00> : vector<256x128xf32>
    %dot_general3A_572 = tpu.matmul %dot_general3A_568, %squeeze3A_570, %dot_general3A_571 {dimension_numbers = #tpu.dot_dimension_numbers<[1], [0], [0], [1], [0, 0, 1, 1], [], []>, transpose_lhs_hint = false} : vector<256x128xf32>, vector<128x128xf32>, vector<256x128xf32> -> vector<256x128xf32>
    %gt3A_573 = arith.constant 0.000000e+00 : f32
    %gt3A_574 = vector.broadcast %gt3A_573 : f32 to vector<256x128xf32>
    %gt3A_575 = arith.cmpf ogt, %dot_general3A_572, %gt3A_574 : vector<256x128xf32>
    %exp3A_576 = math.exp %dot_general3A_572 : vector<256x128xf32>
    %sub3A_577 = arith.constant 1.000000e+00 : f32
    %sub3A_578 = vector.broadcast %sub3A_577 : f32 to vector<256x128xf32>
    %sub3A_579 = arith.subf %exp3A_576, %sub3A_578 : vector<256x128xf32>
    %select_n3A_580 = arith.select %gt3A_575, %dot_general3A_572, %sub3A_579 : vector<256x128xi1>, vector<256x128xf32>
    %slice3A_581 = vector.extract_strided_slice %mul3A_526 {offsets = [0, 3], sizes = [4096, 1], strides = [1, 1]} : vector<4096x4xf32> to vector<4096x1xf32>
    %mul3A_582 = vector.broadcast %slice3A_581 : vector<4096x1xf32> to vector<4096x128xf32>
    %mul3A_583 = arith.mulf %get3A_404, %mul3A_582 : vector<4096x128xf32>
    %convert_element_type3A_584 = arith.truncf %mul3A_583 : vector<4096x128xf32> to vector<4096x128xbf16>
    %dot_general3A_585 = arith.constant dense<0.000000e+00> : vector<256x128xf32>
    %dot_general3A_586 = tpu.matmul %get3A_430, %convert_element_type3A_584, %dot_general3A_585 {dimension_numbers = #tpu.dot_dimension_numbers<[1], [0], [0], [1], [0, 0, 1, 1], [], []>, transpose_lhs_hint = false} : vector<256x4096xbf16>, vector<4096x128xbf16>, vector<256x128xf32> -> vector<256x128xf32>
    %slice3A_587 = vector.extract_strided_slice %get3A_416 {offsets = [3, 0, 0], sizes = [1, 128, 128], strides = [1, 1, 1]} : vector<4x128x128xf32> to vector<1x128x128xf32>
    %squeeze3A_588 = vector.shape_cast %slice3A_587 : vector<1x128x128xf32> to vector<128x128xf32>
    %dot_general3A_589 = arith.constant dense<0.000000e+00> : vector<256x128xf32>
    %dot_general3A_590 = tpu.matmul %dot_general3A_586, %squeeze3A_588, %dot_general3A_589 {dimension_numbers = #tpu.dot_dimension_numbers<[1], [0], [0], [1], [0, 0, 1, 1], [], []>, transpose_lhs_hint = false} : vector<256x128xf32>, vector<128x128xf32>, vector<256x128xf32> -> vector<256x128xf32>
    %gt3A_591 = arith.constant 0.000000e+00 : f32
    %gt3A_592 = vector.broadcast %gt3A_591 : f32 to vector<256x128xf32>
    %gt3A_593 = arith.cmpf ogt, %dot_general3A_590, %gt3A_592 : vector<256x128xf32>
    %exp3A_594 = math.exp %dot_general3A_590 : vector<256x128xf32>
    %sub3A_595 = arith.constant 1.000000e+00 : f32
    %sub3A_596 = vector.broadcast %sub3A_595 : f32 to vector<256x128xf32>
    %sub3A_597 = arith.subf %exp3A_594, %sub3A_596 : vector<256x128xf32>
    %select_n3A_598 = arith.select %gt3A_593, %dot_general3A_590, %sub3A_597 : vector<256x128xi1>, vector<256x128xf32>
    %concatenate3A_599 = tpu.concatenate %select_n3A_544, %select_n3A_562, %select_n3A_580, %select_n3A_598 in 1 : vector<256x128xf32>, vector<256x128xf32>, vector<256x128xf32>, vector<256x128xf32> -> vector<256x512xf32>
    %get3A_600 = arith.constant 0 : index
    %get3A_601 = arith.constant 0 : index
    %get3A_602 = vector.load %arg8[%get3A_600, %get3A_601] : memref<512x128xf32, #tpu.memory_space<vmem>>, vector<512x128xf32>
    %dot_general3A_603 = arith.constant dense<0.000000e+00> : vector<256x128xf32>
    %dot_general3A_604 = tpu.matmul %concatenate3A_599, %get3A_602, %dot_general3A_603 {dimension_numbers = #tpu.dot_dimension_numbers<[1], [0], [0], [1], [0, 0, 1, 1], [], []>, transpose_lhs_hint = false} : vector<256x512xf32>, vector<512x128xf32>, vector<256x128xf32> -> vector<256x128xf32>
    %get3A_605 = arith.constant 0 : index
    %get3A_606 = arith.constant 0 : index
    %get3A_607 = vector.load %arg9[%get3A_605, %get3A_606] : memref<1x128xf32, #tpu.memory_space<vmem>>, vector<1x128xf32>
    %add3A_608 = vector.broadcast %get3A_607 : vector<1x128xf32> to vector<256x128xf32>
    %add3A_609 = arith.addf %dot_general3A_604, %add3A_608 : vector<256x128xf32>
    %get3A_610 = arith.constant 0 : index
    %get3A_611 = arith.constant 0 : index
    %get3A_612 = vector.load %arg10[%get3A_610, %get3A_611] : memref<128x128xf32, #tpu.memory_space<vmem>>, vector<128x128xf32>
    %dot_general3A_613 = arith.constant dense<0.000000e+00> : vector<256x128xf32>
    %dot_general3A_614 = tpu.matmul %add3A_193, %get3A_612, %dot_general3A_613 {dimension_numbers = #tpu.dot_dimension_numbers<[1], [0], [0], [1], [0, 0, 1, 1], [], []>, transpose_lhs_hint = false} : vector<256x128xf32>, vector<128x128xf32>, vector<256x128xf32> -> vector<256x128xf32>
    %tanh3A = math.tanh %dot_general3A_614 : vector<256x128xf32>
    %get3A_615 = arith.constant 0 : index
    %get3A_616 = arith.constant 0 : index
    %get3A_617 = vector.load %arg11[%get3A_615, %get3A_616] : memref<1x128xf32, #tpu.memory_space<vmem>>, vector<1x128xf32>
    %mul3A_618 = vector.broadcast %get3A_617 : vector<1x128xf32> to vector<256x128xf32>
    %mul3A_619 = arith.mulf %tanh3A, %mul3A_618 : vector<256x128xf32>
    %reduce_sum3A_620 = arith.constant dense<0.000000e+00> : vector<256xf32>
    %reduce_sum3A_621 = vector.multi_reduction <add>, %mul3A_619, %reduce_sum3A_620 [1] : vector<256x128xf32> to vector<256xf32>
    %broadcast_in_dim3A_622 = vector.shape_cast %reduce_sum3A_621 : vector<256xf32> to vector<256x1xf32>
    %get3A_623 = arith.constant 0 : index
    %get3A_624 = arith.constant 0 : index
    %get3A_625 = vector.load %arg10[%get3A_623, %get3A_624] : memref<128x128xf32, #tpu.memory_space<vmem>>, vector<128x128xf32>
    %dot_general3A_626 = arith.constant dense<0.000000e+00> : vector<256x128xf32>
    %dot_general3A_627 = tpu.matmul %add3A_401, %get3A_625, %dot_general3A_626 {dimension_numbers = #tpu.dot_dimension_numbers<[1], [0], [0], [1], [0, 0, 1, 1], [], []>, transpose_lhs_hint = false} : vector<256x128xf32>, vector<128x128xf32>, vector<256x128xf32> -> vector<256x128xf32>
    %tanh3A_628 = math.tanh %dot_general3A_627 : vector<256x128xf32>
    %get3A_629 = arith.constant 0 : index
    %get3A_630 = arith.constant 0 : index
    %get3A_631 = vector.load %arg11[%get3A_629, %get3A_630] : memref<1x128xf32, #tpu.memory_space<vmem>>, vector<1x128xf32>
    %mul3A_632 = vector.broadcast %get3A_631 : vector<1x128xf32> to vector<256x128xf32>
    %mul3A_633 = arith.mulf %tanh3A_628, %mul3A_632 : vector<256x128xf32>
    %reduce_sum3A_634 = arith.constant dense<0.000000e+00> : vector<256xf32>
    %reduce_sum3A_635 = vector.multi_reduction <add>, %mul3A_633, %reduce_sum3A_634 [1] : vector<256x128xf32> to vector<256xf32>
    %broadcast_in_dim3A_636 = vector.shape_cast %reduce_sum3A_635 : vector<256xf32> to vector<256x1xf32>
    %get3A_637 = arith.constant 0 : index
    %get3A_638 = arith.constant 0 : index
    %get3A_639 = vector.load %arg10[%get3A_637, %get3A_638] : memref<128x128xf32, #tpu.memory_space<vmem>>, vector<128x128xf32>
    %dot_general3A_640 = arith.constant dense<0.000000e+00> : vector<256x128xf32>
    %dot_general3A_641 = tpu.matmul %add3A_609, %get3A_639, %dot_general3A_640 {dimension_numbers = #tpu.dot_dimension_numbers<[1], [0], [0], [1], [0, 0, 1, 1], [], []>, transpose_lhs_hint = false} : vector<256x128xf32>, vector<128x128xf32>, vector<256x128xf32> -> vector<256x128xf32>
    %tanh3A_642 = math.tanh %dot_general3A_641 : vector<256x128xf32>
    %get3A_643 = arith.constant 0 : index
    %get3A_644 = arith.constant 0 : index
    %get3A_645 = vector.load %arg11[%get3A_643, %get3A_644] : memref<1x128xf32, #tpu.memory_space<vmem>>, vector<1x128xf32>
    %mul3A_646 = vector.broadcast %get3A_645 : vector<1x128xf32> to vector<256x128xf32>
    %mul3A_647 = arith.mulf %tanh3A_642, %mul3A_646 : vector<256x128xf32>
    %reduce_sum3A_648 = arith.constant dense<0.000000e+00> : vector<256xf32>
    %reduce_sum3A_649 = vector.multi_reduction <add>, %mul3A_647, %reduce_sum3A_648 [1] : vector<256x128xf32> to vector<256xf32>
    %broadcast_in_dim3A_650 = vector.shape_cast %reduce_sum3A_649 : vector<256xf32> to vector<256x1xf32>
    %max3A = arith.maximumf %broadcast_in_dim3A_622, %broadcast_in_dim3A_636 : vector<256x1xf32>
    %max3A_651 = arith.maximumf %max3A, %broadcast_in_dim3A_650 : vector<256x1xf32>
    %sub3A_652 = arith.subf %broadcast_in_dim3A_622, %max3A_651 : vector<256x1xf32>
    %exp3A_653 = math.exp %sub3A_652 : vector<256x1xf32>
    %sub3A_654 = arith.subf %broadcast_in_dim3A_636, %max3A_651 : vector<256x1xf32>
    %exp3A_655 = math.exp %sub3A_654 : vector<256x1xf32>
    %sub3A_656 = arith.subf %broadcast_in_dim3A_650, %max3A_651 : vector<256x1xf32>
    %exp3A_657 = math.exp %sub3A_656 : vector<256x1xf32>
    %add3A_658 = arith.addf %exp3A_653, %exp3A_655 : vector<256x1xf32>
    %add3A_659 = arith.addf %add3A_658, %exp3A_657 : vector<256x1xf32>
    %mul3A_660 = vector.broadcast %exp3A_653 : vector<256x1xf32> to vector<256x128xf32>
    %mul3A_661 = arith.mulf %mul3A_660, %add3A_193 : vector<256x128xf32>
    %mul3A_662 = vector.broadcast %exp3A_655 : vector<256x1xf32> to vector<256x128xf32>
    %mul3A_663 = arith.mulf %mul3A_662, %add3A_401 : vector<256x128xf32>
    %add3A_664 = arith.addf %mul3A_661, %mul3A_663 : vector<256x128xf32>
    %mul3A_665 = vector.broadcast %exp3A_657 : vector<256x1xf32> to vector<256x128xf32>
    %mul3A_666 = arith.mulf %mul3A_665, %add3A_609 : vector<256x128xf32>
    %add3A_667 = arith.addf %add3A_664, %mul3A_666 : vector<256x128xf32>
    %div3A_668 = vector.broadcast %add3A_659 : vector<256x1xf32> to vector<256x128xf32>
    %div3A_669 = arith.divf %add3A_667, %div3A_668 : vector<256x128xf32>
    %get3A_670 = arith.constant 0 : index
    %get3A_671 = arith.constant 0 : index
    %get3A_672 = vector.load %arg12[%get3A_670, %get3A_671] : memref<1024x128xf32, #tpu.memory_space<vmem>>, vector<1024x128xf32>
    %dot_general3A_673 = arith.constant dense<0.000000e+00> : vector<1024x256xf32>
    %dot_general3A_674 = tpu.matmul %get3A_672, %div3A_669, %dot_general3A_673 {dimension_numbers = #tpu.dot_dimension_numbers<[1], [1], [0], [0], [0, 0, 1, 0], [], []>, transpose_lhs_hint = false} : vector<1024x128xf32>, vector<256x128xf32>, vector<1024x256xf32> -> vector<1024x256xf32>
    %swap3A = arith.constant 0 : index
    %swap3A_675 = arith.constant 0 : index
    %swap3A_676 = vector.load %arg16[%swap3A, %swap3A_675] : memref<1024x256xf32, #tpu.memory_space<vmem>>, vector<1024x256xf32>
    tpu.vector_store %arg16[%swap3A, %swap3A_675], %dot_general3A_674 {strides = array<i32>} : memref<1024x256xf32, #tpu.memory_space<vmem>>, vector<1024x256xf32>,
    return
  }
  func.func @transform_0(%arg0: i32) -> (i32, i32) {
    %c0_i32 = arith.constant 0 : i32
    %c0_i32_0 = arith.constant 0 : i32
    return %arg0, %c0_i32 : i32, i32
  }
  func.func @transform_1(%arg0: i32) -> (i32, i32) {
    %c0_i32 = arith.constant 0 : i32
    %c0_i32_0 = arith.constant 0 : i32
    return %arg0, %c0_i32 : i32, i32
  }
  func.func @transform_2(%arg0: i32) -> (i32, i32) {
    %c0_i32 = arith.constant 0 : i32
    %c0_i32_0 = arith.constant 0 : i32
    return %arg0, %c0_i32 : i32, i32
  }
  func.func @transform_3(%arg0: i32) -> (i32, i32) {
    %c0_i32 = arith.constant 0 : i32
    %c0_i32_0 = arith.constant 0 : i32
    return %arg0, %c0_i32 : i32, i32
  }
  func.func @transform_4(%arg0: i32) -> (i32, i32, i32, i32) {
    %c0_i32 = arith.constant 0 : i32
    %c0_i32_0 = arith.constant 0 : i32
    %c0_i32_1 = arith.constant 0 : i32
    %c0_i32_2 = arith.constant 0 : i32
    %c0_i32_3 = arith.constant 0 : i32
    return %c0_i32, %c0_i32_0, %c0_i32_1, %c0_i32_2 : i32, i32, i32, i32
  }
  func.func @transform_5(%arg0: i32) -> (i32, i32, i32, i32) {
    %c0_i32 = arith.constant 0 : i32
    %c0_i32_0 = arith.constant 0 : i32
    %c0_i32_1 = arith.constant 0 : i32
    %c0_i32_2 = arith.constant 0 : i32
    %c0_i32_3 = arith.constant 0 : i32
    return %c0_i32, %c0_i32_0, %c0_i32_1, %c0_i32_2 : i32, i32, i32, i32
  }
  func.func @transform_6(%arg0: i32) -> (i32, i32, i32) {
    %c0_i32 = arith.constant 0 : i32
    %c0_i32_0 = arith.constant 0 : i32
    %c0_i32_1 = arith.constant 0 : i32
    %c0_i32_2 = arith.constant 0 : i32
    return %c0_i32, %c0_i32_0, %c0_i32_1 : i32, i32, i32
  }
  func.func @transform_7(%arg0: i32) -> (i32, i32) {
    %c0_i32 = arith.constant 0 : i32
    %c0_i32_0 = arith.constant 0 : i32
    %c0_i32_1 = arith.constant 0 : i32
    return %c0_i32, %c0_i32_0 : i32, i32
  }
  func.func @transform_8(%arg0: i32) -> (i32, i32) {
    %c0_i32 = arith.constant 0 : i32
    %c0_i32_0 = arith.constant 0 : i32
    %c0_i32_1 = arith.constant 0 : i32
    return %c0_i32, %c0_i32_0 : i32, i32
  }
  func.func @transform_9(%arg0: i32) -> (i32, i32) {
    %c0_i32 = arith.constant 0 : i32
    %c0_i32_0 = arith.constant 0 : i32
    %c0_i32_1 = arith.constant 0 : i32
    return %c0_i32, %c0_i32_0 : i32, i32
  }
  func.func @transform_10(%arg0: i32) -> (i32, i32) {
    %c0_i32 = arith.constant 0 : i32
    %c0_i32_0 = arith.constant 0 : i32
    %c0_i32_1 = arith.constant 0 : i32
    return %c0_i32, %c0_i32_0 : i32, i32
  }
  func.func @transform_11(%arg0: i32) -> (i32, i32) {
    %c0_i32 = arith.constant 0 : i32
    %c0_i32_0 = arith.constant 0 : i32
    %c0_i32_1 = arith.constant 0 : i32
    return %c0_i32, %c0_i32_0 : i32, i32
  }
  func.func @transform_12(%arg0: i32) -> (i32, i32) {
    %c0_i32 = arith.constant 0 : i32
    %c0_i32_0 = arith.constant 0 : i32
    %c0_i32_1 = arith.constant 0 : i32
    return %c0_i32, %c0_i32_0 : i32, i32
  }
  func.func @transform_13(%arg0: i32) -> (i32, i32) {
    %c0_i32 = arith.constant 0 : i32
    %c0_i32_0 = arith.constant 0 : i32
    %c0_i32_1 = arith.constant 0 : i32
    return %c0_i32, %c0_i32_0 : i32, i32
  }
  func.func @transform_14(%arg0: i32) -> (i32, i32) {
    %c0_i32 = arith.constant 0 : i32
    %c0_i32_0 = arith.constant 0 : i32
    %c0_i32_1 = arith.constant 0 : i32
    return %c0_i32, %c0_i32_0 : i32, i32
  }
  func.func @transform_15(%arg0: i32) -> (i32, i32) {
    %c0_i32 = arith.constant 0 : i32
    %c0_i32_0 = arith.constant 0 : i32
    return %c0_i32, %arg0 : i32, i32
  }
}

</mosaic_0001>

<sc_bundles>
// kernel: kernel.6.cloned.1.call-start
scs
__scs_entry_jumppad:
0x0: {  	(pc) =	sbr.rel $0x88, $3  }
0x1: {  	(tag) =	ssettag $0x0;
	lr =	simm.s32 $0x1  }
0x2: {  	[smem:$0x3F87] =	sst lr;
	_ =	strace $0xD0000000  }
0x3: {  	_ = 	snop  }
0x4: {  	_ = 	snop  }
0x5: {  	_ = 	snop  }
0x6: {  	_ = 	snop  }
0x7: {  	_ = 	snop  }
__scs_overlays_trampoline_lowered:
0x8: {  	[smem:$0x3F96] =	sst s0  }
0x9: {  	[smem:$0x3F97] =	sst s1  }
0xa: {  	[smem:$0x3F98] =	sst s2  }
0xb: {  	[smem:$0x3F99] =	sst s3  }
0xc: {  	[smem:$0x3F9A] =	sst s4  }
0xd: {  	[smem:$0x3F9B] =	sst s5  }
0xe: {  	[smem:$0x3F9C] =	sst s6  }
0xf: {  	[smem:$0x3F9D] =	sst s7  }
0x10: {  	[smem:$0x3F9E] =	sst s8  }
0x11: {  	[smem:$0x3F9F] =	sst s9;
	s0 =	simm.s32 @!p0 $0x0  }
0x12: {  	s1 =	sld [smem:$0x3F85];
	s0 =	simm.s32 @p0 $0x1  }
0x13: {  	[smem:$0x3FA0] =	sst s0;
	s0 =	simm.s32 @!p1 $0x0  }
0x14: {  	s2 =	sld [smem:$0x3F84];
	s0 =	simm.s32 @p1 $0x1  }
0x15: {  	[smem:$0x3FA1] =	sst s0;
	s0 =	simm.s32 @!p2 $0x0  }
0x16: {  	s3 =	sld [smem:$0x3FDB];
	s0 =	simm.s32 @p2 $0x1  }
0x17: {  	s4 =	simm.s32 $0x1BF5;
	[smem:$0x3FA3] =	sst s0  }
0x18: {  	s0 =	sld [smem:$0x3F86];
	_ =	swait.ge [sflag:s4], $0x0  }
0x19: {  	s7 =	sld [smem:$0x3F87]  }
0x1a: {  	s8 =	sadd.s32 $0xFFFFE003, lr  }
0x1b: {  	s9 =	sadd.s32 $0xFFFFFEF7, lr;
	s5 =	simm.s32 $0xFFFFFFFF;
	p2 =	slt.u32 s8, $0xFFFFF086  }
0x1c: {  	p1 =	slt.u32 s9, $0xF7A;
	s5 =	simm.s32 @!p2 $0x0  }
0x1d: {  	s5 =	simm.s32 @p1 $0x1;
	p0 =	seq.s32 s7, s2  }
0x1e: {  	s7 =	smul.u32 @!p0 $0xF7A, s2;
	p2 =	seq.s32 @!p0 s5, $0x0  }
0x1f: {  	s9 =	smul.u32 $0xF7A, s1;
	s8 =	simm.s32 @!p0 $0x1BF5;
	p2 =	por !p2, p0  }
0x20: {  	[sflag:s8] =	ssyncset.s32 @!p0 $0xFFFFF086;
	s6 =	sadd.s32 @!p0 s3, s7;
	s7 =	simm.s32 @!p0 $0x108  }
0x21: {  	s3 =	sadd.s32 s3, s9;
	s6 =	sadd.s32 @!p0 $0x88, s6;
	s7 =	simm.s32 @p2 $0x1082  }
0x22: {  	[simem:s7], [sflag:s8] =	dma.local @!p0 [hbm:s6], $0xF7A  }
0x23: {  	s9 =	sor.u32 $0xD0000000, s2;
	s6 =	simm.s32 $0x108;
	_ =	swait.ge @!p0 [sflag:s8], $0x0  }
0x24: {  	s3 =	sadd.s32 $0x88, s3;
	s6 =	simm.s32 @!p1 $0x1082;
	[sflag:s4] =	ssyncset.s32 $0xFFFFF086  }
0x25: {  	[simem:s6], [sflag:s4] =	dma.local [hbm:s3], $0xF7A  }
0x26: {  	[smem:$0x3F87] =	sst s1;
	(tag) =	ssettag s2;
	_ =	strace s9  }
0x27: {  	s1 =	sld [smem:$0x3F97]  }
0x28: {  	s2 =	sld [smem:$0x3F98]  }
0x29: {  	s4 =	sld [smem:$0x3F9A]  }
0x2a: {  	p0 =	seq.s32 s5, $0x0;
	s5 =	sld [smem:$0x3F9B]  }
0x2b: {  	s6 =	sld [smem:$0x3F9C]  }
0x2c: {  	s7 =	sld [smem:$0x3F9D]  }
0x2d: {  	s3 =	simm.s32 $0x108;
	s8 =	sld [smem:$0x3F9E]  }
0x2e: {  	s3 =	simm.s32 @!p0 $0x1082;
	s9 =	sld [smem:$0x3F9F]  }
0x2f: {  	lr =	sadd.s32 s0, s3;
	s0 =	sld [smem:$0x3F96]  }
0x30: {  	s3 =	sld [smem:$0x3F99]  }
0x31: {  	[smem:$0x3FA2] =	sst s10  }
0x32: {  	s10 =	sld [smem:$0x3FA0];
	_ =	sdelay $0x3  }
0x33: {  	p0 =	seq.s32 s10, $0x1;
	s10 =	sld [smem:$0x3FA2];
	_ =	sdelay $0x3  }
0x34: {  	[smem:$0x3FA2] =	sst s10  }
0x35: {  	s10 =	sld [smem:$0x3FA1];
	_ =	sdelay $0x3  }
0x36: {  	p1 =	seq.s32 s10, $0x1;
	s10 =	sld [smem:$0x3FA2];
	_ =	sdelay $0x3  }
0x37: {  	[smem:$0x3FA2] =	sst s10  }
0x38: {  	s10 =	sld [smem:$0x3FA3]  }
0x39: {  	_ = 	snop;
	(pc) =	sbr.ind lr, $3  }
0x3a: {  	_ = 	snop  }
0x3b: {  	_ = 	snop  }
0x3c: {  	p2 =	seq.s32 s10, $0x1;
	s10 =	sld [smem:$0x3FA2]  }
0x3d: {  	_ =	shalt  }
0x3e: {  	_ =	shalt  }
0x3f: {  	_ =	shalt  }
0x40: {  	_ =	shalt  }
0x41: {  	_ =	shalt  }
0x42: {  	_ =	shalt  }
0x43: {  	_ =	shalt  }
0x44: {  	_ =	shalt  }
0x45: {  	_ =	shalt  }
0x46: {  	_ =	shalt  }
0x47: {  	_ =	shalt  }
0x48: {  	_ =	shalt  }
0x49: {  	_ =	shalt  }
0x4a: {  	_ =	shalt  }
0x4b: {  	_ =	shalt  }
0x4c: {  	_ =	shalt  }
0x4d: {  	_ =	shalt  }
0x4e: {  	_ =	shalt  }
0x4f: {  	_ =	shalt  }
0x50: {  	_ =	shalt  }
0x51: {  	_ =	shalt  }
0x52: {  	_ =	shalt  }
0x53: {  	_ =	shalt  }
0x54: {  	_ =	shalt  }
0x55: {  	_ =	shalt  }
0x56: {  	_ =	shalt  }
0x57: {  	_ =	shalt  }
0x58: {  	_ =	shalt  }
0x59: {  	_ =	shalt  }
0x5a: {  	_ =	shalt  }
0x5b: {  	_ =	shalt  }
0x5c: {  	_ =	shalt  }
0x5d: {  	_ =	shalt  }
0x5e: {  	_ =	shalt  }
0x5f: {  	_ =	shalt  }
0x60: {  	_ =	shalt  }
0x61: {  	_ =	shalt  }
0x62: {  	_ =	shalt  }
0x63: {  	_ =	shalt  }
0x64: {  	_ =	shalt  }
0x65: {  	_ =	shalt  }
0x66: {  	_ =	shalt  }
0x67: {  	_ =	shalt  }
0x68: {  	_ =	shalt  }
0x69: {  	_ =	shalt  }
0x6a: {  	_ =	shalt  }
0x6b: {  	_ =	shalt  }
0x6c: {  	_ =	shalt  }
0x6d: {  	_ =	shalt  }
0x6e: {  	_ =	shalt  }
0x6f: {  	_ =	shalt  }
0x70: {  	_ =	shalt  }
0x71: {  	_ =	shalt  }
0x72: {  	_ =	shalt  }
0x73: {  	_ =	shalt  }
0x74: {  	_ =	shalt  }
0x75: {  	_ =	shalt  }
0x76: {  	_ =	shalt  }
0x77: {  	_ =	shalt  }
0x78: {  	_ =	shalt  }
0x79: {  	_ =	shalt  }
0x7a: {  	_ =	shalt  }
0x7b: {  	_ =	shalt  }
0x7c: {  	_ =	shalt  }
0x7d: {  	_ =	shalt  }
0x7e: {  	_ =	shalt  }
0x7f: {  	_ =	shalt  }
0x80: {  	_ =	shalt  }
0x81: {  	_ =	shalt  }
0x82: {  	_ =	shalt  }
0x83: {  	_ =	shalt  }
0x84: {  	_ =	shalt  }
0x85: {  	_ =	shalt  }
0x86: {  	_ =	shalt  }
0x87: {  	_ =	shalt  }
.Lfunc_end0:
.L_simem_size_0:
called_computation_lowered:
.L_overlay_start_0:
0x88: {  	s2 =	sld [smem:$0x3FD9]  }
0x89: {  	s3 =	sld [smem:$0x3FFE];
	_ =	sdelay $0x1  }
0x8a: {  	s1 =	srdreg.scid  }
0x8b: {  	s0 =	sand.u32 $0x1, s1  }
0x8c: {  	s17 =	sshll.u32 s0, $0xA;
	s2 =	sadd.s32 s3, s2  }
0x8d: {  	s2 =	sadd.s32 s2, s17  }
0x8e: {  	[smem:$0x3FAE] =	sst s2  }
0x8f: {  	_ = 	snop  }
0x90: {  	s2 =	sld [smem:$0x3FC9]  }
0x91: {  	s18 =	sld [smem:$0x3FC4]  }
0x92: {  	s4 =	sld [smem:$0x3FD0];
	(tm) =	ssettm $0x1  }
0x93: {  	s5 =	sld [smem:$0x3FFB];
	_ =	sdelay $0x3  }
0x94: {  	_ =	strace s5  }
0x95: {  	s5 =	sld [smem:$0x3FFC];
	_ =	sdelay $0x3  }
0x96: {  	_ =	strace s5  }
0x97: {  	s5 =	sld [smem:$0x3FFD];
	_ =	sdelay $0x3  }
0x98: {  	_ =	strace s5  }
0x99: {  	_ =	strace $0x8FFFFFFF  }
0x9a: {  	s19 =	sld [smem:$0x3FDB];
	_ =	sdelay $0x1  }
0x9b: {  	s6 =	simm.s32 $_scs_section_size  }
0x9c: {  	s7 =	simm.s32 $_size__tile_overlayer_lowered;
	s8 =	simm.s32 $_tile_overlayer_lowered  }
0x9d: {  	s22 =	simm.s32 $0x1BFF;
	s21 =	sshll.u32 s8, $0x1;
	s5 =	sadd.s32 s6, s19  }
0x9e: {  	s9 =	simm.s32 $0x0;
	s20 =	sshll.u32 s7, $0x1;
	s7 =	sadd.s32 s21, s5  }
0x9f: {  	[timem:s9], [sflag:s22] =	dma.local [hbm:s7], s20  }
0xa0: {  	_ =	swait.ge [sflag:s22], s20  }
0xa1: {  	s6 =	ssub.s32 $0x0, s20;
	[sflag:s22] =	ssyncset.done $0x0  }
0xa2: {  	[sflag:s22] =	ssyncadd.s32 s6;
	_ =	sdelay $0x1  }
0xa3: {  	s23 =	simm.s32 $0x1B8B  }
0xa4: {  	_ =	swait.ge [sflag:s23], $0x1  }
0xa5: {  	[sflag:s23] =	ssyncset.done $0x0  }
0xa6: {  	s25 =	simm.s32 $0x1B8E;
	s24 =	sld [smem:$0x3FFE];
	[sflag:s23] =	ssyncadd.s32 $0xFFFFFFFF  }
0xa7: {  	s26 =	simm.s32 $execute0_lowered;
	[smem:$0x3FD2] =	sst s25  }
0xa8: {  	s7 =	sshll.u32 s26, $0x1;
	_ =	strace $0x80000046;
	[dreg:$0x1] =	wrdreg $0xFFFFFFFF  }
0xa9: {  	s28 =	simm.s32 $_size_execute0_lowered;
	s5 =	sadd.s32 s5, s7;
	[dreg:$0x0] =	wrdreg $0x0  }
0xaa: {  	s7 =	sshll.u32 s28, $0x1;
	[dreg:$0x2] =	wrdreg s5  }
0xab: {  	[dreg:$0x3] =	wrdreg s7  }
0xac: {  	[dreg:$0x4] =	wrdreg $0xC0  }
0xad: {  	_ =	task [dreg:s9], $0x5FFFF  }
0xae: {  	[dreg:$0x1] =	wrdreg $0xFFFFFFFF  }
0xaf: {  	[dreg:$0x0] =	wrdreg $0x60  }
0xb0: {  	[dreg:$0x2] =	wrdreg s2  }
0xb1: {  	[dreg:$0x3] =	wrdreg s4  }
0xb2: {  	[dreg:$0x4] =	wrdreg s18  }
0xb3: {  	[dreg:$0x5] =	wrdreg s24  }
0xb4: {  	[dreg:$0x6] =	wrdreg $0x9  }
0xb5: {  	_ =	task.clear_ibuf [dreg:s9], $0x7FFFF;
	_ =	strace $0x90000046  }
0xb6: {  	s29 =	simm.s32 $0x9;
	_ =	strace $0x80000048  }
0xb7: {  	_ =	swait.ge [sflag:s29], $0x1  }
0xb8: {  	[sflag:s29] =	ssyncadd.s32 $0xFFFFFFFF  }
0xb9: {  	_ =	strace $0x90000048  }
0xba: {  	_ =	sfence  }
0xbb: {  	s30 =	sld [smem:$0x0];
	_ =	sdelay $0x2  }
0xbc: {  	s31 =	sshll.u32 s1, $0xD;
	s1 =	sshrl.u32 s1, $0x2  }
0xbd: {  	s3 =	sand.u32 $0x4000, s31;
	s1 =	sadd.s32 s1, s30  }
0xbe: {  	s0 =	sor.u32 s3, s0;
	s1 =	sshll.u32 s1, $0x11  }
0xbf: {  	s0 =	sor.u32 s1, s0  }
0xc0: {  	s0 =	sadd.s32 $0x8F2B, s0  }
0xc1: {  	[sflag:s0] =	ssyncadd.remote.s32 $0x1  }
0xc2: {  	_ =	sfence.sel $0xFFFF  }
0xc3: {  	[dreg:$0x0] =	wrdreg $0xFFFFFFFF;
	(pc) =	sbr.abs _section_cstart, $3  }
0xc4: {  	[dreg:$0x1] =	wrdreg $0xFFFFFFFF  }
0xc5: {  	_ =	task.clear_ibuf [dreg:s9], $0x2FFFF;
	_ =	strace $0x9FFFFFFF  }
0xc6: {  	(tm) =	ssettm $0x7FFFFFFF  }
0xc7: {  	_ =	shalt  }
tec
execute0_lowered:
.L_overlay_start_1:
0x0: {  	(tag) =	ssettag $0x1  }
0x1: {  	s5 =	rddreg [dreg:$0x0]  }
0x2: {  	s1 =	rddreg [dreg:$0x1];
	s2 =	srdreg.scid  }
0x3: {  	s3 =	rddreg [dreg:$0x2];
	s0 =	stileid.u32;
	s12 =	sand.u32 $0x1, s2  }
0x4: {  	s11 =	rddreg [dreg:$0x3];
	s7 =	sshll.u32 s0, $0x5;
	s6 =	sshll.u32 s12, $0x9  }
0x5: {  	s4 =	simm.s32 $0x0;
	s2 =	rddreg [dreg:$0x4];
	s13 =	sor.u32 s7, s6  }
0x6: {  	[smem:$0x7FF] =	sst s4;
	s6 =	sshrl.u32 s13, $0x3  }
0x7: {  	_ =	strace $0x80000047;
	s6 =	sadd.s32 s5, s6;
	s5 =	simm.s32 $0x3  }
0x8: {  	[tilespmem:s4], [sflag:$0x3] =	stream.linear.gather [hbm4b:s6+s4], $0x20, $0x38;
	[tilespmem:$0x2080] =	vst v63  }
0x9: {  	_ =	swait.ge [sflag:s5], $0x20  }
0xa: {  	[sflag:s5] =	ssyncset.done $0x0  }
0xb: {  	s8 =	simm.s32 $0x80;
	s7 =	simm.s32 $0x20;
	[sflag:s5] =	ssyncadd.s32 $0xFFFFFFE0  }
0xc: {  	[tilespmem:s8], [sflag:$0x1] =	stream.indirect.gather [hbm4b:s1+s7], $0x80, s4, s7, $0xb8;
	[tilespmem:$0x2080] =	vst v63  }
0xd: {  	s9 =	simm.s32 $0x1080;
	s10 =	simm.s32 $0x1  }
0xe: {  	[tilespmem:s9], [sflag:$0x2] =	stream.indirect.gather [hbm4b:s3+s7], $0x80, s4, s7, $0xb8;
	[tilespmem:$0x2080] =	vst v63  }
0xf: {  	s13 =	sshll.u32 s13, $0x4;
	_ =	swait.ge [sflag:s10], $0x1000  }
0x10: {  	s13 =	sadd.s32 s13, s11;
	[sflag:s10] =	ssyncset.done $0x0  }
0x11: {  	s14 =	ssub.s32 $0x2, s12;
	s11 =	sadd.s32 $0x4800, s13;
	[sflag:s10] =	ssyncadd.s32 $0xFFFFF000  }
0x12: {  	[hbm4b:s11+s4] =	stream.linear.scatter [tilespmem:s8], [sflag:$0x3], $0x1000, $0x38;
	[tilespmem:$0x2080] =	vst v63  }
0x13: {  	s15 =	sshrl.u32 s14, $0x1;
	_ =	swait.ge [sflag:s5], $0x1000  }
0x14: {  	s14 =	ssub.s32 s14, s15;
	[sflag:s5] =	ssyncset.done $0x0  }
0x15: {  	s12 =	simm.s32 $0x2;
	s14 =	smax.u32 s14, $0x1;
	[sflag:s5] =	ssyncadd.s32 $0xFFFFF000  }
0x16: {  	p0 =	sne.s32 s14, $0x1;
	_ =	swait.ge [sflag:s12], $0x1000  }
.Ltmp0:
0x17: {  	[sflag:s12] =	ssyncset.done $0x0;
	(pc) =	sbr.rel @!p0 .LBB2_2-.Ltmp0, $4  }
0x18: {  	s13 =	sadd.s32 $0x8800, s13;
	[sflag:s12] =	ssyncadd.s32 $0xFFFFF000  }
0x19: {  	[hbm4b:s13+s4] =	stream.linear.scatter [tilespmem:s9], [sflag:$0x3], $0x1000, $0x38;
	[tilespmem:$0x2080] =	vst v63  }
0x1a: {  	_ =	swait.ge [sflag:s5], $0x1000  }
0x1b: {  	s14 =	sadd.s32 $0xFFFFFFFF, s14;
	[sflag:s5] =	ssyncset.done $0x0  }
.LBB2_1:
0x1c: {  	p0 =	sne.s32 s14, $0x1;
	s14 =	sadd.s32 $0xFFFFFFFF, s14;
	[sflag:s5] =	ssyncadd.s32 $0xFFFFF000  }
0x1d: {  	[tilespmem:s4], [sflag:$0x3] =	stream.linear.gather [hbm4b:s6+s4], $0x20, $0x38;
	[tilespmem:$0x2080] =	vst v63  }
0x1e: {  	_ =	swait.ge [sflag:s5], $0x20  }
0x1f: {  	[sflag:s5] =	ssyncset.done $0x0  }
0x20: {  	[sflag:s5] =	ssyncadd.s32 $0xFFFFFFE0  }
0x21: {  	[tilespmem:s8], [sflag:$0x1] =	stream.indirect.gather [hbm4b:s1+s7], $0x80, s4, s7, $0xb8;
	[tilespmem:$0x2080] =	vst v63  }
0x22: {  	_ = 	snop  }
0x23: {  	[tilespmem:s9], [sflag:$0x2] =	stream.indirect.gather [hbm4b:s3+s7], $0x80, s4, s7, $0xb8;
	[tilespmem:$0x2080] =	vst v63  }
0x24: {  	_ =	swait.ge [sflag:s10], $0x1000  }
0x25: {  	[sflag:s10] =	ssyncset.done $0x0  }
0x26: {  	[sflag:s10] =	ssyncadd.s32 $0xFFFFF000  }
0x27: {  	[hbm4b:s11+s4] =	stream.linear.scatter [tilespmem:s8], [sflag:$0x3], $0x1000, $0x38;
	[tilespmem:$0x2080] =	vst v63  }
0x28: {  	_ =	swait.ge [sflag:s5], $0x1000  }
0x29: {  	[sflag:s5] =	ssyncset.done $0x0  }
0x2a: {  	[sflag:s5] =	ssyncadd.s32 $0xFFFFF000  }
0x2b: {  	_ =	swait.ge [sflag:s12], $0x1000  }
.Ltmp1:
0x2c: {  	[sflag:s12] =	ssyncset.done $0x0;
	(pc) =	sbr.rel @p0 .LBB2_1-.Ltmp1, $4  }
0x2d: {  	[sflag:s12] =	ssyncadd.s32 $0xFFFFF000  }
0x2e: {  	[hbm4b:s13+s4] =	stream.linear.scatter [tilespmem:s9], [sflag:$0x3], $0x1000, $0x38;
	[tilespmem:$0x2080] =	vst v63  }
0x2f: {  	_ =	swait.ge [sflag:s5], $0x1000  }
0x30: {  	[sflag:s5] =	ssyncset.done $0x0  }
.LBB2_2:
0x31: {  	[sflag:s5] =	ssyncadd.s32 $0xFFFFF000  }
0x32: {  	_ =	sfence.sel $0x180000  }
0x33: {  	[bflag:$0x0] =	sbarrier.arrive $0xFFFF  }
0x34: {  	p0 =	sne.s32 s0, $0x0;
	_ =	strace $0x90000047  }
0x35: {  	s0 =	sadd.s32 @!p0 $0x100000, s2;
	[bflag:$0x2] =	sbarrier.arrive $0xFFFF  }
0x36: {  	[sflag:s0] =	ssyncadd.tile.s32 @!p0 $0x1;
	_ =	shalt  }
.Lfunc_end2:
_tile_overlayer_lowered:
.L_overlay_start_2:
0x37: {  	(tag) =	ssettag $0x2  }
0x38: {  	s0 =	rddreg [dreg:$0x0];
	s2 =	stileid.u32  }
0x39: {  	s1 =	rddreg [dreg:$0x1];
	p0 =	sne.s32 s2, $0x0  }
0x3a: {  	s3 =	rddreg [dreg:$0x2];
	[bflag:$0x3] =	sbarrier.arrive $0xFFFF;
	s2 =	simm.s32 @!p0 $0x1C03  }
0x3b: {  	[timem:s3], [sflag:s2] =	dma.local @!p0 [hbm:s0], s1  }
0x3c: {  	s0 =	simm.s32 @!p0 $0x3  }
0x3d: {  	_ =	swait.ge @!p0 [sflag:s0], s1  }
0x3e: {  	s1 =	ssub.s32 @!p0 $0x0, s1;
	[sflag:s0] =	ssyncset.done @!p0 $0x0  }
0x3f: {  	[sflag:s0] =	ssyncadd.s32 @!p0 s1  }
0x40: {  	[bflag:$0x3] =	sbarrier.arrive $0xFFFF  }
0x41: {  	_ =	shalt  }

// kernel: kernel.9.cloned.1.call-start
scs
__scs_entry_jumppad:
0x0: {  	(pc) =	sbr.rel $0x88, $3  }
0x1: {  	(tag) =	ssettag $0x0;
	lr =	simm.s32 $0x1  }
0x2: {  	[smem:$0x3F87] =	sst lr;
	_ =	strace $0xD0000000  }
0x3: {  	_ = 	snop  }
0x4: {  	_ = 	snop  }
0x5: {  	_ = 	snop  }
0x6: {  	_ = 	snop  }
0x7: {  	_ = 	snop  }
__scs_overlays_trampoline_lowered:
0x8: {  	[smem:$0x3F96] =	sst s0  }
0x9: {  	[smem:$0x3F97] =	sst s1  }
0xa: {  	[smem:$0x3F98] =	sst s2  }
0xb: {  	[smem:$0x3F99] =	sst s3  }
0xc: {  	[smem:$0x3F9A] =	sst s4  }
0xd: {  	[smem:$0x3F9B] =	sst s5  }
0xe: {  	[smem:$0x3F9C] =	sst s6  }
0xf: {  	[smem:$0x3F9D] =	sst s7  }
0x10: {  	[smem:$0x3F9E] =	sst s8  }
0x11: {  	[smem:$0x3F9F] =	sst s9;
	s0 =	simm.s32 @!p0 $0x0  }
0x12: {  	s1 =	sld [smem:$0x3F85];
	s0 =	simm.s32 @p0 $0x1  }
0x13: {  	[smem:$0x3FA0] =	sst s0;
	s0 =	simm.s32 @!p1 $0x0  }
0x14: {  	s2 =	sld [smem:$0x3F84];
	s0 =	simm.s32 @p1 $0x1  }
0x15: {  	[smem:$0x3FA1] =	sst s0;
	s0 =	simm.s32 @!p2 $0x0  }
0x16: {  	s3 =	sld [smem:$0x3FDB];
	s0 =	simm.s32 @p2 $0x1  }
0x17: {  	s4 =	simm.s32 $0x1BF5;
	[smem:$0x3FA3] =	sst s0  }
0x18: {  	s0 =	sld [smem:$0x3F86];
	_ =	swait.ge [sflag:s4], $0x0  }
0x19: {  	s7 =	sld [smem:$0x3F87]  }
0x1a: {  	s8 =	sadd.s32 $0xFFFFE003, lr  }
0x1b: {  	s9 =	sadd.s32 $0xFFFFFEF7, lr;
	s5 =	simm.s32 $0xFFFFFFFF;
	p2 =	slt.u32 s8, $0xFFFFF086  }
0x1c: {  	p1 =	slt.u32 s9, $0xF7A;
	s5 =	simm.s32 @!p2 $0x0  }
0x1d: {  	s5 =	simm.s32 @p1 $0x1;
	p0 =	seq.s32 s7, s2  }
0x1e: {  	s7 =	smul.u32 @!p0 $0xF7A, s2;
	p2 =	seq.s32 @!p0 s5, $0x0  }
0x1f: {  	s9 =	smul.u32 $0xF7A, s1;
	s8 =	simm.s32 @!p0 $0x1BF5;
	p2 =	por !p2, p0  }
0x20: {  	[sflag:s8] =	ssyncset.s32 @!p0 $0xFFFFF086;
	s6 =	sadd.s32 @!p0 s3, s7;
	s7 =	simm.s32 @!p0 $0x108  }
0x21: {  	s3 =	sadd.s32 s3, s9;
	s6 =	sadd.s32 @!p0 $0x88, s6;
	s7 =	simm.s32 @p2 $0x1082  }
0x22: {  	[simem:s7], [sflag:s8] =	dma.local @!p0 [hbm:s6], $0xF7A  }
0x23: {  	s9 =	sor.u32 $0xD0000000, s2;
	s6 =	simm.s32 $0x108;
	_ =	swait.ge @!p0 [sflag:s8], $0x0  }
0x24: {  	s3 =	sadd.s32 $0x88, s3;
	s6 =	simm.s32 @!p1 $0x1082;
	[sflag:s4] =	ssyncset.s32 $0xFFFFF086  }
0x25: {  	[simem:s6], [sflag:s4] =	dma.local [hbm:s3], $0xF7A  }
0x26: {  	[smem:$0x3F87] =	sst s1;
	(tag) =	ssettag s2;
	_ =	strace s9  }
0x27: {  	s1 =	sld [smem:$0x3F97]  }
0x28: {  	s2 =	sld [smem:$0x3F98]  }
0x29: {  	s4 =	sld [smem:$0x3F9A]  }
0x2a: {  	p0 =	seq.s32 s5, $0x0;
	s5 =	sld [smem:$0x3F9B]  }
0x2b: {  	s6 =	sld [smem:$0x3F9C]  }
0x2c: {  	s7 =	sld [smem:$0x3F9D]  }
0x2d: {  	s3 =	simm.s32 $0x108;
	s8 =	sld [smem:$0x3F9E]  }
0x2e: {  	s3 =	simm.s32 @!p0 $0x1082;
	s9 =	sld [smem:$0x3F9F]  }
0x2f: {  	lr =	sadd.s32 s0, s3;
	s0 =	sld [smem:$0x3F96]  }
0x30: {  	s3 =	sld [smem:$0x3F99]  }
0x31: {  	[smem:$0x3FA2] =	sst s10  }
0x32: {  	s10 =	sld [smem:$0x3FA0];
	_ =	sdelay $0x3  }
0x33: {  	p0 =	seq.s32 s10, $0x1;
	s10 =	sld [smem:$0x3FA2];
	_ =	sdelay $0x3  }
0x34: {  	[smem:$0x3FA2] =	sst s10  }
0x35: {  	s10 =	sld [smem:$0x3FA1];
	_ =	sdelay $0x3  }
0x36: {  	p1 =	seq.s32 s10, $0x1;
	s10 =	sld [smem:$0x3FA2];
	_ =	sdelay $0x3  }
0x37: {  	[smem:$0x3FA2] =	sst s10  }
0x38: {  	s10 =	sld [smem:$0x3FA3]  }
0x39: {  	_ = 	snop;
	(pc) =	sbr.ind lr, $3  }
0x3a: {  	_ = 	snop  }
0x3b: {  	_ = 	snop  }
0x3c: {  	p2 =	seq.s32 s10, $0x1;
	s10 =	sld [smem:$0x3FA2]  }
0x3d: {  	_ =	shalt  }
0x3e: {  	_ =	shalt  }
0x3f: {  	_ =	shalt  }
0x40: {  	_ =	shalt  }
0x41: {  	_ =	shalt  }
0x42: {  	_ =	shalt  }
0x43: {  	_ =	shalt  }
0x44: {  	_ =	shalt  }
0x45: {  	_ =	shalt  }
0x46: {  	_ =	shalt  }
0x47: {  	_ =	shalt  }
0x48: {  	_ =	shalt  }
0x49: {  	_ =	shalt  }
0x4a: {  	_ =	shalt  }
0x4b: {  	_ =	shalt  }
0x4c: {  	_ =	shalt  }
0x4d: {  	_ =	shalt  }
0x4e: {  	_ =	shalt  }
0x4f: {  	_ =	shalt  }
0x50: {  	_ =	shalt  }
0x51: {  	_ =	shalt  }
0x52: {  	_ =	shalt  }
0x53: {  	_ =	shalt  }
0x54: {  	_ =	shalt  }
0x55: {  	_ =	shalt  }
0x56: {  	_ =	shalt  }
0x57: {  	_ =	shalt  }
0x58: {  	_ =	shalt  }
0x59: {  	_ =	shalt  }
0x5a: {  	_ =	shalt  }
0x5b: {  	_ =	shalt  }
0x5c: {  	_ =	shalt  }
0x5d: {  	_ =	shalt  }
0x5e: {  	_ =	shalt  }
0x5f: {  	_ =	shalt  }
0x60: {  	_ =	shalt  }
0x61: {  	_ =	shalt  }
0x62: {  	_ =	shalt  }
0x63: {  	_ =	shalt  }
0x64: {  	_ =	shalt  }
0x65: {  	_ =	shalt  }
0x66: {  	_ =	shalt  }
0x67: {  	_ =	shalt  }
0x68: {  	_ =	shalt  }
0x69: {  	_ =	shalt  }
0x6a: {  	_ =	shalt  }
0x6b: {  	_ =	shalt  }
0x6c: {  	_ =	shalt  }
0x6d: {  	_ =	shalt  }
0x6e: {  	_ =	shalt  }
0x6f: {  	_ =	shalt  }
0x70: {  	_ =	shalt  }
0x71: {  	_ =	shalt  }
0x72: {  	_ =	shalt  }
0x73: {  	_ =	shalt  }
0x74: {  	_ =	shalt  }
0x75: {  	_ =	shalt  }
0x76: {  	_ =	shalt  }
0x77: {  	_ =	shalt  }
0x78: {  	_ =	shalt  }
0x79: {  	_ =	shalt  }
0x7a: {  	_ =	shalt  }
0x7b: {  	_ =	shalt  }
0x7c: {  	_ =	shalt  }
0x7d: {  	_ =	shalt  }
0x7e: {  	_ =	shalt  }
0x7f: {  	_ =	shalt  }
0x80: {  	_ =	shalt  }
0x81: {  	_ =	shalt  }
0x82: {  	_ =	shalt  }
0x83: {  	_ =	shalt  }
0x84: {  	_ =	shalt  }
0x85: {  	_ =	shalt  }
0x86: {  	_ =	shalt  }
0x87: {  	_ =	shalt  }
.Lfunc_end0:
.L_simem_size_0:
called_computation.1_lowered:
.L_overlay_start_0:
0x88: {  	s2 =	sld [smem:$0x3FD9]  }
0x89: {  	s3 =	sld [smem:$0x3FFE];
	_ =	sdelay $0x1  }
0x8a: {  	s1 =	srdreg.scid  }
0x8b: {  	s0 =	sand.u32 $0x1, s1  }
0x8c: {  	s17 =	sshll.u32 s0, $0xA;
	s2 =	sadd.s32 s3, s2  }
0x8d: {  	s2 =	sadd.s32 s2, s17  }
0x8e: {  	[smem:$0x3FAE] =	sst s2  }
0x8f: {  	_ = 	snop  }
0x90: {  	s2 =	sld [smem:$0x3FC4]  }
0x91: {  	s18 =	sld [smem:$0x3FC3]  }
0x92: {  	s4 =	sld [smem:$0x3FC2]  }
0x93: {  	s5 =	sld [smem:$0x3FD0];
	(tm) =	ssettm $0x1  }
0x94: {  	s6 =	sld [smem:$0x3FFB];
	_ =	sdelay $0x3  }
0x95: {  	_ =	strace s6  }
0x96: {  	s6 =	sld [smem:$0x3FFC];
	_ =	sdelay $0x3  }
0x97: {  	_ =	strace s6  }
0x98: {  	s6 =	sld [smem:$0x3FFD];
	_ =	sdelay $0x3  }
0x99: {  	_ =	strace s6  }
0x9a: {  	_ =	strace $0x8FFFFFFF  }
0x9b: {  	s19 =	sld [smem:$0x3FDB];
	_ =	sdelay $0x1  }
0x9c: {  	s7 =	simm.s32 $_scs_section_size  }
0x9d: {  	s8 =	simm.s32 $_size__tile_overlayer_lowered;
	s9 =	simm.s32 $_tile_overlayer_lowered  }
0x9e: {  	s22 =	simm.s32 $0x1BFF;
	s21 =	sshll.u32 s9, $0x1;
	s6 =	sadd.s32 s7, s19  }
0x9f: {  	s10 =	simm.s32 $0x0;
	s20 =	sshll.u32 s8, $0x1;
	s8 =	sadd.s32 s21, s6  }
0xa0: {  	[timem:s10], [sflag:s22] =	dma.local [hbm:s8], s20  }
0xa1: {  	_ =	swait.ge [sflag:s22], s20  }
0xa2: {  	s7 =	ssub.s32 $0x0, s20;
	[sflag:s22] =	ssyncset.done $0x0  }
0xa3: {  	[sflag:s22] =	ssyncadd.s32 s7;
	_ =	sdelay $0x1  }
0xa4: {  	s23 =	simm.s32 $0x1B8B  }
0xa5: {  	_ =	swait.ge [sflag:s23], $0x1  }
0xa6: {  	[sflag:s23] =	ssyncset.done $0x0  }
0xa7: {  	s25 =	simm.s32 $0x1B8E;
	s24 =	sld [smem:$0x3FFE];
	[sflag:s23] =	ssyncadd.s32 $0xFFFFFFFF  }
0xa8: {  	s26 =	simm.s32 $execute0_lowered;
	[smem:$0x3FD2] =	sst s25  }
0xa9: {  	s8 =	sshll.u32 s26, $0x1;
	_ =	strace $0x80000049;
	[dreg:$0x1] =	wrdreg $0xFFFFFFFF  }
0xaa: {  	s28 =	simm.s32 $_size_execute0_lowered;
	s6 =	sadd.s32 s6, s8;
	[dreg:$0x0] =	wrdreg $0x0  }
0xab: {  	s8 =	sshll.u32 s28, $0x1;
	[dreg:$0x2] =	wrdreg s6  }
0xac: {  	[dreg:$0x3] =	wrdreg s8  }
0xad: {  	[dreg:$0x4] =	wrdreg $0xC0  }
0xae: {  	_ =	task [dreg:s10], $0x5FFFF  }
0xaf: {  	[dreg:$0x1] =	wrdreg $0xFFFFFFFF  }
0xb0: {  	[dreg:$0x0] =	wrdreg $0x60  }
0xb1: {  	[dreg:$0x2] =	wrdreg s24  }
0xb2: {  	[dreg:$0x3] =	wrdreg s2  }
0xb3: {  	[dreg:$0x4] =	wrdreg s18  }
0xb4: {  	[dreg:$0x5] =	wrdreg s4  }
0xb5: {  	[dreg:$0x6] =	wrdreg s5  }
0xb6: {  	[dreg:$0x7] =	wrdreg $0x9  }
0xb7: {  	_ =	task.clear_ibuf [dreg:s10], $0x8FFFF;
	_ =	strace $0x90000049  }
0xb8: {  	s29 =	simm.s32 $0x9;
	_ =	strace $0x8000004B  }
0xb9: {  	_ =	swait.ge [sflag:s29], $0x1  }
0xba: {  	[sflag:s29] =	ssyncadd.s32 $0xFFFFFFFF  }
0xbb: {  	_ =	strace $0x9000004B  }
0xbc: {  	_ =	sfence  }
0xbd: {  	s30 =	sld [smem:$0x0];
	_ =	sdelay $0x2  }
0xbe: {  	s31 =	sshll.u32 s1, $0xD;
	s1 =	sshrl.u32 s1, $0x2  }
0xbf: {  	s3 =	sand.u32 $0x4000, s31;
	s1 =	sadd.s32 s1, s30  }
0xc0: {  	s0 =	sor.u32 s3, s0;
	s1 =	sshll.u32 s1, $0x11  }
0xc1: {  	s0 =	sor.u32 s1, s0  }
0xc2: {  	s0 =	sadd.s32 $0x8F2B, s0  }
0xc3: {  	[sflag:s0] =	ssyncadd.remote.s32 $0x1  }
0xc4: {  	_ =	sfence.sel $0xFFFF  }
0xc5: {  	[dreg:$0x0] =	wrdreg $0xFFFFFFFF;
	(pc) =	sbr.abs _section_cstart, $3  }
0xc6: {  	[dreg:$0x1] =	wrdreg $0xFFFFFFFF  }
0xc7: {  	_ =	task.clear_ibuf [dreg:s10], $0x2FFFF;
	_ =	strace $0x9FFFFFFF  }
0xc8: {  	(tm) =	ssettm $0x7FFFFFFF  }
0xc9: {  	_ =	shalt  }
tec
execute0_lowered:
.L_overlay_start_1:
0x0: {  	(tag) =	ssettag $0x1  }
0x1: {  	s7 =	rddreg [dreg:$0x0]  }
0x2: {  	s0 =	srdreg.scid;
	s23 =	rddreg [dreg:$0x1]  }
0x3: {  	s3 =	rddreg [dreg:$0x2];
	s1 =	sand.u32 $0x1, s0  }
0x4: {  	s2 =	stileid.u32;
	s4 =	rddreg [dreg:$0x3];
	s0 =	sshll.u32 s1, $0x4  }
0x5: {  	s5 =	rddreg [dreg:$0x4];
	s11 =	sadd.s32 $0x16000, s7;
	s6 =	sor.u32 s2, s0  }
0x6: {  	s2 =	simm.s32 $0x0;
	s0 =	smul.u32 $0x180, s6;
	s8 =	sshll.u32 s6, $0x6  }
0x7: {  	[smem:$0x7FF] =	sst s2;
	s14 =	smul.u32 $0x60000, s6;
	s10 =	sadd.s32 s8, s7  }
0x8: {  	s8 =	smul.u32 $0xC000, s6;
	s0 =	sadd.s32 s0, s7;
	s10 =	sadd.s32 $0x15800, s10  }
0x9: {  	_ =	strace $0x8000004A;
	s9 =	sadd.s32 $0x12800, s0;
	[dreg:$0x9] =	wrdreg s10  }
0xa: {  	s12 =	sadd.s32 s11, s8;
	[dreg:$0x6] =	wrdreg s9  }
0xb: {  	s10 =	sshrl.u32 s14, $0x3;
	s9 =	sadd.s32 $0xF800, s0;
	[dreg:$0xa] =	wrdreg s12  }
0xc: {  	s0 =	sadd.s32 $0xC800, s0;
	s14 =	sadd.s32 $0x4000, s10;
	[dreg:$0x7] =	wrdreg s9  }
0xd: {  	[dreg:$0x8] =	wrdreg s0;
	s9 =	sor.u32 $0x1000, s8;
	s16 =	sadd.s32 s11, s14  }
0xe: {  	s0 =	sor.u32 $0x2000, s8;
	s13 =	sadd.s32 s11, s9;
	[dreg:$0xe] =	wrdreg s16  }
0xf: {  	s12 =	sadd.s32 s11, s0;
	[dreg:$0xb] =	wrdreg s13;
	s13 =	sor.u32 $0x3000, s8  }
0x10: {  	s16 =	sadd.s32 $0x6000, s10;
	[dreg:$0xc] =	wrdreg s12;
	s15 =	sadd.s32 s11, s13  }
0x11: {  	s18 =	sadd.s32 s11, s16;
	[dreg:$0xd] =	wrdreg s15;
	s15 =	sadd.s32 $0x5000, s10  }
0x12: {  	[dreg:$0x10] =	wrdreg s18;
	s18 =	sadd.s32 $0x8000, s10;
	s17 =	sadd.s32 s11, s15  }
0x13: {  	s20 =	sadd.s32 s11, s18;
	[dreg:$0xf] =	wrdreg s17;
	s17 =	sadd.s32 $0x7000, s10  }
0x14: {  	[dreg:$0x12] =	wrdreg s20;
	s20 =	sadd.s32 $0xA000, s10;
	s19 =	sadd.s32 s11, s17  }
0x15: {  	s22 =	sadd.s32 s11, s20;
	[dreg:$0x11] =	wrdreg s19;
	s19 =	sadd.s32 $0x9000, s10  }
0x16: {  	[dreg:$0x14] =	wrdreg s22;
	s10 =	sadd.s32 $0xB000, s10;
	s21 =	sadd.s32 s11, s19  }
0x17: {  	s11 =	sadd.s32 s11, s10;
	[dreg:$0x13] =	wrdreg s21;
	s21 =	sadd.s32 $0x196000, s7  }
0x18: {  	[dreg:$0x15] =	wrdreg s11;
	s24 =	sadd.s32 s21, s8  }
0x19: {  	s25 =	sadd.s32 s21, s9;
	[dreg:$0x16] =	wrdreg s24  }
0x1a: {  	s26 =	sadd.s32 s21, s0;
	[dreg:$0x17] =	wrdreg s25  }
0x1b: {  	s12 =	sadd.s32 s21, s13;
	[dreg:$0x18] =	wrdreg s26  }
0x1c: {  	s7 =	sadd.s32 $0x316000, s7;
	s22 =	sadd.s32 s21, s14;
	[dreg:$0x19] =	wrdreg s12  }
0x1d: {  	s8 =	sadd.s32 s7, s8;
	[dreg:$0x1a] =	wrdreg s22  }
0x1e: {  	s0 =	sadd.s32 s7, s0;
	[smem:$0x7DA] =	sst s8  }
0x1f: {  	s11 =	sadd.s32 s7, s15;
	[smem:$0x7DC] =	sst s0  }
0x20: {  	[smem:$0x7DF] =	sst s11  }
0x21: {  	s24 =	sadd.s32 s21, s15;
	s0 =	rddreg [dreg:$0x6]  }
0x22: {  	s25 =	sadd.s32 s21, s16;
	[dreg:$0x1b] =	wrdreg s24  }
0x23: {  	s26 =	sadd.s32 s21, s17;
	[dreg:$0x1c] =	wrdreg s25  }
0x24: {  	s12 =	sadd.s32 s21, s18;
	[dreg:$0x1d] =	wrdreg s26  }
0x25: {  	s22 =	sadd.s32 s21, s19;
	[dreg:$0x1e] =	wrdreg s12  }
0x26: {  	s8 =	sadd.s32 s7, s13;
	[dreg:$0x1f] =	wrdreg s22  }
0x27: {  	s13 =	sadd.s32 s7, s17;
	[smem:$0x7DD] =	sst s8  }
0x28: {  	s15 =	sadd.s32 s7, s19;
	[smem:$0x7E1] =	sst s13  }
0x29: {  	s17 =	sadd.s32 s7, s10;
	[smem:$0x7E3] =	sst s15  }
0x2a: {  	s19 =	simm.s32 $0x200;
	[smem:$0x7E5] =	sst s17  }
0x2b: {  	s11 =	simm.s32 $0xD00;
	[smem:$0x7E7] =	sst s19  }
0x2c: {  	s31 =	simm.s32 $0x7;
	s24 =	sadd.s32 s21, s20;
	[smem:$0x7F1] =	sst s11  }
0x2d: {  	s30 =	simm.s32 $0xC00;
	s25 =	sadd.s32 s21, s10;
	[smem:$0x7D8] =	sst s24  }
0x2e: {  	s29 =	simm.s32 $0x1B00;
	s26 =	sadd.s32 s7, s9;
	[smem:$0x7D9] =	sst s25  }
0x2f: {  	s28 =	simm.s32 $0x1C00;
	s9 =	sadd.s32 s7, s14;
	[smem:$0x7DB] =	sst s26  }
0x30: {  	p0 =	por $0x0, $0x0;
	s12 =	sadd.s32 s7, s16;
	[smem:$0x7DE] =	sst s9  }
0x31: {  	s6 =	sshll.u32 s6, $0xD;
	s14 =	sadd.s32 s7, s18;
	[smem:$0x7E0] =	sst s12  }
0x32: {  	s5 =	sadd.s32 s5, s6;
	s16 =	sadd.s32 s7, s20;
	[smem:$0x7E2] =	sst s14  }
0x33: {  	s1 =	ssub.s32 $0x2, s1;
	s18 =	sadd.s32 $0x1000, s5;
	[smem:$0x7E4] =	sst s16  }
0x34: {  	s6 =	simm.s32 $0xA600;
	s20 =	simm.s32 $0x300;
	[smem:$0x7E6] =	sst s18  }
0x35: {  	s21 =	simm.s32 $0x400;
	s22 =	simm.s32 $0x500;
	[smem:$0x7E8] =	sst s20  }
0x36: {  	s7 =	simm.s32 $0x800;
	s8 =	simm.s32 $0x900;
	[smem:$0x7E9] =	sst s21  }
0x37: {  	s10 =	simm.s32 $0xB00;
	s15 =	simm.s32 $0x2400;
	[smem:$0x7EA] =	sst s22  }
0x38: {  	s13 =	simm.s32 $0xF00;
	s17 =	simm.s32 $0x1200;
	[smem:$0x7ED] =	sst s7  }
0x39: {  	s11 =	simm.s32 $0x12600;
	s19 =	simm.s32 $0x1400;
	[smem:$0x7EE] =	sst s8  }
0x3a: {  	s24 =	simm.s32 $0x600;
	s25 =	simm.s32 $0x700;
	[smem:$0x7F0] =	sst s10  }
0x3b: {  	s26 =	sshrl.u32 s1, $0x1;
	s9 =	simm.s32 $0xA00;
	[smem:$0x7F3] =	sst s13  }
0x3c: {  	s12 =	simm.s32 $0xE00;
	s14 =	simm.s32 $0x1000;
	[smem:$0x7F6] =	sst s17  }
0x3d: {  	s7 =	simm.s32 $0x2600;
	s16 =	simm.s32 $0x1100;
	[smem:$0x7F8] =	sst s19  }
0x3e: {  	s18 =	simm.s32 $0x1300;
	s8 =	simm.s32 $0x4;
	[smem:$0x7EB] =	sst s24  }
0x3f: {  	s20 =	simm.s32 $0x1500;
	s21 =	simm.s32 $0x1600;
	[smem:$0x7EC] =	sst s25  }
0x40: {  	s10 =	simm.s32 $0x5;
	s22 =	simm.s32 $0x1700;
	[smem:$0x7EF] =	sst s9  }
0x41: {  	s13 =	simm.s32 $0x6;
	s19 =	simm.s32 $0x2200;
	[smem:$0x7F2] =	sst s12  }
0x42: {  	s17 =	simm.s32 $0x2500;
	s1 =	ssub.s32 s1, s26;
	[smem:$0x7F4] =	sst s14  }
0x43: {  	s26 =	simm.s32 $0x1800;
	s9 =	simm.s32 $0x100;
	[smem:$0x7F5] =	sst s16  }
0x44: {  	s12 =	simm.s32 $0x1;
	[smem:$0x7F7] =	sst s18;
	s1 =	smax.u32 s1, $0x1  }
0x45: {  	s14 =	simm.s32 $0x2;
	[smem:$0x7F9] =	sst s20;
	p1 =	sne.s32 s1, $0x1  }
.Ltmp0:
0x46: {  	[smem:$0x7FA] =	sst s21;
	s16 =	simm.s32 $0x3;
	(pc) =	sbr.rel @!p1 .LBB2_3-.Ltmp0, $4  }
0x47: {  	[smem:$0x7FB] =	sst s22;
	s24 =	simm.s32 $0x1900;
	s25 =	simm.s32 $0x1A00  }
0x48: {  	s22 =	simm.s32 $0x1F00;
	s21 =	simm.s32 $0x2000;
	[smem:$0x7FC] =	sst s24  }
0x49: {  	s20 =	simm.s32 $0x2100;
	s18 =	simm.s32 $0x2300;
	[smem:$0x7FD] =	sst s25  }
0x4a: {  	s25 =	simm.s32 $0x1D00;
	s24 =	simm.s32 $0x1E00;
	s1 =	sadd.s32 $0xFFFFFFFF, s1  }
0x4b: {  	[tilespmem:s2], [sflag:$0x7] =	stream.linear.gather [hbm4b:s0+s2], $0xC00, $0x38;
	[tilespmem:$0x1A600] =	vst v63  }
0x4c: {  	_ =	swait.ge [sflag:s31], $0xC00  }
0x4d: {  	[sflag:s31] =	ssyncset.done $0x0  }
0x4e: {  	s0 =	rddreg [dreg:$0x7];
	[sflag:s31] =	ssyncadd.s32 $0xFFFFF400  }
0x4f: {  	[tilespmem:s30], [sflag:$0x7] =	stream.linear.gather [hbm4b:s0+s2], $0xC00, $0x38;
	[tilespmem:$0x1A600] =	vst v63  }
0x50: {  	_ =	swait.ge [sflag:s31], $0xC00  }
0x51: {  	[sflag:s31] =	ssyncset.done $0x0  }
0x52: {  	s0 =	rddreg [dreg:$0x8];
	[sflag:s31] =	ssyncadd.s32 $0xFFFFF400  }
0x53: {  	[tilespmem:s26], [sflag:$0x7] =	stream.linear.gather [hbm4b:s0+s2], $0xC00, $0x38;
	[tilespmem:$0x1A600] =	vst v63  }
0x54: {  	_ =	swait.ge [sflag:s31], $0xC00  }
0x55: {  	[sflag:s31] =	ssyncset.done $0x0  }
0x56: {  	s0 =	rddreg [dreg:$0x9];
	[sflag:s31] =	ssyncadd.s32 $0xFFFFF400  }
0x57: {  	[tilespmem:s15], [sflag:$0x7] =	stream.linear.gather [hbm4b:s0+s2], $0x200, $0x38;
	[tilespmem:$0x1A600] =	vst v63  }
0x58: {  	_ =	swait.ge [sflag:s31], $0x200  }
0x59: {  	[sflag:s31] =	ssyncset.done $0x0  }
0x5a: {  	[sflag:s31] =	ssyncadd.s32 $0xFFFFFE00  }
0x5b: {  	[tilespmem:s7], [sflag:$0x1] =	stream.indirect.gather [hbm4b:s23+s9], $0x80, s2, s9, $0xb8;
	[tilespmem:$0x1A600] =	vst v63  }
0x5c: {  	s0 =	sld [smem:$0x7E7]  }
0x5d: {  	[tilespmem:s6], [sflag:$0x2] =	stream.indirect.gather [hbm4b:s23+s9], $0x80, s9, s9, $0xb8;
	[tilespmem:$0x1A600] =	vst v63  }
0x5e: {  	_ = 	snop  }
0x5f: {  	[tilespmem:s11], [sflag:$0x3] =	stream.indirect.gather [hbm4b:s23+s9], $0x80, s0, s9, $0xb8;
	[tilespmem:$0x1A600] =	vst v63  }
0x60: {  	_ =	swait.ge [sflag:s12], $0x8000  }
0x61: {  	[sflag:s12] =	ssyncset.done $0x0  }
0x62: {  	s0 =	rddreg [dreg:$0xa];
	[sflag:s12] =	ssyncadd.s32 $0xFFFF8000  }
0x63: {  	[hbm4b:s0+s2] =	stream.linear.scatter [tilespmem:s7], [sflag:$0x4], $0x8000, $0x38;
	[tilespmem:$0x1A600] =	vst v63  }
0x64: {  	_ =	swait.ge [sflag:s8], $0x8000  }
0x65: {  	s0 =	sld [smem:$0x7E8]  }
0x66: {  	[sflag:s8] =	ssyncset.done $0x0  }
0x67: {  	[sflag:s8] =	ssyncadd.s32 $0xFFFF8000  }
0x68: {  	[tilespmem:s7], [sflag:$0x1] =	stream.indirect.gather [hbm4b:s23+s9], $0x80, s0, s9, $0xb8;
	[tilespmem:$0x1A600] =	vst v63  }
0x69: {  	_ =	swait.ge [sflag:s14], $0x8000  }
0x6a: {  	[sflag:s14] =	ssyncset.done $0x0  }
0x6b: {  	s0 =	rddreg [dreg:$0xb];
	[sflag:s14] =	ssyncadd.s32 $0xFFFF8000  }
0x6c: {  	[hbm4b:s0+s2] =	stream.linear.scatter [tilespmem:s6], [sflag:$0x5], $0x8000, $0x38;
	[tilespmem:$0x1A600] =	vst v63  }
0x6d: {  	_ =	swait.ge [sflag:s10], $0x8000  }
0x6e: {  	s0 =	sld [smem:$0x7E9]  }
0x6f: {  	[sflag:s10] =	ssyncset.done $0x0  }
0x70: {  	[sflag:s10] =	ssyncadd.s32 $0xFFFF8000  }
0x71: {  	[tilespmem:s6], [sflag:$0x2] =	stream.indirect.gather [hbm4b:s23+s9], $0x80, s0, s9, $0xb8;
	[tilespmem:$0x1A600] =	vst v63  }
0x72: {  	_ =	swait.ge [sflag:s16], $0x8000  }
0x73: {  	[sflag:s16] =	ssyncset.done $0x0  }
0x74: {  	s0 =	rddreg [dreg:$0xc];
	[sflag:s16] =	ssyncadd.s32 $0xFFFF8000  }
0x75: {  	[hbm4b:s0+s2] =	stream.linear.scatter [tilespmem:s11], [sflag:$0x6], $0x8000, $0x38;
	[tilespmem:$0x1A600] =	vst v63  }
0x76: {  	_ =	swait.ge [sflag:s13], $0x8000  }
0x77: {  	s0 =	sld [smem:$0x7EA]  }
0x78: {  	[sflag:s13] =	ssyncset.done $0x0  }
0x79: {  	[sflag:s13] =	ssyncadd.s32 $0xFFFF8000  }
0x7a: {  	[tilespmem:s11], [sflag:$0x3] =	stream.indirect.gather [hbm4b:s23+s9], $0x80, s0, s9, $0xb8;
	[tilespmem:$0x1A600] =	vst v63  }
0x7b: {  	_ =	swait.ge [sflag:s12], $0x8000  }
0x7c: {  	[sflag:s12] =	ssyncset.done $0x0  }
0x7d: {  	s0 =	rddreg [dreg:$0xd];
	[sflag:s12] =	ssyncadd.s32 $0xFFFF8000  }
0x7e: {  	[hbm4b:s0+s2] =	stream.linear.scatter [tilespmem:s7], [sflag:$0x4], $0x8000, $0x38;
	[tilespmem:$0x1A600] =	vst v63  }
0x7f: {  	_ =	swait.ge [sflag:s8], $0x8000  }
0x80: {  	s0 =	sld [smem:$0x7EB]  }
0x81: {  	[sflag:s8] =	ssyncset.done $0x0  }
0x82: {  	[sflag:s8] =	ssyncadd.s32 $0xFFFF8000  }
0x83: {  	[tilespmem:s7], [sflag:$0x1] =	stream.indirect.gather [hbm4b:s23+s9], $0x80, s0, s9, $0xb8;
	[tilespmem:$0x1A600] =	vst v63  }
0x84: {  	_ =	swait.ge [sflag:s14], $0x8000  }
0x85: {  	[sflag:s14] =	ssyncset.done $0x0  }
0x86: {  	s0 =	rddreg [dreg:$0xe];
	[sflag:s14] =	ssyncadd.s32 $0xFFFF8000  }
0x87: {  	[hbm4b:s0+s2] =	stream.linear.scatter [tilespmem:s6], [sflag:$0x5], $0x8000, $0x38;
	[tilespmem:$0x1A600] =	vst v63  }
0x88: {  	_ =	swait.ge [sflag:s10], $0x8000  }
0x89: {  	s0 =	sld [smem:$0x7EC]  }
0x8a: {  	[sflag:s10] =	ssyncset.done $0x0  }
0x8b: {  	[sflag:s10] =	ssyncadd.s32 $0xFFFF8000  }
0x8c: {  	[tilespmem:s6], [sflag:$0x2] =	stream.indirect.gather [hbm4b:s23+s9], $0x80, s0, s9, $0xb8;
	[tilespmem:$0x1A600] =	vst v63  }
0x8d: {  	_ =	swait.ge [sflag:s16], $0x8000  }
0x8e: {  	[sflag:s16] =	ssyncset.done $0x0  }
0x8f: {  	s0 =	rddreg [dreg:$0xf];
	[sflag:s16] =	ssyncadd.s32 $0xFFFF8000  }
0x90: {  	[hbm4b:s0+s2] =	stream.linear.scatter [tilespmem:s11], [sflag:$0x6], $0x8000, $0x38;
	[tilespmem:$0x1A600] =	vst v63  }
0x91: {  	_ =	swait.ge [sflag:s13], $0x8000  }
0x92: {  	s0 =	sld [smem:$0x7ED]  }
0x93: {  	[sflag:s13] =	ssyncset.done $0x0  }
0x94: {  	[sflag:s13] =	ssyncadd.s32 $0xFFFF8000  }
0x95: {  	[tilespmem:s11], [sflag:$0x3] =	stream.indirect.gather [hbm4b:s23+s9], $0x80, s0, s9, $0xb8;
	[tilespmem:$0x1A600] =	vst v63  }
0x96: {  	_ =	swait.ge [sflag:s12], $0x8000  }
0x97: {  	[sflag:s12] =	ssyncset.done $0x0  }
0x98: {  	s0 =	rddreg [dreg:$0x10];
	[sflag:s12] =	ssyncadd.s32 $0xFFFF8000  }
0x99: {  	[hbm4b:s0+s2] =	stream.linear.scatter [tilespmem:s7], [sflag:$0x4], $0x8000, $0x38;
	[tilespmem:$0x1A600] =	vst v63  }
0x9a: {  	_ =	swait.ge [sflag:s8], $0x8000  }
0x9b: {  	s0 =	sld [smem:$0x7EE]  }
0x9c: {  	[sflag:s8] =	ssyncset.done $0x0  }
0x9d: {  	[sflag:s8] =	ssyncadd.s32 $0xFFFF8000  }
0x9e: {  	[tilespmem:s7], [sflag:$0x1] =	stream.indirect.gather [hbm4b:s23+s9], $0x80, s0, s9, $0xb8;
	[tilespmem:$0x1A600] =	vst v63  }
0x9f: {  	_ =	swait.ge [sflag:s14], $0x8000  }
0xa0: {  	[sflag:s14] =	ssyncset.done $0x0  }
0xa1: {  	s0 =	rddreg [dreg:$0x11];
	[sflag:s14] =	ssyncadd.s32 $0xFFFF8000  }
0xa2: {  	[hbm4b:s0+s2] =	stream.linear.scatter [tilespmem:s6], [sflag:$0x5], $0x8000, $0x38;
	[tilespmem:$0x1A600] =	vst v63  }
0xa3: {  	_ =	swait.ge [sflag:s10], $0x8000  }
0xa4: {  	s0 =	sld [smem:$0x7EF]  }
0xa5: {  	[sflag:s10] =	ssyncset.done $0x0  }
0xa6: {  	[sflag:s10] =	ssyncadd.s32 $0xFFFF8000  }
0xa7: {  	[tilespmem:s6], [sflag:$0x2] =	stream.indirect.gather [hbm4b:s23+s9], $0x80, s0, s9, $0xb8;
	[tilespmem:$0x1A600] =	vst v63  }
0xa8: {  	_ =	swait.ge [sflag:s16], $0x8000  }
0xa9: {  	[sflag:s16] =	ssyncset.done $0x0  }
0xaa: {  	s0 =	rddreg [dreg:$0x12];
	[sflag:s16] =	ssyncadd.s32 $0xFFFF8000  }
0xab: {  	[hbm4b:s0+s2] =	stream.linear.scatter [tilespmem:s11], [sflag:$0x6], $0x8000, $0x38;
	[tilespmem:$0x1A600] =	vst v63  }
0xac: {  	_ =	swait.ge [sflag:s13], $0x8000  }
0xad: {  	s0 =	sld [smem:$0x7F0]  }
0xae: {  	[sflag:s13] =	ssyncset.done $0x0  }
0xaf: {  	[sflag:s13] =	ssyncadd.s32 $0xFFFF8000  }
0xb0: {  	[tilespmem:s11], [sflag:$0x3] =	stream.indirect.gather [hbm4b:s23+s9], $0x80, s0, s9, $0xb8;
	[tilespmem:$0x1A600] =	vst v63  }
0xb1: {  	_ =	swait.ge [sflag:s12], $0x8000  }
0xb2: {  	[sflag:s12] =	ssyncset.done $0x0  }
0xb3: {  	s0 =	rddreg [dreg:$0x13];
	[sflag:s12] =	ssyncadd.s32 $0xFFFF8000  }
0xb4: {  	[hbm4b:s0+s2] =	stream.linear.scatter [tilespmem:s7], [sflag:$0x4], $0x8000, $0x38;
	[tilespmem:$0x1A600] =	vst v63  }
0xb5: {  	_ =	swait.ge [sflag:s8], $0x8000  }
0xb6: {  	[sflag:s8] =	ssyncset.done $0x0  }
0xb7: {  	[sflag:s8] =	ssyncadd.s32 $0xFFFF8000  }
0xb8: {  	[tilespmem:s7], [sflag:$0x1] =	stream.indirect.gather [hbm4b:s3+s9], $0x80, s30, s9, $0xb8;
	[tilespmem:$0x1A600] =	vst v63  }
0xb9: {  	_ =	swait.ge [sflag:s14], $0x8000  }
0xba: {  	[sflag:s14] =	ssyncset.done $0x0  }
0xbb: {  	s0 =	rddreg [dreg:$0x14];
	[sflag:s14] =	ssyncadd.s32 $0xFFFF8000  }
0xbc: {  	[hbm4b:s0+s2] =	stream.linear.scatter [tilespmem:s6], [sflag:$0x5], $0x8000, $0x38;
	[tilespmem:$0x1A600] =	vst v63  }
0xbd: {  	_ =	swait.ge [sflag:s10], $0x8000  }
0xbe: {  	s0 =	sld [smem:$0x7F1]  }
0xbf: {  	[sflag:s10] =	ssyncset.done $0x0  }
0xc0: {  	[sflag:s10] =	ssyncadd.s32 $0xFFFF8000  }
0xc1: {  	[tilespmem:s6], [sflag:$0x2] =	stream.indirect.gather [hbm4b:s3+s9], $0x80, s0, s9, $0xb8;
	[tilespmem:$0x1A600] =	vst v63  }
0xc2: {  	_ =	swait.ge [sflag:s16], $0x8000  }
0xc3: {  	[sflag:s16] =	ssyncset.done $0x0  }
0xc4: {  	s0 =	rddreg [dreg:$0x15];
	[sflag:s16] =	ssyncadd.s32 $0xFFFF8000  }
0xc5: {  	[hbm4b:s0+s2] =	stream.linear.scatter [tilespmem:s11], [sflag:$0x6], $0x8000, $0x38;
	[tilespmem:$0x1A600] =	vst v63  }
0xc6: {  	_ =	swait.ge [sflag:s13], $0x8000  }
0xc7: {  	s0 =	sld [smem:$0x7F2]  }
0xc8: {  	[sflag:s13] =	ssyncset.done $0x0  }
0xc9: {  	[sflag:s13] =	ssyncadd.s32 $0xFFFF8000  }
0xca: {  	[tilespmem:s11], [sflag:$0x3] =	stream.indirect.gather [hbm4b:s3+s9], $0x80, s0, s9, $0xb8;
	[tilespmem:$0x1A600] =	vst v63  }
0xcb: {  	_ =	swait.ge [sflag:s12], $0x8000  }
0xcc: {  	[sflag:s12] =	ssyncset.done $0x0  }
0xcd: {  	s0 =	rddreg [dreg:$0x16];
	[sflag:s12] =	ssyncadd.s32 $0xFFFF8000  }
0xce: {  	[hbm4b:s0+s2] =	stream.linear.scatter [tilespmem:s7], [sflag:$0x4], $0x8000, $0x38;
	[tilespmem:$0x1A600] =	vst v63  }
0xcf: {  	_ =	swait.ge [sflag:s8], $0x8000  }
0xd0: {  	s0 =	sld [smem:$0x7F3]  }
0xd1: {  	[sflag:s8] =	ssyncset.done $0x0  }
0xd2: {  	[sflag:s8] =	ssyncadd.s32 $0xFFFF8000  }
0xd3: {  	[tilespmem:s7], [sflag:$0x1] =	stream.indirect.gather [hbm4b:s3+s9], $0x80, s0, s9, $0xb8;
	[tilespmem:$0x1A600] =	vst v63  }
0xd4: {  	_ =	swait.ge [sflag:s14], $0x8000  }
0xd5: {  	[sflag:s14] =	ssyncset.done $0x0  }
0xd6: {  	s0 =	rddreg [dreg:$0x17];
	[sflag:s14] =	ssyncadd.s32 $0xFFFF8000  }
0xd7: {  	[hbm4b:s0+s2] =	stream.linear.scatter [tilespmem:s6], [sflag:$0x5], $0x8000, $0x38;
	[tilespmem:$0x1A600] =	vst v63  }
0xd8: {  	_ =	swait.ge [sflag:s10], $0x8000  }
0xd9: {  	s0 =	sld [smem:$0x7F4]  }
0xda: {  	[sflag:s10] =	ssyncset.done $0x0  }
0xdb: {  	[sflag:s10] =	ssyncadd.s32 $0xFFFF8000  }
0xdc: {  	[tilespmem:s6], [sflag:$0x2] =	stream.indirect.gather [hbm4b:s3+s9], $0x80, s0, s9, $0xb8;
	[tilespmem:$0x1A600] =	vst v63  }
0xdd: {  	_ =	swait.ge [sflag:s16], $0x8000  }
0xde: {  	[sflag:s16] =	ssyncset.done $0x0  }
0xdf: {  	s0 =	rddreg [dreg:$0x18];
	[sflag:s16] =	ssyncadd.s32 $0xFFFF8000  }
0xe0: {  	[hbm4b:s0+s2] =	stream.linear.scatter [tilespmem:s11], [sflag:$0x6], $0x8000, $0x38;
	[tilespmem:$0x1A600] =	vst v63  }
0xe1: {  	_ =	swait.ge [sflag:s13], $0x8000  }
0xe2: {  	s0 =	sld [smem:$0x7F5]  }
0xe3: {  	[sflag:s13] =	ssyncset.done $0x0  }
0xe4: {  	[sflag:s13] =	ssyncadd.s32 $0xFFFF8000  }
0xe5: {  	[tilespmem:s11], [sflag:$0x3] =	stream.indirect.gather [hbm4b:s3+s9], $0x80, s0, s9, $0xb8;
	[tilespmem:$0x1A600] =	vst v63  }
0xe6: {  	_ =	swait.ge [sflag:s12], $0x8000  }
0xe7: {  	[sflag:s12] =	ssyncset.done $0x0  }
0xe8: {  	s0 =	rddreg [dreg:$0x19];
	[sflag:s12] =	ssyncadd.s32 $0xFFFF8000  }
0xe9: {  	[hbm4b:s0+s2] =	stream.linear.scatter [tilespmem:s7], [sflag:$0x4], $0x8000, $0x38;
	[tilespmem:$0x1A600] =	vst v63  }
0xea: {  	_ =	swait.ge [sflag:s8], $0x8000  }
0xeb: {  	s0 =	sld [smem:$0x7F6]  }
0xec: {  	[sflag:s8] =	ssyncset.done $0x0  }
0xed: {  	[sflag:s8] =	ssyncadd.s32 $0xFFFF8000  }
0xee: {  	[tilespmem:s7], [sflag:$0x1] =	stream.indirect.gather [hbm4b:s3+s9], $0x80, s0, s9, $0xb8;
	[tilespmem:$0x1A600] =	vst v63  }
0xef: {  	_ =	swait.ge [sflag:s14], $0x8000  }
0xf0: {  	[sflag:s14] =	ssyncset.done $0x0  }
0xf1: {  	s0 =	rddreg [dreg:$0x1a];
	[sflag:s14] =	ssyncadd.s32 $0xFFFF8000  }
0xf2: {  	[hbm4b:s0+s2] =	stream.linear.scatter [tilespmem:s6], [sflag:$0x5], $0x8000, $0x38;
	[tilespmem:$0x1A600] =	vst v63  }
0xf3: {  	_ =	swait.ge [sflag:s10], $0x8000  }
0xf4: {  	s0 =	sld [smem:$0x7F7]  }
0xf5: {  	[sflag:s10] =	ssyncset.done $0x0  }
0xf6: {  	[sflag:s10] =	ssyncadd.s32 $0xFFFF8000  }
0xf7: {  	[tilespmem:s6], [sflag:$0x2] =	stream.indirect.gather [hbm4b:s3+s9], $0x80, s0, s9, $0xb8;
	[tilespmem:$0x1A600] =	vst v63  }
0xf8: {  	_ =	swait.ge [sflag:s16], $0x8000  }
0xf9: {  	[sflag:s16] =	ssyncset.done $0x0  }
0xfa: {  	s0 =	rddreg [dreg:$0x1b];
	[sflag:s16] =	ssyncadd.s32 $0xFFFF8000  }
0xfb: {  	[hbm4b:s0+s2] =	stream.linear.scatter [tilespmem:s11], [sflag:$0x6], $0x8000, $0x38;
	[tilespmem:$0x1A600] =	vst v63  }
0xfc: {  	_ =	swait.ge [sflag:s13], $0x8000  }
0xfd: {  	s0 =	sld [smem:$0x7F8]  }
0xfe: {  	[sflag:s13] =	ssyncset.done $0x0  }
0xff: {  	[sflag:s13] =	ssyncadd.s32 $0xFFFF8000  }
0x100: {  	[tilespmem:s11], [sflag:$0x3] =	stream.indirect.gather [hbm4b:s3+s9], $0x80, s0, s9, $0xb8;
	[tilespmem:$0x1A600] =	vst v63  }
0x101: {  	_ =	swait.ge [sflag:s12], $0x8000  }
0x102: {  	[sflag:s12] =	ssyncset.done $0x0  }
0x103: {  	s0 =	rddreg [dreg:$0x1c];
	[sflag:s12] =	ssyncadd.s32 $0xFFFF8000  }
0x104: {  	[hbm4b:s0+s2] =	stream.linear.scatter [tilespmem:s7], [sflag:$0x4], $0x8000, $0x38;
	[tilespmem:$0x1A600] =	vst v63  }
0x105: {  	_ =	swait.ge [sflag:s8], $0x8000  }
0x106: {  	s0 =	sld [smem:$0x7F9]  }
0x107: {  	[sflag:s8] =	ssyncset.done $0x0  }
0x108: {  	[sflag:s8] =	ssyncadd.s32 $0xFFFF8000  }
0x109: {  	[tilespmem:s7], [sflag:$0x1] =	stream.indirect.gather [hbm4b:s3+s9], $0x80, s0, s9, $0xb8;
	[tilespmem:$0x1A600] =	vst v63  }
0x10a: {  	_ =	swait.ge [sflag:s14], $0x8000  }
0x10b: {  	[sflag:s14] =	ssyncset.done $0x0  }
0x10c: {  	s0 =	rddreg [dreg:$0x1d];
	[sflag:s14] =	ssyncadd.s32 $0xFFFF8000  }
0x10d: {  	[hbm4b:s0+s2] =	stream.linear.scatter [tilespmem:s6], [sflag:$0x5], $0x8000, $0x38;
	[tilespmem:$0x1A600] =	vst v63  }
0x10e: {  	_ =	swait.ge [sflag:s10], $0x8000  }
0x10f: {  	s0 =	sld [smem:$0x7FA]  }
0x110: {  	[sflag:s10] =	ssyncset.done $0x0  }
0x111: {  	[sflag:s10] =	ssyncadd.s32 $0xFFFF8000  }
0x112: {  	[tilespmem:s6], [sflag:$0x2] =	stream.indirect.gather [hbm4b:s3+s9], $0x80, s0, s9, $0xb8;
	[tilespmem:$0x1A600] =	vst v63  }
0x113: {  	_ =	swait.ge [sflag:s16], $0x8000  }
0x114: {  	[sflag:s16] =	ssyncset.done $0x0  }
0x115: {  	s0 =	rddreg [dreg:$0x1e];
	[sflag:s16] =	ssyncadd.s32 $0xFFFF8000  }
0x116: {  	[hbm4b:s0+s2] =	stream.linear.scatter [tilespmem:s11], [sflag:$0x6], $0x8000, $0x38;
	[tilespmem:$0x1A600] =	vst v63  }
0x117: {  	_ =	swait.ge [sflag:s13], $0x8000  }
0x118: {  	s0 =	sld [smem:$0x7FB]  }
0x119: {  	[sflag:s13] =	ssyncset.done $0x0  }
0x11a: {  	[sflag:s13] =	ssyncadd.s32 $0xFFFF8000  }
0x11b: {  	[tilespmem:s11], [sflag:$0x3] =	stream.indirect.gather [hbm4b:s3+s9], $0x80, s0, s9, $0xb8;
	[tilespmem:$0x1A600] =	vst v63  }
0x11c: {  	_ =	swait.ge [sflag:s12], $0x8000  }
0x11d: {  	[sflag:s12] =	ssyncset.done $0x0  }
0x11e: {  	s0 =	rddreg [dreg:$0x1f];
	[sflag:s12] =	ssyncadd.s32 $0xFFFF8000  }
0x11f: {  	[hbm4b:s0+s2] =	stream.linear.scatter [tilespmem:s7], [sflag:$0x4], $0x8000, $0x38;
	[tilespmem:$0x1A600] =	vst v63  }
0x120: {  	_ =	swait.ge [sflag:s8], $0x8000  }
0x121: {  	[sflag:s8] =	ssyncset.done $0x0  }
0x122: {  	[sflag:s8] =	ssyncadd.s32 $0xFFFF8000  }
0x123: {  	[tilespmem:s7], [sflag:$0x1] =	stream.indirect.gather [hbm4b:s4+s9], $0x80, s26, s9, $0xb8;
	[tilespmem:$0x1A600] =	vst v63  }
0x124: {  	_ =	swait.ge [sflag:s14], $0x8000  }
0x125: {  	s0 =	sld [smem:$0x7D8]  }
0x126: {  	[sflag:s14] =	ssyncset.done $0x0  }
0x127: {  	[sflag:s14] =	ssyncadd.s32 $0xFFFF8000  }
0x128: {  	[hbm4b:s0+s2] =	stream.linear.scatter [tilespmem:s6], [sflag:$0x5], $0x8000, $0x38;
	[tilespmem:$0x1A600] =	vst v63  }
0x129: {  	_ =	swait.ge [sflag:s10], $0x8000  }
0x12a: {  	s0 =	sld [smem:$0x7FC]  }
0x12b: {  	[sflag:s10] =	ssyncset.done $0x0  }
0x12c: {  	[sflag:s10] =	ssyncadd.s32 $0xFFFF8000  }
0x12d: {  	[tilespmem:s6], [sflag:$0x2] =	stream.indirect.gather [hbm4b:s4+s9], $0x80, s0, s9, $0xb8;
	[tilespmem:$0x1A600] =	vst v63  }
0x12e: {  	_ =	swait.ge [sflag:s16], $0x8000  }
0x12f: {  	s0 =	sld [smem:$0x7D9]  }
0x130: {  	[sflag:s16] =	ssyncset.done $0x0  }
0x131: {  	[sflag:s16] =	ssyncadd.s32 $0xFFFF8000  }
0x132: {  	[hbm4b:s0+s2] =	stream.linear.scatter [tilespmem:s11], [sflag:$0x6], $0x8000, $0x38;
	[tilespmem:$0x1A600] =	vst v63  }
0x133: {  	_ =	swait.ge [sflag:s13], $0x8000  }
0x134: {  	s0 =	sld [smem:$0x7FD]  }
0x135: {  	[sflag:s13] =	ssyncset.done $0x0  }
0x136: {  	[sflag:s13] =	ssyncadd.s32 $0xFFFF8000  }
0x137: {  	[tilespmem:s11], [sflag:$0x3] =	stream.indirect.gather [hbm4b:s4+s9], $0x80, s0, s9, $0xb8;
	[tilespmem:$0x1A600] =	vst v63  }
0x138: {  	_ =	swait.ge [sflag:s12], $0x8000  }
0x139: {  	s0 =	sld [smem:$0x7DA]  }
0x13a: {  	[sflag:s12] =	ssyncset.done $0x0  }
0x13b: {  	[sflag:s12] =	ssyncadd.s32 $0xFFFF8000  }
0x13c: {  	[hbm4b:s0+s2] =	stream.linear.scatter [tilespmem:s7], [sflag:$0x4], $0x8000, $0x38;
	[tilespmem:$0x1A600] =	vst v63  }
0x13d: {  	_ =	swait.ge [sflag:s8], $0x8000  }
0x13e: {  	[sflag:s8] =	ssyncset.done $0x0  }
0x13f: {  	[sflag:s8] =	ssyncadd.s32 $0xFFFF8000  }
0x140: {  	[tilespmem:s7], [sflag:$0x1] =	stream.indirect.gather [hbm4b:s4+s9], $0x80, s29, s9, $0xb8;
	[tilespmem:$0x1A600] =	vst v63  }
0x141: {  	_ =	swait.ge [sflag:s14], $0x8000  }
0x142: {  	s0 =	sld [smem:$0x7DB]  }
0x143: {  	[sflag:s14] =	ssyncset.done $0x0  }
0x144: {  	[sflag:s14] =	ssyncadd.s32 $0xFFFF8000  }
0x145: {  	[hbm4b:s0+s2] =	stream.linear.scatter [tilespmem:s6], [sflag:$0x5], $0x8000, $0x38;
	[tilespmem:$0x1A600] =	vst v63  }
0x146: {  	_ =	swait.ge [sflag:s10], $0x8000  }
0x147: {  	[sflag:s10] =	ssyncset.done $0x0  }
0x148: {  	[sflag:s10] =	ssyncadd.s32 $0xFFFF8000  }
0x149: {  	[tilespmem:s6], [sflag:$0x2] =	stream.indirect.gather [hbm4b:s4+s9], $0x80, s28, s9, $0xb8;
	[tilespmem:$0x1A600] =	vst v63  }
0x14a: {  	_ =	swait.ge [sflag:s16], $0x8000  }
0x14b: {  	s0 =	sld [smem:$0x7DC]  }
0x14c: {  	[sflag:s16] =	ssyncset.done $0x0  }
0x14d: {  	[sflag:s16] =	ssyncadd.s32 $0xFFFF8000  }
0x14e: {  	[hbm4b:s0+s2] =	stream.linear.scatter [tilespmem:s11], [sflag:$0x6], $0x8000, $0x38;
	[tilespmem:$0x1A600] =	vst v63  }
0x14f: {  	_ =	swait.ge [sflag:s13], $0x8000  }
0x150: {  	[sflag:s13] =	ssyncset.done $0x0  }
0x151: {  	[sflag:s13] =	ssyncadd.s32 $0xFFFF8000  }
0x152: {  	[tilespmem:s11], [sflag:$0x3] =	stream.indirect.gather [hbm4b:s4+s9], $0x80, s25, s9, $0xb8;
	[tilespmem:$0x1A600] =	vst v63  }
0x153: {  	_ =	swait.ge [sflag:s12], $0x8000  }
0x154: {  	s0 =	sld [smem:$0x7DD]  }
0x155: {  	[sflag:s12] =	ssyncset.done $0x0  }
0x156: {  	[sflag:s12] =	ssyncadd.s32 $0xFFFF8000  }
0x157: {  	[hbm4b:s0+s2] =	stream.linear.scatter [tilespmem:s7], [sflag:$0x4], $0x8000, $0x38;
	[tilespmem:$0x1A600] =	vst v63  }
0x158: {  	_ =	swait.ge [sflag:s8], $0x8000  }
0x159: {  	[sflag:s8] =	ssyncset.done $0x0  }
0x15a: {  	[sflag:s8] =	ssyncadd.s32 $0xFFFF8000  }
0x15b: {  	[tilespmem:s7], [sflag:$0x1] =	stream.indirect.gather [hbm4b:s4+s9], $0x80, s24, s9, $0xb8;
	[tilespmem:$0x1A600] =	vst v63  }
0x15c: {  	_ =	swait.ge [sflag:s14], $0x8000  }
0x15d: {  	s0 =	sld [smem:$0x7DE]  }
0x15e: {  	[sflag:s14] =	ssyncset.done $0x0  }
0x15f: {  	[sflag:s14] =	ssyncadd.s32 $0xFFFF8000  }
0x160: {  	[hbm4b:s0+s2] =	stream.linear.scatter [tilespmem:s6], [sflag:$0x5], $0x8000, $0x38;
	[tilespmem:$0x1A600] =	vst v63  }
0x161: {  	_ =	swait.ge [sflag:s10], $0x8000  }
0x162: {  	[sflag:s10] =	ssyncset.done $0x0  }
0x163: {  	[sflag:s10] =	ssyncadd.s32 $0xFFFF8000  }
0x164: {  	[tilespmem:s6], [sflag:$0x2] =	stream.indirect.gather [hbm4b:s4+s9], $0x80, s22, s9, $0xb8;
	[tilespmem:$0x1A600] =	vst v63  }
0x165: {  	_ =	swait.ge [sflag:s16], $0x8000  }
0x166: {  	s0 =	sld [smem:$0x7DF]  }
0x167: {  	[sflag:s16] =	ssyncset.done $0x0  }
0x168: {  	[sflag:s16] =	ssyncadd.s32 $0xFFFF8000  }
0x169: {  	[hbm4b:s0+s2] =	stream.linear.scatter [tilespmem:s11], [sflag:$0x6], $0x8000, $0x38;
	[tilespmem:$0x1A600] =	vst v63  }
0x16a: {  	_ =	swait.ge [sflag:s13], $0x8000  }
0x16b: {  	[sflag:s13] =	ssyncset.done $0x0  }
0x16c: {  	[sflag:s13] =	ssyncadd.s32 $0xFFFF8000  }
0x16d: {  	[tilespmem:s11], [sflag:$0x3] =	stream.indirect.gather [hbm4b:s4+s9], $0x80, s21, s9, $0xb8;
	[tilespmem:$0x1A600] =	vst v63  }
0x16e: {  	_ =	swait.ge [sflag:s12], $0x8000  }
0x16f: {  	s0 =	sld [smem:$0x7E0]  }
0x170: {  	[sflag:s12] =	ssyncset.done $0x0  }
0x171: {  	[sflag:s12] =	ssyncadd.s32 $0xFFFF8000  }
0x172: {  	[hbm4b:s0+s2] =	stream.linear.scatter [tilespmem:s7], [sflag:$0x4], $0x8000, $0x38;
	[tilespmem:$0x1A600] =	vst v63  }
0x173: {  	_ =	swait.ge [sflag:s8], $0x8000  }
0x174: {  	[sflag:s8] =	ssyncset.done $0x0  }
0x175: {  	[sflag:s8] =	ssyncadd.s32 $0xFFFF8000  }
0x176: {  	[tilespmem:s7], [sflag:$0x1] =	stream.indirect.gather [hbm4b:s4+s9], $0x80, s20, s9, $0xb8;
	[tilespmem:$0x1A600] =	vst v63  }
0x177: {  	_ =	swait.ge [sflag:s14], $0x8000  }
0x178: {  	s0 =	sld [smem:$0x7E1]  }
0x179: {  	[sflag:s14] =	ssyncset.done $0x0  }
0x17a: {  	[sflag:s14] =	ssyncadd.s32 $0xFFFF8000  }
0x17b: {  	[hbm4b:s0+s2] =	stream.linear.scatter [tilespmem:s6], [sflag:$0x5], $0x8000, $0x38;
	[tilespmem:$0x1A600] =	vst v63  }
0x17c: {  	_ =	swait.ge [sflag:s10], $0x8000  }
0x17d: {  	[sflag:s10] =	ssyncset.done $0x0  }
0x17e: {  	[sflag:s10] =	ssyncadd.s32 $0xFFFF8000  }
0x17f: {  	[tilespmem:s6], [sflag:$0x2] =	stream.indirect.gather [hbm4b:s4+s9], $0x80, s19, s9, $0xb8;
	[tilespmem:$0x1A600] =	vst v63  }
0x180: {  	_ =	swait.ge [sflag:s16], $0x8000  }
0x181: {  	s0 =	sld [smem:$0x7E2]  }
0x182: {  	[sflag:s16] =	ssyncset.done $0x0  }
0x183: {  	[sflag:s16] =	ssyncadd.s32 $0xFFFF8000  }
0x184: {  	[hbm4b:s0+s2] =	stream.linear.scatter [tilespmem:s11], [sflag:$0x6], $0x8000, $0x38;
	[tilespmem:$0x1A600] =	vst v63  }
0x185: {  	_ =	swait.ge [sflag:s13], $0x8000  }
0x186: {  	[sflag:s13] =	ssyncset.done $0x0  }
0x187: {  	[sflag:s13] =	ssyncadd.s32 $0xFFFF8000  }
0x188: {  	[tilespmem:s11], [sflag:$0x3] =	stream.indirect.gather [hbm4b:s4+s9], $0x80, s18, s9, $0xb8;
	[tilespmem:$0x1A600] =	vst v63  }
0x189: {  	_ =	swait.ge [sflag:s12], $0x8000  }
0x18a: {  	s0 =	sld [smem:$0x7E3]  }
0x18b: {  	[sflag:s12] =	ssyncset.done $0x0  }
0x18c: {  	[sflag:s12] =	ssyncadd.s32 $0xFFFF8000  }
0x18d: {  	[hbm4b:s0+s2] =	stream.linear.scatter [tilespmem:s7], [sflag:$0x4], $0x8000, $0x38;
	[tilespmem:$0x1A600] =	vst v63  }
0x18e: {  	_ =	swait.ge [sflag:s8], $0x8000  }
0x18f: {  	[sflag:s8] =	ssyncset.done $0x0  }
0x190: {  	[sflag:s8] =	ssyncadd.s32 $0xFFFF8000  }
0x191: {  	[tilespmem:s7], [sflag:$0x1] =	stream.indirect.gather [hbm4b:s3+s9], $0x80, s15, s9, $0xb8;
	[tilespmem:$0x1A600] =	vst v63  }
0x192: {  	_ =	swait.ge [sflag:s14], $0x8000  }
0x193: {  	s0 =	sld [smem:$0x7E4]  }
0x194: {  	[sflag:s14] =	ssyncset.done $0x0  }
0x195: {  	[sflag:s14] =	ssyncadd.s32 $0xFFFF8000  }
0x196: {  	[hbm4b:s0+s2] =	stream.linear.scatter [tilespmem:s6], [sflag:$0x5], $0x8000, $0x38;
	[tilespmem:$0x1A600] =	vst v63  }
0x197: {  	_ =	swait.ge [sflag:s10], $0x8000  }
0x198: {  	[sflag:s10] =	ssyncset.done $0x0  }
0x199: {  	[sflag:s10] =	ssyncadd.s32 $0xFFFF8000  }
0x19a: {  	[tilespmem:s6], [sflag:$0x2] =	stream.indirect.gather [hbm4b:s3+s9], $0x80, s17, s9, $0xb8;
	[tilespmem:$0x1A600] =	vst v63  }
0x19b: {  	_ =	swait.ge [sflag:s16], $0x8000  }
0x19c: {  	s0 =	sld [smem:$0x7E5]  }
0x19d: {  	[sflag:s16] =	ssyncset.done $0x0  }
0x19e: {  	[sflag:s16] =	ssyncadd.s32 $0xFFFF8000  }
0x19f: {  	[hbm4b:s0+s2] =	stream.linear.scatter [tilespmem:s11], [sflag:$0x6], $0x8000, $0x38;
	[tilespmem:$0x1A600] =	vst v63  }
0x1a0: {  	_ =	swait.ge [sflag:s12], $0x8000  }
0x1a1: {  	[sflag:s12] =	ssyncset.done $0x0  }
0x1a2: {  	[sflag:s12] =	ssyncadd.s32 $0xFFFF8000  }
0x1a3: {  	[hbm4b:s5+s2] =	stream.linear.scatter [tilespmem:s7], [sflag:$0x4], $0x8000, $0x38;
	[tilespmem:$0x1A600] =	vst v63  }
0x1a4: {  	_ =	swait.ge [sflag:s14], $0x8000  }
0x1a5: {  	s0 =	sld [smem:$0x7E6]  }
0x1a6: {  	[sflag:s14] =	ssyncset.done $0x0  }
0x1a7: {  	[sflag:s14] =	ssyncadd.s32 $0xFFFF8000  }
0x1a8: {  	[hbm4b:s0+s2] =	stream.linear.scatter [tilespmem:s6], [sflag:$0x5], $0x8000, $0x38;
	[tilespmem:$0x1A600] =	vst v63  }
0x1a9: {  	_ =	swait.ge [sflag:s8], $0x8000  }
0x1aa: {  	[sflag:s8] =	ssyncset.done $0x0  }
0x1ab: {  	p1 =	sne.s32 s1, $0x1;
	[sflag:s8] =	ssyncadd.s32 $0xFFFF8000  }
.Ltmp1:
0x1ac: {  	_ =	swait.ge [sflag:s10], $0x8000;
	(pc) =	sbr.rel @!p1 .LBB2_3-.Ltmp1, $4  }
0x1ad: {  	[sflag:s10] =	ssyncset.done $0x0  }
0x1ae: {  	[sflag:s10] =	ssyncadd.s32 $0xFFFF8000  }
0x1af: {  	s1 =	sadd.s32 $0xFFFFFFFF, s1;
	_ =	swait.ge [sflag:s13], $0x8000  }
0x1b0: {  	p0 =	por $0x1, $0x1;
	s0 =	rddreg [dreg:$0x6];
	[sflag:s13] =	ssyncset.done $0x0  }
.LBB2_2:
0x1b1: {  	[sflag:s13] =	ssyncadd.s32 $0xFFFF8000  }
0x1b2: {  	[tilespmem:s2], [sflag:$0x7] =	stream.linear.gather [hbm4b:s0+s2], $0xC00, $0x38;
	[tilespmem:$0x1A600] =	vst v63  }
0x1b3: {  	_ =	swait.ge [sflag:s31], $0xC00  }
0x1b4: {  	[sflag:s31] =	ssyncset.done $0x0  }
0x1b5: {  	s0 =	rddreg [dreg:$0x7];
	[sflag:s31] =	ssyncadd.s32 $0xFFFFF400  }
0x1b6: {  	[tilespmem:s30], [sflag:$0x7] =	stream.linear.gather [hbm4b:s0+s2], $0xC00, $0x38;
	[tilespmem:$0x1A600] =	vst v63  }
0x1b7: {  	_ =	swait.ge [sflag:s31], $0xC00  }
0x1b8: {  	[sflag:s31] =	ssyncset.done $0x0  }
0x1b9: {  	s0 =	rddreg [dreg:$0x8];
	[sflag:s31] =	ssyncadd.s32 $0xFFFFF400  }
0x1ba: {  	[tilespmem:s26], [sflag:$0x7] =	stream.linear.gather [hbm4b:s0+s2], $0xC00, $0x38;
	[tilespmem:$0x1A600] =	vst v63  }
0x1bb: {  	_ =	swait.ge [sflag:s31], $0xC00  }
0x1bc: {  	[sflag:s31] =	ssyncset.done $0x0  }
0x1bd: {  	s0 =	rddreg [dreg:$0x9];
	[sflag:s31] =	ssyncadd.s32 $0xFFFFF400  }
0x1be: {  	[tilespmem:s15], [sflag:$0x7] =	stream.linear.gather [hbm4b:s0+s2], $0x200, $0x38;
	[tilespmem:$0x1A600] =	vst v63  }
0x1bf: {  	_ =	swait.ge [sflag:s31], $0x200  }
0x1c0: {  	[sflag:s31] =	ssyncset.done $0x0  }
0x1c1: {  	[sflag:s31] =	ssyncadd.s32 $0xFFFFFE00  }
0x1c2: {  	[tilespmem:s7], [sflag:$0x1] =	stream.indirect.gather [hbm4b:s23+s9], $0x80, s2, s9, $0xb8;
	[tilespmem:$0x1A600] =	vst v63  }
0x1c3: {  	s0 =	sld [smem:$0x7E7]  }
0x1c4: {  	[tilespmem:s6], [sflag:$0x2] =	stream.indirect.gather [hbm4b:s23+s9], $0x80, s9, s9, $0xb8;
	[tilespmem:$0x1A600] =	vst v63  }
0x1c5: {  	_ = 	snop  }
0x1c6: {  	[tilespmem:s11], [sflag:$0x3] =	stream.indirect.gather [hbm4b:s23+s9], $0x80, s0, s9, $0xb8;
	[tilespmem:$0x1A600] =	vst v63  }
0x1c7: {  	_ =	swait.ge [sflag:s12], $0x8000  }
0x1c8: {  	[sflag:s12] =	ssyncset.done $0x0  }
0x1c9: {  	s0 =	rddreg [dreg:$0xa];
	[sflag:s12] =	ssyncadd.s32 $0xFFFF8000  }
0x1ca: {  	[hbm4b:s0+s2] =	stream.linear.scatter [tilespmem:s7], [sflag:$0x4], $0x8000, $0x38;
	[tilespmem:$0x1A600] =	vst v63  }
0x1cb: {  	_ =	swait.ge [sflag:s8], $0x8000  }
0x1cc: {  	s0 =	sld [smem:$0x7E8]  }
0x1cd: {  	[sflag:s8] =	ssyncset.done $0x0  }
0x1ce: {  	[sflag:s8] =	ssyncadd.s32 $0xFFFF8000  }
0x1cf: {  	[tilespmem:s7], [sflag:$0x1] =	stream.indirect.gather [hbm4b:s23+s9], $0x80, s0, s9, $0xb8;
	[tilespmem:$0x1A600] =	vst v63  }
0x1d0: {  	_ =	swait.ge [sflag:s14], $0x8000  }
0x1d1: {  	[sflag:s14] =	ssyncset.done $0x0  }
0x1d2: {  	s0 =	rddreg [dreg:$0xb];
	[sflag:s14] =	ssyncadd.s32 $0xFFFF8000  }
0x1d3: {  	[hbm4b:s0+s2] =	stream.linear.scatter [tilespmem:s6], [sflag:$0x5], $0x8000, $0x38;
	[tilespmem:$0x1A600] =	vst v63  }
0x1d4: {  	_ =	swait.ge [sflag:s10], $0x8000  }
0x1d5: {  	s0 =	sld [smem:$0x7E9]  }
0x1d6: {  	[sflag:s10] =	ssyncset.done $0x0  }
0x1d7: {  	[sflag:s10] =	ssyncadd.s32 $0xFFFF8000  }
0x1d8: {  	[tilespmem:s6], [sflag:$0x2] =	stream.indirect.gather [hbm4b:s23+s9], $0x80, s0, s9, $0xb8;
	[tilespmem:$0x1A600] =	vst v63  }
0x1d9: {  	_ =	swait.ge [sflag:s16], $0x8000  }
0x1da: {  	[sflag:s16] =	ssyncset.done $0x0  }
0x1db: {  	s0 =	rddreg [dreg:$0xc];
	[sflag:s16] =	ssyncadd.s32 $0xFFFF8000  }
0x1dc: {  	[hbm4b:s0+s2] =	stream.linear.scatter [tilespmem:s11], [sflag:$0x6], $0x8000, $0x38;
	[tilespmem:$0x1A600] =	vst v63  }
0x1dd: {  	_ =	swait.ge [sflag:s13], $0x8000  }
0x1de: {  	s0 =	sld [smem:$0x7EA]  }
0x1df: {  	[sflag:s13] =	ssyncset.done $0x0  }
0x1e0: {  	[sflag:s13] =	ssyncadd.s32 $0xFFFF8000  }
0x1e1: {  	[tilespmem:s11], [sflag:$0x3] =	stream.indirect.gather [hbm4b:s23+s9], $0x80, s0, s9, $0xb8;
	[tilespmem:$0x1A600] =	vst v63  }
0x1e2: {  	_ =	swait.ge [sflag:s12], $0x8000  }
0x1e3: {  	[sflag:s12] =	ssyncset.done $0x0  }
0x1e4: {  	s0 =	rddreg [dreg:$0xd];
	[sflag:s12] =	ssyncadd.s32 $0xFFFF8000  }
0x1e5: {  	[hbm4b:s0+s2] =	stream.linear.scatter [tilespmem:s7], [sflag:$0x4], $0x8000, $0x38;
	[tilespmem:$0x1A600] =	vst v63  }
0x1e6: {  	_ =	swait.ge [sflag:s8], $0x8000  }
0x1e7: {  	s0 =	sld [smem:$0x7EB]  }
0x1e8: {  	[sflag:s8] =	ssyncset.done $0x0  }
0x1e9: {  	[sflag:s8] =	ssyncadd.s32 $0xFFFF8000  }
0x1ea: {  	[tilespmem:s7], [sflag:$0x1] =	stream.indirect.gather [hbm4b:s23+s9], $0x80, s0, s9, $0xb8;
	[tilespmem:$0x1A600] =	vst v63  }
0x1eb: {  	_ =	swait.ge [sflag:s14], $0x8000  }
0x1ec: {  	[sflag:s14] =	ssyncset.done $0x0  }
0x1ed: {  	s0 =	rddreg [dreg:$0xe];
	[sflag:s14] =	ssyncadd.s32 $0xFFFF8000  }
0x1ee: {  	[hbm4b:s0+s2] =	stream.linear.scatter [tilespmem:s6], [sflag:$0x5], $0x8000, $0x38;
	[tilespmem:$0x1A600] =	vst v63  }
0x1ef: {  	_ =	swait.ge [sflag:s10], $0x8000  }
0x1f0: {  	s0 =	sld [smem:$0x7EC]  }
0x1f1: {  	[sflag:s10] =	ssyncset.done $0x0  }
0x1f2: {  	[sflag:s10] =	ssyncadd.s32 $0xFFFF8000  }
0x1f3: {  	[tilespmem:s6], [sflag:$0x2] =	stream.indirect.gather [hbm4b:s23+s9], $0x80, s0, s9, $0xb8;
	[tilespmem:$0x1A600] =	vst v63  }
0x1f4: {  	_ =	swait.ge [sflag:s16], $0x8000  }
0x1f5: {  	[sflag:s16] =	ssyncset.done $0x0  }
0x1f6: {  	s0 =	rddreg [dreg:$0xf];
	[sflag:s16] =	ssyncadd.s32 $0xFFFF8000  }
0x1f7: {  	[hbm4b:s0+s2] =	stream.linear.scatter [tilespmem:s11], [sflag:$0x6], $0x8000, $0x38;
	[tilespmem:$0x1A600] =	vst v63  }
0x1f8: {  	_ =	swait.ge [sflag:s13], $0x8000  }
0x1f9: {  	s0 =	sld [smem:$0x7ED]  }
0x1fa: {  	[sflag:s13] =	ssyncset.done $0x0  }
0x1fb: {  	[sflag:s13] =	ssyncadd.s32 $0xFFFF8000  }
0x1fc: {  	[tilespmem:s11], [sflag:$0x3] =	stream.indirect.gather [hbm4b:s23+s9], $0x80, s0, s9, $0xb8;
	[tilespmem:$0x1A600] =	vst v63  }
0x1fd: {  	_ =	swait.ge [sflag:s12], $0x8000  }
0x1fe: {  	[sflag:s12] =	ssyncset.done $0x0  }
0x1ff: {  	s0 =	rddreg [dreg:$0x10];
	[sflag:s12] =	ssyncadd.s32 $0xFFFF8000  }
0x200: {  	[hbm4b:s0+s2] =	stream.linear.scatter [tilespmem:s7], [sflag:$0x4], $0x8000, $0x38;
	[tilespmem:$0x1A600] =	vst v63  }
0x201: {  	_ =	swait.ge [sflag:s8], $0x8000  }
0x202: {  	s0 =	sld [smem:$0x7EE]  }
0x203: {  	[sflag:s8] =	ssyncset.done $0x0  }
0x204: {  	[sflag:s8] =	ssyncadd.s32 $0xFFFF8000  }
0x205: {  	[tilespmem:s7], [sflag:$0x1] =	stream.indirect.gather [hbm4b:s23+s9], $0x80, s0, s9, $0xb8;
	[tilespmem:$0x1A600] =	vst v63  }
0x206: {  	_ =	swait.ge [sflag:s14], $0x8000  }
0x207: {  	[sflag:s14] =	ssyncset.done $0x0  }
0x208: {  	s0 =	rddreg [dreg:$0x11];
	[sflag:s14] =	ssyncadd.s32 $0xFFFF8000  }
0x209: {  	[hbm4b:s0+s2] =	stream.linear.scatter [tilespmem:s6], [sflag:$0x5], $0x8000, $0x38;
	[tilespmem:$0x1A600] =	vst v63  }
0x20a: {  	_ =	swait.ge [sflag:s10], $0x8000  }
0x20b: {  	s0 =	sld [smem:$0x7EF]  }
0x20c: {  	[sflag:s10] =	ssyncset.done $0x0  }
0x20d: {  	[sflag:s10] =	ssyncadd.s32 $0xFFFF8000  }
0x20e: {  	[tilespmem:s6], [sflag:$0x2] =	stream.indirect.gather [hbm4b:s23+s9], $0x80, s0, s9, $0xb8;
	[tilespmem:$0x1A600] =	vst v63  }
0x20f: {  	_ =	swait.ge [sflag:s16], $0x8000  }
0x210: {  	[sflag:s16] =	ssyncset.done $0x0  }
0x211: {  	s0 =	rddreg [dreg:$0x12];
	[sflag:s16] =	ssyncadd.s32 $0xFFFF8000  }
0x212: {  	[hbm4b:s0+s2] =	stream.linear.scatter [tilespmem:s11], [sflag:$0x6], $0x8000, $0x38;
	[tilespmem:$0x1A600] =	vst v63  }
0x213: {  	_ =	swait.ge [sflag:s13], $0x8000  }
0x214: {  	s0 =	sld [smem:$0x7F0]  }
0x215: {  	[sflag:s13] =	ssyncset.done $0x0  }
0x216: {  	[sflag:s13] =	ssyncadd.s32 $0xFFFF8000  }
0x217: {  	[tilespmem:s11], [sflag:$0x3] =	stream.indirect.gather [hbm4b:s23+s9], $0x80, s0, s9, $0xb8;
	[tilespmem:$0x1A600] =	vst v63  }
0x218: {  	_ =	swait.ge [sflag:s12], $0x8000  }
0x219: {  	[sflag:s12] =	ssyncset.done $0x0  }
0x21a: {  	s0 =	rddreg [dreg:$0x13];
	[sflag:s12] =	ssyncadd.s32 $0xFFFF8000  }
0x21b: {  	[hbm4b:s0+s2] =	stream.linear.scatter [tilespmem:s7], [sflag:$0x4], $0x8000, $0x38;
	[tilespmem:$0x1A600] =	vst v63  }
0x21c: {  	_ =	swait.ge [sflag:s8], $0x8000  }
0x21d: {  	[sflag:s8] =	ssyncset.done $0x0  }
0x21e: {  	[sflag:s8] =	ssyncadd.s32 $0xFFFF8000  }
0x21f: {  	[tilespmem:s7], [sflag:$0x1] =	stream.indirect.gather [hbm4b:s3+s9], $0x80, s30, s9, $0xb8;
	[tilespmem:$0x1A600] =	vst v63  }
0x220: {  	_ =	swait.ge [sflag:s14], $0x8000  }
0x221: {  	[sflag:s14] =	ssyncset.done $0x0  }
0x222: {  	s0 =	rddreg [dreg:$0x14];
	[sflag:s14] =	ssyncadd.s32 $0xFFFF8000  }
0x223: {  	[hbm4b:s0+s2] =	stream.linear.scatter [tilespmem:s6], [sflag:$0x5], $0x8000, $0x38;
	[tilespmem:$0x1A600] =	vst v63  }
0x224: {  	_ =	swait.ge [sflag:s10], $0x8000  }
0x225: {  	s0 =	sld [smem:$0x7F1]  }
0x226: {  	[sflag:s10] =	ssyncset.done $0x0  }
0x227: {  	[sflag:s10] =	ssyncadd.s32 $0xFFFF8000  }
0x228: {  	[tilespmem:s6], [sflag:$0x2] =	stream.indirect.gather [hbm4b:s3+s9], $0x80, s0, s9, $0xb8;
	[tilespmem:$0x1A600] =	vst v63  }
0x229: {  	_ =	swait.ge [sflag:s16], $0x8000  }
0x22a: {  	[sflag:s16] =	ssyncset.done $0x0  }
0x22b: {  	s0 =	rddreg [dreg:$0x15];
	[sflag:s16] =	ssyncadd.s32 $0xFFFF8000  }
0x22c: {  	[hbm4b:s0+s2] =	stream.linear.scatter [tilespmem:s11], [sflag:$0x6], $0x8000, $0x38;
	[tilespmem:$0x1A600] =	vst v63  }
0x22d: {  	_ =	swait.ge [sflag:s13], $0x8000  }
0x22e: {  	s0 =	sld [smem:$0x7F2]  }
0x22f: {  	[sflag:s13] =	ssyncset.done $0x0  }
0x230: {  	[sflag:s13] =	ssyncadd.s32 $0xFFFF8000  }
0x231: {  	[tilespmem:s11], [sflag:$0x3] =	stream.indirect.gather [hbm4b:s3+s9], $0x80, s0, s9, $0xb8;
	[tilespmem:$0x1A600] =	vst v63  }
0x232: {  	_ =	swait.ge [sflag:s12], $0x8000  }
0x233: {  	[sflag:s12] =	ssyncset.done $0x0  }
0x234: {  	s0 =	rddreg [dreg:$0x16];
	[sflag:s12] =	ssyncadd.s32 $0xFFFF8000  }
0x235: {  	[hbm4b:s0+s2] =	stream.linear.scatter [tilespmem:s7], [sflag:$0x4], $0x8000, $0x38;
	[tilespmem:$0x1A600] =	vst v63  }
0x236: {  	_ =	swait.ge [sflag:s8], $0x8000  }
0x237: {  	s0 =	sld [smem:$0x7F3]  }
0x238: {  	[sflag:s8] =	ssyncset.done $0x0  }
0x239: {  	[sflag:s8] =	ssyncadd.s32 $0xFFFF8000  }
0x23a: {  	[tilespmem:s7], [sflag:$0x1] =	stream.indirect.gather [hbm4b:s3+s9], $0x80, s0, s9, $0xb8;
	[tilespmem:$0x1A600] =	vst v63  }
0x23b: {  	_ =	swait.ge [sflag:s14], $0x8000  }
0x23c: {  	[sflag:s14] =	ssyncset.done $0x0  }
0x23d: {  	s0 =	rddreg [dreg:$0x17];
	[sflag:s14] =	ssyncadd.s32 $0xFFFF8000  }
0x23e: {  	[hbm4b:s0+s2] =	stream.linear.scatter [tilespmem:s6], [sflag:$0x5], $0x8000, $0x38;
	[tilespmem:$0x1A600] =	vst v63  }
0x23f: {  	_ =	swait.ge [sflag:s10], $0x8000  }
0x240: {  	s0 =	sld [smem:$0x7F4]  }
0x241: {  	[sflag:s10] =	ssyncset.done $0x0  }
0x242: {  	[sflag:s10] =	ssyncadd.s32 $0xFFFF8000  }
0x243: {  	[tilespmem:s6], [sflag:$0x2] =	stream.indirect.gather [hbm4b:s3+s9], $0x80, s0, s9, $0xb8;
	[tilespmem:$0x1A600] =	vst v63  }
0x244: {  	_ =	swait.ge [sflag:s16], $0x8000  }
0x245: {  	[sflag:s16] =	ssyncset.done $0x0  }
0x246: {  	s0 =	rddreg [dreg:$0x18];
	[sflag:s16] =	ssyncadd.s32 $0xFFFF8000  }
0x247: {  	[hbm4b:s0+s2] =	stream.linear.scatter [tilespmem:s11], [sflag:$0x6], $0x8000, $0x38;
	[tilespmem:$0x1A600] =	vst v63  }
0x248: {  	_ =	swait.ge [sflag:s13], $0x8000  }
0x249: {  	s0 =	sld [smem:$0x7F5]  }
0x24a: {  	[sflag:s13] =	ssyncset.done $0x0  }
0x24b: {  	[sflag:s13] =	ssyncadd.s32 $0xFFFF8000  }
0x24c: {  	[tilespmem:s11], [sflag:$0x3] =	stream.indirect.gather [hbm4b:s3+s9], $0x80, s0, s9, $0xb8;
	[tilespmem:$0x1A600] =	vst v63  }
0x24d: {  	_ =	swait.ge [sflag:s12], $0x8000  }
0x24e: {  	[sflag:s12] =	ssyncset.done $0x0  }
0x24f: {  	s0 =	rddreg [dreg:$0x19];
	[sflag:s12] =	ssyncadd.s32 $0xFFFF8000  }
0x250: {  	[hbm4b:s0+s2] =	stream.linear.scatter [tilespmem:s7], [sflag:$0x4], $0x8000, $0x38;
	[tilespmem:$0x1A600] =	vst v63  }
0x251: {  	_ =	swait.ge [sflag:s8], $0x8000  }
0x252: {  	s0 =	sld [smem:$0x7F6]  }
0x253: {  	[sflag:s8] =	ssyncset.done $0x0  }
0x254: {  	[sflag:s8] =	ssyncadd.s32 $0xFFFF8000  }
0x255: {  	[tilespmem:s7], [sflag:$0x1] =	stream.indirect.gather [hbm4b:s3+s9], $0x80, s0, s9, $0xb8;
	[tilespmem:$0x1A600] =	vst v63  }
0x256: {  	_ =	swait.ge [sflag:s14], $0x8000  }
0x257: {  	[sflag:s14] =	ssyncset.done $0x0  }
0x258: {  	s0 =	rddreg [dreg:$0x1a];
	[sflag:s14] =	ssyncadd.s32 $0xFFFF8000  }
0x259: {  	[hbm4b:s0+s2] =	stream.linear.scatter [tilespmem:s6], [sflag:$0x5], $0x8000, $0x38;
	[tilespmem:$0x1A600] =	vst v63  }
0x25a: {  	_ =	swait.ge [sflag:s10], $0x8000  }
0x25b: {  	s0 =	sld [smem:$0x7F7]  }
0x25c: {  	[sflag:s10] =	ssyncset.done $0x0  }
0x25d: {  	[sflag:s10] =	ssyncadd.s32 $0xFFFF8000  }
0x25e: {  	[tilespmem:s6], [sflag:$0x2] =	stream.indirect.gather [hbm4b:s3+s9], $0x80, s0, s9, $0xb8;
	[tilespmem:$0x1A600] =	vst v63  }
0x25f: {  	_ =	swait.ge [sflag:s16], $0x8000  }
0x260: {  	[sflag:s16] =	ssyncset.done $0x0  }
0x261: {  	s0 =	rddreg [dreg:$0x1b];
	[sflag:s16] =	ssyncadd.s32 $0xFFFF8000  }
0x262: {  	[hbm4b:s0+s2] =	stream.linear.scatter [tilespmem:s11], [sflag:$0x6], $0x8000, $0x38;
	[tilespmem:$0x1A600] =	vst v63  }
0x263: {  	_ =	swait.ge [sflag:s13], $0x8000  }
0x264: {  	s0 =	sld [smem:$0x7F8]  }
0x265: {  	[sflag:s13] =	ssyncset.done $0x0  }
0x266: {  	[sflag:s13] =	ssyncadd.s32 $0xFFFF8000  }
0x267: {  	[tilespmem:s11], [sflag:$0x3] =	stream.indirect.gather [hbm4b:s3+s9], $0x80, s0, s9, $0xb8;
	[tilespmem:$0x1A600] =	vst v63  }
0x268: {  	_ =	swait.ge [sflag:s12], $0x8000  }
0x269: {  	[sflag:s12] =	ssyncset.done $0x0  }
0x26a: {  	s0 =	rddreg [dreg:$0x1c];
	[sflag:s12] =	ssyncadd.s32 $0xFFFF8000  }
0x26b: {  	[hbm4b:s0+s2] =	stream.linear.scatter [tilespmem:s7], [sflag:$0x4], $0x8000, $0x38;
	[tilespmem:$0x1A600] =	vst v63  }
0x26c: {  	_ =	swait.ge [sflag:s8], $0x8000  }
0x26d: {  	s0 =	sld [smem:$0x7F9]  }
0x26e: {  	[sflag:s8] =	ssyncset.done $0x0  }
0x26f: {  	[sflag:s8] =	ssyncadd.s32 $0xFFFF8000  }
0x270: {  	[tilespmem:s7], [sflag:$0x1] =	stream.indirect.gather [hbm4b:s3+s9], $0x80, s0, s9, $0xb8;
	[tilespmem:$0x1A600] =	vst v63  }
0x271: {  	_ =	swait.ge [sflag:s14], $0x8000  }
0x272: {  	[sflag:s14] =	ssyncset.done $0x0  }
0x273: {  	s0 =	rddreg [dreg:$0x1d];
	[sflag:s14] =	ssyncadd.s32 $0xFFFF8000  }
0x274: {  	[hbm4b:s0+s2] =	stream.linear.scatter [tilespmem:s6], [sflag:$0x5], $0x8000, $0x38;
	[tilespmem:$0x1A600] =	vst v63  }
0x275: {  	_ =	swait.ge [sflag:s10], $0x8000  }
0x276: {  	s0 =	sld [smem:$0x7FA]  }
0x277: {  	[sflag:s10] =	ssyncset.done $0x0  }
0x278: {  	[sflag:s10] =	ssyncadd.s32 $0xFFFF8000  }
0x279: {  	[tilespmem:s6], [sflag:$0x2] =	stream.indirect.gather [hbm4b:s3+s9], $0x80, s0, s9, $0xb8;
	[tilespmem:$0x1A600] =	vst v63  }
0x27a: {  	_ =	swait.ge [sflag:s16], $0x8000  }
0x27b: {  	[sflag:s16] =	ssyncset.done $0x0  }
0x27c: {  	s0 =	rddreg [dreg:$0x1e];
	[sflag:s16] =	ssyncadd.s32 $0xFFFF8000  }
0x27d: {  	[hbm4b:s0+s2] =	stream.linear.scatter [tilespmem:s11], [sflag:$0x6], $0x8000, $0x38;
	[tilespmem:$0x1A600] =	vst v63  }
0x27e: {  	_ =	swait.ge [sflag:s13], $0x8000  }
0x27f: {  	s0 =	sld [smem:$0x7FB]  }
0x280: {  	[sflag:s13] =	ssyncset.done $0x0  }
0x281: {  	[sflag:s13] =	ssyncadd.s32 $0xFFFF8000  }
0x282: {  	[tilespmem:s11], [sflag:$0x3] =	stream.indirect.gather [hbm4b:s3+s9], $0x80, s0, s9, $0xb8;
	[tilespmem:$0x1A600] =	vst v63  }
0x283: {  	_ =	swait.ge [sflag:s12], $0x8000  }
0x284: {  	[sflag:s12] =	ssyncset.done $0x0  }
0x285: {  	s0 =	rddreg [dreg:$0x1f];
	[sflag:s12] =	ssyncadd.s32 $0xFFFF8000  }
0x286: {  	[hbm4b:s0+s2] =	stream.linear.scatter [tilespmem:s7], [sflag:$0x4], $0x8000, $0x38;
	[tilespmem:$0x1A600] =	vst v63  }
0x287: {  	_ =	swait.ge [sflag:s8], $0x8000  }
0x288: {  	[sflag:s8] =	ssyncset.done $0x0  }
0x289: {  	[sflag:s8] =	ssyncadd.s32 $0xFFFF8000  }
0x28a: {  	[tilespmem:s7], [sflag:$0x1] =	stream.indirect.gather [hbm4b:s4+s9], $0x80, s26, s9, $0xb8;
	[tilespmem:$0x1A600] =	vst v63  }
0x28b: {  	_ =	swait.ge [sflag:s14], $0x8000  }
0x28c: {  	s0 =	sld [smem:$0x7D8]  }
0x28d: {  	[sflag:s14] =	ssyncset.done $0x0  }
0x28e: {  	[sflag:s14] =	ssyncadd.s32 $0xFFFF8000  }
0x28f: {  	[hbm4b:s0+s2] =	stream.linear.scatter [tilespmem:s6], [sflag:$0x5], $0x8000, $0x38;
	[tilespmem:$0x1A600] =	vst v63  }
0x290: {  	_ =	swait.ge [sflag:s10], $0x8000  }
0x291: {  	s0 =	sld [smem:$0x7FC]  }
0x292: {  	[sflag:s10] =	ssyncset.done $0x0  }
0x293: {  	[sflag:s10] =	ssyncadd.s32 $0xFFFF8000  }
0x294: {  	[tilespmem:s6], [sflag:$0x2] =	stream.indirect.gather [hbm4b:s4+s9], $0x80, s0, s9, $0xb8;
	[tilespmem:$0x1A600] =	vst v63  }
0x295: {  	_ =	swait.ge [sflag:s16], $0x8000  }
0x296: {  	s0 =	sld [smem:$0x7D9]  }
0x297: {  	[sflag:s16] =	ssyncset.done $0x0  }
0x298: {  	[sflag:s16] =	ssyncadd.s32 $0xFFFF8000  }
0x299: {  	[hbm4b:s0+s2] =	stream.linear.scatter [tilespmem:s11], [sflag:$0x6], $0x8000, $0x38;
	[tilespmem:$0x1A600] =	vst v63  }
0x29a: {  	_ =	swait.ge [sflag:s13], $0x8000  }
0x29b: {  	s0 =	sld [smem:$0x7FD]  }
0x29c: {  	[sflag:s13] =	ssyncset.done $0x0  }
0x29d: {  	[sflag:s13] =	ssyncadd.s32 $0xFFFF8000  }
0x29e: {  	[tilespmem:s11], [sflag:$0x3] =	stream.indirect.gather [hbm4b:s4+s9], $0x80, s0, s9, $0xb8;
	[tilespmem:$0x1A600] =	vst v63  }
0x29f: {  	_ =	swait.ge [sflag:s12], $0x8000  }
0x2a0: {  	s0 =	sld [smem:$0x7DA]  }
0x2a1: {  	[sflag:s12] =	ssyncset.done $0x0  }
0x2a2: {  	[sflag:s12] =	ssyncadd.s32 $0xFFFF8000  }
0x2a3: {  	[hbm4b:s0+s2] =	stream.linear.scatter [tilespmem:s7], [sflag:$0x4], $0x8000, $0x38;
	[tilespmem:$0x1A600] =	vst v63  }
0x2a4: {  	_ =	swait.ge [sflag:s8], $0x8000  }
0x2a5: {  	[sflag:s8] =	ssyncset.done $0x0  }
0x2a6: {  	[sflag:s8] =	ssyncadd.s32 $0xFFFF8000  }
0x2a7: {  	[tilespmem:s7], [sflag:$0x1] =	stream.indirect.gather [hbm4b:s4+s9], $0x80, s29, s9, $0xb8;
	[tilespmem:$0x1A600] =	vst v63  }
0x2a8: {  	_ =	swait.ge [sflag:s14], $0x8000  }
0x2a9: {  	s0 =	sld [smem:$0x7DB]  }
0x2aa: {  	[sflag:s14] =	ssyncset.done $0x0  }
0x2ab: {  	[sflag:s14] =	ssyncadd.s32 $0xFFFF8000  }
0x2ac: {  	[hbm4b:s0+s2] =	stream.linear.scatter [tilespmem:s6], [sflag:$0x5], $0x8000, $0x38;
	[tilespmem:$0x1A600] =	vst v63  }
0x2ad: {  	_ =	swait.ge [sflag:s10], $0x8000  }
0x2ae: {  	[sflag:s10] =	ssyncset.done $0x0  }
0x2af: {  	[sflag:s10] =	ssyncadd.s32 $0xFFFF8000  }
0x2b0: {  	[tilespmem:s6], [sflag:$0x2] =	stream.indirect.gather [hbm4b:s4+s9], $0x80, s28, s9, $0xb8;
	[tilespmem:$0x1A600] =	vst v63  }
0x2b1: {  	_ =	swait.ge [sflag:s16], $0x8000  }
0x2b2: {  	s0 =	sld [smem:$0x7DC]  }
0x2b3: {  	[sflag:s16] =	ssyncset.done $0x0  }
0x2b4: {  	[sflag:s16] =	ssyncadd.s32 $0xFFFF8000  }
0x2b5: {  	[hbm4b:s0+s2] =	stream.linear.scatter [tilespmem:s11], [sflag:$0x6], $0x8000, $0x38;
	[tilespmem:$0x1A600] =	vst v63  }
0x2b6: {  	_ =	swait.ge [sflag:s13], $0x8000  }
0x2b7: {  	[sflag:s13] =	ssyncset.done $0x0  }
0x2b8: {  	[sflag:s13] =	ssyncadd.s32 $0xFFFF8000  }
0x2b9: {  	[tilespmem:s11], [sflag:$0x3] =	stream.indirect.gather [hbm4b:s4+s9], $0x80, s25, s9, $0xb8;
	[tilespmem:$0x1A600] =	vst v63  }
0x2ba: {  	_ =	swait.ge [sflag:s12], $0x8000  }
0x2bb: {  	s0 =	sld [smem:$0x7DD]  }
0x2bc: {  	[sflag:s12] =	ssyncset.done $0x0  }
0x2bd: {  	[sflag:s12] =	ssyncadd.s32 $0xFFFF8000  }
0x2be: {  	[hbm4b:s0+s2] =	stream.linear.scatter [tilespmem:s7], [sflag:$0x4], $0x8000, $0x38;
	[tilespmem:$0x1A600] =	vst v63  }
0x2bf: {  	_ =	swait.ge [sflag:s8], $0x8000  }
0x2c0: {  	[sflag:s8] =	ssyncset.done $0x0  }
0x2c1: {  	[sflag:s8] =	ssyncadd.s32 $0xFFFF8000  }
0x2c2: {  	[tilespmem:s7], [sflag:$0x1] =	stream.indirect.gather [hbm4b:s4+s9], $0x80, s24, s9, $0xb8;
	[tilespmem:$0x1A600] =	vst v63  }
0x2c3: {  	_ =	swait.ge [sflag:s14], $0x8000  }
0x2c4: {  	s0 =	sld [smem:$0x7DE]  }
0x2c5: {  	[sflag:s14] =	ssyncset.done $0x0  }
0x2c6: {  	[sflag:s14] =	ssyncadd.s32 $0xFFFF8000  }
0x2c7: {  	[hbm4b:s0+s2] =	stream.linear.scatter [tilespmem:s6], [sflag:$0x5], $0x8000, $0x38;
	[tilespmem:$0x1A600] =	vst v63  }
0x2c8: {  	_ =	swait.ge [sflag:s10], $0x8000  }
0x2c9: {  	[sflag:s10] =	ssyncset.done $0x0  }
0x2ca: {  	[sflag:s10] =	ssyncadd.s32 $0xFFFF8000  }
0x2cb: {  	[tilespmem:s6], [sflag:$0x2] =	stream.indirect.gather [hbm4b:s4+s9], $0x80, s22, s9, $0xb8;
	[tilespmem:$0x1A600] =	vst v63  }
0x2cc: {  	_ =	swait.ge [sflag:s16], $0x8000  }
0x2cd: {  	s0 =	sld [smem:$0x7DF]  }
0x2ce: {  	[sflag:s16] =	ssyncset.done $0x0  }
0x2cf: {  	[sflag:s16] =	ssyncadd.s32 $0xFFFF8000  }
0x2d0: {  	[hbm4b:s0+s2] =	stream.linear.scatter [tilespmem:s11], [sflag:$0x6], $0x8000, $0x38;
	[tilespmem:$0x1A600] =	vst v63  }
0x2d1: {  	_ =	swait.ge [sflag:s13], $0x8000  }
0x2d2: {  	[sflag:s13] =	ssyncset.done $0x0  }
0x2d3: {  	[sflag:s13] =	ssyncadd.s32 $0xFFFF8000  }
0x2d4: {  	[tilespmem:s11], [sflag:$0x3] =	stream.indirect.gather [hbm4b:s4+s9], $0x80, s21, s9, $0xb8;
	[tilespmem:$0x1A600] =	vst v63  }
0x2d5: {  	_ =	swait.ge [sflag:s12], $0x8000  }
0x2d6: {  	s0 =	sld [smem:$0x7E0]  }
0x2d7: {  	[sflag:s12] =	ssyncset.done $0x0  }
0x2d8: {  	[sflag:s12] =	ssyncadd.s32 $0xFFFF8000  }
0x2d9: {  	[hbm4b:s0+s2] =	stream.linear.scatter [tilespmem:s7], [sflag:$0x4], $0x8000, $0x38;
	[tilespmem:$0x1A600] =	vst v63  }
0x2da: {  	_ =	swait.ge [sflag:s8], $0x8000  }
0x2db: {  	[sflag:s8] =	ssyncset.done $0x0  }
0x2dc: {  	[sflag:s8] =	ssyncadd.s32 $0xFFFF8000  }
0x2dd: {  	[tilespmem:s7], [sflag:$0x1] =	stream.indirect.gather [hbm4b:s4+s9], $0x80, s20, s9, $0xb8;
	[tilespmem:$0x1A600] =	vst v63  }
0x2de: {  	_ =	swait.ge [sflag:s14], $0x8000  }
0x2df: {  	s0 =	sld [smem:$0x7E1]  }
0x2e0: {  	[sflag:s14] =	ssyncset.done $0x0  }
0x2e1: {  	[sflag:s14] =	ssyncadd.s32 $0xFFFF8000  }
0x2e2: {  	[hbm4b:s0+s2] =	stream.linear.scatter [tilespmem:s6], [sflag:$0x5], $0x8000, $0x38;
	[tilespmem:$0x1A600] =	vst v63  }
0x2e3: {  	_ =	swait.ge [sflag:s10], $0x8000  }
0x2e4: {  	[sflag:s10] =	ssyncset.done $0x0  }
0x2e5: {  	[sflag:s10] =	ssyncadd.s32 $0xFFFF8000  }
0x2e6: {  	[tilespmem:s6], [sflag:$0x2] =	stream.indirect.gather [hbm4b:s4+s9], $0x80, s19, s9, $0xb8;
	[tilespmem:$0x1A600] =	vst v63  }
0x2e7: {  	_ =	swait.ge [sflag:s16], $0x8000  }
0x2e8: {  	s0 =	sld [smem:$0x7E2]  }
0x2e9: {  	[sflag:s16] =	ssyncset.done $0x0  }
0x2ea: {  	[sflag:s16] =	ssyncadd.s32 $0xFFFF8000  }
0x2eb: {  	[hbm4b:s0+s2] =	stream.linear.scatter [tilespmem:s11], [sflag:$0x6], $0x8000, $0x38;
	[tilespmem:$0x1A600] =	vst v63  }
0x2ec: {  	_ =	swait.ge [sflag:s13], $0x8000  }
0x2ed: {  	[sflag:s13] =	ssyncset.done $0x0  }
0x2ee: {  	[sflag:s13] =	ssyncadd.s32 $0xFFFF8000  }
0x2ef: {  	[tilespmem:s11], [sflag:$0x3] =	stream.indirect.gather [hbm4b:s4+s9], $0x80, s18, s9, $0xb8;
	[tilespmem:$0x1A600] =	vst v63  }
0x2f0: {  	_ =	swait.ge [sflag:s12], $0x8000  }
0x2f1: {  	s0 =	sld [smem:$0x7E3]  }
0x2f2: {  	[sflag:s12] =	ssyncset.done $0x0  }
0x2f3: {  	[sflag:s12] =	ssyncadd.s32 $0xFFFF8000  }
0x2f4: {  	[hbm4b:s0+s2] =	stream.linear.scatter [tilespmem:s7], [sflag:$0x4], $0x8000, $0x38;
	[tilespmem:$0x1A600] =	vst v63  }
0x2f5: {  	_ =	swait.ge [sflag:s8], $0x8000  }
0x2f6: {  	[sflag:s8] =	ssyncset.done $0x0  }
0x2f7: {  	[sflag:s8] =	ssyncadd.s32 $0xFFFF8000  }
0x2f8: {  	[tilespmem:s7], [sflag:$0x1] =	stream.indirect.gather [hbm4b:s3+s9], $0x80, s15, s9, $0xb8;
	[tilespmem:$0x1A600] =	vst v63  }
0x2f9: {  	_ =	swait.ge [sflag:s14], $0x8000  }
0x2fa: {  	s0 =	sld [smem:$0x7E4]  }
0x2fb: {  	[sflag:s14] =	ssyncset.done $0x0  }
0x2fc: {  	[sflag:s14] =	ssyncadd.s32 $0xFFFF8000  }
0x2fd: {  	[hbm4b:s0+s2] =	stream.linear.scatter [tilespmem:s6], [sflag:$0x5], $0x8000, $0x38;
	[tilespmem:$0x1A600] =	vst v63  }
0x2fe: {  	_ =	swait.ge [sflag:s10], $0x8000  }
0x2ff: {  	[sflag:s10] =	ssyncset.done $0x0  }
0x300: {  	[sflag:s10] =	ssyncadd.s32 $0xFFFF8000  }
0x301: {  	[tilespmem:s6], [sflag:$0x2] =	stream.indirect.gather [hbm4b:s3+s9], $0x80, s17, s9, $0xb8;
	[tilespmem:$0x1A600] =	vst v63  }
0x302: {  	_ =	swait.ge [sflag:s16], $0x8000  }
0x303: {  	s0 =	sld [smem:$0x7E5]  }
0x304: {  	[sflag:s16] =	ssyncset.done $0x0  }
0x305: {  	[sflag:s16] =	ssyncadd.s32 $0xFFFF8000  }
0x306: {  	[hbm4b:s0+s2] =	stream.linear.scatter [tilespmem:s11], [sflag:$0x6], $0x8000, $0x38;
	[tilespmem:$0x1A600] =	vst v63  }
0x307: {  	_ =	swait.ge [sflag:s12], $0x8000  }
0x308: {  	[sflag:s12] =	ssyncset.done $0x0  }
0x309: {  	[sflag:s12] =	ssyncadd.s32 $0xFFFF8000  }
0x30a: {  	[hbm4b:s5+s2] =	stream.linear.scatter [tilespmem:s7], [sflag:$0x4], $0x8000, $0x38;
	[tilespmem:$0x1A600] =	vst v63  }
0x30b: {  	_ =	swait.ge [sflag:s14], $0x8000  }
0x30c: {  	s0 =	sld [smem:$0x7E6]  }
0x30d: {  	[sflag:s14] =	ssyncset.done $0x0  }
0x30e: {  	[sflag:s14] =	ssyncadd.s32 $0xFFFF8000  }
0x30f: {  	[hbm4b:s0+s2] =	stream.linear.scatter [tilespmem:s6], [sflag:$0x5], $0x8000, $0x38;
	[tilespmem:$0x1A600] =	vst v63  }
0x310: {  	_ =	swait.ge [sflag:s8], $0x8000  }
0x311: {  	[sflag:s8] =	ssyncset.done $0x0  }
0x312: {  	p1 =	sne.s32 s1, $0x1;
	[sflag:s8] =	ssyncadd.s32 $0xFFFF8000  }
.Ltmp2:
0x313: {  	_ =	swait.ge [sflag:s10], $0x8000;
	(pc) =	sbr.rel @p1 .LBB2_2-.Ltmp2, $4  }
0x314: {  	[sflag:s10] =	ssyncset.done $0x0  }
0x315: {  	[sflag:s10] =	ssyncadd.s32 $0xFFFF8000  }
0x316: {  	_ =	swait.ge [sflag:s13], $0x8000  }
0x317: {  	s1 =	sadd.s32 $0xFFFFFFFF, s1;
	s0 =	rddreg [dreg:$0x6];
	[sflag:s13] =	ssyncset.done $0x0  }
.LBB2_3:
0x318: {  	[sflag:s13] =	ssyncadd.s32 @p0 $0xFFFF8000  }
0x319: {  	[tilespmem:s2], [sflag:$0x7] =	stream.linear.gather [hbm4b:s0+s2], $0xC00, $0x38;
	[tilespmem:$0x1A600] =	vst v63  }
0x31a: {  	_ =	swait.ge [sflag:s31], $0xC00  }
0x31b: {  	[sflag:s31] =	ssyncset.done $0x0  }
0x31c: {  	s1 =	rddreg [dreg:$0x7];
	[sflag:s31] =	ssyncadd.s32 $0xFFFFF400  }
0x31d: {  	[tilespmem:s30], [sflag:$0x7] =	stream.linear.gather [hbm4b:s1+s2], $0xC00, $0x38;
	[tilespmem:$0x1A600] =	vst v63  }
0x31e: {  	_ =	swait.ge [sflag:s31], $0xC00  }
0x31f: {  	[sflag:s31] =	ssyncset.done $0x0  }
0x320: {  	s1 =	rddreg [dreg:$0x8];
	[sflag:s31] =	ssyncadd.s32 $0xFFFFF400  }
0x321: {  	[tilespmem:s26], [sflag:$0x7] =	stream.linear.gather [hbm4b:s1+s2], $0xC00, $0x38;
	[tilespmem:$0x1A600] =	vst v63  }
0x322: {  	_ =	swait.ge [sflag:s31], $0xC00  }
0x323: {  	[sflag:s31] =	ssyncset.done $0x0  }
0x324: {  	s1 =	rddreg [dreg:$0x9];
	[sflag:s31] =	ssyncadd.s32 $0xFFFFF400  }
0x325: {  	[tilespmem:s15], [sflag:$0x7] =	stream.linear.gather [hbm4b:s1+s2], $0x200, $0x38;
	[tilespmem:$0x1A600] =	vst v63  }
0x326: {  	_ =	swait.ge [sflag:s31], $0x200  }
0x327: {  	[sflag:s31] =	ssyncset.done $0x0  }
0x328: {  	[sflag:s31] =	ssyncadd.s32 $0xFFFFFE00  }
0x329: {  	[tilespmem:s7], [sflag:$0x1] =	stream.indirect.gather [hbm4b:s23+s9], $0x80, s2, s9, $0xb8;
	[tilespmem:$0x1A600] =	vst v63  }
0x32a: {  	s1 =	sld [smem:$0x7E7]  }
0x32b: {  	[tilespmem:s6], [sflag:$0x2] =	stream.indirect.gather [hbm4b:s23+s9], $0x80, s9, s9, $0xb8;
	[tilespmem:$0x1A600] =	vst v63  }
0x32c: {  	_ = 	snop  }
0x32d: {  	[tilespmem:s11], [sflag:$0x3] =	stream.indirect.gather [hbm4b:s23+s9], $0x80, s1, s9, $0xb8;
	[tilespmem:$0x1A600] =	vst v63  }
0x32e: {  	_ =	swait.ge [sflag:s12], $0x8000  }
0x32f: {  	[sflag:s12] =	ssyncset.done $0x0  }
0x330: {  	s31 =	rddreg [dreg:$0xa];
	[sflag:s12] =	ssyncadd.s32 $0xFFFF8000  }
0x331: {  	[hbm4b:s31+s2] =	stream.linear.scatter [tilespmem:s7], [sflag:$0x4], $0x8000, $0x38;
	[tilespmem:$0x1A600] =	vst v63  }
0x332: {  	_ =	swait.ge [sflag:s8], $0x8000  }
0x333: {  	s1 =	sld [smem:$0x7E8]  }
0x334: {  	[sflag:s8] =	ssyncset.done $0x0  }
0x335: {  	[sflag:s8] =	ssyncadd.s32 $0xFFFF8000  }
0x336: {  	[tilespmem:s7], [sflag:$0x1] =	stream.indirect.gather [hbm4b:s23+s9], $0x80, s1, s9, $0xb8;
	[tilespmem:$0x1A600] =	vst v63  }
0x337: {  	_ =	swait.ge [sflag:s14], $0x8000  }
0x338: {  	[sflag:s14] =	ssyncset.done $0x0  }
0x339: {  	s31 =	rddreg [dreg:$0xb];
	[sflag:s14] =	ssyncadd.s32 $0xFFFF8000  }
0x33a: {  	[hbm4b:s31+s2] =	stream.linear.scatter [tilespmem:s6], [sflag:$0x5], $0x8000, $0x38;
	[tilespmem:$0x1A600] =	vst v63  }
0x33b: {  	_ =	swait.ge [sflag:s10], $0x8000  }
0x33c: {  	s1 =	sld [smem:$0x7E9]  }
0x33d: {  	[sflag:s10] =	ssyncset.done $0x0  }
0x33e: {  	[sflag:s10] =	ssyncadd.s32 $0xFFFF8000  }
0x33f: {  	[tilespmem:s6], [sflag:$0x2] =	stream.indirect.gather [hbm4b:s23+s9], $0x80, s1, s9, $0xb8;
	[tilespmem:$0x1A600] =	vst v63  }
0x340: {  	_ =	swait.ge [sflag:s16], $0x8000  }
0x341: {  	[sflag:s16] =	ssyncset.done $0x0  }
0x342: {  	s31 =	rddreg [dreg:$0xc];
	[sflag:s16] =	ssyncadd.s32 $0xFFFF8000  }
0x343: {  	[hbm4b:s31+s2] =	stream.linear.scatter [tilespmem:s11], [sflag:$0x6], $0x8000, $0x38;
	[tilespmem:$0x1A600] =	vst v63  }
0x344: {  	_ =	swait.ge [sflag:s13], $0x8000  }
0x345: {  	s1 =	sld [smem:$0x7EA]  }
0x346: {  	[sflag:s13] =	ssyncset.done $0x0  }
0x347: {  	[sflag:s13] =	ssyncadd.s32 $0xFFFF8000  }
0x348: {  	[tilespmem:s11], [sflag:$0x3] =	stream.indirect.gather [hbm4b:s23+s9], $0x80, s1, s9, $0xb8;
	[tilespmem:$0x1A600] =	vst v63  }
0x349: {  	_ =	swait.ge [sflag:s12], $0x8000  }
0x34a: {  	[sflag:s12] =	ssyncset.done $0x0  }
0x34b: {  	s31 =	rddreg [dreg:$0xd];
	[sflag:s12] =	ssyncadd.s32 $0xFFFF8000  }
0x34c: {  	[hbm4b:s31+s2] =	stream.linear.scatter [tilespmem:s7], [sflag:$0x4], $0x8000, $0x38;
	[tilespmem:$0x1A600] =	vst v63  }
0x34d: {  	_ =	swait.ge [sflag:s8], $0x8000  }
0x34e: {  	s1 =	sld [smem:$0x7EB]  }
0x34f: {  	[sflag:s8] =	ssyncset.done $0x0  }
0x350: {  	[sflag:s8] =	ssyncadd.s32 $0xFFFF8000  }
0x351: {  	[tilespmem:s7], [sflag:$0x1] =	stream.indirect.gather [hbm4b:s23+s9], $0x80, s1, s9, $0xb8;
	[tilespmem:$0x1A600] =	vst v63  }
0x352: {  	_ =	swait.ge [sflag:s14], $0x8000  }
0x353: {  	[sflag:s14] =	ssyncset.done $0x0  }
0x354: {  	s31 =	rddreg [dreg:$0xe];
	[sflag:s14] =	ssyncadd.s32 $0xFFFF8000  }
0x355: {  	[hbm4b:s31+s2] =	stream.linear.scatter [tilespmem:s6], [sflag:$0x5], $0x8000, $0x38;
	[tilespmem:$0x1A600] =	vst v63  }
0x356: {  	_ =	swait.ge [sflag:s10], $0x8000  }
0x357: {  	s1 =	sld [smem:$0x7EC]  }
0x358: {  	[sflag:s10] =	ssyncset.done $0x0  }
0x359: {  	[sflag:s10] =	ssyncadd.s32 $0xFFFF8000  }
0x35a: {  	[tilespmem:s6], [sflag:$0x2] =	stream.indirect.gather [hbm4b:s23+s9], $0x80, s1, s9, $0xb8;
	[tilespmem:$0x1A600] =	vst v63  }
0x35b: {  	_ =	swait.ge [sflag:s16], $0x8000  }
0x35c: {  	[sflag:s16] =	ssyncset.done $0x0  }
0x35d: {  	s31 =	rddreg [dreg:$0xf];
	[sflag:s16] =	ssyncadd.s32 $0xFFFF8000  }
0x35e: {  	[hbm4b:s31+s2] =	stream.linear.scatter [tilespmem:s11], [sflag:$0x6], $0x8000, $0x38;
	[tilespmem:$0x1A600] =	vst v63  }
0x35f: {  	_ =	swait.ge [sflag:s13], $0x8000  }
0x360: {  	s1 =	sld [smem:$0x7ED]  }
0x361: {  	[sflag:s13] =	ssyncset.done $0x0  }
0x362: {  	[sflag:s13] =	ssyncadd.s32 $0xFFFF8000  }
0x363: {  	[tilespmem:s11], [sflag:$0x3] =	stream.indirect.gather [hbm4b:s23+s9], $0x80, s1, s9, $0xb8;
	[tilespmem:$0x1A600] =	vst v63  }
0x364: {  	_ =	swait.ge [sflag:s12], $0x8000  }
0x365: {  	[sflag:s12] =	ssyncset.done $0x0  }
0x366: {  	s31 =	rddreg [dreg:$0x10];
	[sflag:s12] =	ssyncadd.s32 $0xFFFF8000  }
0x367: {  	[hbm4b:s31+s2] =	stream.linear.scatter [tilespmem:s7], [sflag:$0x4], $0x8000, $0x38;
	[tilespmem:$0x1A600] =	vst v63  }
0x368: {  	_ =	swait.ge [sflag:s8], $0x8000  }
0x369: {  	s1 =	sld [smem:$0x7EE]  }
0x36a: {  	[sflag:s8] =	ssyncset.done $0x0  }
0x36b: {  	[sflag:s8] =	ssyncadd.s32 $0xFFFF8000  }
0x36c: {  	[tilespmem:s7], [sflag:$0x1] =	stream.indirect.gather [hbm4b:s23+s9], $0x80, s1, s9, $0xb8;
	[tilespmem:$0x1A600] =	vst v63  }
0x36d: {  	_ =	swait.ge [sflag:s14], $0x8000  }
0x36e: {  	[sflag:s14] =	ssyncset.done $0x0  }
0x36f: {  	s31 =	rddreg [dreg:$0x11];
	[sflag:s14] =	ssyncadd.s32 $0xFFFF8000  }
0x370: {  	[hbm4b:s31+s2] =	stream.linear.scatter [tilespmem:s6], [sflag:$0x5], $0x8000, $0x38;
	[tilespmem:$0x1A600] =	vst v63  }
0x371: {  	_ =	swait.ge [sflag:s10], $0x8000  }
0x372: {  	s1 =	sld [smem:$0x7EF]  }
0x373: {  	[sflag:s10] =	ssyncset.done $0x0  }
0x374: {  	[sflag:s10] =	ssyncadd.s32 $0xFFFF8000  }
0x375: {  	[tilespmem:s6], [sflag:$0x2] =	stream.indirect.gather [hbm4b:s23+s9], $0x80, s1, s9, $0xb8;
	[tilespmem:$0x1A600] =	vst v63  }
0x376: {  	_ =	swait.ge [sflag:s16], $0x8000  }
0x377: {  	[sflag:s16] =	ssyncset.done $0x0  }
0x378: {  	s31 =	rddreg [dreg:$0x12];
	[sflag:s16] =	ssyncadd.s32 $0xFFFF8000  }
0x379: {  	[hbm4b:s31+s2] =	stream.linear.scatter [tilespmem:s11], [sflag:$0x6], $0x8000, $0x38;
	[tilespmem:$0x1A600] =	vst v63  }
0x37a: {  	_ =	swait.ge [sflag:s13], $0x8000  }
0x37b: {  	s1 =	sld [smem:$0x7F0]  }
0x37c: {  	[sflag:s13] =	ssyncset.done $0x0  }
0x37d: {  	[sflag:s13] =	ssyncadd.s32 $0xFFFF8000  }
0x37e: {  	[tilespmem:s11], [sflag:$0x3] =	stream.indirect.gather [hbm4b:s23+s9], $0x80, s1, s9, $0xb8;
	[tilespmem:$0x1A600] =	vst v63  }
0x37f: {  	_ =	swait.ge [sflag:s12], $0x8000  }
0x380: {  	[sflag:s12] =	ssyncset.done $0x0  }
0x381: {  	s23 =	rddreg [dreg:$0x13];
	[sflag:s12] =	ssyncadd.s32 $0xFFFF8000  }
0x382: {  	[hbm4b:s23+s2] =	stream.linear.scatter [tilespmem:s7], [sflag:$0x4], $0x8000, $0x38;
	[tilespmem:$0x1A600] =	vst v63  }
0x383: {  	_ =	swait.ge [sflag:s8], $0x8000  }
0x384: {  	[sflag:s8] =	ssyncset.done $0x0  }
0x385: {  	[sflag:s8] =	ssyncadd.s32 $0xFFFF8000  }
0x386: {  	[tilespmem:s7], [sflag:$0x1] =	stream.indirect.gather [hbm4b:s3+s9], $0x80, s30, s9, $0xb8;
	[tilespmem:$0x1A600] =	vst v63  }
0x387: {  	_ =	swait.ge [sflag:s14], $0x8000  }
0x388: {  	[sflag:s14] =	ssyncset.done $0x0  }
0x389: {  	s31 =	rddreg [dreg:$0x14];
	[sflag:s14] =	ssyncadd.s32 $0xFFFF8000  }
0x38a: {  	[hbm4b:s31+s2] =	stream.linear.scatter [tilespmem:s6], [sflag:$0x5], $0x8000, $0x38;
	[tilespmem:$0x1A600] =	vst v63  }
0x38b: {  	_ =	swait.ge [sflag:s10], $0x8000  }
0x38c: {  	s1 =	sld [smem:$0x7F1]  }
0x38d: {  	[sflag:s10] =	ssyncset.done $0x0  }
0x38e: {  	[sflag:s10] =	ssyncadd.s32 $0xFFFF8000  }
0x38f: {  	[tilespmem:s6], [sflag:$0x2] =	stream.indirect.gather [hbm4b:s3+s9], $0x80, s1, s9, $0xb8;
	[tilespmem:$0x1A600] =	vst v63  }
0x390: {  	_ =	swait.ge [sflag:s16], $0x8000  }
0x391: {  	[sflag:s16] =	ssyncset.done $0x0  }
0x392: {  	s23 =	rddreg [dreg:$0x15];
	[sflag:s16] =	ssyncadd.s32 $0xFFFF8000  }
0x393: {  	[hbm4b:s23+s2] =	stream.linear.scatter [tilespmem:s11], [sflag:$0x6], $0x8000, $0x38;
	[tilespmem:$0x1A600] =	vst v63  }
0x394: {  	_ =	swait.ge [sflag:s13], $0x8000  }
0x395: {  	s30 =	sld [smem:$0x7F2]  }
0x396: {  	[sflag:s13] =	ssyncset.done $0x0  }
0x397: {  	[sflag:s13] =	ssyncadd.s32 $0xFFFF8000  }
0x398: {  	[tilespmem:s11], [sflag:$0x3] =	stream.indirect.gather [hbm4b:s3+s9], $0x80, s30, s9, $0xb8;
	[tilespmem:$0x1A600] =	vst v63  }
0x399: {  	_ =	swait.ge [sflag:s12], $0x8000  }
0x39a: {  	[sflag:s12] =	ssyncset.done $0x0  }
0x39b: {  	s31 =	rddreg [dreg:$0x16];
	[sflag:s12] =	ssyncadd.s32 $0xFFFF8000  }
0x39c: {  	[hbm4b:s31+s2] =	stream.linear.scatter [tilespmem:s7], [sflag:$0x4], $0x8000, $0x38;
	[tilespmem:$0x1A600] =	vst v63  }
0x39d: {  	_ =	swait.ge [sflag:s8], $0x8000  }
0x39e: {  	s1 =	sld [smem:$0x7F3]  }
0x39f: {  	[sflag:s8] =	ssyncset.done $0x0  }
0x3a0: {  	[sflag:s8] =	ssyncadd.s32 $0xFFFF8000  }
0x3a1: {  	[tilespmem:s7], [sflag:$0x1] =	stream.indirect.gather [hbm4b:s3+s9], $0x80, s1, s9, $0xb8;
	[tilespmem:$0x1A600] =	vst v63  }
0x3a2: {  	_ =	swait.ge [sflag:s14], $0x8000  }
0x3a3: {  	[sflag:s14] =	ssyncset.done $0x0  }
0x3a4: {  	s23 =	rddreg [dreg:$0x17];
	[sflag:s14] =	ssyncadd.s32 $0xFFFF8000  }
0x3a5: {  	[hbm4b:s23+s2] =	stream.linear.scatter [tilespmem:s6], [sflag:$0x5], $0x8000, $0x38;
	[tilespmem:$0x1A600] =	vst v63  }
0x3a6: {  	_ =	swait.ge [sflag:s10], $0x8000  }
0x3a7: {  	s30 =	sld [smem:$0x7F4]  }
0x3a8: {  	[sflag:s10] =	ssyncset.done $0x0  }
0x3a9: {  	[sflag:s10] =	ssyncadd.s32 $0xFFFF8000  }
0x3aa: {  	[tilespmem:s6], [sflag:$0x2] =	stream.indirect.gather [hbm4b:s3+s9], $0x80, s30, s9, $0xb8;
	[tilespmem:$0x1A600] =	vst v63  }
0x3ab: {  	_ =	swait.ge [sflag:s16], $0x8000  }
0x3ac: {  	[sflag:s16] =	ssyncset.done $0x0  }
0x3ad: {  	s31 =	rddreg [dreg:$0x18];
	[sflag:s16] =	ssyncadd.s32 $0xFFFF8000  }
0x3ae: {  	[hbm4b:s31+s2] =	stream.linear.scatter [tilespmem:s11], [sflag:$0x6], $0x8000, $0x38;
	[tilespmem:$0x1A600] =	vst v63  }
0x3af: {  	_ =	swait.ge [sflag:s13], $0x8000  }
0x3b0: {  	s1 =	sld [smem:$0x7F5]  }
0x3b1: {  	[sflag:s13] =	ssyncset.done $0x0  }
0x3b2: {  	[sflag:s13] =	ssyncadd.s32 $0xFFFF8000  }
0x3b3: {  	[tilespmem:s11], [sflag:$0x3] =	stream.indirect.gather [hbm4b:s3+s9], $0x80, s1, s9, $0xb8;
	[tilespmem:$0x1A600] =	vst v63  }
0x3b4: {  	_ =	swait.ge [sflag:s12], $0x8000  }
0x3b5: {  	[sflag:s12] =	ssyncset.done $0x0  }
0x3b6: {  	s23 =	rddreg [dreg:$0x19];
	[sflag:s12] =	ssyncadd.s32 $0xFFFF8000  }
0x3b7: {  	[hbm4b:s23+s2] =	stream.linear.scatter [tilespmem:s7], [sflag:$0x4], $0x8000, $0x38;
	[tilespmem:$0x1A600] =	vst v63  }
0x3b8: {  	_ =	swait.ge [sflag:s8], $0x8000  }
0x3b9: {  	s30 =	sld [smem:$0x7F6]  }
0x3ba: {  	[sflag:s8] =	ssyncset.done $0x0  }
0x3bb: {  	[sflag:s8] =	ssyncadd.s32 $0xFFFF8000  }
0x3bc: {  	[tilespmem:s7], [sflag:$0x1] =	stream.indirect.gather [hbm4b:s3+s9], $0x80, s30, s9, $0xb8;
	[tilespmem:$0x1A600] =	vst v63  }
0x3bd: {  	_ =	swait.ge [sflag:s14], $0x8000  }
0x3be: {  	[sflag:s14] =	ssyncset.done $0x0  }
0x3bf: {  	s31 =	rddreg [dreg:$0x1a];
	[sflag:s14] =	ssyncadd.s32 $0xFFFF8000  }
0x3c0: {  	[hbm4b:s31+s2] =	stream.linear.scatter [tilespmem:s6], [sflag:$0x5], $0x8000, $0x38;
	[tilespmem:$0x1A600] =	vst v63  }
0x3c1: {  	_ =	swait.ge [sflag:s10], $0x8000  }
0x3c2: {  	s1 =	sld [smem:$0x7F7]  }
0x3c3: {  	[sflag:s10] =	ssyncset.done $0x0  }
0x3c4: {  	[sflag:s10] =	ssyncadd.s32 $0xFFFF8000  }
0x3c5: {  	[tilespmem:s6], [sflag:$0x2] =	stream.indirect.gather [hbm4b:s3+s9], $0x80, s1, s9, $0xb8;
	[tilespmem:$0x1A600] =	vst v63  }
0x3c6: {  	_ =	swait.ge [sflag:s16], $0x8000  }
0x3c7: {  	[sflag:s16] =	ssyncset.done $0x0  }
0x3c8: {  	s23 =	rddreg [dreg:$0x1b];
	[sflag:s16] =	ssyncadd.s32 $0xFFFF8000  }
0x3c9: {  	[hbm4b:s23+s2] =	stream.linear.scatter [tilespmem:s11], [sflag:$0x6], $0x8000, $0x38;
	[tilespmem:$0x1A600] =	vst v63  }
0x3ca: {  	_ =	swait.ge [sflag:s13], $0x8000  }
0x3cb: {  	s30 =	sld [smem:$0x7F8]  }
0x3cc: {  	[sflag:s13] =	ssyncset.done $0x0  }
0x3cd: {  	[sflag:s13] =	ssyncadd.s32 $0xFFFF8000  }
0x3ce: {  	[tilespmem:s11], [sflag:$0x3] =	stream.indirect.gather [hbm4b:s3+s9], $0x80, s30, s9, $0xb8;
	[tilespmem:$0x1A600] =	vst v63  }
0x3cf: {  	_ =	swait.ge [sflag:s12], $0x8000  }
0x3d0: {  	[sflag:s12] =	ssyncset.done $0x0  }
0x3d1: {  	s31 =	rddreg [dreg:$0x1c];
	[sflag:s12] =	ssyncadd.s32 $0xFFFF8000  }
0x3d2: {  	[hbm4b:s31+s2] =	stream.linear.scatter [tilespmem:s7], [sflag:$0x4], $0x8000, $0x38;
	[tilespmem:$0x1A600] =	vst v63  }
0x3d3: {  	_ =	swait.ge [sflag:s8], $0x8000  }
0x3d4: {  	s1 =	sld [smem:$0x7F9]  }
0x3d5: {  	[sflag:s8] =	ssyncset.done $0x0  }
0x3d6: {  	[sflag:s8] =	ssyncadd.s32 $0xFFFF8000  }
0x3d7: {  	[tilespmem:s7], [sflag:$0x1] =	stream.indirect.gather [hbm4b:s3+s9], $0x80, s1, s9, $0xb8;
	[tilespmem:$0x1A600] =	vst v63  }
0x3d8: {  	_ =	swait.ge [sflag:s14], $0x8000  }
0x3d9: {  	[sflag:s14] =	ssyncset.done $0x0  }
0x3da: {  	s23 =	rddreg [dreg:$0x1d];
	[sflag:s14] =	ssyncadd.s32 $0xFFFF8000  }
0x3db: {  	[hbm4b:s23+s2] =	stream.linear.scatter [tilespmem:s6], [sflag:$0x5], $0x8000, $0x38;
	[tilespmem:$0x1A600] =	vst v63  }
0x3dc: {  	_ =	swait.ge [sflag:s10], $0x8000  }
0x3dd: {  	s30 =	sld [smem:$0x7FA]  }
0x3de: {  	[sflag:s10] =	ssyncset.done $0x0  }
0x3df: {  	[sflag:s10] =	ssyncadd.s32 $0xFFFF8000  }
0x3e0: {  	[tilespmem:s6], [sflag:$0x2] =	stream.indirect.gather [hbm4b:s3+s9], $0x80, s30, s9, $0xb8;
	[tilespmem:$0x1A600] =	vst v63  }
0x3e1: {  	_ =	swait.ge [sflag:s16], $0x8000  }
0x3e2: {  	[sflag:s16] =	ssyncset.done $0x0  }
0x3e3: {  	s31 =	rddreg [dreg:$0x1e];
	[sflag:s16] =	ssyncadd.s32 $0xFFFF8000  }
0x3e4: {  	[hbm4b:s31+s2] =	stream.linear.scatter [tilespmem:s11], [sflag:$0x6], $0x8000, $0x38;
	[tilespmem:$0x1A600] =	vst v63  }
0x3e5: {  	_ =	swait.ge [sflag:s13], $0x8000  }
0x3e6: {  	s1 =	sld [smem:$0x7FB]  }
0x3e7: {  	[sflag:s13] =	ssyncset.done $0x0  }
0x3e8: {  	[sflag:s13] =	ssyncadd.s32 $0xFFFF8000  }
0x3e9: {  	[tilespmem:s11], [sflag:$0x3] =	stream.indirect.gather [hbm4b:s3+s9], $0x80, s1, s9, $0xb8;
	[tilespmem:$0x1A600] =	vst v63  }
0x3ea: {  	_ =	swait.ge [sflag:s12], $0x8000  }
0x3eb: {  	[sflag:s12] =	ssyncset.done $0x0  }
0x3ec: {  	s23 =	rddreg [dreg:$0x1f];
	[sflag:s12] =	ssyncadd.s32 $0xFFFF8000  }
0x3ed: {  	[hbm4b:s23+s2] =	stream.linear.scatter [tilespmem:s7], [sflag:$0x4], $0x8000, $0x38;
	[tilespmem:$0x1A600] =	vst v63  }
0x3ee: {  	_ =	swait.ge [sflag:s8], $0x8000  }
0x3ef: {  	[sflag:s8] =	ssyncset.done $0x0  }
0x3f0: {  	[sflag:s8] =	ssyncadd.s32 $0xFFFF8000  }
0x3f1: {  	[tilespmem:s7], [sflag:$0x1] =	stream.indirect.gather [hbm4b:s4+s9], $0x80, s26, s9, $0xb8;
	[tilespmem:$0x1A600] =	vst v63  }
0x3f2: {  	_ =	swait.ge [sflag:s14], $0x8000  }
0x3f3: {  	s30 =	sld [smem:$0x7D8]  }
0x3f4: {  	[sflag:s14] =	ssyncset.done $0x0  }
0x3f5: {  	[sflag:s14] =	ssyncadd.s32 $0xFFFF8000  }
0x3f6: {  	[hbm4b:s30+s2] =	stream.linear.scatter [tilespmem:s6], [sflag:$0x5], $0x8000, $0x38;
	[tilespmem:$0x1A600] =	vst v63  }
0x3f7: {  	_ =	swait.ge [sflag:s10], $0x8000  }
0x3f8: {  	s31 =	sld [smem:$0x7FC]  }
0x3f9: {  	[sflag:s10] =	ssyncset.done $0x0  }
0x3fa: {  	[sflag:s10] =	ssyncadd.s32 $0xFFFF8000  }
0x3fb: {  	[tilespmem:s6], [sflag:$0x2] =	stream.indirect.gather [hbm4b:s4+s9], $0x80, s31, s9, $0xb8;
	[tilespmem:$0x1A600] =	vst v63  }
0x3fc: {  	_ =	swait.ge [sflag:s16], $0x8000  }
0x3fd: {  	s1 =	sld [smem:$0x7D9]  }
0x3fe: {  	[sflag:s16] =	ssyncset.done $0x0  }
0x3ff: {  	[sflag:s16] =	ssyncadd.s32 $0xFFFF8000  }
0x400: {  	[hbm4b:s1+s2] =	stream.linear.scatter [tilespmem:s11], [sflag:$0x6], $0x8000, $0x38;
	[tilespmem:$0x1A600] =	vst v63  }
0x401: {  	_ =	swait.ge [sflag:s13], $0x8000  }
0x402: {  	s23 =	sld [smem:$0x7FD]  }
0x403: {  	[sflag:s13] =	ssyncset.done $0x0  }
0x404: {  	[sflag:s13] =	ssyncadd.s32 $0xFFFF8000  }
0x405: {  	[tilespmem:s11], [sflag:$0x3] =	stream.indirect.gather [hbm4b:s4+s9], $0x80, s23, s9, $0xb8;
	[tilespmem:$0x1A600] =	vst v63  }
0x406: {  	_ =	swait.ge [sflag:s12], $0x8000  }
0x407: {  	s26 =	sld [smem:$0x7DA]  }
0x408: {  	[sflag:s12] =	ssyncset.done $0x0  }
0x409: {  	[sflag:s12] =	ssyncadd.s32 $0xFFFF8000  }
0x40a: {  	[hbm4b:s26+s2] =	stream.linear.scatter [tilespmem:s7], [sflag:$0x4], $0x8000, $0x38;
	[tilespmem:$0x1A600] =	vst v63  }
0x40b: {  	_ =	swait.ge [sflag:s8], $0x8000  }
0x40c: {  	[sflag:s8] =	ssyncset.done $0x0  }
0x40d: {  	[sflag:s8] =	ssyncadd.s32 $0xFFFF8000  }
0x40e: {  	[tilespmem:s7], [sflag:$0x1] =	stream.indirect.gather [hbm4b:s4+s9], $0x80, s29, s9, $0xb8;
	[tilespmem:$0x1A600] =	vst v63  }
0x40f: {  	_ =	swait.ge [sflag:s14], $0x8000  }
0x410: {  	s29 =	sld [smem:$0x7DB]  }
0x411: {  	[sflag:s14] =	ssyncset.done $0x0  }
0x412: {  	[sflag:s14] =	ssyncadd.s32 $0xFFFF8000  }
0x413: {  	[hbm4b:s29+s2] =	stream.linear.scatter [tilespmem:s6], [sflag:$0x5], $0x8000, $0x38;
	[tilespmem:$0x1A600] =	vst v63  }
0x414: {  	_ =	swait.ge [sflag:s10], $0x8000  }
0x415: {  	[sflag:s10] =	ssyncset.done $0x0  }
0x416: {  	[sflag:s10] =	ssyncadd.s32 $0xFFFF8000  }
0x417: {  	[tilespmem:s6], [sflag:$0x2] =	stream.indirect.gather [hbm4b:s4+s9], $0x80, s28, s9, $0xb8;
	[tilespmem:$0x1A600] =	vst v63  }
0x418: {  	_ =	swait.ge [sflag:s16], $0x8000  }
0x419: {  	s30 =	sld [smem:$0x7DC]  }
0x41a: {  	[sflag:s16] =	ssyncset.done $0x0  }
0x41b: {  	[sflag:s16] =	ssyncadd.s32 $0xFFFF8000  }
0x41c: {  	[hbm4b:s30+s2] =	stream.linear.scatter [tilespmem:s11], [sflag:$0x6], $0x8000, $0x38;
	[tilespmem:$0x1A600] =	vst v63  }
0x41d: {  	_ =	swait.ge [sflag:s13], $0x8000  }
0x41e: {  	[sflag:s13] =	ssyncset.done $0x0  }
0x41f: {  	[sflag:s13] =	ssyncadd.s32 $0xFFFF8000  }
0x420: {  	[tilespmem:s11], [sflag:$0x3] =	stream.indirect.gather [hbm4b:s4+s9], $0x80, s25, s9, $0xb8;
	[tilespmem:$0x1A600] =	vst v63  }
0x421: {  	_ =	swait.ge [sflag:s12], $0x8000  }
0x422: {  	s31 =	sld [smem:$0x7DD]  }
0x423: {  	[sflag:s12] =	ssyncset.done $0x0  }
0x424: {  	[sflag:s12] =	ssyncadd.s32 $0xFFFF8000  }
0x425: {  	[hbm4b:s31+s2] =	stream.linear.scatter [tilespmem:s7], [sflag:$0x4], $0x8000, $0x38;
	[tilespmem:$0x1A600] =	vst v63  }
0x426: {  	_ =	swait.ge [sflag:s8], $0x8000  }
0x427: {  	[sflag:s8] =	ssyncset.done $0x0  }
0x428: {  	[sflag:s8] =	ssyncadd.s32 $0xFFFF8000  }
0x429: {  	[tilespmem:s7], [sflag:$0x1] =	stream.indirect.gather [hbm4b:s4+s9], $0x80, s24, s9, $0xb8;
	[tilespmem:$0x1A600] =	vst v63  }
0x42a: {  	_ =	swait.ge [sflag:s14], $0x8000  }
0x42b: {  	s1 =	sld [smem:$0x7DE]  }
0x42c: {  	[sflag:s14] =	ssyncset.done $0x0  }
0x42d: {  	[sflag:s14] =	ssyncadd.s32 $0xFFFF8000  }
0x42e: {  	[hbm4b:s1+s2] =	stream.linear.scatter [tilespmem:s6], [sflag:$0x5], $0x8000, $0x38;
	[tilespmem:$0x1A600] =	vst v63  }
0x42f: {  	_ =	swait.ge [sflag:s10], $0x8000  }
0x430: {  	[sflag:s10] =	ssyncset.done $0x0  }
0x431: {  	[sflag:s10] =	ssyncadd.s32 $0xFFFF8000  }
0x432: {  	[tilespmem:s6], [sflag:$0x2] =	stream.indirect.gather [hbm4b:s4+s9], $0x80, s22, s9, $0xb8;
	[tilespmem:$0x1A600] =	vst v63  }
0x433: {  	_ =	swait.ge [sflag:s16], $0x8000  }
0x434: {  	s22 =	sld [smem:$0x7DF]  }
0x435: {  	[sflag:s16] =	ssyncset.done $0x0  }
0x436: {  	[sflag:s16] =	ssyncadd.s32 $0xFFFF8000  }
0x437: {  	[hbm4b:s22+s2] =	stream.linear.scatter [tilespmem:s11], [sflag:$0x6], $0x8000, $0x38;
	[tilespmem:$0x1A600] =	vst v63  }
0x438: {  	_ =	swait.ge [sflag:s13], $0x8000  }
0x439: {  	[sflag:s13] =	ssyncset.done $0x0  }
0x43a: {  	[sflag:s13] =	ssyncadd.s32 $0xFFFF8000  }
0x43b: {  	[tilespmem:s11], [sflag:$0x3] =	stream.indirect.gather [hbm4b:s4+s9], $0x80, s21, s9, $0xb8;
	[tilespmem:$0x1A600] =	vst v63  }
0x43c: {  	_ =	swait.ge [sflag:s12], $0x8000  }
0x43d: {  	s23 =	sld [smem:$0x7E0]  }
0x43e: {  	[sflag:s12] =	ssyncset.done $0x0  }
0x43f: {  	[sflag:s12] =	ssyncadd.s32 $0xFFFF8000  }
0x440: {  	[hbm4b:s23+s2] =	stream.linear.scatter [tilespmem:s7], [sflag:$0x4], $0x8000, $0x38;
	[tilespmem:$0x1A600] =	vst v63  }
0x441: {  	_ =	swait.ge [sflag:s8], $0x8000  }
0x442: {  	[sflag:s8] =	ssyncset.done $0x0  }
0x443: {  	[sflag:s8] =	ssyncadd.s32 $0xFFFF8000  }
0x444: {  	[tilespmem:s7], [sflag:$0x1] =	stream.indirect.gather [hbm4b:s4+s9], $0x80, s20, s9, $0xb8;
	[tilespmem:$0x1A600] =	vst v63  }
0x445: {  	_ =	swait.ge [sflag:s14], $0x8000  }
0x446: {  	s24 =	sld [smem:$0x7E1]  }
0x447: {  	[sflag:s14] =	ssyncset.done $0x0  }
0x448: {  	[sflag:s14] =	ssyncadd.s32 $0xFFFF8000  }
0x449: {  	[hbm4b:s24+s2] =	stream.linear.scatter [tilespmem:s6], [sflag:$0x5], $0x8000, $0x38;
	[tilespmem:$0x1A600] =	vst v63  }
0x44a: {  	_ =	swait.ge [sflag:s10], $0x8000  }
0x44b: {  	[sflag:s10] =	ssyncset.done $0x0  }
0x44c: {  	[sflag:s10] =	ssyncadd.s32 $0xFFFF8000  }
0x44d: {  	[tilespmem:s6], [sflag:$0x2] =	stream.indirect.gather [hbm4b:s4+s9], $0x80, s19, s9, $0xb8;
	[tilespmem:$0x1A600] =	vst v63  }
0x44e: {  	_ =	swait.ge [sflag:s16], $0x8000  }
0x44f: {  	s25 =	sld [smem:$0x7E2]  }
0x450: {  	[sflag:s16] =	ssyncset.done $0x0  }
0x451: {  	[sflag:s16] =	ssyncadd.s32 $0xFFFF8000  }
0x452: {  	[hbm4b:s25+s2] =	stream.linear.scatter [tilespmem:s11], [sflag:$0x6], $0x8000, $0x38;
	[tilespmem:$0x1A600] =	vst v63  }
0x453: {  	_ =	swait.ge [sflag:s13], $0x8000  }
0x454: {  	[sflag:s13] =	ssyncset.done $0x0  }
0x455: {  	[sflag:s13] =	ssyncadd.s32 $0xFFFF8000  }
0x456: {  	[tilespmem:s11], [sflag:$0x3] =	stream.indirect.gather [hbm4b:s4+s9], $0x80, s18, s9, $0xb8;
	[tilespmem:$0x1A600] =	vst v63  }
0x457: {  	_ =	swait.ge [sflag:s12], $0x8000  }
0x458: {  	s26 =	sld [smem:$0x7E3]  }
0x459: {  	[sflag:s12] =	ssyncset.done $0x0  }
0x45a: {  	[sflag:s12] =	ssyncadd.s32 $0xFFFF8000  }
0x45b: {  	[hbm4b:s26+s2] =	stream.linear.scatter [tilespmem:s7], [sflag:$0x4], $0x8000, $0x38;
	[tilespmem:$0x1A600] =	vst v63  }
0x45c: {  	_ =	swait.ge [sflag:s8], $0x8000  }
0x45d: {  	[sflag:s8] =	ssyncset.done $0x0  }
0x45e: {  	[sflag:s8] =	ssyncadd.s32 $0xFFFF8000  }
0x45f: {  	[tilespmem:s7], [sflag:$0x1] =	stream.indirect.gather [hbm4b:s3+s9], $0x80, s15, s9, $0xb8;
	[tilespmem:$0x1A600] =	vst v63  }
0x460: {  	_ =	swait.ge [sflag:s14], $0x8000  }
0x461: {  	s28 =	sld [smem:$0x7E4]  }
0x462: {  	[sflag:s14] =	ssyncset.done $0x0  }
0x463: {  	[sflag:s14] =	ssyncadd.s32 $0xFFFF8000  }
0x464: {  	[hbm4b:s28+s2] =	stream.linear.scatter [tilespmem:s6], [sflag:$0x5], $0x8000, $0x38;
	[tilespmem:$0x1A600] =	vst v63  }
0x465: {  	_ =	swait.ge [sflag:s10], $0x8000  }
0x466: {  	[sflag:s10] =	ssyncset.done $0x0  }
0x467: {  	[sflag:s10] =	ssyncadd.s32 $0xFFFF8000  }
0x468: {  	[tilespmem:s6], [sflag:$0x2] =	stream.indirect.gather [hbm4b:s3+s9], $0x80, s17, s9, $0xb8;
	[tilespmem:$0x1A600] =	vst v63  }
0x469: {  	_ =	swait.ge [sflag:s16], $0x8000  }
0x46a: {  	s29 =	sld [smem:$0x7E5]  }
0x46b: {  	[sflag:s16] =	ssyncset.done $0x0  }
0x46c: {  	[sflag:s16] =	ssyncadd.s32 $0xFFFF8000  }
0x46d: {  	[hbm4b:s29+s2] =	stream.linear.scatter [tilespmem:s11], [sflag:$0x6], $0x8000, $0x38;
	[tilespmem:$0x1A600] =	vst v63  }
0x46e: {  	_ =	swait.ge [sflag:s12], $0x8000  }
0x46f: {  	[sflag:s12] =	ssyncset.done $0x0  }
0x470: {  	[sflag:s12] =	ssyncadd.s32 $0xFFFF8000  }
0x471: {  	[hbm4b:s5+s2] =	stream.linear.scatter [tilespmem:s7], [sflag:$0x4], $0x8000, $0x38;
	[tilespmem:$0x1A600] =	vst v63  }
0x472: {  	_ =	swait.ge [sflag:s14], $0x8000  }
0x473: {  	s30 =	sld [smem:$0x7E6]  }
0x474: {  	[sflag:s14] =	ssyncset.done $0x0  }
0x475: {  	[sflag:s14] =	ssyncadd.s32 $0xFFFF8000  }
0x476: {  	[hbm4b:s30+s2] =	stream.linear.scatter [tilespmem:s6], [sflag:$0x5], $0x8000, $0x38;
	[tilespmem:$0x1A600] =	vst v63  }
0x477: {  	_ =	swait.ge [sflag:s8], $0x8000  }
0x478: {  	[sflag:s8] =	ssyncset.done $0x0  }
0x479: {  	[sflag:s8] =	ssyncadd.s32 $0xFFFF8000  }
0x47a: {  	_ =	swait.ge [sflag:s10], $0x8000  }
0x47b: {  	[sflag:s10] =	ssyncset.done $0x0  }
0x47c: {  	[sflag:s10] =	ssyncadd.s32 $0xFFFF8000  }
0x47d: {  	_ =	swait.ge [sflag:s13], $0x8000  }
0x47e: {  	[sflag:s13] =	ssyncset.done $0x0  }
0x47f: {  	[sflag:s13] =	ssyncadd.s32 $0xFFFF8000  }
0x480: {  	_ =	sfence.sel $0x180000  }
0x481: {  	[bflag:$0x0] =	sbarrier.arrive $0xFFFF  }
0x482: {  	_ =	strace $0x9000004A  }
0x483: {  	s31 =	stileid.u32;
	[bflag:$0x2] =	sbarrier.arrive $0xFFFF  }
0x484: {  	p0 =	sne.s32 s31, $0x0;
	s0 =	rddreg [dreg:$0x5]  }
0x485: {  	s0 =	sadd.s32 @!p0 $0x100000, s0  }
0x486: {  	[sflag:s0] =	ssyncadd.tile.s32 @!p0 $0x1;
	_ =	shalt  }
.Lfunc_end2:
_tile_overlayer_lowered:
.L_overlay_start_2:
0x487: {  	(tag) =	ssettag $0x2  }
0x488: {  	s0 =	rddreg [dreg:$0x0];
	s2 =	stileid.u32  }
0x489: {  	s1 =	rddreg [dreg:$0x1];
	p0 =	sne.s32 s2, $0x0  }
0x48a: {  	s3 =	rddreg [dreg:$0x2];
	[bflag:$0x3] =	sbarrier.arrive $0xFFFF;
	s2 =	simm.s32 @!p0 $0x1C07  }
0x48b: {  	[timem:s3], [sflag:s2] =	dma.local @!p0 [hbm:s0], s1  }
0x48c: {  	s0 =	simm.s32 @!p0 $0x7  }
0x48d: {  	_ =	swait.ge @!p0 [sflag:s0], s1  }
0x48e: {  	s1 =	ssub.s32 @!p0 $0x0, s1;
	[sflag:s0] =	ssyncset.done @!p0 $0x0  }
0x48f: {  	[sflag:s0] =	ssyncadd.s32 @!p0 s1  }
0x490: {  	[bflag:$0x3] =	sbarrier.arrive $0xFFFF  }
0x491: {  	_ =	shalt  }

</sc_bundles>
